<compile_context>
chip_gen: v7x
topology: tpu7x:2x2x1
jax: 0.10.2.dev20260603
libtpu: 0.0.44.dev20260713+nightly
codegen_flags: <defaults>
</compile_context>

<pallas_src>
import functools

import jax
import jax.numpy as jnp
from jax import lax
from jax.experimental import pallas as pl
from jax.experimental.pallas import tpu as pltpu
from jax.experimental.pallas import tpu_sc as plsc

N = 4096
HID = 256
E = 262144

NC = 2
NS = 16
LANES = 16

EPT = E // NS
CH = 2048
NCH = EPT // CH
NBLK = 8
RB = N // (NC * NBLK)
BLK_W = RB * N
TPW = BLK_W // NS
ZB = 4096


def _tc_scores(emb, w_pad, b_pad):
    def body(emb_ref, w_ref, b_ref, out_ref):
        out_ref[...] = (
            jnp.dot(emb_ref[...], w_ref[...], preferred_element_type=jnp.float32)
            + b_ref[...]
        )

    return pl.pallas_call(
        body,
        out_shape=jax.ShapeDtypeStruct((N, 128), jnp.float32),
    )(emb, w_pad, b_pad)


def _sc_scatter(s1, s2, v0, v1):
    mesh = plsc.VectorSubcoreMesh(core_axis_name="c", subcore_axis_name="s")

    @functools.partial(
        pl.kernel,
        out_type=jax.ShapeDtypeStruct((N * N,), jnp.float32),
        mesh=mesh,
        scratch_types=[
            pltpu.VMEM((CH,), jnp.int32),
            pltpu.VMEM((CH,), jnp.int32),
            pltpu.VMEM((CH,), jnp.int32),
            pltpu.VMEM((CH,), jnp.int32),
            pltpu.VMEM((CH,), jnp.float32),
            pltpu.VMEM((CH,), jnp.float32),
            pltpu.VMEM((CH,), jnp.float32),
            pltpu.VMEM((CH,), jnp.float32),
            pltpu.VMEM((EPT + 16,), jnp.int32),
            pltpu.VMEM((EPT + 16,), jnp.float32),
            pltpu.VMEM((CH,), jnp.int32),
            pltpu.VMEM((CH,), jnp.int32),
            pltpu.VMEM((CH,), jnp.float32),
            pltpu.VMEM((CH,), jnp.float32),
            pltpu.VMEM((ZB,), jnp.float32),
            pltpu.VMEM_SHARED((BLK_W,), jnp.float32),
            pltpu.SemaphoreType.DMA,
            pltpu.SemaphoreType.DMA,
            pltpu.SemaphoreType.DMA,
            pltpu.SemaphoreType.DMA,
            pltpu.SemaphoreType.DMA,
            pltpu.SemaphoreType.DMA,
            pltpu.SemaphoreType.DMA,
            pltpu.SemaphoreType.DMA,
            pltpu.SemaphoreType.DMA,
            pltpu.SemaphoreType.DMA,
            pltpu.SemaphoreType.DMA,
        ],
    )
    def k(s1_hbm, s2_hbm, v0_hbm, v1_hbm, z_hbm,
          vi0a, vi0b, vi1a, vi1b, x1a, x1b, x2a, x2b, g_v, val_v,
          sia, sib, sva, svb, zb, acc,
          sem_v0, sem_v1, sem_x1, sem_x2, sem_s0, sem_s1, sem_z,
          sem_d0, sem_d1, sem_d2, sem_d3):
        cid = lax.axis_index("c")
        sid = lax.axis_index("s")
        sem_s = [sem_s0, sem_s1]
        sem_d = [sem_d0, sem_d1, sem_d2, sem_d3]
        vi0c = [vi0a, vi0b]
        vi1c = [vi1a, vi1b]
        x1c = [x1a, x1b]
        x2c = [x2a, x2b]
        st_i = [sia, sib]
        st_v = [sva, svb]

        zvec = jnp.zeros((LANES,), jnp.float32)

        def zero_body(i, _):
            zb[pl.ds(i * LANES, LANES)] = zvec
            return 0

        lax.fori_loop(0, ZB // LANES, zero_body, 0)

        def vstart(ci):
            s = ci % 2
            ebase = sid * EPT + ci * CH
            h0 = pltpu.async_copy(v0_hbm.at[pl.ds(ebase, CH)], vi0c[s], sem_v0)
            h1 = pltpu.async_copy(v1_hbm.at[pl.ds(ebase, CH)], vi1c[s], sem_v1)
            return (h0, h1)

        def compute(ci):
            s = ci % 2

            def pre_body(i, _):
                a = vi0c[s][pl.ds(i * LANES, LANES)]
                c = vi1c[s][pl.ds(i * LANES, LANES)]
                g_v[pl.ds(ci * CH + i * LANES, LANES)] = (a << 12) + c
                return 0

            lax.fori_loop(0, CH // LANES, pre_body, 0)

        vh = {0: vstart(0)}
        for ci in range(NCH):
            for h in vh.pop(ci):
                h.wait()
            if ci + 1 < NCH:
                vh[ci + 1] = vstart(ci + 1)
            compute(ci)

        npair = EPT // (2 * CH)

        def pair2_body(pi, _):
            for s in range(2):
                poff = pi * (2 * CH) + s * CH

                def idx_body(i, _):
                    sg = g_v[pl.ds(poff + i * LANES, LANES)]
                    vi0c[s][pl.ds(i * LANES, LANES)] = (sg >> 12) & (N - 1)
                    vi1c[s][pl.ds(i * LANES, LANES)] = sg & (N - 1)
                    return 0

                lax.fori_loop(0, CH // LANES, idx_body, 0)
                pltpu.async_copy(s1_hbm.at[vi0c[s]], x1c[s], sem_x1)
                pltpu.async_copy(s2_hbm.at[vi1c[s]], x2c[s], sem_x2)

            for s in range(2):
                poff = pi * (2 * CH) + s * CH
                pltpu.make_async_copy(s1_hbm.at[vi0c[s]], x1c[s], sem_x1).wait()
                pltpu.make_async_copy(s2_hbm.at[vi1c[s]], x2c[s], sem_x2).wait()

                def val_body(i, _):
                    val_v[pl.ds(poff + i * LANES, LANES)] = (
                        x1c[s][pl.ds(i * LANES, LANES)]
                        + x2c[s][pl.ds(i * LANES, LANES)]
                    )
                    return 0

                lax.fori_loop(0, CH // LANES, val_body, 0)
            return 0

        lax.fori_loop(0, npair, pair2_body, 0)

        zh = []
        for j in range(TPW // ZB):
            zh.append(
                pltpu.async_copy(zb, acc.at[pl.ds(sid * TPW + j * ZB, ZB)], sem_z)
            )
        for h in zh:
            h.wait()
        plsc.subcore_barrier()

        for blk in range(NBLK):
            base = (cid * NBLK + blk) * BLK_W

            def pair_body(pi, _):
                @pl.when(pi > 0)
                def _():
                    for s in range(2):
                        pltpu.make_async_copy(
                            st_v[s], acc.at[st_i[s]], sem_s[s]
                        ).wait()

                for s in range(2):
                    poff = pi * (2 * CH) + s * CH

                    def vec_body(i, _):
                        idx16 = g_v[pl.ds(poff + i * LANES, LANES)] - base
                        v16 = val_v[pl.ds(poff + i * LANES, LANES)]
                        inr = plsc.bitcast(idx16, jnp.uint32) < jnp.uint32(BLK_W)
                        st_i[s][pl.ds(i * LANES, LANES)] = idx16 & (BLK_W - 1)
                        st_v[s][pl.ds(i * LANES, LANES)] = jnp.where(inr, v16, 0.0)
                        return 0

                    lax.fori_loop(0, CH // LANES, vec_body, 0)
                    pltpu.async_copy(
                        st_v[s], acc.at[st_i[s]], sem_s[s], add=True
                    )
                return 0

            lax.fori_loop(0, npair, pair_body, 0)

            for s in range(2):
                pltpu.make_async_copy(
                    st_v[s], acc.at[st_i[s]], sem_s[s]
                ).wait()

            plsc.subcore_barrier()

            PW = TPW // 4
            dh = []
            for j in range(4):
                dh.append(
                    pltpu.async_copy(
                        acc.at[pl.ds(sid * TPW + j * PW, PW)],
                        z_hbm.at[pl.ds(base + sid * TPW + j * PW, PW)],
                        sem_d[j],
                    )
                )
            if blk + 1 < NBLK:
                zh = []
                for j in range(4):
                    dh[j].wait()
                    for q in range(PW // ZB):
                        zh.append(
                            pltpu.async_copy(
                                zb,
                                acc.at[pl.ds(sid * TPW + j * PW + q * ZB, ZB)],
                                sem_z,
                            )
                        )
                for h in zh:
                    h.wait()
                plsc.subcore_barrier()
            else:
                for h in dh:
                    h.wait()

    return k(s1, s2, v0, v1)


def kernel(embeddings, v_indices, W, b):
    w_pad = jnp.zeros((HID, 128), jnp.float32)
    w_pad = w_pad.at[:, 0].set(W[0, :HID])
    w_pad = w_pad.at[:, 1].set(W[0, HID:])
    b_pad = jnp.zeros((1, 128), jnp.float32).at[0, 0].set(b[0])

    scores = _tc_scores(embeddings, w_pad, b_pad)
    s1 = scores[:, 0]
    s2 = scores[:, 1]

    zflat = _sc_scatter(s1, s2, v_indices[0], v_indices[1])
    return zflat.reshape(N, N)

# --- scband reference (transcript-rebuilt; emitter-appended) ---
"""Pipeline reference for scband-mlprefine-similarity-29703993819993 (READ-ONLY COPY).

The authoritative reference and input builder live on the scoring server;
editing this copy changes nothing except your own understanding.
"""

import jax, jax.numpy as jnp
import numpy as np

N = 4096
E = 262144
HID = 256

def setup_inputs(seed: int = 0) -> dict:
    key = jax.random.key(seed)
    k1, k2, k3, k4 = jax.random.split(key, 4)
    embeddings = jax.random.normal(k1, (N, HID), dtype=jnp.float32)
    v_indices = jax.random.randint(k2, (2, E), 0, N, dtype=jnp.int32)
    bound = 1.0 / np.sqrt(2 * HID)
    W = jax.random.uniform(k3, (1, 2 * HID), minval=-bound, maxval=bound, dtype=jnp.float32)
    b = jax.random.uniform(k4, (1,), minval=-bound, maxval=bound, dtype=jnp.float32)
    return {"embeddings": embeddings, "v_indices": v_indices, "W": W, "b": b}

def reference(embeddings, v_indices, W, b):
    # Dropout is identity in eval mode (reference is deterministic).
    num_node = embeddings.shape[0]
    f1 = jnp.take(embeddings, v_indices[0], axis=0)
    f2 = jnp.take(embeddings, v_indices[1], axis=0)
    ff = jnp.concatenate([f1, f2], axis=-1)
    temp = (ff @ W.T + b).reshape(-1)
    # torch.sparse.FloatTensor(...).to_dense() sums duplicate indices -> scatter-add
    z_matrix = jnp.zeros((num_node, num_node), dtype=temp.dtype).at[v_indices[0], v_indices[1]].add(temp)
    return z_matrix

if __name__ == "__main__":
    import jax
    _d = setup_inputs()
    print(jax.jit(kernel)(*tuple(_d.values())))

</pallas_src>

<mosaic_0001>
#map = affine_map<(d0, d1) -> (0)>
module attributes {stable_mosaic.version = 14 : i64} {
  func.func @k(%arg0: i32, %arg1: i32, %arg2: memref<4096xf32, #tpu.memory_space<hbm>>, %arg3: memref<4096xf32, #tpu.memory_space<hbm>>, %arg4: memref<262144xi32, #tpu.memory_space<hbm>>, %arg5: memref<262144xi32, #tpu.memory_space<hbm>>, %arg6: memref<16777216xf32, #tpu.memory_space<hbm>>, %arg7: memref<2048xi32, #tpu.memory_space<vmem>>, %arg8: memref<2048xi32, #tpu.memory_space<vmem>>, %arg9: memref<2048xi32, #tpu.memory_space<vmem>>, %arg10: memref<2048xi32, #tpu.memory_space<vmem>>, %arg11: memref<2048xf32, #tpu.memory_space<vmem>>, %arg12: memref<2048xf32, #tpu.memory_space<vmem>>, %arg13: memref<2048xf32, #tpu.memory_space<vmem>>, %arg14: memref<2048xf32, #tpu.memory_space<vmem>>, %arg15: memref<16400xi32, #tpu.memory_space<vmem>>, %arg16: memref<16400xf32, #tpu.memory_space<vmem>>, %arg17: memref<2048xi32, #tpu.memory_space<vmem>>, %arg18: memref<2048xi32, #tpu.memory_space<vmem>>, %arg19: memref<2048xf32, #tpu.memory_space<vmem>>, %arg20: memref<2048xf32, #tpu.memory_space<vmem>>, %arg21: memref<4096xf32, #tpu.memory_space<vmem>>, %arg22: memref<1048576xf32, #tpu.memory_space<vmem_shared>>, %arg23: memref<!tpu.dma_semaphore, #tpu.memory_space<semaphore_mem>>, %arg24: memref<!tpu.dma_semaphore, #tpu.memory_space<semaphore_mem>>, %arg25: memref<!tpu.dma_semaphore, #tpu.memory_space<semaphore_mem>>, %arg26: memref<!tpu.dma_semaphore, #tpu.memory_space<semaphore_mem>>, %arg27: memref<!tpu.dma_semaphore, #tpu.memory_space<semaphore_mem>>, %arg28: memref<!tpu.dma_semaphore, #tpu.memory_space<semaphore_mem>>, %arg29: memref<!tpu.dma_semaphore, #tpu.memory_space<semaphore_mem>>, %arg30: memref<!tpu.dma_semaphore, #tpu.memory_space<semaphore_mem>>, %arg31: memref<!tpu.dma_semaphore, #tpu.memory_space<semaphore_mem>>, %arg32: memref<!tpu.dma_semaphore, #tpu.memory_space<semaphore_mem>>, %arg33: memref<!tpu.dma_semaphore, #tpu.memory_space<semaphore_mem>>) attributes {dimension_semantics = [#tpu.dimension_semantics<core_parallel>, #tpu.dimension_semantics<subcore_parallel>], iteration_bounds = array<i64: 2, 16>, scalar_prefetch = 0 : i64, scratch_operands = 27 : i64, tpu.core_type = #tpu.core_type<sc_vector_subcore>, window_params = [{transform_indices = #map}, {transform_indices = #map}, {transform_indices = #map}, {transform_indices = #map}, {transform_indices = #map}]} {
    %broadcast_in_dim3A = arith.constant 0.000000e+00 : f32
    %broadcast_in_dim3A_0 = vector.broadcast %broadcast_in_dim3A : f32 to vector<16xf32>
    %scan3A = arith.constant 0 : i32
    %scan3A_1 = arith.constant 0 : i32
    %scan3A_2 = arith.constant 256 : i32
    %scan3A_3 = arith.addi %scan3A_1, %scan3A_2 : i32
    %scan3A_4 = arith.constant 1 : i32
    %scan3A_5 = scf.for %scan3A_1977 = %scan3A_1 to %scan3A_3 step %scan3A_4 iter_args(%scan3A_1978 = %scan3A) -> (i32)  : i32 {
      %mul3A_1979 = arith.constant 16 : i32
      %mul3A_1980 = arith.muli %scan3A_1977, %mul3A_1979 : i32
      %swap3A = arith.index_cast %mul3A_1980 : i32 to index
      %swap3A_1981 = tpu.vector_load %arg21[%swap3A] {strides = array<i32>} : memref<4096xf32, #tpu.memory_space<vmem>>, vector<16xf32>,
      %swap3A_1982 = vector.shape_cast %swap3A_1981 : vector<16xf32> to vector<16xf32>
      %swap3A_1983 = vector.shape_cast %broadcast_in_dim3A_0 : vector<16xf32> to vector<16xf32>
      tpu.vector_store %arg21[%swap3A], %swap3A_1983 {strides = array<i32>} : memref<4096xf32, #tpu.memory_space<vmem>>, vector<16xf32>,
      %scan3A_1984 = arith.constant 0 : i32
      scf.yield %scan3A_1984 : i32
    }
    %scan3A_6 = arith.constant 256 : i32
    %mul3A = arith.constant 16384 : i32
    %mul3A_7 = arith.muli %arg1, %mul3A : i32
    %add3A = arith.constant 0 : i32
    %add3A_8 = arith.addi %mul3A_7, %add3A : i32
    %dma_start3A = tpu.memref_slice %arg4[%add3A_8] : memref<262144xi32, #tpu.memory_space<hbm>> -> memref<2048xi32, #tpu.memory_space<hbm>>
    %dma_start3A_9 = tpu.memref_slice %arg4[%add3A_8] : memref<262144xi32, #tpu.memory_space<hbm>> -> memref<2048xi32, #tpu.memory_space<hbm>>
    tpu.enqueue_dma source(%dma_start3A_9 : memref<2048xi32, #tpu.memory_space<hbm>>) target(%arg7 : memref<2048xi32, #tpu.memory_space<vmem>>) target_semaphore(%arg23 : memref<!tpu.dma_semaphore, #tpu.memory_space<semaphore_mem>>)
    %dma_start3A_10 = tpu.memref_slice %arg5[%add3A_8] : memref<262144xi32, #tpu.memory_space<hbm>> -> memref<2048xi32, #tpu.memory_space<hbm>>
    %dma_start3A_11 = tpu.memref_slice %arg5[%add3A_8] : memref<262144xi32, #tpu.memory_space<hbm>> -> memref<2048xi32, #tpu.memory_space<hbm>>
    tpu.enqueue_dma source(%dma_start3A_11 : memref<2048xi32, #tpu.memory_space<hbm>>) target(%arg9 : memref<2048xi32, #tpu.memory_space<vmem>>) target_semaphore(%arg24 : memref<!tpu.dma_semaphore, #tpu.memory_space<semaphore_mem>>)
    %dma_wait3A = tpu.memref_slice %arg4[%add3A_8] : memref<262144xi32, #tpu.memory_space<hbm>> -> memref<2048xi32, #tpu.memory_space<hbm>>
    %dma_wait3A_12 = tpu.memref_slice %arg4[%add3A_8] : memref<262144xi32, #tpu.memory_space<hbm>> -> memref<2048xi32, #tpu.memory_space<hbm>>
    tpu.wait_dma2 semaphore(%arg23 : memref<!tpu.dma_semaphore, #tpu.memory_space<semaphore_mem>>) src(%dma_wait3A_12 : memref<2048xi32, #tpu.memory_space<hbm>>) dst(%arg7 : memref<2048xi32, #tpu.memory_space<vmem>>)
    %dma_wait3A_13 = tpu.memref_slice %arg5[%add3A_8] : memref<262144xi32, #tpu.memory_space<hbm>> -> memref<2048xi32, #tpu.memory_space<hbm>>
    %dma_wait3A_14 = tpu.memref_slice %arg5[%add3A_8] : memref<262144xi32, #tpu.memory_space<hbm>> -> memref<2048xi32, #tpu.memory_space<hbm>>
    tpu.wait_dma2 semaphore(%arg24 : memref<!tpu.dma_semaphore, #tpu.memory_space<semaphore_mem>>) src(%dma_wait3A_14 : memref<2048xi32, #tpu.memory_space<hbm>>) dst(%arg9 : memref<2048xi32, #tpu.memory_space<vmem>>)
    %mul3A_15 = arith.constant 16384 : i32
    %mul3A_16 = arith.muli %arg1, %mul3A_15 : i32
    %add3A_17 = arith.constant 2048 : i32
    %add3A_18 = arith.addi %mul3A_16, %add3A_17 : i32
    %dma_start3A_19 = tpu.memref_slice %arg4[%add3A_18] : memref<262144xi32, #tpu.memory_space<hbm>> -> memref<2048xi32, #tpu.memory_space<hbm>>
    %dma_start3A_20 = tpu.memref_slice %arg4[%add3A_18] : memref<262144xi32, #tpu.memory_space<hbm>> -> memref<2048xi32, #tpu.memory_space<hbm>>
    tpu.enqueue_dma source(%dma_start3A_20 : memref<2048xi32, #tpu.memory_space<hbm>>) target(%arg8 : memref<2048xi32, #tpu.memory_space<vmem>>) target_semaphore(%arg23 : memref<!tpu.dma_semaphore, #tpu.memory_space<semaphore_mem>>)
    %dma_start3A_21 = tpu.memref_slice %arg5[%add3A_18] : memref<262144xi32, #tpu.memory_space<hbm>> -> memref<2048xi32, #tpu.memory_space<hbm>>
    %dma_start3A_22 = tpu.memref_slice %arg5[%add3A_18] : memref<262144xi32, #tpu.memory_space<hbm>> -> memref<2048xi32, #tpu.memory_space<hbm>>
    tpu.enqueue_dma source(%dma_start3A_22 : memref<2048xi32, #tpu.memory_space<hbm>>) target(%arg10 : memref<2048xi32, #tpu.memory_space<vmem>>) target_semaphore(%arg24 : memref<!tpu.dma_semaphore, #tpu.memory_space<semaphore_mem>>)
    %scan3A_23 = arith.constant 0 : i32
    %scan3A_24 = arith.constant 0 : i32
    %scan3A_25 = arith.constant 128 : i32
    %scan3A_26 = arith.addi %scan3A_24, %scan3A_25 : i32
    %scan3A_27 = arith.constant 1 : i32
    %scan3A_28 = scf.for %scan3A_1977 = %scan3A_24 to %scan3A_26 step %scan3A_27 iter_args(%scan3A_1978 = %scan3A_23) -> (i32)  : i32 {
      %mul3A_1979 = arith.constant 16 : i32
      %mul3A_1980 = arith.muli %scan3A_1977, %mul3A_1979 : i32
      %get3A = arith.index_cast %mul3A_1980 : i32 to index
      %get3A_1981 = tpu.vector_load %arg7[%get3A] {strides = array<i32>} : memref<2048xi32, #tpu.memory_space<vmem>>, vector<16xi32>,
      %get3A_1982 = vector.shape_cast %get3A_1981 : vector<16xi32> to vector<16xi32>
      %mul3A_1983 = arith.constant 16 : i32
      %mul3A_1984 = arith.muli %scan3A_1977, %mul3A_1983 : i32
      %get3A_1985 = arith.index_cast %mul3A_1984 : i32 to index
      %get3A_1986 = tpu.vector_load %arg9[%get3A_1985] {strides = array<i32>} : memref<2048xi32, #tpu.memory_space<vmem>>, vector<16xi32>,
      %get3A_1987 = vector.shape_cast %get3A_1986 : vector<16xi32> to vector<16xi32>
      %shift_left3A = arith.constant 12 : i32
      %shift_left3A_1988 = vector.broadcast %shift_left3A : i32 to vector<16xi32>
      %shift_left3A_1989 = arith.shli %get3A_1982, %shift_left3A_1988 : vector<16xi32>
      %add3A_1990 = arith.addi %shift_left3A_1989, %get3A_1987 : vector<16xi32>
      %mul3A_1991 = arith.constant 16 : i32
      %mul3A_1992 = arith.muli %scan3A_1977, %mul3A_1991 : i32
      %add3A_1993 = arith.constant 0 : i32
      %add3A_1994 = arith.addi %add3A_1993, %mul3A_1992 : i32
      %swap3A = arith.index_cast %add3A_1994 : i32 to index
      %swap3A_1995 = tpu.vector_load %arg15[%swap3A] {strides = array<i32>} : memref<16400xi32, #tpu.memory_space<vmem>>, vector<16xi32>,
      %swap3A_1996 = vector.shape_cast %swap3A_1995 : vector<16xi32> to vector<16xi32>
      %swap3A_1997 = vector.shape_cast %add3A_1990 : vector<16xi32> to vector<16xi32>
      tpu.vector_store %arg15[%swap3A], %swap3A_1997 {strides = array<i32>} : memref<16400xi32, #tpu.memory_space<vmem>>, vector<16xi32>,
      %scan3A_1998 = arith.constant 0 : i32
      scf.yield %scan3A_1998 : i32
    }
    %scan3A_29 = arith.constant 128 : i32
    %dma_wait3A_30 = tpu.memref_slice %arg4[%add3A_18] : memref<262144xi32, #tpu.memory_space<hbm>> -> memref<2048xi32, #tpu.memory_space<hbm>>
    %dma_wait3A_31 = tpu.memref_slice %arg4[%add3A_18] : memref<262144xi32, #tpu.memory_space<hbm>> -> memref<2048xi32, #tpu.memory_space<hbm>>
    tpu.wait_dma2 semaphore(%arg23 : memref<!tpu.dma_semaphore, #tpu.memory_space<semaphore_mem>>) src(%dma_wait3A_31 : memref<2048xi32, #tpu.memory_space<hbm>>) dst(%arg8 : memref<2048xi32, #tpu.memory_space<vmem>>)
    %dma_wait3A_32 = tpu.memref_slice %arg5[%add3A_18] : memref<262144xi32, #tpu.memory_space<hbm>> -> memref<2048xi32, #tpu.memory_space<hbm>>
    %dma_wait3A_33 = tpu.memref_slice %arg5[%add3A_18] : memref<262144xi32, #tpu.memory_space<hbm>> -> memref<2048xi32, #tpu.memory_space<hbm>>
    tpu.wait_dma2 semaphore(%arg24 : memref<!tpu.dma_semaphore, #tpu.memory_space<semaphore_mem>>) src(%dma_wait3A_33 : memref<2048xi32, #tpu.memory_space<hbm>>) dst(%arg10 : memref<2048xi32, #tpu.memory_space<vmem>>)
    %mul3A_34 = arith.constant 16384 : i32
    %mul3A_35 = arith.muli %arg1, %mul3A_34 : i32
    %add3A_36 = arith.constant 4096 : i32
    %add3A_37 = arith.addi %mul3A_35, %add3A_36 : i32
    %dma_start3A_38 = tpu.memref_slice %arg4[%add3A_37] : memref<262144xi32, #tpu.memory_space<hbm>> -> memref<2048xi32, #tpu.memory_space<hbm>>
    %dma_start3A_39 = tpu.memref_slice %arg4[%add3A_37] : memref<262144xi32, #tpu.memory_space<hbm>> -> memref<2048xi32, #tpu.memory_space<hbm>>
    tpu.enqueue_dma source(%dma_start3A_39 : memref<2048xi32, #tpu.memory_space<hbm>>) target(%arg7 : memref<2048xi32, #tpu.memory_space<vmem>>) target_semaphore(%arg23 : memref<!tpu.dma_semaphore, #tpu.memory_space<semaphore_mem>>)
    %dma_start3A_40 = tpu.memref_slice %arg5[%add3A_37] : memref<262144xi32, #tpu.memory_space<hbm>> -> memref<2048xi32, #tpu.memory_space<hbm>>
    %dma_start3A_41 = tpu.memref_slice %arg5[%add3A_37] : memref<262144xi32, #tpu.memory_space<hbm>> -> memref<2048xi32, #tpu.memory_space<hbm>>
    tpu.enqueue_dma source(%dma_start3A_41 : memref<2048xi32, #tpu.memory_space<hbm>>) target(%arg9 : memref<2048xi32, #tpu.memory_space<vmem>>) target_semaphore(%arg24 : memref<!tpu.dma_semaphore, #tpu.memory_space<semaphore_mem>>)
    %scan3A_42 = arith.constant 0 : i32
    %scan3A_43 = arith.constant 0 : i32
    %scan3A_44 = arith.constant 128 : i32
    %scan3A_45 = arith.addi %scan3A_43, %scan3A_44 : i32
    %scan3A_46 = arith.constant 1 : i32
    %scan3A_47 = scf.for %scan3A_1977 = %scan3A_43 to %scan3A_45 step %scan3A_46 iter_args(%scan3A_1978 = %scan3A_42) -> (i32)  : i32 {
      %mul3A_1979 = arith.constant 16 : i32
      %mul3A_1980 = arith.muli %scan3A_1977, %mul3A_1979 : i32
      %get3A = arith.index_cast %mul3A_1980 : i32 to index
      %get3A_1981 = tpu.vector_load %arg8[%get3A] {strides = array<i32>} : memref<2048xi32, #tpu.memory_space<vmem>>, vector<16xi32>,
      %get3A_1982 = vector.shape_cast %get3A_1981 : vector<16xi32> to vector<16xi32>
      %mul3A_1983 = arith.constant 16 : i32
      %mul3A_1984 = arith.muli %scan3A_1977, %mul3A_1983 : i32
      %get3A_1985 = arith.index_cast %mul3A_1984 : i32 to index
      %get3A_1986 = tpu.vector_load %arg10[%get3A_1985] {strides = array<i32>} : memref<2048xi32, #tpu.memory_space<vmem>>, vector<16xi32>,
      %get3A_1987 = vector.shape_cast %get3A_1986 : vector<16xi32> to vector<16xi32>
      %shift_left3A = arith.constant 12 : i32
      %shift_left3A_1988 = vector.broadcast %shift_left3A : i32 to vector<16xi32>
      %shift_left3A_1989 = arith.shli %get3A_1982, %shift_left3A_1988 : vector<16xi32>
      %add3A_1990 = arith.addi %shift_left3A_1989, %get3A_1987 : vector<16xi32>
      %mul3A_1991 = arith.constant 16 : i32
      %mul3A_1992 = arith.muli %scan3A_1977, %mul3A_1991 : i32
      %add3A_1993 = arith.constant 2048 : i32
      %add3A_1994 = arith.addi %add3A_1993, %mul3A_1992 : i32
      %swap3A = arith.index_cast %add3A_1994 : i32 to index
      %swap3A_1995 = tpu.vector_load %arg15[%swap3A] {strides = array<i32>} : memref<16400xi32, #tpu.memory_space<vmem>>, vector<16xi32>,
      %swap3A_1996 = vector.shape_cast %swap3A_1995 : vector<16xi32> to vector<16xi32>
      %swap3A_1997 = vector.shape_cast %add3A_1990 : vector<16xi32> to vector<16xi32>
      tpu.vector_store %arg15[%swap3A], %swap3A_1997 {strides = array<i32>} : memref<16400xi32, #tpu.memory_space<vmem>>, vector<16xi32>,
      %scan3A_1998 = arith.constant 0 : i32
      scf.yield %scan3A_1998 : i32
    }
    %scan3A_48 = arith.constant 128 : i32
    %dma_wait3A_49 = tpu.memref_slice %arg4[%add3A_37] : memref<262144xi32, #tpu.memory_space<hbm>> -> memref<2048xi32, #tpu.memory_space<hbm>>
    %dma_wait3A_50 = tpu.memref_slice %arg4[%add3A_37] : memref<262144xi32, #tpu.memory_space<hbm>> -> memref<2048xi32, #tpu.memory_space<hbm>>
    tpu.wait_dma2 semaphore(%arg23 : memref<!tpu.dma_semaphore, #tpu.memory_space<semaphore_mem>>) src(%dma_wait3A_50 : memref<2048xi32, #tpu.memory_space<hbm>>) dst(%arg7 : memref<2048xi32, #tpu.memory_space<vmem>>)
    %dma_wait3A_51 = tpu.memref_slice %arg5[%add3A_37] : memref<262144xi32, #tpu.memory_space<hbm>> -> memref<2048xi32, #tpu.memory_space<hbm>>
    %dma_wait3A_52 = tpu.memref_slice %arg5[%add3A_37] : memref<262144xi32, #tpu.memory_space<hbm>> -> memref<2048xi32, #tpu.memory_space<hbm>>
    tpu.wait_dma2 semaphore(%arg24 : memref<!tpu.dma_semaphore, #tpu.memory_space<semaphore_mem>>) src(%dma_wait3A_52 : memref<2048xi32, #tpu.memory_space<hbm>>) dst(%arg9 : memref<2048xi32, #tpu.memory_space<vmem>>)
    %mul3A_53 = arith.constant 16384 : i32
    %mul3A_54 = arith.muli %arg1, %mul3A_53 : i32
    %add3A_55 = arith.constant 6144 : i32
    %add3A_56 = arith.addi %mul3A_54, %add3A_55 : i32
    %dma_start3A_57 = tpu.memref_slice %arg4[%add3A_56] : memref<262144xi32, #tpu.memory_space<hbm>> -> memref<2048xi32, #tpu.memory_space<hbm>>
    %dma_start3A_58 = tpu.memref_slice %arg4[%add3A_56] : memref<262144xi32, #tpu.memory_space<hbm>> -> memref<2048xi32, #tpu.memory_space<hbm>>
    tpu.enqueue_dma source(%dma_start3A_58 : memref<2048xi32, #tpu.memory_space<hbm>>) target(%arg8 : memref<2048xi32, #tpu.memory_space<vmem>>) target_semaphore(%arg23 : memref<!tpu.dma_semaphore, #tpu.memory_space<semaphore_mem>>)
    %dma_start3A_59 = tpu.memref_slice %arg5[%add3A_56] : memref<262144xi32, #tpu.memory_space<hbm>> -> memref<2048xi32, #tpu.memory_space<hbm>>
    %dma_start3A_60 = tpu.memref_slice %arg5[%add3A_56] : memref<262144xi32, #tpu.memory_space<hbm>> -> memref<2048xi32, #tpu.memory_space<hbm>>
    tpu.enqueue_dma source(%dma_start3A_60 : memref<2048xi32, #tpu.memory_space<hbm>>) target(%arg10 : memref<2048xi32, #tpu.memory_space<vmem>>) target_semaphore(%arg24 : memref<!tpu.dma_semaphore, #tpu.memory_space<semaphore_mem>>)
    %scan3A_61 = arith.constant 0 : i32
    %scan3A_62 = arith.constant 0 : i32
    %scan3A_63 = arith.constant 128 : i32
    %scan3A_64 = arith.addi %scan3A_62, %scan3A_63 : i32
    %scan3A_65 = arith.constant 1 : i32
    %scan3A_66 = scf.for %scan3A_1977 = %scan3A_62 to %scan3A_64 step %scan3A_65 iter_args(%scan3A_1978 = %scan3A_61) -> (i32)  : i32 {
      %mul3A_1979 = arith.constant 16 : i32
      %mul3A_1980 = arith.muli %scan3A_1977, %mul3A_1979 : i32
      %get3A = arith.index_cast %mul3A_1980 : i32 to index
      %get3A_1981 = tpu.vector_load %arg7[%get3A] {strides = array<i32>} : memref<2048xi32, #tpu.memory_space<vmem>>, vector<16xi32>,
      %get3A_1982 = vector.shape_cast %get3A_1981 : vector<16xi32> to vector<16xi32>
      %mul3A_1983 = arith.constant 16 : i32
      %mul3A_1984 = arith.muli %scan3A_1977, %mul3A_1983 : i32
      %get3A_1985 = arith.index_cast %mul3A_1984 : i32 to index
      %get3A_1986 = tpu.vector_load %arg9[%get3A_1985] {strides = array<i32>} : memref<2048xi32, #tpu.memory_space<vmem>>, vector<16xi32>,
      %get3A_1987 = vector.shape_cast %get3A_1986 : vector<16xi32> to vector<16xi32>
      %shift_left3A = arith.constant 12 : i32
      %shift_left3A_1988 = vector.broadcast %shift_left3A : i32 to vector<16xi32>
      %shift_left3A_1989 = arith.shli %get3A_1982, %shift_left3A_1988 : vector<16xi32>
      %add3A_1990 = arith.addi %shift_left3A_1989, %get3A_1987 : vector<16xi32>
      %mul3A_1991 = arith.constant 16 : i32
      %mul3A_1992 = arith.muli %scan3A_1977, %mul3A_1991 : i32
      %add3A_1993 = arith.constant 4096 : i32
      %add3A_1994 = arith.addi %add3A_1993, %mul3A_1992 : i32
      %swap3A = arith.index_cast %add3A_1994 : i32 to index
      %swap3A_1995 = tpu.vector_load %arg15[%swap3A] {strides = array<i32>} : memref<16400xi32, #tpu.memory_space<vmem>>, vector<16xi32>,
      %swap3A_1996 = vector.shape_cast %swap3A_1995 : vector<16xi32> to vector<16xi32>
      %swap3A_1997 = vector.shape_cast %add3A_1990 : vector<16xi32> to vector<16xi32>
      tpu.vector_store %arg15[%swap3A], %swap3A_1997 {strides = array<i32>} : memref<16400xi32, #tpu.memory_space<vmem>>, vector<16xi32>,
      %scan3A_1998 = arith.constant 0 : i32
      scf.yield %scan3A_1998 : i32
    }
    %scan3A_67 = arith.constant 128 : i32
    %dma_wait3A_68 = tpu.memref_slice %arg4[%add3A_56] : memref<262144xi32, #tpu.memory_space<hbm>> -> memref<2048xi32, #tpu.memory_space<hbm>>
    %dma_wait3A_69 = tpu.memref_slice %arg4[%add3A_56] : memref<262144xi32, #tpu.memory_space<hbm>> -> memref<2048xi32, #tpu.memory_space<hbm>>
    tpu.wait_dma2 semaphore(%arg23 : memref<!tpu.dma_semaphore, #tpu.memory_space<semaphore_mem>>) src(%dma_wait3A_69 : memref<2048xi32, #tpu.memory_space<hbm>>) dst(%arg8 : memref<2048xi32, #tpu.memory_space<vmem>>)
    %dma_wait3A_70 = tpu.memref_slice %arg5[%add3A_56] : memref<262144xi32, #tpu.memory_space<hbm>> -> memref<2048xi32, #tpu.memory_space<hbm>>
    %dma_wait3A_71 = tpu.memref_slice %arg5[%add3A_56] : memref<262144xi32, #tpu.memory_space<hbm>> -> memref<2048xi32, #tpu.memory_space<hbm>>
    tpu.wait_dma2 semaphore(%arg24 : memref<!tpu.dma_semaphore, #tpu.memory_space<semaphore_mem>>) src(%dma_wait3A_71 : memref<2048xi32, #tpu.memory_space<hbm>>) dst(%arg10 : memref<2048xi32, #tpu.memory_space<vmem>>)
    %mul3A_72 = arith.constant 16384 : i32
    %mul3A_73 = arith.muli %arg1, %mul3A_72 : i32
    %add3A_74 = arith.constant 8192 : i32
    %add3A_75 = arith.addi %mul3A_73, %add3A_74 : i32
    %dma_start3A_76 = tpu.memref_slice %arg4[%add3A_75] : memref<262144xi32, #tpu.memory_space<hbm>> -> memref<2048xi32, #tpu.memory_space<hbm>>
    %dma_start3A_77 = tpu.memref_slice %arg4[%add3A_75] : memref<262144xi32, #tpu.memory_space<hbm>> -> memref<2048xi32, #tpu.memory_space<hbm>>
    tpu.enqueue_dma source(%dma_start3A_77 : memref<2048xi32, #tpu.memory_space<hbm>>) target(%arg7 : memref<2048xi32, #tpu.memory_space<vmem>>) target_semaphore(%arg23 : memref<!tpu.dma_semaphore, #tpu.memory_space<semaphore_mem>>)
    %dma_start3A_78 = tpu.memref_slice %arg5[%add3A_75] : memref<262144xi32, #tpu.memory_space<hbm>> -> memref<2048xi32, #tpu.memory_space<hbm>>
    %dma_start3A_79 = tpu.memref_slice %arg5[%add3A_75] : memref<262144xi32, #tpu.memory_space<hbm>> -> memref<2048xi32, #tpu.memory_space<hbm>>
    tpu.enqueue_dma source(%dma_start3A_79 : memref<2048xi32, #tpu.memory_space<hbm>>) target(%arg9 : memref<2048xi32, #tpu.memory_space<vmem>>) target_semaphore(%arg24 : memref<!tpu.dma_semaphore, #tpu.memory_space<semaphore_mem>>)
    %scan3A_80 = arith.constant 0 : i32
    %scan3A_81 = arith.constant 0 : i32
    %scan3A_82 = arith.constant 128 : i32
    %scan3A_83 = arith.addi %scan3A_81, %scan3A_82 : i32
    %scan3A_84 = arith.constant 1 : i32
    %scan3A_85 = scf.for %scan3A_1977 = %scan3A_81 to %scan3A_83 step %scan3A_84 iter_args(%scan3A_1978 = %scan3A_80) -> (i32)  : i32 {
      %mul3A_1979 = arith.constant 16 : i32
      %mul3A_1980 = arith.muli %scan3A_1977, %mul3A_1979 : i32
      %get3A = arith.index_cast %mul3A_1980 : i32 to index
      %get3A_1981 = tpu.vector_load %arg8[%get3A] {strides = array<i32>} : memref<2048xi32, #tpu.memory_space<vmem>>, vector<16xi32>,
      %get3A_1982 = vector.shape_cast %get3A_1981 : vector<16xi32> to vector<16xi32>
      %mul3A_1983 = arith.constant 16 : i32
      %mul3A_1984 = arith.muli %scan3A_1977, %mul3A_1983 : i32
      %get3A_1985 = arith.index_cast %mul3A_1984 : i32 to index
      %get3A_1986 = tpu.vector_load %arg10[%get3A_1985] {strides = array<i32>} : memref<2048xi32, #tpu.memory_space<vmem>>, vector<16xi32>,
      %get3A_1987 = vector.shape_cast %get3A_1986 : vector<16xi32> to vector<16xi32>
      %shift_left3A = arith.constant 12 : i32
      %shift_left3A_1988 = vector.broadcast %shift_left3A : i32 to vector<16xi32>
      %shift_left3A_1989 = arith.shli %get3A_1982, %shift_left3A_1988 : vector<16xi32>
      %add3A_1990 = arith.addi %shift_left3A_1989, %get3A_1987 : vector<16xi32>
      %mul3A_1991 = arith.constant 16 : i32
      %mul3A_1992 = arith.muli %scan3A_1977, %mul3A_1991 : i32
      %add3A_1993 = arith.constant 6144 : i32
      %add3A_1994 = arith.addi %add3A_1993, %mul3A_1992 : i32
      %swap3A = arith.index_cast %add3A_1994 : i32 to index
      %swap3A_1995 = tpu.vector_load %arg15[%swap3A] {strides = array<i32>} : memref<16400xi32, #tpu.memory_space<vmem>>, vector<16xi32>,
      %swap3A_1996 = vector.shape_cast %swap3A_1995 : vector<16xi32> to vector<16xi32>
      %swap3A_1997 = vector.shape_cast %add3A_1990 : vector<16xi32> to vector<16xi32>
      tpu.vector_store %arg15[%swap3A], %swap3A_1997 {strides = array<i32>} : memref<16400xi32, #tpu.memory_space<vmem>>, vector<16xi32>,
      %scan3A_1998 = arith.constant 0 : i32
      scf.yield %scan3A_1998 : i32
    }
    %scan3A_86 = arith.constant 128 : i32
    %dma_wait3A_87 = tpu.memref_slice %arg4[%add3A_75] : memref<262144xi32, #tpu.memory_space<hbm>> -> memref<2048xi32, #tpu.memory_space<hbm>>
    %dma_wait3A_88 = tpu.memref_slice %arg4[%add3A_75] : memref<262144xi32, #tpu.memory_space<hbm>> -> memref<2048xi32, #tpu.memory_space<hbm>>
    tpu.wait_dma2 semaphore(%arg23 : memref<!tpu.dma_semaphore, #tpu.memory_space<semaphore_mem>>) src(%dma_wait3A_88 : memref<2048xi32, #tpu.memory_space<hbm>>) dst(%arg7 : memref<2048xi32, #tpu.memory_space<vmem>>)
    %dma_wait3A_89 = tpu.memref_slice %arg5[%add3A_75] : memref<262144xi32, #tpu.memory_space<hbm>> -> memref<2048xi32, #tpu.memory_space<hbm>>
    %dma_wait3A_90 = tpu.memref_slice %arg5[%add3A_75] : memref<262144xi32, #tpu.memory_space<hbm>> -> memref<2048xi32, #tpu.memory_space<hbm>>
    tpu.wait_dma2 semaphore(%arg24 : memref<!tpu.dma_semaphore, #tpu.memory_space<semaphore_mem>>) src(%dma_wait3A_90 : memref<2048xi32, #tpu.memory_space<hbm>>) dst(%arg9 : memref<2048xi32, #tpu.memory_space<vmem>>)
    %mul3A_91 = arith.constant 16384 : i32
    %mul3A_92 = arith.muli %arg1, %mul3A_91 : i32
    %add3A_93 = arith.constant 10240 : i32
    %add3A_94 = arith.addi %mul3A_92, %add3A_93 : i32
    %dma_start3A_95 = tpu.memref_slice %arg4[%add3A_94] : memref<262144xi32, #tpu.memory_space<hbm>> -> memref<2048xi32, #tpu.memory_space<hbm>>
    %dma_start3A_96 = tpu.memref_slice %arg4[%add3A_94] : memref<262144xi32, #tpu.memory_space<hbm>> -> memref<2048xi32, #tpu.memory_space<hbm>>
    tpu.enqueue_dma source(%dma_start3A_96 : memref<2048xi32, #tpu.memory_space<hbm>>) target(%arg8 : memref<2048xi32, #tpu.memory_space<vmem>>) target_semaphore(%arg23 : memref<!tpu.dma_semaphore, #tpu.memory_space<semaphore_mem>>)
    %dma_start3A_97 = tpu.memref_slice %arg5[%add3A_94] : memref<262144xi32, #tpu.memory_space<hbm>> -> memref<2048xi32, #tpu.memory_space<hbm>>
    %dma_start3A_98 = tpu.memref_slice %arg5[%add3A_94] : memref<262144xi32, #tpu.memory_space<hbm>> -> memref<2048xi32, #tpu.memory_space<hbm>>
    tpu.enqueue_dma source(%dma_start3A_98 : memref<2048xi32, #tpu.memory_space<hbm>>) target(%arg10 : memref<2048xi32, #tpu.memory_space<vmem>>) target_semaphore(%arg24 : memref<!tpu.dma_semaphore, #tpu.memory_space<semaphore_mem>>)
    %scan3A_99 = arith.constant 0 : i32
    %scan3A_100 = arith.constant 0 : i32
    %scan3A_101 = arith.constant 128 : i32
    %scan3A_102 = arith.addi %scan3A_100, %scan3A_101 : i32
    %scan3A_103 = arith.constant 1 : i32
    %scan3A_104 = scf.for %scan3A_1977 = %scan3A_100 to %scan3A_102 step %scan3A_103 iter_args(%scan3A_1978 = %scan3A_99) -> (i32)  : i32 {
      %mul3A_1979 = arith.constant 16 : i32
      %mul3A_1980 = arith.muli %scan3A_1977, %mul3A_1979 : i32
      %get3A = arith.index_cast %mul3A_1980 : i32 to index
      %get3A_1981 = tpu.vector_load %arg7[%get3A] {strides = array<i32>} : memref<2048xi32, #tpu.memory_space<vmem>>, vector<16xi32>,
      %get3A_1982 = vector.shape_cast %get3A_1981 : vector<16xi32> to vector<16xi32>
      %mul3A_1983 = arith.constant 16 : i32
      %mul3A_1984 = arith.muli %scan3A_1977, %mul3A_1983 : i32
      %get3A_1985 = arith.index_cast %mul3A_1984 : i32 to index
      %get3A_1986 = tpu.vector_load %arg9[%get3A_1985] {strides = array<i32>} : memref<2048xi32, #tpu.memory_space<vmem>>, vector<16xi32>,
      %get3A_1987 = vector.shape_cast %get3A_1986 : vector<16xi32> to vector<16xi32>
      %shift_left3A = arith.constant 12 : i32
      %shift_left3A_1988 = vector.broadcast %shift_left3A : i32 to vector<16xi32>
      %shift_left3A_1989 = arith.shli %get3A_1982, %shift_left3A_1988 : vector<16xi32>
      %add3A_1990 = arith.addi %shift_left3A_1989, %get3A_1987 : vector<16xi32>
      %mul3A_1991 = arith.constant 16 : i32
      %mul3A_1992 = arith.muli %scan3A_1977, %mul3A_1991 : i32
      %add3A_1993 = arith.constant 8192 : i32
      %add3A_1994 = arith.addi %add3A_1993, %mul3A_1992 : i32
      %swap3A = arith.index_cast %add3A_1994 : i32 to index
      %swap3A_1995 = tpu.vector_load %arg15[%swap3A] {strides = array<i32>} : memref<16400xi32, #tpu.memory_space<vmem>>, vector<16xi32>,
      %swap3A_1996 = vector.shape_cast %swap3A_1995 : vector<16xi32> to vector<16xi32>
      %swap3A_1997 = vector.shape_cast %add3A_1990 : vector<16xi32> to vector<16xi32>
      tpu.vector_store %arg15[%swap3A], %swap3A_1997 {strides = array<i32>} : memref<16400xi32, #tpu.memory_space<vmem>>, vector<16xi32>,
      %scan3A_1998 = arith.constant 0 : i32
      scf.yield %scan3A_1998 : i32
    }
    %scan3A_105 = arith.constant 128 : i32
    %dma_wait3A_106 = tpu.memref_slice %arg4[%add3A_94] : memref<262144xi32, #tpu.memory_space<hbm>> -> memref<2048xi32, #tpu.memory_space<hbm>>
    %dma_wait3A_107 = tpu.memref_slice %arg4[%add3A_94] : memref<262144xi32, #tpu.memory_space<hbm>> -> memref<2048xi32, #tpu.memory_space<hbm>>
    tpu.wait_dma2 semaphore(%arg23 : memref<!tpu.dma_semaphore, #tpu.memory_space<semaphore_mem>>) src(%dma_wait3A_107 : memref<2048xi32, #tpu.memory_space<hbm>>) dst(%arg8 : memref<2048xi32, #tpu.memory_space<vmem>>)
    %dma_wait3A_108 = tpu.memref_slice %arg5[%add3A_94] : memref<262144xi32, #tpu.memory_space<hbm>> -> memref<2048xi32, #tpu.memory_space<hbm>>
    %dma_wait3A_109 = tpu.memref_slice %arg5[%add3A_94] : memref<262144xi32, #tpu.memory_space<hbm>> -> memref<2048xi32, #tpu.memory_space<hbm>>
    tpu.wait_dma2 semaphore(%arg24 : memref<!tpu.dma_semaphore, #tpu.memory_space<semaphore_mem>>) src(%dma_wait3A_109 : memref<2048xi32, #tpu.memory_space<hbm>>) dst(%arg10 : memref<2048xi32, #tpu.memory_space<vmem>>)
    %mul3A_110 = arith.constant 16384 : i32
    %mul3A_111 = arith.muli %arg1, %mul3A_110 : i32
    %add3A_112 = arith.constant 12288 : i32
    %add3A_113 = arith.addi %mul3A_111, %add3A_112 : i32
    %dma_start3A_114 = tpu.memref_slice %arg4[%add3A_113] : memref<262144xi32, #tpu.memory_space<hbm>> -> memref<2048xi32, #tpu.memory_space<hbm>>
    %dma_start3A_115 = tpu.memref_slice %arg4[%add3A_113] : memref<262144xi32, #tpu.memory_space<hbm>> -> memref<2048xi32, #tpu.memory_space<hbm>>
    tpu.enqueue_dma source(%dma_start3A_115 : memref<2048xi32, #tpu.memory_space<hbm>>) target(%arg7 : memref<2048xi32, #tpu.memory_space<vmem>>) target_semaphore(%arg23 : memref<!tpu.dma_semaphore, #tpu.memory_space<semaphore_mem>>)
    %dma_start3A_116 = tpu.memref_slice %arg5[%add3A_113] : memref<262144xi32, #tpu.memory_space<hbm>> -> memref<2048xi32, #tpu.memory_space<hbm>>
    %dma_start3A_117 = tpu.memref_slice %arg5[%add3A_113] : memref<262144xi32, #tpu.memory_space<hbm>> -> memref<2048xi32, #tpu.memory_space<hbm>>
    tpu.enqueue_dma source(%dma_start3A_117 : memref<2048xi32, #tpu.memory_space<hbm>>) target(%arg9 : memref<2048xi32, #tpu.memory_space<vmem>>) target_semaphore(%arg24 : memref<!tpu.dma_semaphore, #tpu.memory_space<semaphore_mem>>)
    %scan3A_118 = arith.constant 0 : i32
    %scan3A_119 = arith.constant 0 : i32
    %scan3A_120 = arith.constant 128 : i32
    %scan3A_121 = arith.addi %scan3A_119, %scan3A_120 : i32
    %scan3A_122 = arith.constant 1 : i32
    %scan3A_123 = scf.for %scan3A_1977 = %scan3A_119 to %scan3A_121 step %scan3A_122 iter_args(%scan3A_1978 = %scan3A_118) -> (i32)  : i32 {
      %mul3A_1979 = arith.constant 16 : i32
      %mul3A_1980 = arith.muli %scan3A_1977, %mul3A_1979 : i32
      %get3A = arith.index_cast %mul3A_1980 : i32 to index
      %get3A_1981 = tpu.vector_load %arg8[%get3A] {strides = array<i32>} : memref<2048xi32, #tpu.memory_space<vmem>>, vector<16xi32>,
      %get3A_1982 = vector.shape_cast %get3A_1981 : vector<16xi32> to vector<16xi32>
      %mul3A_1983 = arith.constant 16 : i32
      %mul3A_1984 = arith.muli %scan3A_1977, %mul3A_1983 : i32
      %get3A_1985 = arith.index_cast %mul3A_1984 : i32 to index
      %get3A_1986 = tpu.vector_load %arg10[%get3A_1985] {strides = array<i32>} : memref<2048xi32, #tpu.memory_space<vmem>>, vector<16xi32>,
      %get3A_1987 = vector.shape_cast %get3A_1986 : vector<16xi32> to vector<16xi32>
      %shift_left3A = arith.constant 12 : i32
      %shift_left3A_1988 = vector.broadcast %shift_left3A : i32 to vector<16xi32>
      %shift_left3A_1989 = arith.shli %get3A_1982, %shift_left3A_1988 : vector<16xi32>
      %add3A_1990 = arith.addi %shift_left3A_1989, %get3A_1987 : vector<16xi32>
      %mul3A_1991 = arith.constant 16 : i32
      %mul3A_1992 = arith.muli %scan3A_1977, %mul3A_1991 : i32
      %add3A_1993 = arith.constant 10240 : i32
      %add3A_1994 = arith.addi %add3A_1993, %mul3A_1992 : i32
      %swap3A = arith.index_cast %add3A_1994 : i32 to index
      %swap3A_1995 = tpu.vector_load %arg15[%swap3A] {strides = array<i32>} : memref<16400xi32, #tpu.memory_space<vmem>>, vector<16xi32>,
      %swap3A_1996 = vector.shape_cast %swap3A_1995 : vector<16xi32> to vector<16xi32>
      %swap3A_1997 = vector.shape_cast %add3A_1990 : vector<16xi32> to vector<16xi32>
      tpu.vector_store %arg15[%swap3A], %swap3A_1997 {strides = array<i32>} : memref<16400xi32, #tpu.memory_space<vmem>>, vector<16xi32>,
      %scan3A_1998 = arith.constant 0 : i32
      scf.yield %scan3A_1998 : i32
    }
    %scan3A_124 = arith.constant 128 : i32
    %dma_wait3A_125 = tpu.memref_slice %arg4[%add3A_113] : memref<262144xi32, #tpu.memory_space<hbm>> -> memref<2048xi32, #tpu.memory_space<hbm>>
    %dma_wait3A_126 = tpu.memref_slice %arg4[%add3A_113] : memref<262144xi32, #tpu.memory_space<hbm>> -> memref<2048xi32, #tpu.memory_space<hbm>>
    tpu.wait_dma2 semaphore(%arg23 : memref<!tpu.dma_semaphore, #tpu.memory_space<semaphore_mem>>) src(%dma_wait3A_126 : memref<2048xi32, #tpu.memory_space<hbm>>) dst(%arg7 : memref<2048xi32, #tpu.memory_space<vmem>>)
    %dma_wait3A_127 = tpu.memref_slice %arg5[%add3A_113] : memref<262144xi32, #tpu.memory_space<hbm>> -> memref<2048xi32, #tpu.memory_space<hbm>>
    %dma_wait3A_128 = tpu.memref_slice %arg5[%add3A_113] : memref<262144xi32, #tpu.memory_space<hbm>> -> memref<2048xi32, #tpu.memory_space<hbm>>
    tpu.wait_dma2 semaphore(%arg24 : memref<!tpu.dma_semaphore, #tpu.memory_space<semaphore_mem>>) src(%dma_wait3A_128 : memref<2048xi32, #tpu.memory_space<hbm>>) dst(%arg9 : memref<2048xi32, #tpu.memory_space<vmem>>)
    %mul3A_129 = arith.constant 16384 : i32
    %mul3A_130 = arith.muli %arg1, %mul3A_129 : i32
    %add3A_131 = arith.constant 14336 : i32
    %add3A_132 = arith.addi %mul3A_130, %add3A_131 : i32
    %dma_start3A_133 = tpu.memref_slice %arg4[%add3A_132] : memref<262144xi32, #tpu.memory_space<hbm>> -> memref<2048xi32, #tpu.memory_space<hbm>>
    %dma_start3A_134 = tpu.memref_slice %arg4[%add3A_132] : memref<262144xi32, #tpu.memory_space<hbm>> -> memref<2048xi32, #tpu.memory_space<hbm>>
    tpu.enqueue_dma source(%dma_start3A_134 : memref<2048xi32, #tpu.memory_space<hbm>>) target(%arg8 : memref<2048xi32, #tpu.memory_space<vmem>>) target_semaphore(%arg23 : memref<!tpu.dma_semaphore, #tpu.memory_space<semaphore_mem>>)
    %dma_start3A_135 = tpu.memref_slice %arg5[%add3A_132] : memref<262144xi32, #tpu.memory_space<hbm>> -> memref<2048xi32, #tpu.memory_space<hbm>>
    %dma_start3A_136 = tpu.memref_slice %arg5[%add3A_132] : memref<262144xi32, #tpu.memory_space<hbm>> -> memref<2048xi32, #tpu.memory_space<hbm>>
    tpu.enqueue_dma source(%dma_start3A_136 : memref<2048xi32, #tpu.memory_space<hbm>>) target(%arg10 : memref<2048xi32, #tpu.memory_space<vmem>>) target_semaphore(%arg24 : memref<!tpu.dma_semaphore, #tpu.memory_space<semaphore_mem>>)
    %scan3A_137 = arith.constant 0 : i32
    %scan3A_138 = arith.constant 0 : i32
    %scan3A_139 = arith.constant 128 : i32
    %scan3A_140 = arith.addi %scan3A_138, %scan3A_139 : i32
    %scan3A_141 = arith.constant 1 : i32
    %scan3A_142 = scf.for %scan3A_1977 = %scan3A_138 to %scan3A_140 step %scan3A_141 iter_args(%scan3A_1978 = %scan3A_137) -> (i32)  : i32 {
      %mul3A_1979 = arith.constant 16 : i32
      %mul3A_1980 = arith.muli %scan3A_1977, %mul3A_1979 : i32
      %get3A = arith.index_cast %mul3A_1980 : i32 to index
      %get3A_1981 = tpu.vector_load %arg7[%get3A] {strides = array<i32>} : memref<2048xi32, #tpu.memory_space<vmem>>, vector<16xi32>,
      %get3A_1982 = vector.shape_cast %get3A_1981 : vector<16xi32> to vector<16xi32>
      %mul3A_1983 = arith.constant 16 : i32
      %mul3A_1984 = arith.muli %scan3A_1977, %mul3A_1983 : i32
      %get3A_1985 = arith.index_cast %mul3A_1984 : i32 to index
      %get3A_1986 = tpu.vector_load %arg9[%get3A_1985] {strides = array<i32>} : memref<2048xi32, #tpu.memory_space<vmem>>, vector<16xi32>,
      %get3A_1987 = vector.shape_cast %get3A_1986 : vector<16xi32> to vector<16xi32>
      %shift_left3A = arith.constant 12 : i32
      %shift_left3A_1988 = vector.broadcast %shift_left3A : i32 to vector<16xi32>
      %shift_left3A_1989 = arith.shli %get3A_1982, %shift_left3A_1988 : vector<16xi32>
      %add3A_1990 = arith.addi %shift_left3A_1989, %get3A_1987 : vector<16xi32>
      %mul3A_1991 = arith.constant 16 : i32
      %mul3A_1992 = arith.muli %scan3A_1977, %mul3A_1991 : i32
      %add3A_1993 = arith.constant 12288 : i32
      %add3A_1994 = arith.addi %add3A_1993, %mul3A_1992 : i32
      %swap3A = arith.index_cast %add3A_1994 : i32 to index
      %swap3A_1995 = tpu.vector_load %arg15[%swap3A] {strides = array<i32>} : memref<16400xi32, #tpu.memory_space<vmem>>, vector<16xi32>,
      %swap3A_1996 = vector.shape_cast %swap3A_1995 : vector<16xi32> to vector<16xi32>
      %swap3A_1997 = vector.shape_cast %add3A_1990 : vector<16xi32> to vector<16xi32>
      tpu.vector_store %arg15[%swap3A], %swap3A_1997 {strides = array<i32>} : memref<16400xi32, #tpu.memory_space<vmem>>, vector<16xi32>,
      %scan3A_1998 = arith.constant 0 : i32
      scf.yield %scan3A_1998 : i32
    }
    %scan3A_143 = arith.constant 128 : i32
    %dma_wait3A_144 = tpu.memref_slice %arg4[%add3A_132] : memref<262144xi32, #tpu.memory_space<hbm>> -> memref<2048xi32, #tpu.memory_space<hbm>>
    %dma_wait3A_145 = tpu.memref_slice %arg4[%add3A_132] : memref<262144xi32, #tpu.memory_space<hbm>> -> memref<2048xi32, #tpu.memory_space<hbm>>
    tpu.wait_dma2 semaphore(%arg23 : memref<!tpu.dma_semaphore, #tpu.memory_space<semaphore_mem>>) src(%dma_wait3A_145 : memref<2048xi32, #tpu.memory_space<hbm>>) dst(%arg8 : memref<2048xi32, #tpu.memory_space<vmem>>)
    %dma_wait3A_146 = tpu.memref_slice %arg5[%add3A_132] : memref<262144xi32, #tpu.memory_space<hbm>> -> memref<2048xi32, #tpu.memory_space<hbm>>
    %dma_wait3A_147 = tpu.memref_slice %arg5[%add3A_132] : memref<262144xi32, #tpu.memory_space<hbm>> -> memref<2048xi32, #tpu.memory_space<hbm>>
    tpu.wait_dma2 semaphore(%arg24 : memref<!tpu.dma_semaphore, #tpu.memory_space<semaphore_mem>>) src(%dma_wait3A_147 : memref<2048xi32, #tpu.memory_space<hbm>>) dst(%arg10 : memref<2048xi32, #tpu.memory_space<vmem>>)
    %scan3A_148 = arith.constant 0 : i32
    %scan3A_149 = arith.constant 0 : i32
    %scan3A_150 = arith.constant 128 : i32
    %scan3A_151 = arith.addi %scan3A_149, %scan3A_150 : i32
    %scan3A_152 = arith.constant 1 : i32
    %scan3A_153 = scf.for %scan3A_1977 = %scan3A_149 to %scan3A_151 step %scan3A_152 iter_args(%scan3A_1978 = %scan3A_148) -> (i32)  : i32 {
      %mul3A_1979 = arith.constant 16 : i32
      %mul3A_1980 = arith.muli %scan3A_1977, %mul3A_1979 : i32
      %get3A = arith.index_cast %mul3A_1980 : i32 to index
      %get3A_1981 = tpu.vector_load %arg8[%get3A] {strides = array<i32>} : memref<2048xi32, #tpu.memory_space<vmem>>, vector<16xi32>,
      %get3A_1982 = vector.shape_cast %get3A_1981 : vector<16xi32> to vector<16xi32>
      %mul3A_1983 = arith.constant 16 : i32
      %mul3A_1984 = arith.muli %scan3A_1977, %mul3A_1983 : i32
      %get3A_1985 = arith.index_cast %mul3A_1984 : i32 to index
      %get3A_1986 = tpu.vector_load %arg10[%get3A_1985] {strides = array<i32>} : memref<2048xi32, #tpu.memory_space<vmem>>, vector<16xi32>,
      %get3A_1987 = vector.shape_cast %get3A_1986 : vector<16xi32> to vector<16xi32>
      %shift_left3A = arith.constant 12 : i32
      %shift_left3A_1988 = vector.broadcast %shift_left3A : i32 to vector<16xi32>
      %shift_left3A_1989 = arith.shli %get3A_1982, %shift_left3A_1988 : vector<16xi32>
      %add3A_1990 = arith.addi %shift_left3A_1989, %get3A_1987 : vector<16xi32>
      %mul3A_1991 = arith.constant 16 : i32
      %mul3A_1992 = arith.muli %scan3A_1977, %mul3A_1991 : i32
      %add3A_1993 = arith.constant 14336 : i32
      %add3A_1994 = arith.addi %add3A_1993, %mul3A_1992 : i32
      %swap3A = arith.index_cast %add3A_1994 : i32 to index
      %swap3A_1995 = tpu.vector_load %arg15[%swap3A] {strides = array<i32>} : memref<16400xi32, #tpu.memory_space<vmem>>, vector<16xi32>,
      %swap3A_1996 = vector.shape_cast %swap3A_1995 : vector<16xi32> to vector<16xi32>
      %swap3A_1997 = vector.shape_cast %add3A_1990 : vector<16xi32> to vector<16xi32>
      tpu.vector_store %arg15[%swap3A], %swap3A_1997 {strides = array<i32>} : memref<16400xi32, #tpu.memory_space<vmem>>, vector<16xi32>,
      %scan3A_1998 = arith.constant 0 : i32
      scf.yield %scan3A_1998 : i32
    }
    %scan3A_154 = arith.constant 128 : i32
    %scan3A_155 = arith.constant 0 : i32
    %scan3A_156 = arith.constant 0 : i32
    %scan3A_157 = arith.constant 4 : i32
    %scan3A_158 = arith.addi %scan3A_156, %scan3A_157 : i32
    %scan3A_159 = arith.constant 1 : i32
    %scan3A_160 = scf.for %scan3A_1977 = %scan3A_156 to %scan3A_158 step %scan3A_159 iter_args(%scan3A_1978 = %scan3A_155) -> (i32)  : i32 {
      %mul3A_1979 = arith.constant 4096 : i32
      %mul3A_1980 = arith.muli %scan3A_1977, %mul3A_1979 : i32
      %add3A_1981 = arith.constant 0 : i32
      %add3A_1982 = arith.addi %mul3A_1980, %add3A_1981 : i32
      %scan3A_1983 = arith.constant 0 : i32
      %scan3A_1984 = arith.constant 0 : i32
      %scan3A_1985 = arith.constant 128 : i32
      %scan3A_1986 = arith.addi %scan3A_1984, %scan3A_1985 : i32
      %scan3A_1987 = arith.constant 1 : i32
      %scan3A_1988 = scf.for %scan3A_2040 = %scan3A_1984 to %scan3A_1986 step %scan3A_1987 iter_args(%scan3A_2041 = %scan3A_1983) -> (i32)  : i32 {
        %mul3A_2042 = arith.constant 16 : i32
        %mul3A_2043 = arith.muli %scan3A_2040, %mul3A_2042 : i32
        %add3A_2044 = arith.addi %add3A_1982, %mul3A_2043 : i32
        %get3A = arith.index_cast %add3A_2044 : i32 to index
        %get3A_2045 = tpu.vector_load %arg15[%get3A] {strides = array<i32>} : memref<16400xi32, #tpu.memory_space<vmem>>, vector<16xi32>,
        %get3A_2046 = vector.shape_cast %get3A_2045 : vector<16xi32> to vector<16xi32>
        %shift_right_arithmetic3A = arith.constant 12 : i32
        %shift_right_arithmetic3A_2047 = vector.broadcast %shift_right_arithmetic3A : i32 to vector<16xi32>
        %shift_right_arithmetic3A_2048 = arith.shrsi %get3A_2046, %shift_right_arithmetic3A_2047 : vector<16xi32>
        %and3A = arith.constant 4095 : i32
        %and3A_2049 = vector.broadcast %and3A : i32 to vector<16xi32>
        %and3A_2050 = arith.andi %shift_right_arithmetic3A_2048, %and3A_2049 : vector<16xi32>
        %mul3A_2051 = arith.constant 16 : i32
        %mul3A_2052 = arith.muli %scan3A_2040, %mul3A_2051 : i32
        %swap3A = arith.index_cast %mul3A_2052 : i32 to index
        %swap3A_2053 = tpu.vector_load %arg7[%swap3A] {strides = array<i32>} : memref<2048xi32, #tpu.memory_space<vmem>>, vector<16xi32>,
        %swap3A_2054 = vector.shape_cast %swap3A_2053 : vector<16xi32> to vector<16xi32>
        %swap3A_2055 = vector.shape_cast %and3A_2050 : vector<16xi32> to vector<16xi32>
        tpu.vector_store %arg7[%swap3A], %swap3A_2055 {strides = array<i32>} : memref<2048xi32, #tpu.memory_space<vmem>>, vector<16xi32>,
        %and3A_2056 = arith.constant 4095 : i32
        %and3A_2057 = vector.broadcast %and3A_2056 : i32 to vector<16xi32>
        %and3A_2058 = arith.andi %get3A_2046, %and3A_2057 : vector<16xi32>
        %mul3A_2059 = arith.constant 16 : i32
        %mul3A_2060 = arith.muli %scan3A_2040, %mul3A_2059 : i32
        %swap3A_2061 = arith.index_cast %mul3A_2060 : i32 to index
        %swap3A_2062 = tpu.vector_load %arg9[%swap3A_2061] {strides = array<i32>} : memref<2048xi32, #tpu.memory_space<vmem>>, vector<16xi32>,
        %swap3A_2063 = vector.shape_cast %swap3A_2062 : vector<16xi32> to vector<16xi32>
        %swap3A_2064 = vector.shape_cast %and3A_2058 : vector<16xi32> to vector<16xi32>
        tpu.vector_store %arg9[%swap3A_2061], %swap3A_2064 {strides = array<i32>} : memref<2048xi32, #tpu.memory_space<vmem>>, vector<16xi32>,
        %scan3A_2065 = arith.constant 0 : i32
        scf.yield %scan3A_2065 : i32
      }
      %scan3A_1989 = arith.constant 128 : i32
      %dma_start3A_1990 = arith.constant 0 : i32
      %dma_start3A_1991 = tpu.memref_slice %arg2[%dma_start3A_1990] : memref<4096xf32, #tpu.memory_space<hbm>> -> memref<4096xf32, #tpu.memory_space<hbm>>
      tpu.enqueue_indirect_dma source(%dma_start3A_1991 : memref<4096xf32, #tpu.memory_space<hbm>>) target(%arg11 : memref<2048xf32, #tpu.memory_space<vmem>>) offsets(%arg7 : memref<2048xi32, #tpu.memory_space<vmem>>) semaphore(%arg25 : memref<!tpu.dma_semaphore, #tpu.memory_space<semaphore_mem>>)
      %dma_start3A_1992 = arith.constant 0 : i32
      %dma_start3A_1993 = tpu.memref_slice %arg3[%dma_start3A_1992] : memref<4096xf32, #tpu.memory_space<hbm>> -> memref<4096xf32, #tpu.memory_space<hbm>>
      tpu.enqueue_indirect_dma source(%dma_start3A_1993 : memref<4096xf32, #tpu.memory_space<hbm>>) target(%arg13 : memref<2048xf32, #tpu.memory_space<vmem>>) offsets(%arg9 : memref<2048xi32, #tpu.memory_space<vmem>>) semaphore(%arg26 : memref<!tpu.dma_semaphore, #tpu.memory_space<semaphore_mem>>)
      %mul3A_1994 = arith.constant 4096 : i32
      %mul3A_1995 = arith.muli %scan3A_1977, %mul3A_1994 : i32
      %add3A_1996 = arith.constant 2048 : i32
      %add3A_1997 = arith.addi %mul3A_1995, %add3A_1996 : i32
      %scan3A_1998 = arith.constant 0 : i32
      %scan3A_1999 = arith.constant 0 : i32
      %scan3A_2000 = arith.constant 128 : i32
      %scan3A_2001 = arith.addi %scan3A_1999, %scan3A_2000 : i32
      %scan3A_2002 = arith.constant 1 : i32
      %scan3A_2003 = scf.for %scan3A_2040 = %scan3A_1999 to %scan3A_2001 step %scan3A_2002 iter_args(%scan3A_2041 = %scan3A_1998) -> (i32)  : i32 {
        %mul3A_2042 = arith.constant 16 : i32
        %mul3A_2043 = arith.muli %scan3A_2040, %mul3A_2042 : i32
        %add3A_2044 = arith.addi %add3A_1997, %mul3A_2043 : i32
        %get3A = arith.index_cast %add3A_2044 : i32 to index
        %get3A_2045 = tpu.vector_load %arg15[%get3A] {strides = array<i32>} : memref<16400xi32, #tpu.memory_space<vmem>>, vector<16xi32>,
        %get3A_2046 = vector.shape_cast %get3A_2045 : vector<16xi32> to vector<16xi32>
        %shift_right_arithmetic3A = arith.constant 12 : i32
        %shift_right_arithmetic3A_2047 = vector.broadcast %shift_right_arithmetic3A : i32 to vector<16xi32>
        %shift_right_arithmetic3A_2048 = arith.shrsi %get3A_2046, %shift_right_arithmetic3A_2047 : vector<16xi32>
        %and3A = arith.constant 4095 : i32
        %and3A_2049 = vector.broadcast %and3A : i32 to vector<16xi32>
        %and3A_2050 = arith.andi %shift_right_arithmetic3A_2048, %and3A_2049 : vector<16xi32>
        %mul3A_2051 = arith.constant 16 : i32
        %mul3A_2052 = arith.muli %scan3A_2040, %mul3A_2051 : i32
        %swap3A = arith.index_cast %mul3A_2052 : i32 to index
        %swap3A_2053 = tpu.vector_load %arg8[%swap3A] {strides = array<i32>} : memref<2048xi32, #tpu.memory_space<vmem>>, vector<16xi32>,
        %swap3A_2054 = vector.shape_cast %swap3A_2053 : vector<16xi32> to vector<16xi32>
        %swap3A_2055 = vector.shape_cast %and3A_2050 : vector<16xi32> to vector<16xi32>
        tpu.vector_store %arg8[%swap3A], %swap3A_2055 {strides = array<i32>} : memref<2048xi32, #tpu.memory_space<vmem>>, vector<16xi32>,
        %and3A_2056 = arith.constant 4095 : i32
        %and3A_2057 = vector.broadcast %and3A_2056 : i32 to vector<16xi32>
        %and3A_2058 = arith.andi %get3A_2046, %and3A_2057 : vector<16xi32>
        %mul3A_2059 = arith.constant 16 : i32
        %mul3A_2060 = arith.muli %scan3A_2040, %mul3A_2059 : i32
        %swap3A_2061 = arith.index_cast %mul3A_2060 : i32 to index
        %swap3A_2062 = tpu.vector_load %arg10[%swap3A_2061] {strides = array<i32>} : memref<2048xi32, #tpu.memory_space<vmem>>, vector<16xi32>,
        %swap3A_2063 = vector.shape_cast %swap3A_2062 : vector<16xi32> to vector<16xi32>
        %swap3A_2064 = vector.shape_cast %and3A_2058 : vector<16xi32> to vector<16xi32>
        tpu.vector_store %arg10[%swap3A_2061], %swap3A_2064 {strides = array<i32>} : memref<2048xi32, #tpu.memory_space<vmem>>, vector<16xi32>,
        %scan3A_2065 = arith.constant 0 : i32
        scf.yield %scan3A_2065 : i32
      }
      %scan3A_2004 = arith.constant 128 : i32
      %dma_start3A_2005 = arith.constant 0 : i32
      %dma_start3A_2006 = tpu.memref_slice %arg2[%dma_start3A_2005] : memref<4096xf32, #tpu.memory_space<hbm>> -> memref<4096xf32, #tpu.memory_space<hbm>>
      tpu.enqueue_indirect_dma source(%dma_start3A_2006 : memref<4096xf32, #tpu.memory_space<hbm>>) target(%arg12 : memref<2048xf32, #tpu.memory_space<vmem>>) offsets(%arg8 : memref<2048xi32, #tpu.memory_space<vmem>>) semaphore(%arg25 : memref<!tpu.dma_semaphore, #tpu.memory_space<semaphore_mem>>)
      %dma_start3A_2007 = arith.constant 0 : i32
      %dma_start3A_2008 = tpu.memref_slice %arg3[%dma_start3A_2007] : memref<4096xf32, #tpu.memory_space<hbm>> -> memref<4096xf32, #tpu.memory_space<hbm>>
      tpu.enqueue_indirect_dma source(%dma_start3A_2008 : memref<4096xf32, #tpu.memory_space<hbm>>) target(%arg14 : memref<2048xf32, #tpu.memory_space<vmem>>) offsets(%arg10 : memref<2048xi32, #tpu.memory_space<vmem>>) semaphore(%arg26 : memref<!tpu.dma_semaphore, #tpu.memory_space<semaphore_mem>>)
      %mul3A_2009 = arith.constant 4096 : i32
      %mul3A_2010 = arith.muli %scan3A_1977, %mul3A_2009 : i32
      %add3A_2011 = arith.constant 0 : i32
      %add3A_2012 = arith.addi %mul3A_2010, %add3A_2011 : i32
      %dma_wait3A_2013 = arith.constant 0 : i32
      %dma_wait3A_2014 = tpu.memref_slice %arg2[%dma_wait3A_2013] : memref<4096xf32, #tpu.memory_space<hbm>> -> memref<4096xf32, #tpu.memory_space<hbm>>
      tpu.wait_indirect_dma semaphore(%arg25 : memref<!tpu.dma_semaphore, #tpu.memory_space<semaphore_mem>>) src(%dma_wait3A_2014 : memref<4096xf32, #tpu.memory_space<hbm>>) dst(%arg11 : memref<2048xf32, #tpu.memory_space<vmem>>)
      %dma_wait3A_2015 = arith.constant 0 : i32
      %dma_wait3A_2016 = tpu.memref_slice %arg3[%dma_wait3A_2015] : memref<4096xf32, #tpu.memory_space<hbm>> -> memref<4096xf32, #tpu.memory_space<hbm>>
      tpu.wait_indirect_dma semaphore(%arg26 : memref<!tpu.dma_semaphore, #tpu.memory_space<semaphore_mem>>) src(%dma_wait3A_2016 : memref<4096xf32, #tpu.memory_space<hbm>>) dst(%arg13 : memref<2048xf32, #tpu.memory_space<vmem>>)
      %scan3A_2017 = arith.constant 0 : i32
      %scan3A_2018 = arith.constant 0 : i32
      %scan3A_2019 = arith.constant 128 : i32
      %scan3A_2020 = arith.addi %scan3A_2018, %scan3A_2019 : i32
      %scan3A_2021 = arith.constant 1 : i32
      %scan3A_2022 = scf.for %scan3A_2040 = %scan3A_2018 to %scan3A_2020 step %scan3A_2021 iter_args(%scan3A_2041 = %scan3A_2017) -> (i32)  : i32 {
        %mul3A_2042 = arith.constant 16 : i32
        %mul3A_2043 = arith.muli %scan3A_2040, %mul3A_2042 : i32
        %get3A = arith.index_cast %mul3A_2043 : i32 to index
        %get3A_2044 = tpu.vector_load %arg11[%get3A] {strides = array<i32>} : memref<2048xf32, #tpu.memory_space<vmem>>, vector<16xf32>,
        %get3A_2045 = vector.shape_cast %get3A_2044 : vector<16xf32> to vector<16xf32>
        %mul3A_2046 = arith.constant 16 : i32
        %mul3A_2047 = arith.muli %scan3A_2040, %mul3A_2046 : i32
        %get3A_2048 = arith.index_cast %mul3A_2047 : i32 to index
        %get3A_2049 = tpu.vector_load %arg13[%get3A_2048] {strides = array<i32>} : memref<2048xf32, #tpu.memory_space<vmem>>, vector<16xf32>,
        %get3A_2050 = vector.shape_cast %get3A_2049 : vector<16xf32> to vector<16xf32>
        %add3A_2051 = arith.addf %get3A_2045, %get3A_2050 : vector<16xf32>
        %mul3A_2052 = arith.constant 16 : i32
        %mul3A_2053 = arith.muli %scan3A_2040, %mul3A_2052 : i32
        %add3A_2054 = arith.addi %add3A_2012, %mul3A_2053 : i32
        %swap3A = arith.index_cast %add3A_2054 : i32 to index
        %swap3A_2055 = tpu.vector_load %arg16[%swap3A] {strides = array<i32>} : memref<16400xf32, #tpu.memory_space<vmem>>, vector<16xf32>,
        %swap3A_2056 = vector.shape_cast %swap3A_2055 : vector<16xf32> to vector<16xf32>
        %swap3A_2057 = vector.shape_cast %add3A_2051 : vector<16xf32> to vector<16xf32>
        tpu.vector_store %arg16[%swap3A], %swap3A_2057 {strides = array<i32>} : memref<16400xf32, #tpu.memory_space<vmem>>, vector<16xf32>,
        %scan3A_2058 = arith.constant 0 : i32
        scf.yield %scan3A_2058 : i32
      }
      %scan3A_2023 = arith.constant 128 : i32
      %mul3A_2024 = arith.constant 4096 : i32
      %mul3A_2025 = arith.muli %scan3A_1977, %mul3A_2024 : i32
      %add3A_2026 = arith.constant 2048 : i32
      %add3A_2027 = arith.addi %mul3A_2025, %add3A_2026 : i32
      %dma_wait3A_2028 = arith.constant 0 : i32
      %dma_wait3A_2029 = tpu.memref_slice %arg2[%dma_wait3A_2028] : memref<4096xf32, #tpu.memory_space<hbm>> -> memref<4096xf32, #tpu.memory_space<hbm>>
      tpu.wait_indirect_dma semaphore(%arg25 : memref<!tpu.dma_semaphore, #tpu.memory_space<semaphore_mem>>) src(%dma_wait3A_2029 : memref<4096xf32, #tpu.memory_space<hbm>>) dst(%arg12 : memref<2048xf32, #tpu.memory_space<vmem>>)
      %dma_wait3A_2030 = arith.constant 0 : i32
      %dma_wait3A_2031 = tpu.memref_slice %arg3[%dma_wait3A_2030] : memref<4096xf32, #tpu.memory_space<hbm>> -> memref<4096xf32, #tpu.memory_space<hbm>>
      tpu.wait_indirect_dma semaphore(%arg26 : memref<!tpu.dma_semaphore, #tpu.memory_space<semaphore_mem>>) src(%dma_wait3A_2031 : memref<4096xf32, #tpu.memory_space<hbm>>) dst(%arg14 : memref<2048xf32, #tpu.memory_space<vmem>>)
      %scan3A_2032 = arith.constant 0 : i32
      %scan3A_2033 = arith.constant 0 : i32
      %scan3A_2034 = arith.constant 128 : i32
      %scan3A_2035 = arith.addi %scan3A_2033, %scan3A_2034 : i32
      %scan3A_2036 = arith.constant 1 : i32
      %scan3A_2037 = scf.for %scan3A_2040 = %scan3A_2033 to %scan3A_2035 step %scan3A_2036 iter_args(%scan3A_2041 = %scan3A_2032) -> (i32)  : i32 {
        %mul3A_2042 = arith.constant 16 : i32
        %mul3A_2043 = arith.muli %scan3A_2040, %mul3A_2042 : i32
        %get3A = arith.index_cast %mul3A_2043 : i32 to index
        %get3A_2044 = tpu.vector_load %arg12[%get3A] {strides = array<i32>} : memref<2048xf32, #tpu.memory_space<vmem>>, vector<16xf32>,
        %get3A_2045 = vector.shape_cast %get3A_2044 : vector<16xf32> to vector<16xf32>
        %mul3A_2046 = arith.constant 16 : i32
        %mul3A_2047 = arith.muli %scan3A_2040, %mul3A_2046 : i32
        %get3A_2048 = arith.index_cast %mul3A_2047 : i32 to index
        %get3A_2049 = tpu.vector_load %arg14[%get3A_2048] {strides = array<i32>} : memref<2048xf32, #tpu.memory_space<vmem>>, vector<16xf32>,
        %get3A_2050 = vector.shape_cast %get3A_2049 : vector<16xf32> to vector<16xf32>
        %add3A_2051 = arith.addf %get3A_2045, %get3A_2050 : vector<16xf32>
        %mul3A_2052 = arith.constant 16 : i32
        %mul3A_2053 = arith.muli %scan3A_2040, %mul3A_2052 : i32
        %add3A_2054 = arith.addi %add3A_2027, %mul3A_2053 : i32
        %swap3A = arith.index_cast %add3A_2054 : i32 to index
        %swap3A_2055 = tpu.vector_load %arg16[%swap3A] {strides = array<i32>} : memref<16400xf32, #tpu.memory_space<vmem>>, vector<16xf32>,
        %swap3A_2056 = vector.shape_cast %swap3A_2055 : vector<16xf32> to vector<16xf32>
        %swap3A_2057 = vector.shape_cast %add3A_2051 : vector<16xf32> to vector<16xf32>
        tpu.vector_store %arg16[%swap3A], %swap3A_2057 {strides = array<i32>} : memref<16400xf32, #tpu.memory_space<vmem>>, vector<16xf32>,
        %scan3A_2058 = arith.constant 0 : i32
        scf.yield %scan3A_2058 : i32
      }
      %scan3A_2038 = arith.constant 128 : i32
      %scan3A_2039 = arith.constant 0 : i32
      scf.yield %scan3A_2039 : i32
    }
    %scan3A_161 = arith.constant 4 : i32
    %mul3A_162 = arith.constant 65536 : i32
    %mul3A_163 = arith.muli %arg1, %mul3A_162 : i32
    %add3A_164 = arith.constant 0 : i32
    %add3A_165 = arith.addi %mul3A_163, %add3A_164 : i32
    %dma_start3A_166 = tpu.memref_slice %arg22[%add3A_165] : memref<1048576xf32, #tpu.memory_space<vmem_shared>> -> memref<4096xf32, #tpu.memory_space<vmem_shared>>
    %dma_start3A_167 = tpu.memref_slice %arg22[%add3A_165] : memref<1048576xf32, #tpu.memory_space<vmem_shared>> -> memref<4096xf32, #tpu.memory_space<vmem_shared>>
    tpu.enqueue_dma source(%arg21 : memref<4096xf32, #tpu.memory_space<vmem>>) target(%dma_start3A_167 : memref<4096xf32, #tpu.memory_space<vmem_shared>>) target_semaphore(%arg29 : memref<!tpu.dma_semaphore, #tpu.memory_space<semaphore_mem>>)
    %mul3A_168 = arith.constant 65536 : i32
    %mul3A_169 = arith.muli %arg1, %mul3A_168 : i32
    %add3A_170 = arith.constant 4096 : i32
    %add3A_171 = arith.addi %mul3A_169, %add3A_170 : i32
    %dma_start3A_172 = tpu.memref_slice %arg22[%add3A_171] : memref<1048576xf32, #tpu.memory_space<vmem_shared>> -> memref<4096xf32, #tpu.memory_space<vmem_shared>>
    %dma_start3A_173 = tpu.memref_slice %arg22[%add3A_171] : memref<1048576xf32, #tpu.memory_space<vmem_shared>> -> memref<4096xf32, #tpu.memory_space<vmem_shared>>
    tpu.enqueue_dma source(%arg21 : memref<4096xf32, #tpu.memory_space<vmem>>) target(%dma_start3A_173 : memref<4096xf32, #tpu.memory_space<vmem_shared>>) target_semaphore(%arg29 : memref<!tpu.dma_semaphore, #tpu.memory_space<semaphore_mem>>)
    %mul3A_174 = arith.constant 65536 : i32
    %mul3A_175 = arith.muli %arg1, %mul3A_174 : i32
    %add3A_176 = arith.constant 8192 : i32
    %add3A_177 = arith.addi %mul3A_175, %add3A_176 : i32
    %dma_start3A_178 = tpu.memref_slice %arg22[%add3A_177] : memref<1048576xf32, #tpu.memory_space<vmem_shared>> -> memref<4096xf32, #tpu.memory_space<vmem_shared>>
    %dma_start3A_179 = tpu.memref_slice %arg22[%add3A_177] : memref<1048576xf32, #tpu.memory_space<vmem_shared>> -> memref<4096xf32, #tpu.memory_space<vmem_shared>>
    tpu.enqueue_dma source(%arg21 : memref<4096xf32, #tpu.memory_space<vmem>>) target(%dma_start3A_179 : memref<4096xf32, #tpu.memory_space<vmem_shared>>) target_semaphore(%arg29 : memref<!tpu.dma_semaphore, #tpu.memory_space<semaphore_mem>>)
    %mul3A_180 = arith.constant 65536 : i32
    %mul3A_181 = arith.muli %arg1, %mul3A_180 : i32
    %add3A_182 = arith.constant 12288 : i32
    %add3A_183 = arith.addi %mul3A_181, %add3A_182 : i32
    %dma_start3A_184 = tpu.memref_slice %arg22[%add3A_183] : memref<1048576xf32, #tpu.memory_space<vmem_shared>> -> memref<4096xf32, #tpu.memory_space<vmem_shared>>
    %dma_start3A_185 = tpu.memref_slice %arg22[%add3A_183] : memref<1048576xf32, #tpu.memory_space<vmem_shared>> -> memref<4096xf32, #tpu.memory_space<vmem_shared>>
    tpu.enqueue_dma source(%arg21 : memref<4096xf32, #tpu.memory_space<vmem>>) target(%dma_start3A_185 : memref<4096xf32, #tpu.memory_space<vmem_shared>>) target_semaphore(%arg29 : memref<!tpu.dma_semaphore, #tpu.memory_space<semaphore_mem>>)
    %mul3A_186 = arith.constant 65536 : i32
    %mul3A_187 = arith.muli %arg1, %mul3A_186 : i32
    %add3A_188 = arith.constant 16384 : i32
    %add3A_189 = arith.addi %mul3A_187, %add3A_188 : i32
    %dma_start3A_190 = tpu.memref_slice %arg22[%add3A_189] : memref<1048576xf32, #tpu.memory_space<vmem_shared>> -> memref<4096xf32, #tpu.memory_space<vmem_shared>>
    %dma_start3A_191 = tpu.memref_slice %arg22[%add3A_189] : memref<1048576xf32, #tpu.memory_space<vmem_shared>> -> memref<4096xf32, #tpu.memory_space<vmem_shared>>
    tpu.enqueue_dma source(%arg21 : memref<4096xf32, #tpu.memory_space<vmem>>) target(%dma_start3A_191 : memref<4096xf32, #tpu.memory_space<vmem_shared>>) target_semaphore(%arg29 : memref<!tpu.dma_semaphore, #tpu.memory_space<semaphore_mem>>)
    %mul3A_192 = arith.constant 65536 : i32
    %mul3A_193 = arith.muli %arg1, %mul3A_192 : i32
    %add3A_194 = arith.constant 20480 : i32
    %add3A_195 = arith.addi %mul3A_193, %add3A_194 : i32
    %dma_start3A_196 = tpu.memref_slice %arg22[%add3A_195] : memref<1048576xf32, #tpu.memory_space<vmem_shared>> -> memref<4096xf32, #tpu.memory_space<vmem_shared>>
    %dma_start3A_197 = tpu.memref_slice %arg22[%add3A_195] : memref<1048576xf32, #tpu.memory_space<vmem_shared>> -> memref<4096xf32, #tpu.memory_space<vmem_shared>>
    tpu.enqueue_dma source(%arg21 : memref<4096xf32, #tpu.memory_space<vmem>>) target(%dma_start3A_197 : memref<4096xf32, #tpu.memory_space<vmem_shared>>) target_semaphore(%arg29 : memref<!tpu.dma_semaphore, #tpu.memory_space<semaphore_mem>>)
    %mul3A_198 = arith.constant 65536 : i32
    %mul3A_199 = arith.muli %arg1, %mul3A_198 : i32
    %add3A_200 = arith.constant 24576 : i32
    %add3A_201 = arith.addi %mul3A_199, %add3A_200 : i32
    %dma_start3A_202 = tpu.memref_slice %arg22[%add3A_201] : memref<1048576xf32, #tpu.memory_space<vmem_shared>> -> memref<4096xf32, #tpu.memory_space<vmem_shared>>
    %dma_start3A_203 = tpu.memref_slice %arg22[%add3A_201] : memref<1048576xf32, #tpu.memory_space<vmem_shared>> -> memref<4096xf32, #tpu.memory_space<vmem_shared>>
    tpu.enqueue_dma source(%arg21 : memref<4096xf32, #tpu.memory_space<vmem>>) target(%dma_start3A_203 : memref<4096xf32, #tpu.memory_space<vmem_shared>>) target_semaphore(%arg29 : memref<!tpu.dma_semaphore, #tpu.memory_space<semaphore_mem>>)
    %mul3A_204 = arith.constant 65536 : i32
    %mul3A_205 = arith.muli %arg1, %mul3A_204 : i32
    %add3A_206 = arith.constant 28672 : i32
    %add3A_207 = arith.addi %mul3A_205, %add3A_206 : i32
    %dma_start3A_208 = tpu.memref_slice %arg22[%add3A_207] : memref<1048576xf32, #tpu.memory_space<vmem_shared>> -> memref<4096xf32, #tpu.memory_space<vmem_shared>>
    %dma_start3A_209 = tpu.memref_slice %arg22[%add3A_207] : memref<1048576xf32, #tpu.memory_space<vmem_shared>> -> memref<4096xf32, #tpu.memory_space<vmem_shared>>
    tpu.enqueue_dma source(%arg21 : memref<4096xf32, #tpu.memory_space<vmem>>) target(%dma_start3A_209 : memref<4096xf32, #tpu.memory_space<vmem_shared>>) target_semaphore(%arg29 : memref<!tpu.dma_semaphore, #tpu.memory_space<semaphore_mem>>)
    %mul3A_210 = arith.constant 65536 : i32
    %mul3A_211 = arith.muli %arg1, %mul3A_210 : i32
    %add3A_212 = arith.constant 32768 : i32
    %add3A_213 = arith.addi %mul3A_211, %add3A_212 : i32
    %dma_start3A_214 = tpu.memref_slice %arg22[%add3A_213] : memref<1048576xf32, #tpu.memory_space<vmem_shared>> -> memref<4096xf32, #tpu.memory_space<vmem_shared>>
    %dma_start3A_215 = tpu.memref_slice %arg22[%add3A_213] : memref<1048576xf32, #tpu.memory_space<vmem_shared>> -> memref<4096xf32, #tpu.memory_space<vmem_shared>>
    tpu.enqueue_dma source(%arg21 : memref<4096xf32, #tpu.memory_space<vmem>>) target(%dma_start3A_215 : memref<4096xf32, #tpu.memory_space<vmem_shared>>) target_semaphore(%arg29 : memref<!tpu.dma_semaphore, #tpu.memory_space<semaphore_mem>>)
    %mul3A_216 = arith.constant 65536 : i32
    %mul3A_217 = arith.muli %arg1, %mul3A_216 : i32
    %add3A_218 = arith.constant 36864 : i32
    %add3A_219 = arith.addi %mul3A_217, %add3A_218 : i32
    %dma_start3A_220 = tpu.memref_slice %arg22[%add3A_219] : memref<1048576xf32, #tpu.memory_space<vmem_shared>> -> memref<4096xf32, #tpu.memory_space<vmem_shared>>
    %dma_start3A_221 = tpu.memref_slice %arg22[%add3A_219] : memref<1048576xf32, #tpu.memory_space<vmem_shared>> -> memref<4096xf32, #tpu.memory_space<vmem_shared>>
    tpu.enqueue_dma source(%arg21 : memref<4096xf32, #tpu.memory_space<vmem>>) target(%dma_start3A_221 : memref<4096xf32, #tpu.memory_space<vmem_shared>>) target_semaphore(%arg29 : memref<!tpu.dma_semaphore, #tpu.memory_space<semaphore_mem>>)
    %mul3A_222 = arith.constant 65536 : i32
    %mul3A_223 = arith.muli %arg1, %mul3A_222 : i32
    %add3A_224 = arith.constant 40960 : i32
    %add3A_225 = arith.addi %mul3A_223, %add3A_224 : i32
    %dma_start3A_226 = tpu.memref_slice %arg22[%add3A_225] : memref<1048576xf32, #tpu.memory_space<vmem_shared>> -> memref<4096xf32, #tpu.memory_space<vmem_shared>>
    %dma_start3A_227 = tpu.memref_slice %arg22[%add3A_225] : memref<1048576xf32, #tpu.memory_space<vmem_shared>> -> memref<4096xf32, #tpu.memory_space<vmem_shared>>
    tpu.enqueue_dma source(%arg21 : memref<4096xf32, #tpu.memory_space<vmem>>) target(%dma_start3A_227 : memref<4096xf32, #tpu.memory_space<vmem_shared>>) target_semaphore(%arg29 : memref<!tpu.dma_semaphore, #tpu.memory_space<semaphore_mem>>)
    %mul3A_228 = arith.constant 65536 : i32
    %mul3A_229 = arith.muli %arg1, %mul3A_228 : i32
    %add3A_230 = arith.constant 45056 : i32
    %add3A_231 = arith.addi %mul3A_229, %add3A_230 : i32
    %dma_start3A_232 = tpu.memref_slice %arg22[%add3A_231] : memref<1048576xf32, #tpu.memory_space<vmem_shared>> -> memref<4096xf32, #tpu.memory_space<vmem_shared>>
    %dma_start3A_233 = tpu.memref_slice %arg22[%add3A_231] : memref<1048576xf32, #tpu.memory_space<vmem_shared>> -> memref<4096xf32, #tpu.memory_space<vmem_shared>>
    tpu.enqueue_dma source(%arg21 : memref<4096xf32, #tpu.memory_space<vmem>>) target(%dma_start3A_233 : memref<4096xf32, #tpu.memory_space<vmem_shared>>) target_semaphore(%arg29 : memref<!tpu.dma_semaphore, #tpu.memory_space<semaphore_mem>>)
    %mul3A_234 = arith.constant 65536 : i32
    %mul3A_235 = arith.muli %arg1, %mul3A_234 : i32
    %add3A_236 = arith.constant 49152 : i32
    %add3A_237 = arith.addi %mul3A_235, %add3A_236 : i32
    %dma_start3A_238 = tpu.memref_slice %arg22[%add3A_237] : memref<1048576xf32, #tpu.memory_space<vmem_shared>> -> memref<4096xf32, #tpu.memory_space<vmem_shared>>
    %dma_start3A_239 = tpu.memref_slice %arg22[%add3A_237] : memref<1048576xf32, #tpu.memory_space<vmem_shared>> -> memref<4096xf32, #tpu.memory_space<vmem_shared>>
    tpu.enqueue_dma source(%arg21 : memref<4096xf32, #tpu.memory_space<vmem>>) target(%dma_start3A_239 : memref<4096xf32, #tpu.memory_space<vmem_shared>>) target_semaphore(%arg29 : memref<!tpu.dma_semaphore, #tpu.memory_space<semaphore_mem>>)
    %mul3A_240 = arith.constant 65536 : i32
    %mul3A_241 = arith.muli %arg1, %mul3A_240 : i32
    %add3A_242 = arith.constant 53248 : i32
    %add3A_243 = arith.addi %mul3A_241, %add3A_242 : i32
    %dma_start3A_244 = tpu.memref_slice %arg22[%add3A_243] : memref<1048576xf32, #tpu.memory_space<vmem_shared>> -> memref<4096xf32, #tpu.memory_space<vmem_shared>>
    %dma_start3A_245 = tpu.memref_slice %arg22[%add3A_243] : memref<1048576xf32, #tpu.memory_space<vmem_shared>> -> memref<4096xf32, #tpu.memory_space<vmem_shared>>
    tpu.enqueue_dma source(%arg21 : memref<4096xf32, #tpu.memory_space<vmem>>) target(%dma_start3A_245 : memref<4096xf32, #tpu.memory_space<vmem_shared>>) target_semaphore(%arg29 : memref<!tpu.dma_semaphore, #tpu.memory_space<semaphore_mem>>)
    %mul3A_246 = arith.constant 65536 : i32
    %mul3A_247 = arith.muli %arg1, %mul3A_246 : i32
    %add3A_248 = arith.constant 57344 : i32
    %add3A_249 = arith.addi %mul3A_247, %add3A_248 : i32
    %dma_start3A_250 = tpu.memref_slice %arg22[%add3A_249] : memref<1048576xf32, #tpu.memory_space<vmem_shared>> -> memref<4096xf32, #tpu.memory_space<vmem_shared>>
    %dma_start3A_251 = tpu.memref_slice %arg22[%add3A_249] : memref<1048576xf32, #tpu.memory_space<vmem_shared>> -> memref<4096xf32, #tpu.memory_space<vmem_shared>>
    tpu.enqueue_dma source(%arg21 : memref<4096xf32, #tpu.memory_space<vmem>>) target(%dma_start3A_251 : memref<4096xf32, #tpu.memory_space<vmem_shared>>) target_semaphore(%arg29 : memref<!tpu.dma_semaphore, #tpu.memory_space<semaphore_mem>>)
    %mul3A_252 = arith.constant 65536 : i32
    %mul3A_253 = arith.muli %arg1, %mul3A_252 : i32
    %add3A_254 = arith.constant 61440 : i32
    %add3A_255 = arith.addi %mul3A_253, %add3A_254 : i32
    %dma_start3A_256 = tpu.memref_slice %arg22[%add3A_255] : memref<1048576xf32, #tpu.memory_space<vmem_shared>> -> memref<4096xf32, #tpu.memory_space<vmem_shared>>
    %dma_start3A_257 = tpu.memref_slice %arg22[%add3A_255] : memref<1048576xf32, #tpu.memory_space<vmem_shared>> -> memref<4096xf32, #tpu.memory_space<vmem_shared>>
    tpu.enqueue_dma source(%arg21 : memref<4096xf32, #tpu.memory_space<vmem>>) target(%dma_start3A_257 : memref<4096xf32, #tpu.memory_space<vmem_shared>>) target_semaphore(%arg29 : memref<!tpu.dma_semaphore, #tpu.memory_space<semaphore_mem>>)
    %dma_wait3A_258 = tpu.memref_slice %arg22[%add3A_165] : memref<1048576xf32, #tpu.memory_space<vmem_shared>> -> memref<4096xf32, #tpu.memory_space<vmem_shared>>
    %dma_wait3A_259 = tpu.memref_slice %arg22[%add3A_165] : memref<1048576xf32, #tpu.memory_space<vmem_shared>> -> memref<4096xf32, #tpu.memory_space<vmem_shared>>
    tpu.wait_dma2 semaphore(%arg29 : memref<!tpu.dma_semaphore, #tpu.memory_space<semaphore_mem>>) src(%arg21 : memref<4096xf32, #tpu.memory_space<vmem>>) dst(%dma_wait3A_259 : memref<4096xf32, #tpu.memory_space<vmem_shared>>)
    %dma_wait3A_260 = tpu.memref_slice %arg22[%add3A_171] : memref<1048576xf32, #tpu.memory_space<vmem_shared>> -> memref<4096xf32, #tpu.memory_space<vmem_shared>>
    %dma_wait3A_261 = tpu.memref_slice %arg22[%add3A_171] : memref<1048576xf32, #tpu.memory_space<vmem_shared>> -> memref<4096xf32, #tpu.memory_space<vmem_shared>>
    tpu.wait_dma2 semaphore(%arg29 : memref<!tpu.dma_semaphore, #tpu.memory_space<semaphore_mem>>) src(%arg21 : memref<4096xf32, #tpu.memory_space<vmem>>) dst(%dma_wait3A_261 : memref<4096xf32, #tpu.memory_space<vmem_shared>>)
    %dma_wait3A_262 = tpu.memref_slice %arg22[%add3A_177] : memref<1048576xf32, #tpu.memory_space<vmem_shared>> -> memref<4096xf32, #tpu.memory_space<vmem_shared>>
    %dma_wait3A_263 = tpu.memref_slice %arg22[%add3A_177] : memref<1048576xf32, #tpu.memory_space<vmem_shared>> -> memref<4096xf32, #tpu.memory_space<vmem_shared>>
    tpu.wait_dma2 semaphore(%arg29 : memref<!tpu.dma_semaphore, #tpu.memory_space<semaphore_mem>>) src(%arg21 : memref<4096xf32, #tpu.memory_space<vmem>>) dst(%dma_wait3A_263 : memref<4096xf32, #tpu.memory_space<vmem_shared>>)
    %dma_wait3A_264 = tpu.memref_slice %arg22[%add3A_183] : memref<1048576xf32, #tpu.memory_space<vmem_shared>> -> memref<4096xf32, #tpu.memory_space<vmem_shared>>
    %dma_wait3A_265 = tpu.memref_slice %arg22[%add3A_183] : memref<1048576xf32, #tpu.memory_space<vmem_shared>> -> memref<4096xf32, #tpu.memory_space<vmem_shared>>
    tpu.wait_dma2 semaphore(%arg29 : memref<!tpu.dma_semaphore, #tpu.memory_space<semaphore_mem>>) src(%arg21 : memref<4096xf32, #tpu.memory_space<vmem>>) dst(%dma_wait3A_265 : memref<4096xf32, #tpu.memory_space<vmem_shared>>)
    %dma_wait3A_266 = tpu.memref_slice %arg22[%add3A_189] : memref<1048576xf32, #tpu.memory_space<vmem_shared>> -> memref<4096xf32, #tpu.memory_space<vmem_shared>>
    %dma_wait3A_267 = tpu.memref_slice %arg22[%add3A_189] : memref<1048576xf32, #tpu.memory_space<vmem_shared>> -> memref<4096xf32, #tpu.memory_space<vmem_shared>>
    tpu.wait_dma2 semaphore(%arg29 : memref<!tpu.dma_semaphore, #tpu.memory_space<semaphore_mem>>) src(%arg21 : memref<4096xf32, #tpu.memory_space<vmem>>) dst(%dma_wait3A_267 : memref<4096xf32, #tpu.memory_space<vmem_shared>>)
    %dma_wait3A_268 = tpu.memref_slice %arg22[%add3A_195] : memref<1048576xf32, #tpu.memory_space<vmem_shared>> -> memref<4096xf32, #tpu.memory_space<vmem_shared>>
    %dma_wait3A_269 = tpu.memref_slice %arg22[%add3A_195] : memref<1048576xf32, #tpu.memory_space<vmem_shared>> -> memref<4096xf32, #tpu.memory_space<vmem_shared>>
    tpu.wait_dma2 semaphore(%arg29 : memref<!tpu.dma_semaphore, #tpu.memory_space<semaphore_mem>>) src(%arg21 : memref<4096xf32, #tpu.memory_space<vmem>>) dst(%dma_wait3A_269 : memref<4096xf32, #tpu.memory_space<vmem_shared>>)
    %dma_wait3A_270 = tpu.memref_slice %arg22[%add3A_201] : memref<1048576xf32, #tpu.memory_space<vmem_shared>> -> memref<4096xf32, #tpu.memory_space<vmem_shared>>
    %dma_wait3A_271 = tpu.memref_slice %arg22[%add3A_201] : memref<1048576xf32, #tpu.memory_space<vmem_shared>> -> memref<4096xf32, #tpu.memory_space<vmem_shared>>
    tpu.wait_dma2 semaphore(%arg29 : memref<!tpu.dma_semaphore, #tpu.memory_space<semaphore_mem>>) src(%arg21 : memref<4096xf32, #tpu.memory_space<vmem>>) dst(%dma_wait3A_271 : memref<4096xf32, #tpu.memory_space<vmem_shared>>)
    %dma_wait3A_272 = tpu.memref_slice %arg22[%add3A_207] : memref<1048576xf32, #tpu.memory_space<vmem_shared>> -> memref<4096xf32, #tpu.memory_space<vmem_shared>>
    %dma_wait3A_273 = tpu.memref_slice %arg22[%add3A_207] : memref<1048576xf32, #tpu.memory_space<vmem_shared>> -> memref<4096xf32, #tpu.memory_space<vmem_shared>>
    tpu.wait_dma2 semaphore(%arg29 : memref<!tpu.dma_semaphore, #tpu.memory_space<semaphore_mem>>) src(%arg21 : memref<4096xf32, #tpu.memory_space<vmem>>) dst(%dma_wait3A_273 : memref<4096xf32, #tpu.memory_space<vmem_shared>>)
    %dma_wait3A_274 = tpu.memref_slice %arg22[%add3A_213] : memref<1048576xf32, #tpu.memory_space<vmem_shared>> -> memref<4096xf32, #tpu.memory_space<vmem_shared>>
    %dma_wait3A_275 = tpu.memref_slice %arg22[%add3A_213] : memref<1048576xf32, #tpu.memory_space<vmem_shared>> -> memref<4096xf32, #tpu.memory_space<vmem_shared>>
    tpu.wait_dma2 semaphore(%arg29 : memref<!tpu.dma_semaphore, #tpu.memory_space<semaphore_mem>>) src(%arg21 : memref<4096xf32, #tpu.memory_space<vmem>>) dst(%dma_wait3A_275 : memref<4096xf32, #tpu.memory_space<vmem_shared>>)
    %dma_wait3A_276 = tpu.memref_slice %arg22[%add3A_219] : memref<1048576xf32, #tpu.memory_space<vmem_shared>> -> memref<4096xf32, #tpu.memory_space<vmem_shared>>
    %dma_wait3A_277 = tpu.memref_slice %arg22[%add3A_219] : memref<1048576xf32, #tpu.memory_space<vmem_shared>> -> memref<4096xf32, #tpu.memory_space<vmem_shared>>
    tpu.wait_dma2 semaphore(%arg29 : memref<!tpu.dma_semaphore, #tpu.memory_space<semaphore_mem>>) src(%arg21 : memref<4096xf32, #tpu.memory_space<vmem>>) dst(%dma_wait3A_277 : memref<4096xf32, #tpu.memory_space<vmem_shared>>)
    %dma_wait3A_278 = tpu.memref_slice %arg22[%add3A_225] : memref<1048576xf32, #tpu.memory_space<vmem_shared>> -> memref<4096xf32, #tpu.memory_space<vmem_shared>>
    %dma_wait3A_279 = tpu.memref_slice %arg22[%add3A_225] : memref<1048576xf32, #tpu.memory_space<vmem_shared>> -> memref<4096xf32, #tpu.memory_space<vmem_shared>>
    tpu.wait_dma2 semaphore(%arg29 : memref<!tpu.dma_semaphore, #tpu.memory_space<semaphore_mem>>) src(%arg21 : memref<4096xf32, #tpu.memory_space<vmem>>) dst(%dma_wait3A_279 : memref<4096xf32, #tpu.memory_space<vmem_shared>>)
    %dma_wait3A_280 = tpu.memref_slice %arg22[%add3A_231] : memref<1048576xf32, #tpu.memory_space<vmem_shared>> -> memref<4096xf32, #tpu.memory_space<vmem_shared>>
    %dma_wait3A_281 = tpu.memref_slice %arg22[%add3A_231] : memref<1048576xf32, #tpu.memory_space<vmem_shared>> -> memref<4096xf32, #tpu.memory_space<vmem_shared>>
    tpu.wait_dma2 semaphore(%arg29 : memref<!tpu.dma_semaphore, #tpu.memory_space<semaphore_mem>>) src(%arg21 : memref<4096xf32, #tpu.memory_space<vmem>>) dst(%dma_wait3A_281 : memref<4096xf32, #tpu.memory_space<vmem_shared>>)
    %dma_wait3A_282 = tpu.memref_slice %arg22[%add3A_237] : memref<1048576xf32, #tpu.memory_space<vmem_shared>> -> memref<4096xf32, #tpu.memory_space<vmem_shared>>
    %dma_wait3A_283 = tpu.memref_slice %arg22[%add3A_237] : memref<1048576xf32, #tpu.memory_space<vmem_shared>> -> memref<4096xf32, #tpu.memory_space<vmem_shared>>
    tpu.wait_dma2 semaphore(%arg29 : memref<!tpu.dma_semaphore, #tpu.memory_space<semaphore_mem>>) src(%arg21 : memref<4096xf32, #tpu.memory_space<vmem>>) dst(%dma_wait3A_283 : memref<4096xf32, #tpu.memory_space<vmem_shared>>)
    %dma_wait3A_284 = tpu.memref_slice %arg22[%add3A_243] : memref<1048576xf32, #tpu.memory_space<vmem_shared>> -> memref<4096xf32, #tpu.memory_space<vmem_shared>>
    %dma_wait3A_285 = tpu.memref_slice %arg22[%add3A_243] : memref<1048576xf32, #tpu.memory_space<vmem_shared>> -> memref<4096xf32, #tpu.memory_space<vmem_shared>>
    tpu.wait_dma2 semaphore(%arg29 : memref<!tpu.dma_semaphore, #tpu.memory_space<semaphore_mem>>) src(%arg21 : memref<4096xf32, #tpu.memory_space<vmem>>) dst(%dma_wait3A_285 : memref<4096xf32, #tpu.memory_space<vmem_shared>>)
    %dma_wait3A_286 = tpu.memref_slice %arg22[%add3A_249] : memref<1048576xf32, #tpu.memory_space<vmem_shared>> -> memref<4096xf32, #tpu.memory_space<vmem_shared>>
    %dma_wait3A_287 = tpu.memref_slice %arg22[%add3A_249] : memref<1048576xf32, #tpu.memory_space<vmem_shared>> -> memref<4096xf32, #tpu.memory_space<vmem_shared>>
    tpu.wait_dma2 semaphore(%arg29 : memref<!tpu.dma_semaphore, #tpu.memory_space<semaphore_mem>>) src(%arg21 : memref<4096xf32, #tpu.memory_space<vmem>>) dst(%dma_wait3A_287 : memref<4096xf32, #tpu.memory_space<vmem_shared>>)
    %dma_wait3A_288 = tpu.memref_slice %arg22[%add3A_255] : memref<1048576xf32, #tpu.memory_space<vmem_shared>> -> memref<4096xf32, #tpu.memory_space<vmem_shared>>
    %dma_wait3A_289 = tpu.memref_slice %arg22[%add3A_255] : memref<1048576xf32, #tpu.memory_space<vmem_shared>> -> memref<4096xf32, #tpu.memory_space<vmem_shared>>
    tpu.wait_dma2 semaphore(%arg29 : memref<!tpu.dma_semaphore, #tpu.memory_space<semaphore_mem>>) src(%arg21 : memref<4096xf32, #tpu.memory_space<vmem>>) dst(%dma_wait3A_289 : memref<4096xf32, #tpu.memory_space<vmem_shared>>)
    %barrier3A = arith.constant 0 : index
    tpu.barrier barrier_id(%barrier3A)
    %mul3A_290 = arith.constant 8 : i32
    %mul3A_291 = arith.muli %arg0, %mul3A_290 : i32
    %add3A_292 = arith.constant 0 : i32
    %add3A_293 = arith.addi %mul3A_291, %add3A_292 : i32
    %mul3A_294 = arith.constant 1048576 : i32
    %mul3A_295 = arith.muli %add3A_293, %mul3A_294 : i32
    %scan3A_296 = arith.constant 0 : i32
    %scan3A_297 = arith.constant 0 : i32
    %scan3A_298 = arith.constant 4 : i32
    %scan3A_299 = arith.addi %scan3A_297, %scan3A_298 : i32
    %scan3A_300 = arith.constant 1 : i32
    %scan3A_301 = scf.for %scan3A_1977 = %scan3A_297 to %scan3A_299 step %scan3A_300 iter_args(%scan3A_1978 = %scan3A_296) -> (i32)  : i32 {
      %gt3A = arith.constant 0 : i32
      %gt3A_1979 = arith.cmpi sgt, %scan3A_1977, %gt3A : i32
      %convert_element_type3A = arith.extui %gt3A_1979 : i1 to i32
      %cond3A = arith.constant 0 : i32
      %cond3A_1980 = arith.cmpi ne, %convert_element_type3A, %cond3A : i32
      scf.if %cond3A_1980 {
        %dma_wait3A_2008 = arith.constant 0 : i32
        %dma_wait3A_2009 = tpu.memref_slice %arg22[%dma_wait3A_2008] : memref<1048576xf32, #tpu.memory_space<vmem_shared>> -> memref<1048576xf32, #tpu.memory_space<vmem_shared>>
        tpu.wait_indirect_dma semaphore(%arg27 : memref<!tpu.dma_semaphore, #tpu.memory_space<semaphore_mem>>) src(%arg19 : memref<2048xf32, #tpu.memory_space<vmem>>) dst(%dma_wait3A_2009 : memref<1048576xf32, #tpu.memory_space<vmem_shared>>)
        %dma_wait3A_2010 = arith.constant 0 : i32
        %dma_wait3A_2011 = tpu.memref_slice %arg22[%dma_wait3A_2010] : memref<1048576xf32, #tpu.memory_space<vmem_shared>> -> memref<1048576xf32, #tpu.memory_space<vmem_shared>>
        tpu.wait_indirect_dma semaphore(%arg28 : memref<!tpu.dma_semaphore, #tpu.memory_space<semaphore_mem>>) src(%arg20 : memref<2048xf32, #tpu.memory_space<vmem>>) dst(%dma_wait3A_2011 : memref<1048576xf32, #tpu.memory_space<vmem_shared>>)
      } else {
      }
      %mul3A_1981 = arith.constant 4096 : i32
      %mul3A_1982 = arith.muli %scan3A_1977, %mul3A_1981 : i32
      %add3A_1983 = arith.constant 0 : i32
      %add3A_1984 = arith.addi %mul3A_1982, %add3A_1983 : i32
      %scan3A_1985 = arith.constant 0 : i32
      %scan3A_1986 = arith.constant 0 : i32
      %scan3A_1987 = arith.constant 128 : i32
      %scan3A_1988 = arith.addi %scan3A_1986, %scan3A_1987 : i32
      %scan3A_1989 = arith.constant 1 : i32
      %scan3A_1990 = scf.for %scan3A_2008 = %scan3A_1986 to %scan3A_1988 step %scan3A_1989 iter_args(%scan3A_2009 = %scan3A_1985) -> (i32)  : i32 {
        %mul3A_2010 = arith.constant 16 : i32
        %mul3A_2011 = arith.muli %scan3A_2008, %mul3A_2010 : i32
        %add3A_2012 = arith.addi %add3A_1984, %mul3A_2011 : i32
        %get3A = arith.index_cast %add3A_2012 : i32 to index
        %get3A_2013 = tpu.vector_load %arg15[%get3A] {strides = array<i32>} : memref<16400xi32, #tpu.memory_space<vmem>>, vector<16xi32>,
        %get3A_2014 = vector.shape_cast %get3A_2013 : vector<16xi32> to vector<16xi32>
        %sub3A = vector.broadcast %mul3A_295 : i32 to vector<16xi32>
        %sub3A_2015 = arith.subi %get3A_2014, %sub3A : vector<16xi32>
        %mul3A_2016 = arith.constant 16 : i32
        %mul3A_2017 = arith.muli %scan3A_2008, %mul3A_2016 : i32
        %add3A_2018 = arith.addi %add3A_1984, %mul3A_2017 : i32
        %get3A_2019 = arith.index_cast %add3A_2018 : i32 to index
        %get3A_2020 = tpu.vector_load %arg16[%get3A_2019] {strides = array<i32>} : memref<16400xf32, #tpu.memory_space<vmem>>, vector<16xf32>,
        %get3A_2021 = vector.shape_cast %get3A_2020 : vector<16xf32> to vector<16xf32>
        %bitcast3A = vector.bitcast %sub3A_2015 : vector<16xi32> to vector<16xi32>
        %lt3A = arith.constant 1048576 : i32
        %lt3A_2022 = vector.broadcast %lt3A : i32 to vector<16xi32>
        %lt3A_2023 = arith.cmpi ult, %bitcast3A, %lt3A_2022 : vector<16xi32>
        %and3A = arith.constant 1048575 : i32
        %and3A_2024 = vector.broadcast %and3A : i32 to vector<16xi32>
        %and3A_2025 = arith.andi %sub3A_2015, %and3A_2024 : vector<16xi32>
        %mul3A_2026 = arith.constant 16 : i32
        %mul3A_2027 = arith.muli %scan3A_2008, %mul3A_2026 : i32
        %swap3A = arith.index_cast %mul3A_2027 : i32 to index
        %swap3A_2028 = tpu.vector_load %arg17[%swap3A] {strides = array<i32>} : memref<2048xi32, #tpu.memory_space<vmem>>, vector<16xi32>,
        %swap3A_2029 = vector.shape_cast %swap3A_2028 : vector<16xi32> to vector<16xi32>
        %swap3A_2030 = vector.shape_cast %and3A_2025 : vector<16xi32> to vector<16xi32>
        tpu.vector_store %arg17[%swap3A], %swap3A_2030 {strides = array<i32>} : memref<2048xi32, #tpu.memory_space<vmem>>, vector<16xi32>,
        %jit3A = arith.constant 0.000000e+00 : f32
        %broadcast_in_dim3A_2031 = vector.broadcast %jit3A : f32 to vector<16xf32>
        %select_n3A = arith.select %lt3A_2023, %get3A_2021, %broadcast_in_dim3A_2031 : vector<16xi1>, vector<16xf32>
        %mul3A_2032 = arith.constant 16 : i32
        %mul3A_2033 = arith.muli %scan3A_2008, %mul3A_2032 : i32
        %swap3A_2034 = arith.index_cast %mul3A_2033 : i32 to index
        %swap3A_2035 = tpu.vector_load %arg19[%swap3A_2034] {strides = array<i32>} : memref<2048xf32, #tpu.memory_space<vmem>>, vector<16xf32>,
        %swap3A_2036 = vector.shape_cast %swap3A_2035 : vector<16xf32> to vector<16xf32>
        %swap3A_2037 = vector.shape_cast %select_n3A : vector<16xf32> to vector<16xf32>
        tpu.vector_store %arg19[%swap3A_2034], %swap3A_2037 {strides = array<i32>} : memref<2048xf32, #tpu.memory_space<vmem>>, vector<16xf32>,
        %scan3A_2038 = arith.constant 0 : i32
        scf.yield %scan3A_2038 : i32
      }
      %scan3A_1991 = arith.constant 128 : i32
      %dma_start3A_1992 = arith.constant 0 : i32
      %dma_start3A_1993 = tpu.memref_slice %arg22[%dma_start3A_1992] : memref<1048576xf32, #tpu.memory_space<vmem_shared>> -> memref<1048576xf32, #tpu.memory_space<vmem_shared>>
      tpu.enqueue_indirect_dma source(%arg19 : memref<2048xf32, #tpu.memory_space<vmem>>) target(%dma_start3A_1993 : memref<1048576xf32, #tpu.memory_space<vmem_shared>>) offsets(%arg17 : memref<2048xi32, #tpu.memory_space<vmem>>) semaphore(%arg27 : memref<!tpu.dma_semaphore, #tpu.memory_space<semaphore_mem>>) {add = true}
      %mul3A_1994 = arith.constant 4096 : i32
      %mul3A_1995 = arith.muli %scan3A_1977, %mul3A_1994 : i32
      %add3A_1996 = arith.constant 2048 : i32
      %add3A_1997 = arith.addi %mul3A_1995, %add3A_1996 : i32
      %scan3A_1998 = arith.constant 0 : i32
      %scan3A_1999 = arith.constant 0 : i32
      %scan3A_2000 = arith.constant 128 : i32
      %scan3A_2001 = arith.addi %scan3A_1999, %scan3A_2000 : i32
      %scan3A_2002 = arith.constant 1 : i32
      %scan3A_2003 = scf.for %scan3A_2008 = %scan3A_1999 to %scan3A_2001 step %scan3A_2002 iter_args(%scan3A_2009 = %scan3A_1998) -> (i32)  : i32 {
        %mul3A_2010 = arith.constant 16 : i32
        %mul3A_2011 = arith.muli %scan3A_2008, %mul3A_2010 : i32
        %add3A_2012 = arith.addi %add3A_1997, %mul3A_2011 : i32
        %get3A = arith.index_cast %add3A_2012 : i32 to index
        %get3A_2013 = tpu.vector_load %arg15[%get3A] {strides = array<i32>} : memref<16400xi32, #tpu.memory_space<vmem>>, vector<16xi32>,
        %get3A_2014 = vector.shape_cast %get3A_2013 : vector<16xi32> to vector<16xi32>
        %sub3A = vector.broadcast %mul3A_295 : i32 to vector<16xi32>
        %sub3A_2015 = arith.subi %get3A_2014, %sub3A : vector<16xi32>
        %mul3A_2016 = arith.constant 16 : i32
        %mul3A_2017 = arith.muli %scan3A_2008, %mul3A_2016 : i32
        %add3A_2018 = arith.addi %add3A_1997, %mul3A_2017 : i32
        %get3A_2019 = arith.index_cast %add3A_2018 : i32 to index
        %get3A_2020 = tpu.vector_load %arg16[%get3A_2019] {strides = array<i32>} : memref<16400xf32, #tpu.memory_space<vmem>>, vector<16xf32>,
        %get3A_2021 = vector.shape_cast %get3A_2020 : vector<16xf32> to vector<16xf32>
        %bitcast3A = vector.bitcast %sub3A_2015 : vector<16xi32> to vector<16xi32>
        %lt3A = arith.constant 1048576 : i32
        %lt3A_2022 = vector.broadcast %lt3A : i32 to vector<16xi32>
        %lt3A_2023 = arith.cmpi ult, %bitcast3A, %lt3A_2022 : vector<16xi32>
        %and3A = arith.constant 1048575 : i32
        %and3A_2024 = vector.broadcast %and3A : i32 to vector<16xi32>
        %and3A_2025 = arith.andi %sub3A_2015, %and3A_2024 : vector<16xi32>
        %mul3A_2026 = arith.constant 16 : i32
        %mul3A_2027 = arith.muli %scan3A_2008, %mul3A_2026 : i32
        %swap3A = arith.index_cast %mul3A_2027 : i32 to index
        %swap3A_2028 = tpu.vector_load %arg18[%swap3A] {strides = array<i32>} : memref<2048xi32, #tpu.memory_space<vmem>>, vector<16xi32>,
        %swap3A_2029 = vector.shape_cast %swap3A_2028 : vector<16xi32> to vector<16xi32>
        %swap3A_2030 = vector.shape_cast %and3A_2025 : vector<16xi32> to vector<16xi32>
        tpu.vector_store %arg18[%swap3A], %swap3A_2030 {strides = array<i32>} : memref<2048xi32, #tpu.memory_space<vmem>>, vector<16xi32>,
        %jit3A = arith.constant 0.000000e+00 : f32
        %broadcast_in_dim3A_2031 = vector.broadcast %jit3A : f32 to vector<16xf32>
        %select_n3A = arith.select %lt3A_2023, %get3A_2021, %broadcast_in_dim3A_2031 : vector<16xi1>, vector<16xf32>
        %mul3A_2032 = arith.constant 16 : i32
        %mul3A_2033 = arith.muli %scan3A_2008, %mul3A_2032 : i32
        %swap3A_2034 = arith.index_cast %mul3A_2033 : i32 to index
        %swap3A_2035 = tpu.vector_load %arg20[%swap3A_2034] {strides = array<i32>} : memref<2048xf32, #tpu.memory_space<vmem>>, vector<16xf32>,
        %swap3A_2036 = vector.shape_cast %swap3A_2035 : vector<16xf32> to vector<16xf32>
        %swap3A_2037 = vector.shape_cast %select_n3A : vector<16xf32> to vector<16xf32>
        tpu.vector_store %arg20[%swap3A_2034], %swap3A_2037 {strides = array<i32>} : memref<2048xf32, #tpu.memory_space<vmem>>, vector<16xf32>,
        %scan3A_2038 = arith.constant 0 : i32
        scf.yield %scan3A_2038 : i32
      }
      %scan3A_2004 = arith.constant 128 : i32
      %dma_start3A_2005 = arith.constant 0 : i32
      %dma_start3A_2006 = tpu.memref_slice %arg22[%dma_start3A_2005] : memref<1048576xf32, #tpu.memory_space<vmem_shared>> -> memref<1048576xf32, #tpu.memory_space<vmem_shared>>
      tpu.enqueue_indirect_dma source(%arg20 : memref<2048xf32, #tpu.memory_space<vmem>>) target(%dma_start3A_2006 : memref<1048576xf32, #tpu.memory_space<vmem_shared>>) offsets(%arg18 : memref<2048xi32, #tpu.memory_space<vmem>>) semaphore(%arg28 : memref<!tpu.dma_semaphore, #tpu.memory_space<semaphore_mem>>) {add = true}
      %scan3A_2007 = arith.constant 0 : i32
      scf.yield %scan3A_2007 : i32
    }
    %scan3A_302 = arith.constant 4 : i32
    %dma_wait3A_303 = arith.constant 0 : i32
    %dma_wait3A_304 = tpu.memref_slice %arg22[%dma_wait3A_303] : memref<1048576xf32, #tpu.memory_space<vmem_shared>> -> memref<1048576xf32, #tpu.memory_space<vmem_shared>>
    tpu.wait_indirect_dma semaphore(%arg27 : memref<!tpu.dma_semaphore, #tpu.memory_space<semaphore_mem>>) src(%arg19 : memref<2048xf32, #tpu.memory_space<vmem>>) dst(%dma_wait3A_304 : memref<1048576xf32, #tpu.memory_space<vmem_shared>>)
    %dma_wait3A_305 = arith.constant 0 : i32
    %dma_wait3A_306 = tpu.memref_slice %arg22[%dma_wait3A_305] : memref<1048576xf32, #tpu.memory_space<vmem_shared>> -> memref<1048576xf32, #tpu.memory_space<vmem_shared>>
    tpu.wait_indirect_dma semaphore(%arg28 : memref<!tpu.dma_semaphore, #tpu.memory_space<semaphore_mem>>) src(%arg20 : memref<2048xf32, #tpu.memory_space<vmem>>) dst(%dma_wait3A_306 : memref<1048576xf32, #tpu.memory_space<vmem_shared>>)
    %barrier3A_307 = arith.constant 0 : index
    tpu.barrier barrier_id(%barrier3A_307)
    %mul3A_308 = arith.constant 65536 : i32
    %mul3A_309 = arith.muli %arg1, %mul3A_308 : i32
    %add3A_310 = arith.constant 0 : i32
    %add3A_311 = arith.addi %mul3A_309, %add3A_310 : i32
    %mul3A_312 = arith.constant 65536 : i32
    %mul3A_313 = arith.muli %arg1, %mul3A_312 : i32
    %add3A_314 = arith.addi %mul3A_295, %mul3A_313 : i32
    %add3A_315 = arith.constant 0 : i32
    %add3A_316 = arith.addi %add3A_314, %add3A_315 : i32
    %dma_start3A_317 = tpu.memref_slice %arg6[%add3A_316] : memref<16777216xf32, #tpu.memory_space<hbm>> -> memref<16384xf32, #tpu.memory_space<hbm>>
    %dma_start3A_318 = tpu.memref_slice %arg22[%add3A_311] : memref<1048576xf32, #tpu.memory_space<vmem_shared>> -> memref<16384xf32, #tpu.memory_space<vmem_shared>>
    tpu.enqueue_dma source(%dma_start3A_318 : memref<16384xf32, #tpu.memory_space<vmem_shared>>) target(%dma_start3A_317 : memref<16384xf32, #tpu.memory_space<hbm>>) target_semaphore(%arg30 : memref<!tpu.dma_semaphore, #tpu.memory_space<semaphore_mem>>)
    %mul3A_319 = arith.constant 65536 : i32
    %mul3A_320 = arith.muli %arg1, %mul3A_319 : i32
    %add3A_321 = arith.constant 16384 : i32
    %add3A_322 = arith.addi %mul3A_320, %add3A_321 : i32
    %mul3A_323 = arith.constant 65536 : i32
    %mul3A_324 = arith.muli %arg1, %mul3A_323 : i32
    %add3A_325 = arith.addi %mul3A_295, %mul3A_324 : i32
    %add3A_326 = arith.constant 16384 : i32
    %add3A_327 = arith.addi %add3A_325, %add3A_326 : i32
    %dma_start3A_328 = tpu.memref_slice %arg6[%add3A_327] : memref<16777216xf32, #tpu.memory_space<hbm>> -> memref<16384xf32, #tpu.memory_space<hbm>>
    %dma_start3A_329 = tpu.memref_slice %arg22[%add3A_322] : memref<1048576xf32, #tpu.memory_space<vmem_shared>> -> memref<16384xf32, #tpu.memory_space<vmem_shared>>
    tpu.enqueue_dma source(%dma_start3A_329 : memref<16384xf32, #tpu.memory_space<vmem_shared>>) target(%dma_start3A_328 : memref<16384xf32, #tpu.memory_space<hbm>>) target_semaphore(%arg31 : memref<!tpu.dma_semaphore, #tpu.memory_space<semaphore_mem>>)
    %mul3A_330 = arith.constant 65536 : i32
    %mul3A_331 = arith.muli %arg1, %mul3A_330 : i32
    %add3A_332 = arith.constant 32768 : i32
    %add3A_333 = arith.addi %mul3A_331, %add3A_332 : i32
    %mul3A_334 = arith.constant 65536 : i32
    %mul3A_335 = arith.muli %arg1, %mul3A_334 : i32
    %add3A_336 = arith.addi %mul3A_295, %mul3A_335 : i32
    %add3A_337 = arith.constant 32768 : i32
    %add3A_338 = arith.addi %add3A_336, %add3A_337 : i32
    %dma_start3A_339 = tpu.memref_slice %arg6[%add3A_338] : memref<16777216xf32, #tpu.memory_space<hbm>> -> memref<16384xf32, #tpu.memory_space<hbm>>
    %dma_start3A_340 = tpu.memref_slice %arg22[%add3A_333] : memref<1048576xf32, #tpu.memory_space<vmem_shared>> -> memref<16384xf32, #tpu.memory_space<vmem_shared>>
    tpu.enqueue_dma source(%dma_start3A_340 : memref<16384xf32, #tpu.memory_space<vmem_shared>>) target(%dma_start3A_339 : memref<16384xf32, #tpu.memory_space<hbm>>) target_semaphore(%arg32 : memref<!tpu.dma_semaphore, #tpu.memory_space<semaphore_mem>>)
    %mul3A_341 = arith.constant 65536 : i32
    %mul3A_342 = arith.muli %arg1, %mul3A_341 : i32
    %add3A_343 = arith.constant 49152 : i32
    %add3A_344 = arith.addi %mul3A_342, %add3A_343 : i32
    %mul3A_345 = arith.constant 65536 : i32
    %mul3A_346 = arith.muli %arg1, %mul3A_345 : i32
    %add3A_347 = arith.addi %mul3A_295, %mul3A_346 : i32
    %add3A_348 = arith.constant 49152 : i32
    %add3A_349 = arith.addi %add3A_347, %add3A_348 : i32
    %dma_start3A_350 = tpu.memref_slice %arg6[%add3A_349] : memref<16777216xf32, #tpu.memory_space<hbm>> -> memref<16384xf32, #tpu.memory_space<hbm>>
    %dma_start3A_351 = tpu.memref_slice %arg22[%add3A_344] : memref<1048576xf32, #tpu.memory_space<vmem_shared>> -> memref<16384xf32, #tpu.memory_space<vmem_shared>>
    tpu.enqueue_dma source(%dma_start3A_351 : memref<16384xf32, #tpu.memory_space<vmem_shared>>) target(%dma_start3A_350 : memref<16384xf32, #tpu.memory_space<hbm>>) target_semaphore(%arg33 : memref<!tpu.dma_semaphore, #tpu.memory_space<semaphore_mem>>)
    %dma_wait3A_352 = tpu.memref_slice %arg6[%add3A_316] : memref<16777216xf32, #tpu.memory_space<hbm>> -> memref<16384xf32, #tpu.memory_space<hbm>>
    %dma_wait3A_353 = tpu.memref_slice %arg22[%add3A_311] : memref<1048576xf32, #tpu.memory_space<vmem_shared>> -> memref<16384xf32, #tpu.memory_space<vmem_shared>>
    tpu.wait_dma2 semaphore(%arg30 : memref<!tpu.dma_semaphore, #tpu.memory_space<semaphore_mem>>) src(%dma_wait3A_353 : memref<16384xf32, #tpu.memory_space<vmem_shared>>) dst(%dma_wait3A_352 : memref<16384xf32, #tpu.memory_space<hbm>>)
    %mul3A_354 = arith.constant 65536 : i32
    %mul3A_355 = arith.muli %arg1, %mul3A_354 : i32
    %add3A_356 = arith.constant 0 : i32
    %add3A_357 = arith.addi %mul3A_355, %add3A_356 : i32
    %add3A_358 = arith.constant 0 : i32
    %add3A_359 = arith.addi %add3A_357, %add3A_358 : i32
    %dma_start3A_360 = tpu.memref_slice %arg22[%add3A_359] : memref<1048576xf32, #tpu.memory_space<vmem_shared>> -> memref<4096xf32, #tpu.memory_space<vmem_shared>>
    %dma_start3A_361 = tpu.memref_slice %arg22[%add3A_359] : memref<1048576xf32, #tpu.memory_space<vmem_shared>> -> memref<4096xf32, #tpu.memory_space<vmem_shared>>
    tpu.enqueue_dma source(%arg21 : memref<4096xf32, #tpu.memory_space<vmem>>) target(%dma_start3A_361 : memref<4096xf32, #tpu.memory_space<vmem_shared>>) target_semaphore(%arg29 : memref<!tpu.dma_semaphore, #tpu.memory_space<semaphore_mem>>)
    %mul3A_362 = arith.constant 65536 : i32
    %mul3A_363 = arith.muli %arg1, %mul3A_362 : i32
    %add3A_364 = arith.constant 0 : i32
    %add3A_365 = arith.addi %mul3A_363, %add3A_364 : i32
    %add3A_366 = arith.constant 4096 : i32
    %add3A_367 = arith.addi %add3A_365, %add3A_366 : i32
    %dma_start3A_368 = tpu.memref_slice %arg22[%add3A_367] : memref<1048576xf32, #tpu.memory_space<vmem_shared>> -> memref<4096xf32, #tpu.memory_space<vmem_shared>>
    %dma_start3A_369 = tpu.memref_slice %arg22[%add3A_367] : memref<1048576xf32, #tpu.memory_space<vmem_shared>> -> memref<4096xf32, #tpu.memory_space<vmem_shared>>
    tpu.enqueue_dma source(%arg21 : memref<4096xf32, #tpu.memory_space<vmem>>) target(%dma_start3A_369 : memref<4096xf32, #tpu.memory_space<vmem_shared>>) target_semaphore(%arg29 : memref<!tpu.dma_semaphore, #tpu.memory_space<semaphore_mem>>)
    %mul3A_370 = arith.constant 65536 : i32
    %mul3A_371 = arith.muli %arg1, %mul3A_370 : i32
    %add3A_372 = arith.constant 0 : i32
    %add3A_373 = arith.addi %mul3A_371, %add3A_372 : i32
    %add3A_374 = arith.constant 8192 : i32
    %add3A_375 = arith.addi %add3A_373, %add3A_374 : i32
    %dma_start3A_376 = tpu.memref_slice %arg22[%add3A_375] : memref<1048576xf32, #tpu.memory_space<vmem_shared>> -> memref<4096xf32, #tpu.memory_space<vmem_shared>>
    %dma_start3A_377 = tpu.memref_slice %arg22[%add3A_375] : memref<1048576xf32, #tpu.memory_space<vmem_shared>> -> memref<4096xf32, #tpu.memory_space<vmem_shared>>
    tpu.enqueue_dma source(%arg21 : memref<4096xf32, #tpu.memory_space<vmem>>) target(%dma_start3A_377 : memref<4096xf32, #tpu.memory_space<vmem_shared>>) target_semaphore(%arg29 : memref<!tpu.dma_semaphore, #tpu.memory_space<semaphore_mem>>)
    %mul3A_378 = arith.constant 65536 : i32
    %mul3A_379 = arith.muli %arg1, %mul3A_378 : i32
    %add3A_380 = arith.constant 0 : i32
    %add3A_381 = arith.addi %mul3A_379, %add3A_380 : i32
    %add3A_382 = arith.constant 12288 : i32
    %add3A_383 = arith.addi %add3A_381, %add3A_382 : i32
    %dma_start3A_384 = tpu.memref_slice %arg22[%add3A_383] : memref<1048576xf32, #tpu.memory_space<vmem_shared>> -> memref<4096xf32, #tpu.memory_space<vmem_shared>>
    %dma_start3A_385 = tpu.memref_slice %arg22[%add3A_383] : memref<1048576xf32, #tpu.memory_space<vmem_shared>> -> memref<4096xf32, #tpu.memory_space<vmem_shared>>
    tpu.enqueue_dma source(%arg21 : memref<4096xf32, #tpu.memory_space<vmem>>) target(%dma_start3A_385 : memref<4096xf32, #tpu.memory_space<vmem_shared>>) target_semaphore(%arg29 : memref<!tpu.dma_semaphore, #tpu.memory_space<semaphore_mem>>)
    %dma_wait3A_386 = tpu.memref_slice %arg6[%add3A_327] : memref<16777216xf32, #tpu.memory_space<hbm>> -> memref<16384xf32, #tpu.memory_space<hbm>>
    %dma_wait3A_387 = tpu.memref_slice %arg22[%add3A_322] : memref<1048576xf32, #tpu.memory_space<vmem_shared>> -> memref<16384xf32, #tpu.memory_space<vmem_shared>>
    tpu.wait_dma2 semaphore(%arg31 : memref<!tpu.dma_semaphore, #tpu.memory_space<semaphore_mem>>) src(%dma_wait3A_387 : memref<16384xf32, #tpu.memory_space<vmem_shared>>) dst(%dma_wait3A_386 : memref<16384xf32, #tpu.memory_space<hbm>>)
    %mul3A_388 = arith.constant 65536 : i32
    %mul3A_389 = arith.muli %arg1, %mul3A_388 : i32
    %add3A_390 = arith.constant 16384 : i32
    %add3A_391 = arith.addi %mul3A_389, %add3A_390 : i32
    %add3A_392 = arith.constant 0 : i32
    %add3A_393 = arith.addi %add3A_391, %add3A_392 : i32
    %dma_start3A_394 = tpu.memref_slice %arg22[%add3A_393] : memref<1048576xf32, #tpu.memory_space<vmem_shared>> -> memref<4096xf32, #tpu.memory_space<vmem_shared>>
    %dma_start3A_395 = tpu.memref_slice %arg22[%add3A_393] : memref<1048576xf32, #tpu.memory_space<vmem_shared>> -> memref<4096xf32, #tpu.memory_space<vmem_shared>>
    tpu.enqueue_dma source(%arg21 : memref<4096xf32, #tpu.memory_space<vmem>>) target(%dma_start3A_395 : memref<4096xf32, #tpu.memory_space<vmem_shared>>) target_semaphore(%arg29 : memref<!tpu.dma_semaphore, #tpu.memory_space<semaphore_mem>>)
    %mul3A_396 = arith.constant 65536 : i32
    %mul3A_397 = arith.muli %arg1, %mul3A_396 : i32
    %add3A_398 = arith.constant 16384 : i32
    %add3A_399 = arith.addi %mul3A_397, %add3A_398 : i32
    %add3A_400 = arith.constant 4096 : i32
    %add3A_401 = arith.addi %add3A_399, %add3A_400 : i32
    %dma_start3A_402 = tpu.memref_slice %arg22[%add3A_401] : memref<1048576xf32, #tpu.memory_space<vmem_shared>> -> memref<4096xf32, #tpu.memory_space<vmem_shared>>
    %dma_start3A_403 = tpu.memref_slice %arg22[%add3A_401] : memref<1048576xf32, #tpu.memory_space<vmem_shared>> -> memref<4096xf32, #tpu.memory_space<vmem_shared>>
    tpu.enqueue_dma source(%arg21 : memref<4096xf32, #tpu.memory_space<vmem>>) target(%dma_start3A_403 : memref<4096xf32, #tpu.memory_space<vmem_shared>>) target_semaphore(%arg29 : memref<!tpu.dma_semaphore, #tpu.memory_space<semaphore_mem>>)
    %mul3A_404 = arith.constant 65536 : i32
    %mul3A_405 = arith.muli %arg1, %mul3A_404 : i32
    %add3A_406 = arith.constant 16384 : i32
    %add3A_407 = arith.addi %mul3A_405, %add3A_406 : i32
    %add3A_408 = arith.constant 8192 : i32
    %add3A_409 = arith.addi %add3A_407, %add3A_408 : i32
    %dma_start3A_410 = tpu.memref_slice %arg22[%add3A_409] : memref<1048576xf32, #tpu.memory_space<vmem_shared>> -> memref<4096xf32, #tpu.memory_space<vmem_shared>>
    %dma_start3A_411 = tpu.memref_slice %arg22[%add3A_409] : memref<1048576xf32, #tpu.memory_space<vmem_shared>> -> memref<4096xf32, #tpu.memory_space<vmem_shared>>
    tpu.enqueue_dma source(%arg21 : memref<4096xf32, #tpu.memory_space<vmem>>) target(%dma_start3A_411 : memref<4096xf32, #tpu.memory_space<vmem_shared>>) target_semaphore(%arg29 : memref<!tpu.dma_semaphore, #tpu.memory_space<semaphore_mem>>)
    %mul3A_412 = arith.constant 65536 : i32
    %mul3A_413 = arith.muli %arg1, %mul3A_412 : i32
    %add3A_414 = arith.constant 16384 : i32
    %add3A_415 = arith.addi %mul3A_413, %add3A_414 : i32
    %add3A_416 = arith.constant 12288 : i32
    %add3A_417 = arith.addi %add3A_415, %add3A_416 : i32
    %dma_start3A_418 = tpu.memref_slice %arg22[%add3A_417] : memref<1048576xf32, #tpu.memory_space<vmem_shared>> -> memref<4096xf32, #tpu.memory_space<vmem_shared>>
    %dma_start3A_419 = tpu.memref_slice %arg22[%add3A_417] : memref<1048576xf32, #tpu.memory_space<vmem_shared>> -> memref<4096xf32, #tpu.memory_space<vmem_shared>>
    tpu.enqueue_dma source(%arg21 : memref<4096xf32, #tpu.memory_space<vmem>>) target(%dma_start3A_419 : memref<4096xf32, #tpu.memory_space<vmem_shared>>) target_semaphore(%arg29 : memref<!tpu.dma_semaphore, #tpu.memory_space<semaphore_mem>>)
    %dma_wait3A_420 = tpu.memref_slice %arg6[%add3A_338] : memref<16777216xf32, #tpu.memory_space<hbm>> -> memref<16384xf32, #tpu.memory_space<hbm>>
    %dma_wait3A_421 = tpu.memref_slice %arg22[%add3A_333] : memref<1048576xf32, #tpu.memory_space<vmem_shared>> -> memref<16384xf32, #tpu.memory_space<vmem_shared>>
    tpu.wait_dma2 semaphore(%arg32 : memref<!tpu.dma_semaphore, #tpu.memory_space<semaphore_mem>>) src(%dma_wait3A_421 : memref<16384xf32, #tpu.memory_space<vmem_shared>>) dst(%dma_wait3A_420 : memref<16384xf32, #tpu.memory_space<hbm>>)
    %mul3A_422 = arith.constant 65536 : i32
    %mul3A_423 = arith.muli %arg1, %mul3A_422 : i32
    %add3A_424 = arith.constant 32768 : i32
    %add3A_425 = arith.addi %mul3A_423, %add3A_424 : i32
    %add3A_426 = arith.constant 0 : i32
    %add3A_427 = arith.addi %add3A_425, %add3A_426 : i32
    %dma_start3A_428 = tpu.memref_slice %arg22[%add3A_427] : memref<1048576xf32, #tpu.memory_space<vmem_shared>> -> memref<4096xf32, #tpu.memory_space<vmem_shared>>
    %dma_start3A_429 = tpu.memref_slice %arg22[%add3A_427] : memref<1048576xf32, #tpu.memory_space<vmem_shared>> -> memref<4096xf32, #tpu.memory_space<vmem_shared>>
    tpu.enqueue_dma source(%arg21 : memref<4096xf32, #tpu.memory_space<vmem>>) target(%dma_start3A_429 : memref<4096xf32, #tpu.memory_space<vmem_shared>>) target_semaphore(%arg29 : memref<!tpu.dma_semaphore, #tpu.memory_space<semaphore_mem>>)
    %mul3A_430 = arith.constant 65536 : i32
    %mul3A_431 = arith.muli %arg1, %mul3A_430 : i32
    %add3A_432 = arith.constant 32768 : i32
    %add3A_433 = arith.addi %mul3A_431, %add3A_432 : i32
    %add3A_434 = arith.constant 4096 : i32
    %add3A_435 = arith.addi %add3A_433, %add3A_434 : i32
    %dma_start3A_436 = tpu.memref_slice %arg22[%add3A_435] : memref<1048576xf32, #tpu.memory_space<vmem_shared>> -> memref<4096xf32, #tpu.memory_space<vmem_shared>>
    %dma_start3A_437 = tpu.memref_slice %arg22[%add3A_435] : memref<1048576xf32, #tpu.memory_space<vmem_shared>> -> memref<4096xf32, #tpu.memory_space<vmem_shared>>
    tpu.enqueue_dma source(%arg21 : memref<4096xf32, #tpu.memory_space<vmem>>) target(%dma_start3A_437 : memref<4096xf32, #tpu.memory_space<vmem_shared>>) target_semaphore(%arg29 : memref<!tpu.dma_semaphore, #tpu.memory_space<semaphore_mem>>)
    %mul3A_438 = arith.constant 65536 : i32
    %mul3A_439 = arith.muli %arg1, %mul3A_438 : i32
    %add3A_440 = arith.constant 32768 : i32
    %add3A_441 = arith.addi %mul3A_439, %add3A_440 : i32
    %add3A_442 = arith.constant 8192 : i32
    %add3A_443 = arith.addi %add3A_441, %add3A_442 : i32
    %dma_start3A_444 = tpu.memref_slice %arg22[%add3A_443] : memref<1048576xf32, #tpu.memory_space<vmem_shared>> -> memref<4096xf32, #tpu.memory_space<vmem_shared>>
    %dma_start3A_445 = tpu.memref_slice %arg22[%add3A_443] : memref<1048576xf32, #tpu.memory_space<vmem_shared>> -> memref<4096xf32, #tpu.memory_space<vmem_shared>>
    tpu.enqueue_dma source(%arg21 : memref<4096xf32, #tpu.memory_space<vmem>>) target(%dma_start3A_445 : memref<4096xf32, #tpu.memory_space<vmem_shared>>) target_semaphore(%arg29 : memref<!tpu.dma_semaphore, #tpu.memory_space<semaphore_mem>>)
    %mul3A_446 = arith.constant 65536 : i32
    %mul3A_447 = arith.muli %arg1, %mul3A_446 : i32
    %add3A_448 = arith.constant 32768 : i32
    %add3A_449 = arith.addi %mul3A_447, %add3A_448 : i32
    %add3A_450 = arith.constant 12288 : i32
    %add3A_451 = arith.addi %add3A_449, %add3A_450 : i32
    %dma_start3A_452 = tpu.memref_slice %arg22[%add3A_451] : memref<1048576xf32, #tpu.memory_space<vmem_shared>> -> memref<4096xf32, #tpu.memory_space<vmem_shared>>
    %dma_start3A_453 = tpu.memref_slice %arg22[%add3A_451] : memref<1048576xf32, #tpu.memory_space<vmem_shared>> -> memref<4096xf32, #tpu.memory_space<vmem_shared>>
    tpu.enqueue_dma source(%arg21 : memref<4096xf32, #tpu.memory_space<vmem>>) target(%dma_start3A_453 : memref<4096xf32, #tpu.memory_space<vmem_shared>>) target_semaphore(%arg29 : memref<!tpu.dma_semaphore, #tpu.memory_space<semaphore_mem>>)
    %dma_wait3A_454 = tpu.memref_slice %arg6[%add3A_349] : memref<16777216xf32, #tpu.memory_space<hbm>> -> memref<16384xf32, #tpu.memory_space<hbm>>
    %dma_wait3A_455 = tpu.memref_slice %arg22[%add3A_344] : memref<1048576xf32, #tpu.memory_space<vmem_shared>> -> memref<16384xf32, #tpu.memory_space<vmem_shared>>
    tpu.wait_dma2 semaphore(%arg33 : memref<!tpu.dma_semaphore, #tpu.memory_space<semaphore_mem>>) src(%dma_wait3A_455 : memref<16384xf32, #tpu.memory_space<vmem_shared>>) dst(%dma_wait3A_454 : memref<16384xf32, #tpu.memory_space<hbm>>)
    %mul3A_456 = arith.constant 65536 : i32
    %mul3A_457 = arith.muli %arg1, %mul3A_456 : i32
    %add3A_458 = arith.constant 49152 : i32
    %add3A_459 = arith.addi %mul3A_457, %add3A_458 : i32
    %add3A_460 = arith.constant 0 : i32
    %add3A_461 = arith.addi %add3A_459, %add3A_460 : i32
    %dma_start3A_462 = tpu.memref_slice %arg22[%add3A_461] : memref<1048576xf32, #tpu.memory_space<vmem_shared>> -> memref<4096xf32, #tpu.memory_space<vmem_shared>>
    %dma_start3A_463 = tpu.memref_slice %arg22[%add3A_461] : memref<1048576xf32, #tpu.memory_space<vmem_shared>> -> memref<4096xf32, #tpu.memory_space<vmem_shared>>
    tpu.enqueue_dma source(%arg21 : memref<4096xf32, #tpu.memory_space<vmem>>) target(%dma_start3A_463 : memref<4096xf32, #tpu.memory_space<vmem_shared>>) target_semaphore(%arg29 : memref<!tpu.dma_semaphore, #tpu.memory_space<semaphore_mem>>)
    %mul3A_464 = arith.constant 65536 : i32
    %mul3A_465 = arith.muli %arg1, %mul3A_464 : i32
    %add3A_466 = arith.constant 49152 : i32
    %add3A_467 = arith.addi %mul3A_465, %add3A_466 : i32
    %add3A_468 = arith.constant 4096 : i32
    %add3A_469 = arith.addi %add3A_467, %add3A_468 : i32
    %dma_start3A_470 = tpu.memref_slice %arg22[%add3A_469] : memref<1048576xf32, #tpu.memory_space<vmem_shared>> -> memref<4096xf32, #tpu.memory_space<vmem_shared>>
    %dma_start3A_471 = tpu.memref_slice %arg22[%add3A_469] : memref<1048576xf32, #tpu.memory_space<vmem_shared>> -> memref<4096xf32, #tpu.memory_space<vmem_shared>>
    tpu.enqueue_dma source(%arg21 : memref<4096xf32, #tpu.memory_space<vmem>>) target(%dma_start3A_471 : memref<4096xf32, #tpu.memory_space<vmem_shared>>) target_semaphore(%arg29 : memref<!tpu.dma_semaphore, #tpu.memory_space<semaphore_mem>>)
    %mul3A_472 = arith.constant 65536 : i32
    %mul3A_473 = arith.muli %arg1, %mul3A_472 : i32
    %add3A_474 = arith.constant 49152 : i32
    %add3A_475 = arith.addi %mul3A_473, %add3A_474 : i32
    %add3A_476 = arith.constant 8192 : i32
    %add3A_477 = arith.addi %add3A_475, %add3A_476 : i32
    %dma_start3A_478 = tpu.memref_slice %arg22[%add3A_477] : memref<1048576xf32, #tpu.memory_space<vmem_shared>> -> memref<4096xf32, #tpu.memory_space<vmem_shared>>
    %dma_start3A_479 = tpu.memref_slice %arg22[%add3A_477] : memref<1048576xf32, #tpu.memory_space<vmem_shared>> -> memref<4096xf32, #tpu.memory_space<vmem_shared>>
    tpu.enqueue_dma source(%arg21 : memref<4096xf32, #tpu.memory_space<vmem>>) target(%dma_start3A_479 : memref<4096xf32, #tpu.memory_space<vmem_shared>>) target_semaphore(%arg29 : memref<!tpu.dma_semaphore, #tpu.memory_space<semaphore_mem>>)
    %mul3A_480 = arith.constant 65536 : i32
    %mul3A_481 = arith.muli %arg1, %mul3A_480 : i32
    %add3A_482 = arith.constant 49152 : i32
    %add3A_483 = arith.addi %mul3A_481, %add3A_482 : i32
    %add3A_484 = arith.constant 12288 : i32
    %add3A_485 = arith.addi %add3A_483, %add3A_484 : i32
    %dma_start3A_486 = tpu.memref_slice %arg22[%add3A_485] : memref<1048576xf32, #tpu.memory_space<vmem_shared>> -> memref<4096xf32, #tpu.memory_space<vmem_shared>>
    %dma_start3A_487 = tpu.memref_slice %arg22[%add3A_485] : memref<1048576xf32, #tpu.memory_space<vmem_shared>> -> memref<4096xf32, #tpu.memory_space<vmem_shared>>
    tpu.enqueue_dma source(%arg21 : memref<4096xf32, #tpu.memory_space<vmem>>) target(%dma_start3A_487 : memref<4096xf32, #tpu.memory_space<vmem_shared>>) target_semaphore(%arg29 : memref<!tpu.dma_semaphore, #tpu.memory_space<semaphore_mem>>)
    %dma_wait3A_488 = tpu.memref_slice %arg22[%add3A_359] : memref<1048576xf32, #tpu.memory_space<vmem_shared>> -> memref<4096xf32, #tpu.memory_space<vmem_shared>>
    %dma_wait3A_489 = tpu.memref_slice %arg22[%add3A_359] : memref<1048576xf32, #tpu.memory_space<vmem_shared>> -> memref<4096xf32, #tpu.memory_space<vmem_shared>>
    tpu.wait_dma2 semaphore(%arg29 : memref<!tpu.dma_semaphore, #tpu.memory_space<semaphore_mem>>) src(%arg21 : memref<4096xf32, #tpu.memory_space<vmem>>) dst(%dma_wait3A_489 : memref<4096xf32, #tpu.memory_space<vmem_shared>>)
    %dma_wait3A_490 = tpu.memref_slice %arg22[%add3A_367] : memref<1048576xf32, #tpu.memory_space<vmem_shared>> -> memref<4096xf32, #tpu.memory_space<vmem_shared>>
    %dma_wait3A_491 = tpu.memref_slice %arg22[%add3A_367] : memref<1048576xf32, #tpu.memory_space<vmem_shared>> -> memref<4096xf32, #tpu.memory_space<vmem_shared>>
    tpu.wait_dma2 semaphore(%arg29 : memref<!tpu.dma_semaphore, #tpu.memory_space<semaphore_mem>>) src(%arg21 : memref<4096xf32, #tpu.memory_space<vmem>>) dst(%dma_wait3A_491 : memref<4096xf32, #tpu.memory_space<vmem_shared>>)
    %dma_wait3A_492 = tpu.memref_slice %arg22[%add3A_375] : memref<1048576xf32, #tpu.memory_space<vmem_shared>> -> memref<4096xf32, #tpu.memory_space<vmem_shared>>
    %dma_wait3A_493 = tpu.memref_slice %arg22[%add3A_375] : memref<1048576xf32, #tpu.memory_space<vmem_shared>> -> memref<4096xf32, #tpu.memory_space<vmem_shared>>
    tpu.wait_dma2 semaphore(%arg29 : memref<!tpu.dma_semaphore, #tpu.memory_space<semaphore_mem>>) src(%arg21 : memref<4096xf32, #tpu.memory_space<vmem>>) dst(%dma_wait3A_493 : memref<4096xf32, #tpu.memory_space<vmem_shared>>)
    %dma_wait3A_494 = tpu.memref_slice %arg22[%add3A_383] : memref<1048576xf32, #tpu.memory_space<vmem_shared>> -> memref<4096xf32, #tpu.memory_space<vmem_shared>>
    %dma_wait3A_495 = tpu.memref_slice %arg22[%add3A_383] : memref<1048576xf32, #tpu.memory_space<vmem_shared>> -> memref<4096xf32, #tpu.memory_space<vmem_shared>>
    tpu.wait_dma2 semaphore(%arg29 : memref<!tpu.dma_semaphore, #tpu.memory_space<semaphore_mem>>) src(%arg21 : memref<4096xf32, #tpu.memory_space<vmem>>) dst(%dma_wait3A_495 : memref<4096xf32, #tpu.memory_space<vmem_shared>>)
    %dma_wait3A_496 = tpu.memref_slice %arg22[%add3A_393] : memref<1048576xf32, #tpu.memory_space<vmem_shared>> -> memref<4096xf32, #tpu.memory_space<vmem_shared>>
    %dma_wait3A_497 = tpu.memref_slice %arg22[%add3A_393] : memref<1048576xf32, #tpu.memory_space<vmem_shared>> -> memref<4096xf32, #tpu.memory_space<vmem_shared>>
    tpu.wait_dma2 semaphore(%arg29 : memref<!tpu.dma_semaphore, #tpu.memory_space<semaphore_mem>>) src(%arg21 : memref<4096xf32, #tpu.memory_space<vmem>>) dst(%dma_wait3A_497 : memref<4096xf32, #tpu.memory_space<vmem_shared>>)
    %dma_wait3A_498 = tpu.memref_slice %arg22[%add3A_401] : memref<1048576xf32, #tpu.memory_space<vmem_shared>> -> memref<4096xf32, #tpu.memory_space<vmem_shared>>
    %dma_wait3A_499 = tpu.memref_slice %arg22[%add3A_401] : memref<1048576xf32, #tpu.memory_space<vmem_shared>> -> memref<4096xf32, #tpu.memory_space<vmem_shared>>
    tpu.wait_dma2 semaphore(%arg29 : memref<!tpu.dma_semaphore, #tpu.memory_space<semaphore_mem>>) src(%arg21 : memref<4096xf32, #tpu.memory_space<vmem>>) dst(%dma_wait3A_499 : memref<4096xf32, #tpu.memory_space<vmem_shared>>)
    %dma_wait3A_500 = tpu.memref_slice %arg22[%add3A_409] : memref<1048576xf32, #tpu.memory_space<vmem_shared>> -> memref<4096xf32, #tpu.memory_space<vmem_shared>>
    %dma_wait3A_501 = tpu.memref_slice %arg22[%add3A_409] : memref<1048576xf32, #tpu.memory_space<vmem_shared>> -> memref<4096xf32, #tpu.memory_space<vmem_shared>>
    tpu.wait_dma2 semaphore(%arg29 : memref<!tpu.dma_semaphore, #tpu.memory_space<semaphore_mem>>) src(%arg21 : memref<4096xf32, #tpu.memory_space<vmem>>) dst(%dma_wait3A_501 : memref<4096xf32, #tpu.memory_space<vmem_shared>>)
    %dma_wait3A_502 = tpu.memref_slice %arg22[%add3A_417] : memref<1048576xf32, #tpu.memory_space<vmem_shared>> -> memref<4096xf32, #tpu.memory_space<vmem_shared>>
    %dma_wait3A_503 = tpu.memref_slice %arg22[%add3A_417] : memref<1048576xf32, #tpu.memory_space<vmem_shared>> -> memref<4096xf32, #tpu.memory_space<vmem_shared>>
    tpu.wait_dma2 semaphore(%arg29 : memref<!tpu.dma_semaphore, #tpu.memory_space<semaphore_mem>>) src(%arg21 : memref<4096xf32, #tpu.memory_space<vmem>>) dst(%dma_wait3A_503 : memref<4096xf32, #tpu.memory_space<vmem_shared>>)
    %dma_wait3A_504 = tpu.memref_slice %arg22[%add3A_427] : memref<1048576xf32, #tpu.memory_space<vmem_shared>> -> memref<4096xf32, #tpu.memory_space<vmem_shared>>
    %dma_wait3A_505 = tpu.memref_slice %arg22[%add3A_427] : memref<1048576xf32, #tpu.memory_space<vmem_shared>> -> memref<4096xf32, #tpu.memory_space<vmem_shared>>
    tpu.wait_dma2 semaphore(%arg29 : memref<!tpu.dma_semaphore, #tpu.memory_space<semaphore_mem>>) src(%arg21 : memref<4096xf32, #tpu.memory_space<vmem>>) dst(%dma_wait3A_505 : memref<4096xf32, #tpu.memory_space<vmem_shared>>)
    %dma_wait3A_506 = tpu.memref_slice %arg22[%add3A_435] : memref<1048576xf32, #tpu.memory_space<vmem_shared>> -> memref<4096xf32, #tpu.memory_space<vmem_shared>>
    %dma_wait3A_507 = tpu.memref_slice %arg22[%add3A_435] : memref<1048576xf32, #tpu.memory_space<vmem_shared>> -> memref<4096xf32, #tpu.memory_space<vmem_shared>>
    tpu.wait_dma2 semaphore(%arg29 : memref<!tpu.dma_semaphore, #tpu.memory_space<semaphore_mem>>) src(%arg21 : memref<4096xf32, #tpu.memory_space<vmem>>) dst(%dma_wait3A_507 : memref<4096xf32, #tpu.memory_space<vmem_shared>>)
    %dma_wait3A_508 = tpu.memref_slice %arg22[%add3A_443] : memref<1048576xf32, #tpu.memory_space<vmem_shared>> -> memref<4096xf32, #tpu.memory_space<vmem_shared>>
    %dma_wait3A_509 = tpu.memref_slice %arg22[%add3A_443] : memref<1048576xf32, #tpu.memory_space<vmem_shared>> -> memref<4096xf32, #tpu.memory_space<vmem_shared>>
    tpu.wait_dma2 semaphore(%arg29 : memref<!tpu.dma_semaphore, #tpu.memory_space<semaphore_mem>>) src(%arg21 : memref<4096xf32, #tpu.memory_space<vmem>>) dst(%dma_wait3A_509 : memref<4096xf32, #tpu.memory_space<vmem_shared>>)
    %dma_wait3A_510 = tpu.memref_slice %arg22[%add3A_451] : memref<1048576xf32, #tpu.memory_space<vmem_shared>> -> memref<4096xf32, #tpu.memory_space<vmem_shared>>
    %dma_wait3A_511 = tpu.memref_slice %arg22[%add3A_451] : memref<1048576xf32, #tpu.memory_space<vmem_shared>> -> memref<4096xf32, #tpu.memory_space<vmem_shared>>
    tpu.wait_dma2 semaphore(%arg29 : memref<!tpu.dma_semaphore, #tpu.memory_space<semaphore_mem>>) src(%arg21 : memref<4096xf32, #tpu.memory_space<vmem>>) dst(%dma_wait3A_511 : memref<4096xf32, #tpu.memory_space<vmem_shared>>)
    %dma_wait3A_512 = tpu.memref_slice %arg22[%add3A_461] : memref<1048576xf32, #tpu.memory_space<vmem_shared>> -> memref<4096xf32, #tpu.memory_space<vmem_shared>>
    %dma_wait3A_513 = tpu.memref_slice %arg22[%add3A_461] : memref<1048576xf32, #tpu.memory_space<vmem_shared>> -> memref<4096xf32, #tpu.memory_space<vmem_shared>>
    tpu.wait_dma2 semaphore(%arg29 : memref<!tpu.dma_semaphore, #tpu.memory_space<semaphore_mem>>) src(%arg21 : memref<4096xf32, #tpu.memory_space<vmem>>) dst(%dma_wait3A_513 : memref<4096xf32, #tpu.memory_space<vmem_shared>>)
    %dma_wait3A_514 = tpu.memref_slice %arg22[%add3A_469] : memref<1048576xf32, #tpu.memory_space<vmem_shared>> -> memref<4096xf32, #tpu.memory_space<vmem_shared>>
    %dma_wait3A_515 = tpu.memref_slice %arg22[%add3A_469] : memref<1048576xf32, #tpu.memory_space<vmem_shared>> -> memref<4096xf32, #tpu.memory_space<vmem_shared>>
    tpu.wait_dma2 semaphore(%arg29 : memref<!tpu.dma_semaphore, #tpu.memory_space<semaphore_mem>>) src(%arg21 : memref<4096xf32, #tpu.memory_space<vmem>>) dst(%dma_wait3A_515 : memref<4096xf32, #tpu.memory_space<vmem_shared>>)
    %dma_wait3A_516 = tpu.memref_slice %arg22[%add3A_477] : memref<1048576xf32, #tpu.memory_space<vmem_shared>> -> memref<4096xf32, #tpu.memory_space<vmem_shared>>
    %dma_wait3A_517 = tpu.memref_slice %arg22[%add3A_477] : memref<1048576xf32, #tpu.memory_space<vmem_shared>> -> memref<4096xf32, #tpu.memory_space<vmem_shared>>
    tpu.wait_dma2 semaphore(%arg29 : memref<!tpu.dma_semaphore, #tpu.memory_space<semaphore_mem>>) src(%arg21 : memref<4096xf32, #tpu.memory_space<vmem>>) dst(%dma_wait3A_517 : memref<4096xf32, #tpu.memory_space<vmem_shared>>)
    %dma_wait3A_518 = tpu.memref_slice %arg22[%add3A_485] : memref<1048576xf32, #tpu.memory_space<vmem_shared>> -> memref<4096xf32, #tpu.memory_space<vmem_shared>>
    %dma_wait3A_519 = tpu.memref_slice %arg22[%add3A_485] : memref<1048576xf32, #tpu.memory_space<vmem_shared>> -> memref<4096xf32, #tpu.memory_space<vmem_shared>>
    tpu.wait_dma2 semaphore(%arg29 : memref<!tpu.dma_semaphore, #tpu.memory_space<semaphore_mem>>) src(%arg21 : memref<4096xf32, #tpu.memory_space<vmem>>) dst(%dma_wait3A_519 : memref<4096xf32, #tpu.memory_space<vmem_shared>>)
    %barrier3A_520 = arith.constant 0 : index
    tpu.barrier barrier_id(%barrier3A_520)
    %mul3A_521 = arith.constant 8 : i32
    %mul3A_522 = arith.muli %arg0, %mul3A_521 : i32
    %add3A_523 = arith.constant 1 : i32
    %add3A_524 = arith.addi %mul3A_522, %add3A_523 : i32
    %mul3A_525 = arith.constant 1048576 : i32
    %mul3A_526 = arith.muli %add3A_524, %mul3A_525 : i32
    %scan3A_527 = arith.constant 0 : i32
    %scan3A_528 = arith.constant 0 : i32
    %scan3A_529 = arith.constant 4 : i32
    %scan3A_530 = arith.addi %scan3A_528, %scan3A_529 : i32
    %scan3A_531 = arith.constant 1 : i32
    %scan3A_532 = scf.for %scan3A_1977 = %scan3A_528 to %scan3A_530 step %scan3A_531 iter_args(%scan3A_1978 = %scan3A_527) -> (i32)  : i32 {
      %gt3A = arith.constant 0 : i32
      %gt3A_1979 = arith.cmpi sgt, %scan3A_1977, %gt3A : i32
      %convert_element_type3A = arith.extui %gt3A_1979 : i1 to i32
      %cond3A = arith.constant 0 : i32
      %cond3A_1980 = arith.cmpi ne, %convert_element_type3A, %cond3A : i32
      scf.if %cond3A_1980 {
        %dma_wait3A_2008 = arith.constant 0 : i32
        %dma_wait3A_2009 = tpu.memref_slice %arg22[%dma_wait3A_2008] : memref<1048576xf32, #tpu.memory_space<vmem_shared>> -> memref<1048576xf32, #tpu.memory_space<vmem_shared>>
        tpu.wait_indirect_dma semaphore(%arg27 : memref<!tpu.dma_semaphore, #tpu.memory_space<semaphore_mem>>) src(%arg19 : memref<2048xf32, #tpu.memory_space<vmem>>) dst(%dma_wait3A_2009 : memref<1048576xf32, #tpu.memory_space<vmem_shared>>)
        %dma_wait3A_2010 = arith.constant 0 : i32
        %dma_wait3A_2011 = tpu.memref_slice %arg22[%dma_wait3A_2010] : memref<1048576xf32, #tpu.memory_space<vmem_shared>> -> memref<1048576xf32, #tpu.memory_space<vmem_shared>>
        tpu.wait_indirect_dma semaphore(%arg28 : memref<!tpu.dma_semaphore, #tpu.memory_space<semaphore_mem>>) src(%arg20 : memref<2048xf32, #tpu.memory_space<vmem>>) dst(%dma_wait3A_2011 : memref<1048576xf32, #tpu.memory_space<vmem_shared>>)
      } else {
      }
      %mul3A_1981 = arith.constant 4096 : i32
      %mul3A_1982 = arith.muli %scan3A_1977, %mul3A_1981 : i32
      %add3A_1983 = arith.constant 0 : i32
      %add3A_1984 = arith.addi %mul3A_1982, %add3A_1983 : i32
      %scan3A_1985 = arith.constant 0 : i32
      %scan3A_1986 = arith.constant 0 : i32
      %scan3A_1987 = arith.constant 128 : i32
      %scan3A_1988 = arith.addi %scan3A_1986, %scan3A_1987 : i32
      %scan3A_1989 = arith.constant 1 : i32
      %scan3A_1990 = scf.for %scan3A_2008 = %scan3A_1986 to %scan3A_1988 step %scan3A_1989 iter_args(%scan3A_2009 = %scan3A_1985) -> (i32)  : i32 {
        %mul3A_2010 = arith.constant 16 : i32
        %mul3A_2011 = arith.muli %scan3A_2008, %mul3A_2010 : i32
        %add3A_2012 = arith.addi %add3A_1984, %mul3A_2011 : i32
        %get3A = arith.index_cast %add3A_2012 : i32 to index
        %get3A_2013 = tpu.vector_load %arg15[%get3A] {strides = array<i32>} : memref<16400xi32, #tpu.memory_space<vmem>>, vector<16xi32>,
        %get3A_2014 = vector.shape_cast %get3A_2013 : vector<16xi32> to vector<16xi32>
        %sub3A = vector.broadcast %mul3A_526 : i32 to vector<16xi32>
        %sub3A_2015 = arith.subi %get3A_2014, %sub3A : vector<16xi32>
        %mul3A_2016 = arith.constant 16 : i32
        %mul3A_2017 = arith.muli %scan3A_2008, %mul3A_2016 : i32
        %add3A_2018 = arith.addi %add3A_1984, %mul3A_2017 : i32
        %get3A_2019 = arith.index_cast %add3A_2018 : i32 to index
        %get3A_2020 = tpu.vector_load %arg16[%get3A_2019] {strides = array<i32>} : memref<16400xf32, #tpu.memory_space<vmem>>, vector<16xf32>,
        %get3A_2021 = vector.shape_cast %get3A_2020 : vector<16xf32> to vector<16xf32>
        %bitcast3A = vector.bitcast %sub3A_2015 : vector<16xi32> to vector<16xi32>
        %lt3A = arith.constant 1048576 : i32
        %lt3A_2022 = vector.broadcast %lt3A : i32 to vector<16xi32>
        %lt3A_2023 = arith.cmpi ult, %bitcast3A, %lt3A_2022 : vector<16xi32>
        %and3A = arith.constant 1048575 : i32
        %and3A_2024 = vector.broadcast %and3A : i32 to vector<16xi32>
        %and3A_2025 = arith.andi %sub3A_2015, %and3A_2024 : vector<16xi32>
        %mul3A_2026 = arith.constant 16 : i32
        %mul3A_2027 = arith.muli %scan3A_2008, %mul3A_2026 : i32
        %swap3A = arith.index_cast %mul3A_2027 : i32 to index
        %swap3A_2028 = tpu.vector_load %arg17[%swap3A] {strides = array<i32>} : memref<2048xi32, #tpu.memory_space<vmem>>, vector<16xi32>,
        %swap3A_2029 = vector.shape_cast %swap3A_2028 : vector<16xi32> to vector<16xi32>
        %swap3A_2030 = vector.shape_cast %and3A_2025 : vector<16xi32> to vector<16xi32>
        tpu.vector_store %arg17[%swap3A], %swap3A_2030 {strides = array<i32>} : memref<2048xi32, #tpu.memory_space<vmem>>, vector<16xi32>,
        %jit3A = arith.constant 0.000000e+00 : f32
        %broadcast_in_dim3A_2031 = vector.broadcast %jit3A : f32 to vector<16xf32>
        %select_n3A = arith.select %lt3A_2023, %get3A_2021, %broadcast_in_dim3A_2031 : vector<16xi1>, vector<16xf32>
        %mul3A_2032 = arith.constant 16 : i32
        %mul3A_2033 = arith.muli %scan3A_2008, %mul3A_2032 : i32
        %swap3A_2034 = arith.index_cast %mul3A_2033 : i32 to index
        %swap3A_2035 = tpu.vector_load %arg19[%swap3A_2034] {strides = array<i32>} : memref<2048xf32, #tpu.memory_space<vmem>>, vector<16xf32>,
        %swap3A_2036 = vector.shape_cast %swap3A_2035 : vector<16xf32> to vector<16xf32>
        %swap3A_2037 = vector.shape_cast %select_n3A : vector<16xf32> to vector<16xf32>
        tpu.vector_store %arg19[%swap3A_2034], %swap3A_2037 {strides = array<i32>} : memref<2048xf32, #tpu.memory_space<vmem>>, vector<16xf32>,
        %scan3A_2038 = arith.constant 0 : i32
        scf.yield %scan3A_2038 : i32
      }
      %scan3A_1991 = arith.constant 128 : i32
      %dma_start3A_1992 = arith.constant 0 : i32
      %dma_start3A_1993 = tpu.memref_slice %arg22[%dma_start3A_1992] : memref<1048576xf32, #tpu.memory_space<vmem_shared>> -> memref<1048576xf32, #tpu.memory_space<vmem_shared>>
      tpu.enqueue_indirect_dma source(%arg19 : memref<2048xf32, #tpu.memory_space<vmem>>) target(%dma_start3A_1993 : memref<1048576xf32, #tpu.memory_space<vmem_shared>>) offsets(%arg17 : memref<2048xi32, #tpu.memory_space<vmem>>) semaphore(%arg27 : memref<!tpu.dma_semaphore, #tpu.memory_space<semaphore_mem>>) {add = true}
      %mul3A_1994 = arith.constant 4096 : i32
      %mul3A_1995 = arith.muli %scan3A_1977, %mul3A_1994 : i32
      %add3A_1996 = arith.constant 2048 : i32
      %add3A_1997 = arith.addi %mul3A_1995, %add3A_1996 : i32
      %scan3A_1998 = arith.constant 0 : i32
      %scan3A_1999 = arith.constant 0 : i32
      %scan3A_2000 = arith.constant 128 : i32
      %scan3A_2001 = arith.addi %scan3A_1999, %scan3A_2000 : i32
      %scan3A_2002 = arith.constant 1 : i32
      %scan3A_2003 = scf.for %scan3A_2008 = %scan3A_1999 to %scan3A_2001 step %scan3A_2002 iter_args(%scan3A_2009 = %scan3A_1998) -> (i32)  : i32 {
        %mul3A_2010 = arith.constant 16 : i32
        %mul3A_2011 = arith.muli %scan3A_2008, %mul3A_2010 : i32
        %add3A_2012 = arith.addi %add3A_1997, %mul3A_2011 : i32
        %get3A = arith.index_cast %add3A_2012 : i32 to index
        %get3A_2013 = tpu.vector_load %arg15[%get3A] {strides = array<i32>} : memref<16400xi32, #tpu.memory_space<vmem>>, vector<16xi32>,
        %get3A_2014 = vector.shape_cast %get3A_2013 : vector<16xi32> to vector<16xi32>
        %sub3A = vector.broadcast %mul3A_526 : i32 to vector<16xi32>
        %sub3A_2015 = arith.subi %get3A_2014, %sub3A : vector<16xi32>
        %mul3A_2016 = arith.constant 16 : i32
        %mul3A_2017 = arith.muli %scan3A_2008, %mul3A_2016 : i32
        %add3A_2018 = arith.addi %add3A_1997, %mul3A_2017 : i32
        %get3A_2019 = arith.index_cast %add3A_2018 : i32 to index
        %get3A_2020 = tpu.vector_load %arg16[%get3A_2019] {strides = array<i32>} : memref<16400xf32, #tpu.memory_space<vmem>>, vector<16xf32>,
        %get3A_2021 = vector.shape_cast %get3A_2020 : vector<16xf32> to vector<16xf32>
        %bitcast3A = vector.bitcast %sub3A_2015 : vector<16xi32> to vector<16xi32>
        %lt3A = arith.constant 1048576 : i32
        %lt3A_2022 = vector.broadcast %lt3A : i32 to vector<16xi32>
        %lt3A_2023 = arith.cmpi ult, %bitcast3A, %lt3A_2022 : vector<16xi32>
        %and3A = arith.constant 1048575 : i32
        %and3A_2024 = vector.broadcast %and3A : i32 to vector<16xi32>
        %and3A_2025 = arith.andi %sub3A_2015, %and3A_2024 : vector<16xi32>
        %mul3A_2026 = arith.constant 16 : i32
        %mul3A_2027 = arith.muli %scan3A_2008, %mul3A_2026 : i32
        %swap3A = arith.index_cast %mul3A_2027 : i32 to index
        %swap3A_2028 = tpu.vector_load %arg18[%swap3A] {strides = array<i32>} : memref<2048xi32, #tpu.memory_space<vmem>>, vector<16xi32>,
        %swap3A_2029 = vector.shape_cast %swap3A_2028 : vector<16xi32> to vector<16xi32>
        %swap3A_2030 = vector.shape_cast %and3A_2025 : vector<16xi32> to vector<16xi32>
        tpu.vector_store %arg18[%swap3A], %swap3A_2030 {strides = array<i32>} : memref<2048xi32, #tpu.memory_space<vmem>>, vector<16xi32>,
        %jit3A = arith.constant 0.000000e+00 : f32
        %broadcast_in_dim3A_2031 = vector.broadcast %jit3A : f32 to vector<16xf32>
        %select_n3A = arith.select %lt3A_2023, %get3A_2021, %broadcast_in_dim3A_2031 : vector<16xi1>, vector<16xf32>
        %mul3A_2032 = arith.constant 16 : i32
        %mul3A_2033 = arith.muli %scan3A_2008, %mul3A_2032 : i32
        %swap3A_2034 = arith.index_cast %mul3A_2033 : i32 to index
        %swap3A_2035 = tpu.vector_load %arg20[%swap3A_2034] {strides = array<i32>} : memref<2048xf32, #tpu.memory_space<vmem>>, vector<16xf32>,
        %swap3A_2036 = vector.shape_cast %swap3A_2035 : vector<16xf32> to vector<16xf32>
        %swap3A_2037 = vector.shape_cast %select_n3A : vector<16xf32> to vector<16xf32>
        tpu.vector_store %arg20[%swap3A_2034], %swap3A_2037 {strides = array<i32>} : memref<2048xf32, #tpu.memory_space<vmem>>, vector<16xf32>,
        %scan3A_2038 = arith.constant 0 : i32
        scf.yield %scan3A_2038 : i32
      }
      %scan3A_2004 = arith.constant 128 : i32
      %dma_start3A_2005 = arith.constant 0 : i32
      %dma_start3A_2006 = tpu.memref_slice %arg22[%dma_start3A_2005] : memref<1048576xf32, #tpu.memory_space<vmem_shared>> -> memref<1048576xf32, #tpu.memory_space<vmem_shared>>
      tpu.enqueue_indirect_dma source(%arg20 : memref<2048xf32, #tpu.memory_space<vmem>>) target(%dma_start3A_2006 : memref<1048576xf32, #tpu.memory_space<vmem_shared>>) offsets(%arg18 : memref<2048xi32, #tpu.memory_space<vmem>>) semaphore(%arg28 : memref<!tpu.dma_semaphore, #tpu.memory_space<semaphore_mem>>) {add = true}
      %scan3A_2007 = arith.constant 0 : i32
      scf.yield %scan3A_2007 : i32
    }
    %scan3A_533 = arith.constant 4 : i32
    %dma_wait3A_534 = arith.constant 0 : i32
    %dma_wait3A_535 = tpu.memref_slice %arg22[%dma_wait3A_534] : memref<1048576xf32, #tpu.memory_space<vmem_shared>> -> memref<1048576xf32, #tpu.memory_space<vmem_shared>>
    tpu.wait_indirect_dma semaphore(%arg27 : memref<!tpu.dma_semaphore, #tpu.memory_space<semaphore_mem>>) src(%arg19 : memref<2048xf32, #tpu.memory_space<vmem>>) dst(%dma_wait3A_535 : memref<1048576xf32, #tpu.memory_space<vmem_shared>>)
    %dma_wait3A_536 = arith.constant 0 : i32
    %dma_wait3A_537 = tpu.memref_slice %arg22[%dma_wait3A_536] : memref<1048576xf32, #tpu.memory_space<vmem_shared>> -> memref<1048576xf32, #tpu.memory_space<vmem_shared>>
    tpu.wait_indirect_dma semaphore(%arg28 : memref<!tpu.dma_semaphore, #tpu.memory_space<semaphore_mem>>) src(%arg20 : memref<2048xf32, #tpu.memory_space<vmem>>) dst(%dma_wait3A_537 : memref<1048576xf32, #tpu.memory_space<vmem_shared>>)
    %barrier3A_538 = arith.constant 0 : index
    tpu.barrier barrier_id(%barrier3A_538)
    %mul3A_539 = arith.constant 65536 : i32
    %mul3A_540 = arith.muli %arg1, %mul3A_539 : i32
    %add3A_541 = arith.constant 0 : i32
    %add3A_542 = arith.addi %mul3A_540, %add3A_541 : i32
    %mul3A_543 = arith.constant 65536 : i32
    %mul3A_544 = arith.muli %arg1, %mul3A_543 : i32
    %add3A_545 = arith.addi %mul3A_526, %mul3A_544 : i32
    %add3A_546 = arith.constant 0 : i32
    %add3A_547 = arith.addi %add3A_545, %add3A_546 : i32
    %dma_start3A_548 = tpu.memref_slice %arg6[%add3A_547] : memref<16777216xf32, #tpu.memory_space<hbm>> -> memref<16384xf32, #tpu.memory_space<hbm>>
    %dma_start3A_549 = tpu.memref_slice %arg22[%add3A_542] : memref<1048576xf32, #tpu.memory_space<vmem_shared>> -> memref<16384xf32, #tpu.memory_space<vmem_shared>>
    tpu.enqueue_dma source(%dma_start3A_549 : memref<16384xf32, #tpu.memory_space<vmem_shared>>) target(%dma_start3A_548 : memref<16384xf32, #tpu.memory_space<hbm>>) target_semaphore(%arg30 : memref<!tpu.dma_semaphore, #tpu.memory_space<semaphore_mem>>)
    %mul3A_550 = arith.constant 65536 : i32
    %mul3A_551 = arith.muli %arg1, %mul3A_550 : i32
    %add3A_552 = arith.constant 16384 : i32
    %add3A_553 = arith.addi %mul3A_551, %add3A_552 : i32
    %mul3A_554 = arith.constant 65536 : i32
    %mul3A_555 = arith.muli %arg1, %mul3A_554 : i32
    %add3A_556 = arith.addi %mul3A_526, %mul3A_555 : i32
    %add3A_557 = arith.constant 16384 : i32
    %add3A_558 = arith.addi %add3A_556, %add3A_557 : i32
    %dma_start3A_559 = tpu.memref_slice %arg6[%add3A_558] : memref<16777216xf32, #tpu.memory_space<hbm>> -> memref<16384xf32, #tpu.memory_space<hbm>>
    %dma_start3A_560 = tpu.memref_slice %arg22[%add3A_553] : memref<1048576xf32, #tpu.memory_space<vmem_shared>> -> memref<16384xf32, #tpu.memory_space<vmem_shared>>
    tpu.enqueue_dma source(%dma_start3A_560 : memref<16384xf32, #tpu.memory_space<vmem_shared>>) target(%dma_start3A_559 : memref<16384xf32, #tpu.memory_space<hbm>>) target_semaphore(%arg31 : memref<!tpu.dma_semaphore, #tpu.memory_space<semaphore_mem>>)
    %mul3A_561 = arith.constant 65536 : i32
    %mul3A_562 = arith.muli %arg1, %mul3A_561 : i32
    %add3A_563 = arith.constant 32768 : i32
    %add3A_564 = arith.addi %mul3A_562, %add3A_563 : i32
    %mul3A_565 = arith.constant 65536 : i32
    %mul3A_566 = arith.muli %arg1, %mul3A_565 : i32
    %add3A_567 = arith.addi %mul3A_526, %mul3A_566 : i32
    %add3A_568 = arith.constant 32768 : i32
    %add3A_569 = arith.addi %add3A_567, %add3A_568 : i32
    %dma_start3A_570 = tpu.memref_slice %arg6[%add3A_569] : memref<16777216xf32, #tpu.memory_space<hbm>> -> memref<16384xf32, #tpu.memory_space<hbm>>
    %dma_start3A_571 = tpu.memref_slice %arg22[%add3A_564] : memref<1048576xf32, #tpu.memory_space<vmem_shared>> -> memref<16384xf32, #tpu.memory_space<vmem_shared>>
    tpu.enqueue_dma source(%dma_start3A_571 : memref<16384xf32, #tpu.memory_space<vmem_shared>>) target(%dma_start3A_570 : memref<16384xf32, #tpu.memory_space<hbm>>) target_semaphore(%arg32 : memref<!tpu.dma_semaphore, #tpu.memory_space<semaphore_mem>>)
    %mul3A_572 = arith.constant 65536 : i32
    %mul3A_573 = arith.muli %arg1, %mul3A_572 : i32
    %add3A_574 = arith.constant 49152 : i32
    %add3A_575 = arith.addi %mul3A_573, %add3A_574 : i32
    %mul3A_576 = arith.constant 65536 : i32
    %mul3A_577 = arith.muli %arg1, %mul3A_576 : i32
    %add3A_578 = arith.addi %mul3A_526, %mul3A_577 : i32
    %add3A_579 = arith.constant 49152 : i32
    %add3A_580 = arith.addi %add3A_578, %add3A_579 : i32
    %dma_start3A_581 = tpu.memref_slice %arg6[%add3A_580] : memref<16777216xf32, #tpu.memory_space<hbm>> -> memref<16384xf32, #tpu.memory_space<hbm>>
    %dma_start3A_582 = tpu.memref_slice %arg22[%add3A_575] : memref<1048576xf32, #tpu.memory_space<vmem_shared>> -> memref<16384xf32, #tpu.memory_space<vmem_shared>>
    tpu.enqueue_dma source(%dma_start3A_582 : memref<16384xf32, #tpu.memory_space<vmem_shared>>) target(%dma_start3A_581 : memref<16384xf32, #tpu.memory_space<hbm>>) target_semaphore(%arg33 : memref<!tpu.dma_semaphore, #tpu.memory_space<semaphore_mem>>)
    %dma_wait3A_583 = tpu.memref_slice %arg6[%add3A_547] : memref<16777216xf32, #tpu.memory_space<hbm>> -> memref<16384xf32, #tpu.memory_space<hbm>>
    %dma_wait3A_584 = tpu.memref_slice %arg22[%add3A_542] : memref<1048576xf32, #tpu.memory_space<vmem_shared>> -> memref<16384xf32, #tpu.memory_space<vmem_shared>>
    tpu.wait_dma2 semaphore(%arg30 : memref<!tpu.dma_semaphore, #tpu.memory_space<semaphore_mem>>) src(%dma_wait3A_584 : memref<16384xf32, #tpu.memory_space<vmem_shared>>) dst(%dma_wait3A_583 : memref<16384xf32, #tpu.memory_space<hbm>>)
    %mul3A_585 = arith.constant 65536 : i32
    %mul3A_586 = arith.muli %arg1, %mul3A_585 : i32
    %add3A_587 = arith.constant 0 : i32
    %add3A_588 = arith.addi %mul3A_586, %add3A_587 : i32
    %add3A_589 = arith.constant 0 : i32
    %add3A_590 = arith.addi %add3A_588, %add3A_589 : i32
    %dma_start3A_591 = tpu.memref_slice %arg22[%add3A_590] : memref<1048576xf32, #tpu.memory_space<vmem_shared>> -> memref<4096xf32, #tpu.memory_space<vmem_shared>>
    %dma_start3A_592 = tpu.memref_slice %arg22[%add3A_590] : memref<1048576xf32, #tpu.memory_space<vmem_shared>> -> memref<4096xf32, #tpu.memory_space<vmem_shared>>
    tpu.enqueue_dma source(%arg21 : memref<4096xf32, #tpu.memory_space<vmem>>) target(%dma_start3A_592 : memref<4096xf32, #tpu.memory_space<vmem_shared>>) target_semaphore(%arg29 : memref<!tpu.dma_semaphore, #tpu.memory_space<semaphore_mem>>)
    %mul3A_593 = arith.constant 65536 : i32
    %mul3A_594 = arith.muli %arg1, %mul3A_593 : i32
    %add3A_595 = arith.constant 0 : i32
    %add3A_596 = arith.addi %mul3A_594, %add3A_595 : i32
    %add3A_597 = arith.constant 4096 : i32
    %add3A_598 = arith.addi %add3A_596, %add3A_597 : i32
    %dma_start3A_599 = tpu.memref_slice %arg22[%add3A_598] : memref<1048576xf32, #tpu.memory_space<vmem_shared>> -> memref<4096xf32, #tpu.memory_space<vmem_shared>>
    %dma_start3A_600 = tpu.memref_slice %arg22[%add3A_598] : memref<1048576xf32, #tpu.memory_space<vmem_shared>> -> memref<4096xf32, #tpu.memory_space<vmem_shared>>
    tpu.enqueue_dma source(%arg21 : memref<4096xf32, #tpu.memory_space<vmem>>) target(%dma_start3A_600 : memref<4096xf32, #tpu.memory_space<vmem_shared>>) target_semaphore(%arg29 : memref<!tpu.dma_semaphore, #tpu.memory_space<semaphore_mem>>)
    %mul3A_601 = arith.constant 65536 : i32
    %mul3A_602 = arith.muli %arg1, %mul3A_601 : i32
    %add3A_603 = arith.constant 0 : i32
    %add3A_604 = arith.addi %mul3A_602, %add3A_603 : i32
    %add3A_605 = arith.constant 8192 : i32
    %add3A_606 = arith.addi %add3A_604, %add3A_605 : i32
    %dma_start3A_607 = tpu.memref_slice %arg22[%add3A_606] : memref<1048576xf32, #tpu.memory_space<vmem_shared>> -> memref<4096xf32, #tpu.memory_space<vmem_shared>>
    %dma_start3A_608 = tpu.memref_slice %arg22[%add3A_606] : memref<1048576xf32, #tpu.memory_space<vmem_shared>> -> memref<4096xf32, #tpu.memory_space<vmem_shared>>
    tpu.enqueue_dma source(%arg21 : memref<4096xf32, #tpu.memory_space<vmem>>) target(%dma_start3A_608 : memref<4096xf32, #tpu.memory_space<vmem_shared>>) target_semaphore(%arg29 : memref<!tpu.dma_semaphore, #tpu.memory_space<semaphore_mem>>)
    %mul3A_609 = arith.constant 65536 : i32
    %mul3A_610 = arith.muli %arg1, %mul3A_609 : i32
    %add3A_611 = arith.constant 0 : i32
    %add3A_612 = arith.addi %mul3A_610, %add3A_611 : i32
    %add3A_613 = arith.constant 12288 : i32
    %add3A_614 = arith.addi %add3A_612, %add3A_613 : i32
    %dma_start3A_615 = tpu.memref_slice %arg22[%add3A_614] : memref<1048576xf32, #tpu.memory_space<vmem_shared>> -> memref<4096xf32, #tpu.memory_space<vmem_shared>>
    %dma_start3A_616 = tpu.memref_slice %arg22[%add3A_614] : memref<1048576xf32, #tpu.memory_space<vmem_shared>> -> memref<4096xf32, #tpu.memory_space<vmem_shared>>
    tpu.enqueue_dma source(%arg21 : memref<4096xf32, #tpu.memory_space<vmem>>) target(%dma_start3A_616 : memref<4096xf32, #tpu.memory_space<vmem_shared>>) target_semaphore(%arg29 : memref<!tpu.dma_semaphore, #tpu.memory_space<semaphore_mem>>)
    %dma_wait3A_617 = tpu.memref_slice %arg6[%add3A_558] : memref<16777216xf32, #tpu.memory_space<hbm>> -> memref<16384xf32, #tpu.memory_space<hbm>>
    %dma_wait3A_618 = tpu.memref_slice %arg22[%add3A_553] : memref<1048576xf32, #tpu.memory_space<vmem_shared>> -> memref<16384xf32, #tpu.memory_space<vmem_shared>>
    tpu.wait_dma2 semaphore(%arg31 : memref<!tpu.dma_semaphore, #tpu.memory_space<semaphore_mem>>) src(%dma_wait3A_618 : memref<16384xf32, #tpu.memory_space<vmem_shared>>) dst(%dma_wait3A_617 : memref<16384xf32, #tpu.memory_space<hbm>>)
    %mul3A_619 = arith.constant 65536 : i32
    %mul3A_620 = arith.muli %arg1, %mul3A_619 : i32
    %add3A_621 = arith.constant 16384 : i32
    %add3A_622 = arith.addi %mul3A_620, %add3A_621 : i32
    %add3A_623 = arith.constant 0 : i32
    %add3A_624 = arith.addi %add3A_622, %add3A_623 : i32
    %dma_start3A_625 = tpu.memref_slice %arg22[%add3A_624] : memref<1048576xf32, #tpu.memory_space<vmem_shared>> -> memref<4096xf32, #tpu.memory_space<vmem_shared>>
    %dma_start3A_626 = tpu.memref_slice %arg22[%add3A_624] : memref<1048576xf32, #tpu.memory_space<vmem_shared>> -> memref<4096xf32, #tpu.memory_space<vmem_shared>>
    tpu.enqueue_dma source(%arg21 : memref<4096xf32, #tpu.memory_space<vmem>>) target(%dma_start3A_626 : memref<4096xf32, #tpu.memory_space<vmem_shared>>) target_semaphore(%arg29 : memref<!tpu.dma_semaphore, #tpu.memory_space<semaphore_mem>>)
    %mul3A_627 = arith.constant 65536 : i32
    %mul3A_628 = arith.muli %arg1, %mul3A_627 : i32
    %add3A_629 = arith.constant 16384 : i32
    %add3A_630 = arith.addi %mul3A_628, %add3A_629 : i32
    %add3A_631 = arith.constant 4096 : i32
    %add3A_632 = arith.addi %add3A_630, %add3A_631 : i32
    %dma_start3A_633 = tpu.memref_slice %arg22[%add3A_632] : memref<1048576xf32, #tpu.memory_space<vmem_shared>> -> memref<4096xf32, #tpu.memory_space<vmem_shared>>
    %dma_start3A_634 = tpu.memref_slice %arg22[%add3A_632] : memref<1048576xf32, #tpu.memory_space<vmem_shared>> -> memref<4096xf32, #tpu.memory_space<vmem_shared>>
    tpu.enqueue_dma source(%arg21 : memref<4096xf32, #tpu.memory_space<vmem>>) target(%dma_start3A_634 : memref<4096xf32, #tpu.memory_space<vmem_shared>>) target_semaphore(%arg29 : memref<!tpu.dma_semaphore, #tpu.memory_space<semaphore_mem>>)
    %mul3A_635 = arith.constant 65536 : i32
    %mul3A_636 = arith.muli %arg1, %mul3A_635 : i32
    %add3A_637 = arith.constant 16384 : i32
    %add3A_638 = arith.addi %mul3A_636, %add3A_637 : i32
    %add3A_639 = arith.constant 8192 : i32
    %add3A_640 = arith.addi %add3A_638, %add3A_639 : i32
    %dma_start3A_641 = tpu.memref_slice %arg22[%add3A_640] : memref<1048576xf32, #tpu.memory_space<vmem_shared>> -> memref<4096xf32, #tpu.memory_space<vmem_shared>>
    %dma_start3A_642 = tpu.memref_slice %arg22[%add3A_640] : memref<1048576xf32, #tpu.memory_space<vmem_shared>> -> memref<4096xf32, #tpu.memory_space<vmem_shared>>
    tpu.enqueue_dma source(%arg21 : memref<4096xf32, #tpu.memory_space<vmem>>) target(%dma_start3A_642 : memref<4096xf32, #tpu.memory_space<vmem_shared>>) target_semaphore(%arg29 : memref<!tpu.dma_semaphore, #tpu.memory_space<semaphore_mem>>)
    %mul3A_643 = arith.constant 65536 : i32
    %mul3A_644 = arith.muli %arg1, %mul3A_643 : i32
    %add3A_645 = arith.constant 16384 : i32
    %add3A_646 = arith.addi %mul3A_644, %add3A_645 : i32
    %add3A_647 = arith.constant 12288 : i32
    %add3A_648 = arith.addi %add3A_646, %add3A_647 : i32
    %dma_start3A_649 = tpu.memref_slice %arg22[%add3A_648] : memref<1048576xf32, #tpu.memory_space<vmem_shared>> -> memref<4096xf32, #tpu.memory_space<vmem_shared>>
    %dma_start3A_650 = tpu.memref_slice %arg22[%add3A_648] : memref<1048576xf32, #tpu.memory_space<vmem_shared>> -> memref<4096xf32, #tpu.memory_space<vmem_shared>>
    tpu.enqueue_dma source(%arg21 : memref<4096xf32, #tpu.memory_space<vmem>>) target(%dma_start3A_650 : memref<4096xf32, #tpu.memory_space<vmem_shared>>) target_semaphore(%arg29 : memref<!tpu.dma_semaphore, #tpu.memory_space<semaphore_mem>>)
    %dma_wait3A_651 = tpu.memref_slice %arg6[%add3A_569] : memref<16777216xf32, #tpu.memory_space<hbm>> -> memref<16384xf32, #tpu.memory_space<hbm>>
    %dma_wait3A_652 = tpu.memref_slice %arg22[%add3A_564] : memref<1048576xf32, #tpu.memory_space<vmem_shared>> -> memref<16384xf32, #tpu.memory_space<vmem_shared>>
    tpu.wait_dma2 semaphore(%arg32 : memref<!tpu.dma_semaphore, #tpu.memory_space<semaphore_mem>>) src(%dma_wait3A_652 : memref<16384xf32, #tpu.memory_space<vmem_shared>>) dst(%dma_wait3A_651 : memref<16384xf32, #tpu.memory_space<hbm>>)
    %mul3A_653 = arith.constant 65536 : i32
    %mul3A_654 = arith.muli %arg1, %mul3A_653 : i32
    %add3A_655 = arith.constant 32768 : i32
    %add3A_656 = arith.addi %mul3A_654, %add3A_655 : i32
    %add3A_657 = arith.constant 0 : i32
    %add3A_658 = arith.addi %add3A_656, %add3A_657 : i32
    %dma_start3A_659 = tpu.memref_slice %arg22[%add3A_658] : memref<1048576xf32, #tpu.memory_space<vmem_shared>> -> memref<4096xf32, #tpu.memory_space<vmem_shared>>
    %dma_start3A_660 = tpu.memref_slice %arg22[%add3A_658] : memref<1048576xf32, #tpu.memory_space<vmem_shared>> -> memref<4096xf32, #tpu.memory_space<vmem_shared>>
    tpu.enqueue_dma source(%arg21 : memref<4096xf32, #tpu.memory_space<vmem>>) target(%dma_start3A_660 : memref<4096xf32, #tpu.memory_space<vmem_shared>>) target_semaphore(%arg29 : memref<!tpu.dma_semaphore, #tpu.memory_space<semaphore_mem>>)
    %mul3A_661 = arith.constant 65536 : i32
    %mul3A_662 = arith.muli %arg1, %mul3A_661 : i32
    %add3A_663 = arith.constant 32768 : i32
    %add3A_664 = arith.addi %mul3A_662, %add3A_663 : i32
    %add3A_665 = arith.constant 4096 : i32
    %add3A_666 = arith.addi %add3A_664, %add3A_665 : i32
    %dma_start3A_667 = tpu.memref_slice %arg22[%add3A_666] : memref<1048576xf32, #tpu.memory_space<vmem_shared>> -> memref<4096xf32, #tpu.memory_space<vmem_shared>>
    %dma_start3A_668 = tpu.memref_slice %arg22[%add3A_666] : memref<1048576xf32, #tpu.memory_space<vmem_shared>> -> memref<4096xf32, #tpu.memory_space<vmem_shared>>
    tpu.enqueue_dma source(%arg21 : memref<4096xf32, #tpu.memory_space<vmem>>) target(%dma_start3A_668 : memref<4096xf32, #tpu.memory_space<vmem_shared>>) target_semaphore(%arg29 : memref<!tpu.dma_semaphore, #tpu.memory_space<semaphore_mem>>)
    %mul3A_669 = arith.constant 65536 : i32
    %mul3A_670 = arith.muli %arg1, %mul3A_669 : i32
    %add3A_671 = arith.constant 32768 : i32
    %add3A_672 = arith.addi %mul3A_670, %add3A_671 : i32
    %add3A_673 = arith.constant 8192 : i32
    %add3A_674 = arith.addi %add3A_672, %add3A_673 : i32
    %dma_start3A_675 = tpu.memref_slice %arg22[%add3A_674] : memref<1048576xf32, #tpu.memory_space<vmem_shared>> -> memref<4096xf32, #tpu.memory_space<vmem_shared>>
    %dma_start3A_676 = tpu.memref_slice %arg22[%add3A_674] : memref<1048576xf32, #tpu.memory_space<vmem_shared>> -> memref<4096xf32, #tpu.memory_space<vmem_shared>>
    tpu.enqueue_dma source(%arg21 : memref<4096xf32, #tpu.memory_space<vmem>>) target(%dma_start3A_676 : memref<4096xf32, #tpu.memory_space<vmem_shared>>) target_semaphore(%arg29 : memref<!tpu.dma_semaphore, #tpu.memory_space<semaphore_mem>>)
    %mul3A_677 = arith.constant 65536 : i32
    %mul3A_678 = arith.muli %arg1, %mul3A_677 : i32
    %add3A_679 = arith.constant 32768 : i32
    %add3A_680 = arith.addi %mul3A_678, %add3A_679 : i32
    %add3A_681 = arith.constant 12288 : i32
    %add3A_682 = arith.addi %add3A_680, %add3A_681 : i32
    %dma_start3A_683 = tpu.memref_slice %arg22[%add3A_682] : memref<1048576xf32, #tpu.memory_space<vmem_shared>> -> memref<4096xf32, #tpu.memory_space<vmem_shared>>
    %dma_start3A_684 = tpu.memref_slice %arg22[%add3A_682] : memref<1048576xf32, #tpu.memory_space<vmem_shared>> -> memref<4096xf32, #tpu.memory_space<vmem_shared>>
    tpu.enqueue_dma source(%arg21 : memref<4096xf32, #tpu.memory_space<vmem>>) target(%dma_start3A_684 : memref<4096xf32, #tpu.memory_space<vmem_shared>>) target_semaphore(%arg29 : memref<!tpu.dma_semaphore, #tpu.memory_space<semaphore_mem>>)
    %dma_wait3A_685 = tpu.memref_slice %arg6[%add3A_580] : memref<16777216xf32, #tpu.memory_space<hbm>> -> memref<16384xf32, #tpu.memory_space<hbm>>
    %dma_wait3A_686 = tpu.memref_slice %arg22[%add3A_575] : memref<1048576xf32, #tpu.memory_space<vmem_shared>> -> memref<16384xf32, #tpu.memory_space<vmem_shared>>
    tpu.wait_dma2 semaphore(%arg33 : memref<!tpu.dma_semaphore, #tpu.memory_space<semaphore_mem>>) src(%dma_wait3A_686 : memref<16384xf32, #tpu.memory_space<vmem_shared>>) dst(%dma_wait3A_685 : memref<16384xf32, #tpu.memory_space<hbm>>)
    %mul3A_687 = arith.constant 65536 : i32
    %mul3A_688 = arith.muli %arg1, %mul3A_687 : i32
    %add3A_689 = arith.constant 49152 : i32
    %add3A_690 = arith.addi %mul3A_688, %add3A_689 : i32
    %add3A_691 = arith.constant 0 : i32
    %add3A_692 = arith.addi %add3A_690, %add3A_691 : i32
    %dma_start3A_693 = tpu.memref_slice %arg22[%add3A_692] : memref<1048576xf32, #tpu.memory_space<vmem_shared>> -> memref<4096xf32, #tpu.memory_space<vmem_shared>>
    %dma_start3A_694 = tpu.memref_slice %arg22[%add3A_692] : memref<1048576xf32, #tpu.memory_space<vmem_shared>> -> memref<4096xf32, #tpu.memory_space<vmem_shared>>
    tpu.enqueue_dma source(%arg21 : memref<4096xf32, #tpu.memory_space<vmem>>) target(%dma_start3A_694 : memref<4096xf32, #tpu.memory_space<vmem_shared>>) target_semaphore(%arg29 : memref<!tpu.dma_semaphore, #tpu.memory_space<semaphore_mem>>)
    %mul3A_695 = arith.constant 65536 : i32
    %mul3A_696 = arith.muli %arg1, %mul3A_695 : i32
    %add3A_697 = arith.constant 49152 : i32
    %add3A_698 = arith.addi %mul3A_696, %add3A_697 : i32
    %add3A_699 = arith.constant 4096 : i32
    %add3A_700 = arith.addi %add3A_698, %add3A_699 : i32
    %dma_start3A_701 = tpu.memref_slice %arg22[%add3A_700] : memref<1048576xf32, #tpu.memory_space<vmem_shared>> -> memref<4096xf32, #tpu.memory_space<vmem_shared>>
    %dma_start3A_702 = tpu.memref_slice %arg22[%add3A_700] : memref<1048576xf32, #tpu.memory_space<vmem_shared>> -> memref<4096xf32, #tpu.memory_space<vmem_shared>>
    tpu.enqueue_dma source(%arg21 : memref<4096xf32, #tpu.memory_space<vmem>>) target(%dma_start3A_702 : memref<4096xf32, #tpu.memory_space<vmem_shared>>) target_semaphore(%arg29 : memref<!tpu.dma_semaphore, #tpu.memory_space<semaphore_mem>>)
    %mul3A_703 = arith.constant 65536 : i32
    %mul3A_704 = arith.muli %arg1, %mul3A_703 : i32
    %add3A_705 = arith.constant 49152 : i32
    %add3A_706 = arith.addi %mul3A_704, %add3A_705 : i32
    %add3A_707 = arith.constant 8192 : i32
    %add3A_708 = arith.addi %add3A_706, %add3A_707 : i32
    %dma_start3A_709 = tpu.memref_slice %arg22[%add3A_708] : memref<1048576xf32, #tpu.memory_space<vmem_shared>> -> memref<4096xf32, #tpu.memory_space<vmem_shared>>
    %dma_start3A_710 = tpu.memref_slice %arg22[%add3A_708] : memref<1048576xf32, #tpu.memory_space<vmem_shared>> -> memref<4096xf32, #tpu.memory_space<vmem_shared>>
    tpu.enqueue_dma source(%arg21 : memref<4096xf32, #tpu.memory_space<vmem>>) target(%dma_start3A_710 : memref<4096xf32, #tpu.memory_space<vmem_shared>>) target_semaphore(%arg29 : memref<!tpu.dma_semaphore, #tpu.memory_space<semaphore_mem>>)
    %mul3A_711 = arith.constant 65536 : i32
    %mul3A_712 = arith.muli %arg1, %mul3A_711 : i32
    %add3A_713 = arith.constant 49152 : i32
    %add3A_714 = arith.addi %mul3A_712, %add3A_713 : i32
    %add3A_715 = arith.constant 12288 : i32
    %add3A_716 = arith.addi %add3A_714, %add3A_715 : i32
    %dma_start3A_717 = tpu.memref_slice %arg22[%add3A_716] : memref<1048576xf32, #tpu.memory_space<vmem_shared>> -> memref<4096xf32, #tpu.memory_space<vmem_shared>>
    %dma_start3A_718 = tpu.memref_slice %arg22[%add3A_716] : memref<1048576xf32, #tpu.memory_space<vmem_shared>> -> memref<4096xf32, #tpu.memory_space<vmem_shared>>
    tpu.enqueue_dma source(%arg21 : memref<4096xf32, #tpu.memory_space<vmem>>) target(%dma_start3A_718 : memref<4096xf32, #tpu.memory_space<vmem_shared>>) target_semaphore(%arg29 : memref<!tpu.dma_semaphore, #tpu.memory_space<semaphore_mem>>)
    %dma_wait3A_719 = tpu.memref_slice %arg22[%add3A_590] : memref<1048576xf32, #tpu.memory_space<vmem_shared>> -> memref<4096xf32, #tpu.memory_space<vmem_shared>>
    %dma_wait3A_720 = tpu.memref_slice %arg22[%add3A_590] : memref<1048576xf32, #tpu.memory_space<vmem_shared>> -> memref<4096xf32, #tpu.memory_space<vmem_shared>>
    tpu.wait_dma2 semaphore(%arg29 : memref<!tpu.dma_semaphore, #tpu.memory_space<semaphore_mem>>) src(%arg21 : memref<4096xf32, #tpu.memory_space<vmem>>) dst(%dma_wait3A_720 : memref<4096xf32, #tpu.memory_space<vmem_shared>>)
    %dma_wait3A_721 = tpu.memref_slice %arg22[%add3A_598] : memref<1048576xf32, #tpu.memory_space<vmem_shared>> -> memref<4096xf32, #tpu.memory_space<vmem_shared>>
    %dma_wait3A_722 = tpu.memref_slice %arg22[%add3A_598] : memref<1048576xf32, #tpu.memory_space<vmem_shared>> -> memref<4096xf32, #tpu.memory_space<vmem_shared>>
    tpu.wait_dma2 semaphore(%arg29 : memref<!tpu.dma_semaphore, #tpu.memory_space<semaphore_mem>>) src(%arg21 : memref<4096xf32, #tpu.memory_space<vmem>>) dst(%dma_wait3A_722 : memref<4096xf32, #tpu.memory_space<vmem_shared>>)
    %dma_wait3A_723 = tpu.memref_slice %arg22[%add3A_606] : memref<1048576xf32, #tpu.memory_space<vmem_shared>> -> memref<4096xf32, #tpu.memory_space<vmem_shared>>
    %dma_wait3A_724 = tpu.memref_slice %arg22[%add3A_606] : memref<1048576xf32, #tpu.memory_space<vmem_shared>> -> memref<4096xf32, #tpu.memory_space<vmem_shared>>
    tpu.wait_dma2 semaphore(%arg29 : memref<!tpu.dma_semaphore, #tpu.memory_space<semaphore_mem>>) src(%arg21 : memref<4096xf32, #tpu.memory_space<vmem>>) dst(%dma_wait3A_724 : memref<4096xf32, #tpu.memory_space<vmem_shared>>)
    %dma_wait3A_725 = tpu.memref_slice %arg22[%add3A_614] : memref<1048576xf32, #tpu.memory_space<vmem_shared>> -> memref<4096xf32, #tpu.memory_space<vmem_shared>>
    %dma_wait3A_726 = tpu.memref_slice %arg22[%add3A_614] : memref<1048576xf32, #tpu.memory_space<vmem_shared>> -> memref<4096xf32, #tpu.memory_space<vmem_shared>>
    tpu.wait_dma2 semaphore(%arg29 : memref<!tpu.dma_semaphore, #tpu.memory_space<semaphore_mem>>) src(%arg21 : memref<4096xf32, #tpu.memory_space<vmem>>) dst(%dma_wait3A_726 : memref<4096xf32, #tpu.memory_space<vmem_shared>>)
    %dma_wait3A_727 = tpu.memref_slice %arg22[%add3A_624] : memref<1048576xf32, #tpu.memory_space<vmem_shared>> -> memref<4096xf32, #tpu.memory_space<vmem_shared>>
    %dma_wait3A_728 = tpu.memref_slice %arg22[%add3A_624] : memref<1048576xf32, #tpu.memory_space<vmem_shared>> -> memref<4096xf32, #tpu.memory_space<vmem_shared>>
    tpu.wait_dma2 semaphore(%arg29 : memref<!tpu.dma_semaphore, #tpu.memory_space<semaphore_mem>>) src(%arg21 : memref<4096xf32, #tpu.memory_space<vmem>>) dst(%dma_wait3A_728 : memref<4096xf32, #tpu.memory_space<vmem_shared>>)
    %dma_wait3A_729 = tpu.memref_slice %arg22[%add3A_632] : memref<1048576xf32, #tpu.memory_space<vmem_shared>> -> memref<4096xf32, #tpu.memory_space<vmem_shared>>
    %dma_wait3A_730 = tpu.memref_slice %arg22[%add3A_632] : memref<1048576xf32, #tpu.memory_space<vmem_shared>> -> memref<4096xf32, #tpu.memory_space<vmem_shared>>
    tpu.wait_dma2 semaphore(%arg29 : memref<!tpu.dma_semaphore, #tpu.memory_space<semaphore_mem>>) src(%arg21 : memref<4096xf32, #tpu.memory_space<vmem>>) dst(%dma_wait3A_730 : memref<4096xf32, #tpu.memory_space<vmem_shared>>)
    %dma_wait3A_731 = tpu.memref_slice %arg22[%add3A_640] : memref<1048576xf32, #tpu.memory_space<vmem_shared>> -> memref<4096xf32, #tpu.memory_space<vmem_shared>>
    %dma_wait3A_732 = tpu.memref_slice %arg22[%add3A_640] : memref<1048576xf32, #tpu.memory_space<vmem_shared>> -> memref<4096xf32, #tpu.memory_space<vmem_shared>>
    tpu.wait_dma2 semaphore(%arg29 : memref<!tpu.dma_semaphore, #tpu.memory_space<semaphore_mem>>) src(%arg21 : memref<4096xf32, #tpu.memory_space<vmem>>) dst(%dma_wait3A_732 : memref<4096xf32, #tpu.memory_space<vmem_shared>>)
    %dma_wait3A_733 = tpu.memref_slice %arg22[%add3A_648] : memref<1048576xf32, #tpu.memory_space<vmem_shared>> -> memref<4096xf32, #tpu.memory_space<vmem_shared>>
    %dma_wait3A_734 = tpu.memref_slice %arg22[%add3A_648] : memref<1048576xf32, #tpu.memory_space<vmem_shared>> -> memref<4096xf32, #tpu.memory_space<vmem_shared>>
    tpu.wait_dma2 semaphore(%arg29 : memref<!tpu.dma_semaphore, #tpu.memory_space<semaphore_mem>>) src(%arg21 : memref<4096xf32, #tpu.memory_space<vmem>>) dst(%dma_wait3A_734 : memref<4096xf32, #tpu.memory_space<vmem_shared>>)
    %dma_wait3A_735 = tpu.memref_slice %arg22[%add3A_658] : memref<1048576xf32, #tpu.memory_space<vmem_shared>> -> memref<4096xf32, #tpu.memory_space<vmem_shared>>
    %dma_wait3A_736 = tpu.memref_slice %arg22[%add3A_658] : memref<1048576xf32, #tpu.memory_space<vmem_shared>> -> memref<4096xf32, #tpu.memory_space<vmem_shared>>
    tpu.wait_dma2 semaphore(%arg29 : memref<!tpu.dma_semaphore, #tpu.memory_space<semaphore_mem>>) src(%arg21 : memref<4096xf32, #tpu.memory_space<vmem>>) dst(%dma_wait3A_736 : memref<4096xf32, #tpu.memory_space<vmem_shared>>)
    %dma_wait3A_737 = tpu.memref_slice %arg22[%add3A_666] : memref<1048576xf32, #tpu.memory_space<vmem_shared>> -> memref<4096xf32, #tpu.memory_space<vmem_shared>>
    %dma_wait3A_738 = tpu.memref_slice %arg22[%add3A_666] : memref<1048576xf32, #tpu.memory_space<vmem_shared>> -> memref<4096xf32, #tpu.memory_space<vmem_shared>>
    tpu.wait_dma2 semaphore(%arg29 : memref<!tpu.dma_semaphore, #tpu.memory_space<semaphore_mem>>) src(%arg21 : memref<4096xf32, #tpu.memory_space<vmem>>) dst(%dma_wait3A_738 : memref<4096xf32, #tpu.memory_space<vmem_shared>>)
    %dma_wait3A_739 = tpu.memref_slice %arg22[%add3A_674] : memref<1048576xf32, #tpu.memory_space<vmem_shared>> -> memref<4096xf32, #tpu.memory_space<vmem_shared>>
    %dma_wait3A_740 = tpu.memref_slice %arg22[%add3A_674] : memref<1048576xf32, #tpu.memory_space<vmem_shared>> -> memref<4096xf32, #tpu.memory_space<vmem_shared>>
    tpu.wait_dma2 semaphore(%arg29 : memref<!tpu.dma_semaphore, #tpu.memory_space<semaphore_mem>>) src(%arg21 : memref<4096xf32, #tpu.memory_space<vmem>>) dst(%dma_wait3A_740 : memref<4096xf32, #tpu.memory_space<vmem_shared>>)
    %dma_wait3A_741 = tpu.memref_slice %arg22[%add3A_682] : memref<1048576xf32, #tpu.memory_space<vmem_shared>> -> memref<4096xf32, #tpu.memory_space<vmem_shared>>
    %dma_wait3A_742 = tpu.memref_slice %arg22[%add3A_682] : memref<1048576xf32, #tpu.memory_space<vmem_shared>> -> memref<4096xf32, #tpu.memory_space<vmem_shared>>
    tpu.wait_dma2 semaphore(%arg29 : memref<!tpu.dma_semaphore, #tpu.memory_space<semaphore_mem>>) src(%arg21 : memref<4096xf32, #tpu.memory_space<vmem>>) dst(%dma_wait3A_742 : memref<4096xf32, #tpu.memory_space<vmem_shared>>)
    %dma_wait3A_743 = tpu.memref_slice %arg22[%add3A_692] : memref<1048576xf32, #tpu.memory_space<vmem_shared>> -> memref<4096xf32, #tpu.memory_space<vmem_shared>>
    %dma_wait3A_744 = tpu.memref_slice %arg22[%add3A_692] : memref<1048576xf32, #tpu.memory_space<vmem_shared>> -> memref<4096xf32, #tpu.memory_space<vmem_shared>>
    tpu.wait_dma2 semaphore(%arg29 : memref<!tpu.dma_semaphore, #tpu.memory_space<semaphore_mem>>) src(%arg21 : memref<4096xf32, #tpu.memory_space<vmem>>) dst(%dma_wait3A_744 : memref<4096xf32, #tpu.memory_space<vmem_shared>>)
    %dma_wait3A_745 = tpu.memref_slice %arg22[%add3A_700] : memref<1048576xf32, #tpu.memory_space<vmem_shared>> -> memref<4096xf32, #tpu.memory_space<vmem_shared>>
    %dma_wait3A_746 = tpu.memref_slice %arg22[%add3A_700] : memref<1048576xf32, #tpu.memory_space<vmem_shared>> -> memref<4096xf32, #tpu.memory_space<vmem_shared>>
    tpu.wait_dma2 semaphore(%arg29 : memref<!tpu.dma_semaphore, #tpu.memory_space<semaphore_mem>>) src(%arg21 : memref<4096xf32, #tpu.memory_space<vmem>>) dst(%dma_wait3A_746 : memref<4096xf32, #tpu.memory_space<vmem_shared>>)
    %dma_wait3A_747 = tpu.memref_slice %arg22[%add3A_708] : memref<1048576xf32, #tpu.memory_space<vmem_shared>> -> memref<4096xf32, #tpu.memory_space<vmem_shared>>
    %dma_wait3A_748 = tpu.memref_slice %arg22[%add3A_708] : memref<1048576xf32, #tpu.memory_space<vmem_shared>> -> memref<4096xf32, #tpu.memory_space<vmem_shared>>
    tpu.wait_dma2 semaphore(%arg29 : memref<!tpu.dma_semaphore, #tpu.memory_space<semaphore_mem>>) src(%arg21 : memref<4096xf32, #tpu.memory_space<vmem>>) dst(%dma_wait3A_748 : memref<4096xf32, #tpu.memory_space<vmem_shared>>)
    %dma_wait3A_749 = tpu.memref_slice %arg22[%add3A_716] : memref<1048576xf32, #tpu.memory_space<vmem_shared>> -> memref<4096xf32, #tpu.memory_space<vmem_shared>>
    %dma_wait3A_750 = tpu.memref_slice %arg22[%add3A_716] : memref<1048576xf32, #tpu.memory_space<vmem_shared>> -> memref<4096xf32, #tpu.memory_space<vmem_shared>>
    tpu.wait_dma2 semaphore(%arg29 : memref<!tpu.dma_semaphore, #tpu.memory_space<semaphore_mem>>) src(%arg21 : memref<4096xf32, #tpu.memory_space<vmem>>) dst(%dma_wait3A_750 : memref<4096xf32, #tpu.memory_space<vmem_shared>>)
    %barrier3A_751 = arith.constant 0 : index
    tpu.barrier barrier_id(%barrier3A_751)
    %mul3A_752 = arith.constant 8 : i32
    %mul3A_753 = arith.muli %arg0, %mul3A_752 : i32
    %add3A_754 = arith.constant 2 : i32
    %add3A_755 = arith.addi %mul3A_753, %add3A_754 : i32
    %mul3A_756 = arith.constant 1048576 : i32
    %mul3A_757 = arith.muli %add3A_755, %mul3A_756 : i32
    %scan3A_758 = arith.constant 0 : i32
    %scan3A_759 = arith.constant 0 : i32
    %scan3A_760 = arith.constant 4 : i32
    %scan3A_761 = arith.addi %scan3A_759, %scan3A_760 : i32
    %scan3A_762 = arith.constant 1 : i32
    %scan3A_763 = scf.for %scan3A_1977 = %scan3A_759 to %scan3A_761 step %scan3A_762 iter_args(%scan3A_1978 = %scan3A_758) -> (i32)  : i32 {
      %gt3A = arith.constant 0 : i32
      %gt3A_1979 = arith.cmpi sgt, %scan3A_1977, %gt3A : i32
      %convert_element_type3A = arith.extui %gt3A_1979 : i1 to i32
      %cond3A = arith.constant 0 : i32
      %cond3A_1980 = arith.cmpi ne, %convert_element_type3A, %cond3A : i32
      scf.if %cond3A_1980 {
        %dma_wait3A_2008 = arith.constant 0 : i32
        %dma_wait3A_2009 = tpu.memref_slice %arg22[%dma_wait3A_2008] : memref<1048576xf32, #tpu.memory_space<vmem_shared>> -> memref<1048576xf32, #tpu.memory_space<vmem_shared>>
        tpu.wait_indirect_dma semaphore(%arg27 : memref<!tpu.dma_semaphore, #tpu.memory_space<semaphore_mem>>) src(%arg19 : memref<2048xf32, #tpu.memory_space<vmem>>) dst(%dma_wait3A_2009 : memref<1048576xf32, #tpu.memory_space<vmem_shared>>)
        %dma_wait3A_2010 = arith.constant 0 : i32
        %dma_wait3A_2011 = tpu.memref_slice %arg22[%dma_wait3A_2010] : memref<1048576xf32, #tpu.memory_space<vmem_shared>> -> memref<1048576xf32, #tpu.memory_space<vmem_shared>>
        tpu.wait_indirect_dma semaphore(%arg28 : memref<!tpu.dma_semaphore, #tpu.memory_space<semaphore_mem>>) src(%arg20 : memref<2048xf32, #tpu.memory_space<vmem>>) dst(%dma_wait3A_2011 : memref<1048576xf32, #tpu.memory_space<vmem_shared>>)
      } else {
      }
      %mul3A_1981 = arith.constant 4096 : i32
      %mul3A_1982 = arith.muli %scan3A_1977, %mul3A_1981 : i32
      %add3A_1983 = arith.constant 0 : i32
      %add3A_1984 = arith.addi %mul3A_1982, %add3A_1983 : i32
      %scan3A_1985 = arith.constant 0 : i32
      %scan3A_1986 = arith.constant 0 : i32
      %scan3A_1987 = arith.constant 128 : i32
      %scan3A_1988 = arith.addi %scan3A_1986, %scan3A_1987 : i32
      %scan3A_1989 = arith.constant 1 : i32
      %scan3A_1990 = scf.for %scan3A_2008 = %scan3A_1986 to %scan3A_1988 step %scan3A_1989 iter_args(%scan3A_2009 = %scan3A_1985) -> (i32)  : i32 {
        %mul3A_2010 = arith.constant 16 : i32
        %mul3A_2011 = arith.muli %scan3A_2008, %mul3A_2010 : i32
        %add3A_2012 = arith.addi %add3A_1984, %mul3A_2011 : i32
        %get3A = arith.index_cast %add3A_2012 : i32 to index
        %get3A_2013 = tpu.vector_load %arg15[%get3A] {strides = array<i32>} : memref<16400xi32, #tpu.memory_space<vmem>>, vector<16xi32>,
        %get3A_2014 = vector.shape_cast %get3A_2013 : vector<16xi32> to vector<16xi32>
        %sub3A = vector.broadcast %mul3A_757 : i32 to vector<16xi32>
        %sub3A_2015 = arith.subi %get3A_2014, %sub3A : vector<16xi32>
        %mul3A_2016 = arith.constant 16 : i32
        %mul3A_2017 = arith.muli %scan3A_2008, %mul3A_2016 : i32
        %add3A_2018 = arith.addi %add3A_1984, %mul3A_2017 : i32
        %get3A_2019 = arith.index_cast %add3A_2018 : i32 to index
        %get3A_2020 = tpu.vector_load %arg16[%get3A_2019] {strides = array<i32>} : memref<16400xf32, #tpu.memory_space<vmem>>, vector<16xf32>,
        %get3A_2021 = vector.shape_cast %get3A_2020 : vector<16xf32> to vector<16xf32>
        %bitcast3A = vector.bitcast %sub3A_2015 : vector<16xi32> to vector<16xi32>
        %lt3A = arith.constant 1048576 : i32
        %lt3A_2022 = vector.broadcast %lt3A : i32 to vector<16xi32>
        %lt3A_2023 = arith.cmpi ult, %bitcast3A, %lt3A_2022 : vector<16xi32>
        %and3A = arith.constant 1048575 : i32
        %and3A_2024 = vector.broadcast %and3A : i32 to vector<16xi32>
        %and3A_2025 = arith.andi %sub3A_2015, %and3A_2024 : vector<16xi32>
        %mul3A_2026 = arith.constant 16 : i32
        %mul3A_2027 = arith.muli %scan3A_2008, %mul3A_2026 : i32
        %swap3A = arith.index_cast %mul3A_2027 : i32 to index
        %swap3A_2028 = tpu.vector_load %arg17[%swap3A] {strides = array<i32>} : memref<2048xi32, #tpu.memory_space<vmem>>, vector<16xi32>,
        %swap3A_2029 = vector.shape_cast %swap3A_2028 : vector<16xi32> to vector<16xi32>
        %swap3A_2030 = vector.shape_cast %and3A_2025 : vector<16xi32> to vector<16xi32>
        tpu.vector_store %arg17[%swap3A], %swap3A_2030 {strides = array<i32>} : memref<2048xi32, #tpu.memory_space<vmem>>, vector<16xi32>,
        %jit3A = arith.constant 0.000000e+00 : f32
        %broadcast_in_dim3A_2031 = vector.broadcast %jit3A : f32 to vector<16xf32>
        %select_n3A = arith.select %lt3A_2023, %get3A_2021, %broadcast_in_dim3A_2031 : vector<16xi1>, vector<16xf32>
        %mul3A_2032 = arith.constant 16 : i32
        %mul3A_2033 = arith.muli %scan3A_2008, %mul3A_2032 : i32
        %swap3A_2034 = arith.index_cast %mul3A_2033 : i32 to index
        %swap3A_2035 = tpu.vector_load %arg19[%swap3A_2034] {strides = array<i32>} : memref<2048xf32, #tpu.memory_space<vmem>>, vector<16xf32>,
        %swap3A_2036 = vector.shape_cast %swap3A_2035 : vector<16xf32> to vector<16xf32>
        %swap3A_2037 = vector.shape_cast %select_n3A : vector<16xf32> to vector<16xf32>
        tpu.vector_store %arg19[%swap3A_2034], %swap3A_2037 {strides = array<i32>} : memref<2048xf32, #tpu.memory_space<vmem>>, vector<16xf32>,
        %scan3A_2038 = arith.constant 0 : i32
        scf.yield %scan3A_2038 : i32
      }
      %scan3A_1991 = arith.constant 128 : i32
      %dma_start3A_1992 = arith.constant 0 : i32
      %dma_start3A_1993 = tpu.memref_slice %arg22[%dma_start3A_1992] : memref<1048576xf32, #tpu.memory_space<vmem_shared>> -> memref<1048576xf32, #tpu.memory_space<vmem_shared>>
      tpu.enqueue_indirect_dma source(%arg19 : memref<2048xf32, #tpu.memory_space<vmem>>) target(%dma_start3A_1993 : memref<1048576xf32, #tpu.memory_space<vmem_shared>>) offsets(%arg17 : memref<2048xi32, #tpu.memory_space<vmem>>) semaphore(%arg27 : memref<!tpu.dma_semaphore, #tpu.memory_space<semaphore_mem>>) {add = true}
      %mul3A_1994 = arith.constant 4096 : i32
      %mul3A_1995 = arith.muli %scan3A_1977, %mul3A_1994 : i32
      %add3A_1996 = arith.constant 2048 : i32
      %add3A_1997 = arith.addi %mul3A_1995, %add3A_1996 : i32
      %scan3A_1998 = arith.constant 0 : i32
      %scan3A_1999 = arith.constant 0 : i32
      %scan3A_2000 = arith.constant 128 : i32
      %scan3A_2001 = arith.addi %scan3A_1999, %scan3A_2000 : i32
      %scan3A_2002 = arith.constant 1 : i32
      %scan3A_2003 = scf.for %scan3A_2008 = %scan3A_1999 to %scan3A_2001 step %scan3A_2002 iter_args(%scan3A_2009 = %scan3A_1998) -> (i32)  : i32 {
        %mul3A_2010 = arith.constant 16 : i32
        %mul3A_2011 = arith.muli %scan3A_2008, %mul3A_2010 : i32
        %add3A_2012 = arith.addi %add3A_1997, %mul3A_2011 : i32
        %get3A = arith.index_cast %add3A_2012 : i32 to index
        %get3A_2013 = tpu.vector_load %arg15[%get3A] {strides = array<i32>} : memref<16400xi32, #tpu.memory_space<vmem>>, vector<16xi32>,
        %get3A_2014 = vector.shape_cast %get3A_2013 : vector<16xi32> to vector<16xi32>
        %sub3A = vector.broadcast %mul3A_757 : i32 to vector<16xi32>
        %sub3A_2015 = arith.subi %get3A_2014, %sub3A : vector<16xi32>
        %mul3A_2016 = arith.constant 16 : i32
        %mul3A_2017 = arith.muli %scan3A_2008, %mul3A_2016 : i32
        %add3A_2018 = arith.addi %add3A_1997, %mul3A_2017 : i32
        %get3A_2019 = arith.index_cast %add3A_2018 : i32 to index
        %get3A_2020 = tpu.vector_load %arg16[%get3A_2019] {strides = array<i32>} : memref<16400xf32, #tpu.memory_space<vmem>>, vector<16xf32>,
        %get3A_2021 = vector.shape_cast %get3A_2020 : vector<16xf32> to vector<16xf32>
        %bitcast3A = vector.bitcast %sub3A_2015 : vector<16xi32> to vector<16xi32>
        %lt3A = arith.constant 1048576 : i32
        %lt3A_2022 = vector.broadcast %lt3A : i32 to vector<16xi32>
        %lt3A_2023 = arith.cmpi ult, %bitcast3A, %lt3A_2022 : vector<16xi32>
        %and3A = arith.constant 1048575 : i32
        %and3A_2024 = vector.broadcast %and3A : i32 to vector<16xi32>
        %and3A_2025 = arith.andi %sub3A_2015, %and3A_2024 : vector<16xi32>
        %mul3A_2026 = arith.constant 16 : i32
        %mul3A_2027 = arith.muli %scan3A_2008, %mul3A_2026 : i32
        %swap3A = arith.index_cast %mul3A_2027 : i32 to index
        %swap3A_2028 = tpu.vector_load %arg18[%swap3A] {strides = array<i32>} : memref<2048xi32, #tpu.memory_space<vmem>>, vector<16xi32>,
        %swap3A_2029 = vector.shape_cast %swap3A_2028 : vector<16xi32> to vector<16xi32>
        %swap3A_2030 = vector.shape_cast %and3A_2025 : vector<16xi32> to vector<16xi32>
        tpu.vector_store %arg18[%swap3A], %swap3A_2030 {strides = array<i32>} : memref<2048xi32, #tpu.memory_space<vmem>>, vector<16xi32>,
        %jit3A = arith.constant 0.000000e+00 : f32
        %broadcast_in_dim3A_2031 = vector.broadcast %jit3A : f32 to vector<16xf32>
        %select_n3A = arith.select %lt3A_2023, %get3A_2021, %broadcast_in_dim3A_2031 : vector<16xi1>, vector<16xf32>
        %mul3A_2032 = arith.constant 16 : i32
        %mul3A_2033 = arith.muli %scan3A_2008, %mul3A_2032 : i32
        %swap3A_2034 = arith.index_cast %mul3A_2033 : i32 to index
        %swap3A_2035 = tpu.vector_load %arg20[%swap3A_2034] {strides = array<i32>} : memref<2048xf32, #tpu.memory_space<vmem>>, vector<16xf32>,
        %swap3A_2036 = vector.shape_cast %swap3A_2035 : vector<16xf32> to vector<16xf32>
        %swap3A_2037 = vector.shape_cast %select_n3A : vector<16xf32> to vector<16xf32>
        tpu.vector_store %arg20[%swap3A_2034], %swap3A_2037 {strides = array<i32>} : memref<2048xf32, #tpu.memory_space<vmem>>, vector<16xf32>,
        %scan3A_2038 = arith.constant 0 : i32
        scf.yield %scan3A_2038 : i32
      }
      %scan3A_2004 = arith.constant 128 : i32
      %dma_start3A_2005 = arith.constant 0 : i32
      %dma_start3A_2006 = tpu.memref_slice %arg22[%dma_start3A_2005] : memref<1048576xf32, #tpu.memory_space<vmem_shared>> -> memref<1048576xf32, #tpu.memory_space<vmem_shared>>
      tpu.enqueue_indirect_dma source(%arg20 : memref<2048xf32, #tpu.memory_space<vmem>>) target(%dma_start3A_2006 : memref<1048576xf32, #tpu.memory_space<vmem_shared>>) offsets(%arg18 : memref<2048xi32, #tpu.memory_space<vmem>>) semaphore(%arg28 : memref<!tpu.dma_semaphore, #tpu.memory_space<semaphore_mem>>) {add = true}
      %scan3A_2007 = arith.constant 0 : i32
      scf.yield %scan3A_2007 : i32
    }
    %scan3A_764 = arith.constant 4 : i32
    %dma_wait3A_765 = arith.constant 0 : i32
    %dma_wait3A_766 = tpu.memref_slice %arg22[%dma_wait3A_765] : memref<1048576xf32, #tpu.memory_space<vmem_shared>> -> memref<1048576xf32, #tpu.memory_space<vmem_shared>>
    tpu.wait_indirect_dma semaphore(%arg27 : memref<!tpu.dma_semaphore, #tpu.memory_space<semaphore_mem>>) src(%arg19 : memref<2048xf32, #tpu.memory_space<vmem>>) dst(%dma_wait3A_766 : memref<1048576xf32, #tpu.memory_space<vmem_shared>>)
    %dma_wait3A_767 = arith.constant 0 : i32
    %dma_wait3A_768 = tpu.memref_slice %arg22[%dma_wait3A_767] : memref<1048576xf32, #tpu.memory_space<vmem_shared>> -> memref<1048576xf32, #tpu.memory_space<vmem_shared>>
    tpu.wait_indirect_dma semaphore(%arg28 : memref<!tpu.dma_semaphore, #tpu.memory_space<semaphore_mem>>) src(%arg20 : memref<2048xf32, #tpu.memory_space<vmem>>) dst(%dma_wait3A_768 : memref<1048576xf32, #tpu.memory_space<vmem_shared>>)
    %barrier3A_769 = arith.constant 0 : index
    tpu.barrier barrier_id(%barrier3A_769)
    %mul3A_770 = arith.constant 65536 : i32
    %mul3A_771 = arith.muli %arg1, %mul3A_770 : i32
    %add3A_772 = arith.constant 0 : i32
    %add3A_773 = arith.addi %mul3A_771, %add3A_772 : i32
    %mul3A_774 = arith.constant 65536 : i32
    %mul3A_775 = arith.muli %arg1, %mul3A_774 : i32
    %add3A_776 = arith.addi %mul3A_757, %mul3A_775 : i32
    %add3A_777 = arith.constant 0 : i32
    %add3A_778 = arith.addi %add3A_776, %add3A_777 : i32
    %dma_start3A_779 = tpu.memref_slice %arg6[%add3A_778] : memref<16777216xf32, #tpu.memory_space<hbm>> -> memref<16384xf32, #tpu.memory_space<hbm>>
    %dma_start3A_780 = tpu.memref_slice %arg22[%add3A_773] : memref<1048576xf32, #tpu.memory_space<vmem_shared>> -> memref<16384xf32, #tpu.memory_space<vmem_shared>>
    tpu.enqueue_dma source(%dma_start3A_780 : memref<16384xf32, #tpu.memory_space<vmem_shared>>) target(%dma_start3A_779 : memref<16384xf32, #tpu.memory_space<hbm>>) target_semaphore(%arg30 : memref<!tpu.dma_semaphore, #tpu.memory_space<semaphore_mem>>)
    %mul3A_781 = arith.constant 65536 : i32
    %mul3A_782 = arith.muli %arg1, %mul3A_781 : i32
    %add3A_783 = arith.constant 16384 : i32
    %add3A_784 = arith.addi %mul3A_782, %add3A_783 : i32
    %mul3A_785 = arith.constant 65536 : i32
    %mul3A_786 = arith.muli %arg1, %mul3A_785 : i32
    %add3A_787 = arith.addi %mul3A_757, %mul3A_786 : i32
    %add3A_788 = arith.constant 16384 : i32
    %add3A_789 = arith.addi %add3A_787, %add3A_788 : i32
    %dma_start3A_790 = tpu.memref_slice %arg6[%add3A_789] : memref<16777216xf32, #tpu.memory_space<hbm>> -> memref<16384xf32, #tpu.memory_space<hbm>>
    %dma_start3A_791 = tpu.memref_slice %arg22[%add3A_784] : memref<1048576xf32, #tpu.memory_space<vmem_shared>> -> memref<16384xf32, #tpu.memory_space<vmem_shared>>
    tpu.enqueue_dma source(%dma_start3A_791 : memref<16384xf32, #tpu.memory_space<vmem_shared>>) target(%dma_start3A_790 : memref<16384xf32, #tpu.memory_space<hbm>>) target_semaphore(%arg31 : memref<!tpu.dma_semaphore, #tpu.memory_space<semaphore_mem>>)
    %mul3A_792 = arith.constant 65536 : i32
    %mul3A_793 = arith.muli %arg1, %mul3A_792 : i32
    %add3A_794 = arith.constant 32768 : i32
    %add3A_795 = arith.addi %mul3A_793, %add3A_794 : i32
    %mul3A_796 = arith.constant 65536 : i32
    %mul3A_797 = arith.muli %arg1, %mul3A_796 : i32
    %add3A_798 = arith.addi %mul3A_757, %mul3A_797 : i32
    %add3A_799 = arith.constant 32768 : i32
    %add3A_800 = arith.addi %add3A_798, %add3A_799 : i32
    %dma_start3A_801 = tpu.memref_slice %arg6[%add3A_800] : memref<16777216xf32, #tpu.memory_space<hbm>> -> memref<16384xf32, #tpu.memory_space<hbm>>
    %dma_start3A_802 = tpu.memref_slice %arg22[%add3A_795] : memref<1048576xf32, #tpu.memory_space<vmem_shared>> -> memref<16384xf32, #tpu.memory_space<vmem_shared>>
    tpu.enqueue_dma source(%dma_start3A_802 : memref<16384xf32, #tpu.memory_space<vmem_shared>>) target(%dma_start3A_801 : memref<16384xf32, #tpu.memory_space<hbm>>) target_semaphore(%arg32 : memref<!tpu.dma_semaphore, #tpu.memory_space<semaphore_mem>>)
    %mul3A_803 = arith.constant 65536 : i32
    %mul3A_804 = arith.muli %arg1, %mul3A_803 : i32
    %add3A_805 = arith.constant 49152 : i32
    %add3A_806 = arith.addi %mul3A_804, %add3A_805 : i32
    %mul3A_807 = arith.constant 65536 : i32
    %mul3A_808 = arith.muli %arg1, %mul3A_807 : i32
    %add3A_809 = arith.addi %mul3A_757, %mul3A_808 : i32
    %add3A_810 = arith.constant 49152 : i32
    %add3A_811 = arith.addi %add3A_809, %add3A_810 : i32
    %dma_start3A_812 = tpu.memref_slice %arg6[%add3A_811] : memref<16777216xf32, #tpu.memory_space<hbm>> -> memref<16384xf32, #tpu.memory_space<hbm>>
    %dma_start3A_813 = tpu.memref_slice %arg22[%add3A_806] : memref<1048576xf32, #tpu.memory_space<vmem_shared>> -> memref<16384xf32, #tpu.memory_space<vmem_shared>>
    tpu.enqueue_dma source(%dma_start3A_813 : memref<16384xf32, #tpu.memory_space<vmem_shared>>) target(%dma_start3A_812 : memref<16384xf32, #tpu.memory_space<hbm>>) target_semaphore(%arg33 : memref<!tpu.dma_semaphore, #tpu.memory_space<semaphore_mem>>)
    %dma_wait3A_814 = tpu.memref_slice %arg6[%add3A_778] : memref<16777216xf32, #tpu.memory_space<hbm>> -> memref<16384xf32, #tpu.memory_space<hbm>>
    %dma_wait3A_815 = tpu.memref_slice %arg22[%add3A_773] : memref<1048576xf32, #tpu.memory_space<vmem_shared>> -> memref<16384xf32, #tpu.memory_space<vmem_shared>>
    tpu.wait_dma2 semaphore(%arg30 : memref<!tpu.dma_semaphore, #tpu.memory_space<semaphore_mem>>) src(%dma_wait3A_815 : memref<16384xf32, #tpu.memory_space<vmem_shared>>) dst(%dma_wait3A_814 : memref<16384xf32, #tpu.memory_space<hbm>>)
    %mul3A_816 = arith.constant 65536 : i32
    %mul3A_817 = arith.muli %arg1, %mul3A_816 : i32
    %add3A_818 = arith.constant 0 : i32
    %add3A_819 = arith.addi %mul3A_817, %add3A_818 : i32
    %add3A_820 = arith.constant 0 : i32
    %add3A_821 = arith.addi %add3A_819, %add3A_820 : i32
    %dma_start3A_822 = tpu.memref_slice %arg22[%add3A_821] : memref<1048576xf32, #tpu.memory_space<vmem_shared>> -> memref<4096xf32, #tpu.memory_space<vmem_shared>>
    %dma_start3A_823 = tpu.memref_slice %arg22[%add3A_821] : memref<1048576xf32, #tpu.memory_space<vmem_shared>> -> memref<4096xf32, #tpu.memory_space<vmem_shared>>
    tpu.enqueue_dma source(%arg21 : memref<4096xf32, #tpu.memory_space<vmem>>) target(%dma_start3A_823 : memref<4096xf32, #tpu.memory_space<vmem_shared>>) target_semaphore(%arg29 : memref<!tpu.dma_semaphore, #tpu.memory_space<semaphore_mem>>)
    %mul3A_824 = arith.constant 65536 : i32
    %mul3A_825 = arith.muli %arg1, %mul3A_824 : i32
    %add3A_826 = arith.constant 0 : i32
    %add3A_827 = arith.addi %mul3A_825, %add3A_826 : i32
    %add3A_828 = arith.constant 4096 : i32
    %add3A_829 = arith.addi %add3A_827, %add3A_828 : i32
    %dma_start3A_830 = tpu.memref_slice %arg22[%add3A_829] : memref<1048576xf32, #tpu.memory_space<vmem_shared>> -> memref<4096xf32, #tpu.memory_space<vmem_shared>>
    %dma_start3A_831 = tpu.memref_slice %arg22[%add3A_829] : memref<1048576xf32, #tpu.memory_space<vmem_shared>> -> memref<4096xf32, #tpu.memory_space<vmem_shared>>
    tpu.enqueue_dma source(%arg21 : memref<4096xf32, #tpu.memory_space<vmem>>) target(%dma_start3A_831 : memref<4096xf32, #tpu.memory_space<vmem_shared>>) target_semaphore(%arg29 : memref<!tpu.dma_semaphore, #tpu.memory_space<semaphore_mem>>)
    %mul3A_832 = arith.constant 65536 : i32
    %mul3A_833 = arith.muli %arg1, %mul3A_832 : i32
    %add3A_834 = arith.constant 0 : i32
    %add3A_835 = arith.addi %mul3A_833, %add3A_834 : i32
    %add3A_836 = arith.constant 8192 : i32
    %add3A_837 = arith.addi %add3A_835, %add3A_836 : i32
    %dma_start3A_838 = tpu.memref_slice %arg22[%add3A_837] : memref<1048576xf32, #tpu.memory_space<vmem_shared>> -> memref<4096xf32, #tpu.memory_space<vmem_shared>>
    %dma_start3A_839 = tpu.memref_slice %arg22[%add3A_837] : memref<1048576xf32, #tpu.memory_space<vmem_shared>> -> memref<4096xf32, #tpu.memory_space<vmem_shared>>
    tpu.enqueue_dma source(%arg21 : memref<4096xf32, #tpu.memory_space<vmem>>) target(%dma_start3A_839 : memref<4096xf32, #tpu.memory_space<vmem_shared>>) target_semaphore(%arg29 : memref<!tpu.dma_semaphore, #tpu.memory_space<semaphore_mem>>)
    %mul3A_840 = arith.constant 65536 : i32
    %mul3A_841 = arith.muli %arg1, %mul3A_840 : i32
    %add3A_842 = arith.constant 0 : i32
    %add3A_843 = arith.addi %mul3A_841, %add3A_842 : i32
    %add3A_844 = arith.constant 12288 : i32
    %add3A_845 = arith.addi %add3A_843, %add3A_844 : i32
    %dma_start3A_846 = tpu.memref_slice %arg22[%add3A_845] : memref<1048576xf32, #tpu.memory_space<vmem_shared>> -> memref<4096xf32, #tpu.memory_space<vmem_shared>>
    %dma_start3A_847 = tpu.memref_slice %arg22[%add3A_845] : memref<1048576xf32, #tpu.memory_space<vmem_shared>> -> memref<4096xf32, #tpu.memory_space<vmem_shared>>
    tpu.enqueue_dma source(%arg21 : memref<4096xf32, #tpu.memory_space<vmem>>) target(%dma_start3A_847 : memref<4096xf32, #tpu.memory_space<vmem_shared>>) target_semaphore(%arg29 : memref<!tpu.dma_semaphore, #tpu.memory_space<semaphore_mem>>)
    %dma_wait3A_848 = tpu.memref_slice %arg6[%add3A_789] : memref<16777216xf32, #tpu.memory_space<hbm>> -> memref<16384xf32, #tpu.memory_space<hbm>>
    %dma_wait3A_849 = tpu.memref_slice %arg22[%add3A_784] : memref<1048576xf32, #tpu.memory_space<vmem_shared>> -> memref<16384xf32, #tpu.memory_space<vmem_shared>>
    tpu.wait_dma2 semaphore(%arg31 : memref<!tpu.dma_semaphore, #tpu.memory_space<semaphore_mem>>) src(%dma_wait3A_849 : memref<16384xf32, #tpu.memory_space<vmem_shared>>) dst(%dma_wait3A_848 : memref<16384xf32, #tpu.memory_space<hbm>>)
    %mul3A_850 = arith.constant 65536 : i32
    %mul3A_851 = arith.muli %arg1, %mul3A_850 : i32
    %add3A_852 = arith.constant 16384 : i32
    %add3A_853 = arith.addi %mul3A_851, %add3A_852 : i32
    %add3A_854 = arith.constant 0 : i32
    %add3A_855 = arith.addi %add3A_853, %add3A_854 : i32
    %dma_start3A_856 = tpu.memref_slice %arg22[%add3A_855] : memref<1048576xf32, #tpu.memory_space<vmem_shared>> -> memref<4096xf32, #tpu.memory_space<vmem_shared>>
    %dma_start3A_857 = tpu.memref_slice %arg22[%add3A_855] : memref<1048576xf32, #tpu.memory_space<vmem_shared>> -> memref<4096xf32, #tpu.memory_space<vmem_shared>>
    tpu.enqueue_dma source(%arg21 : memref<4096xf32, #tpu.memory_space<vmem>>) target(%dma_start3A_857 : memref<4096xf32, #tpu.memory_space<vmem_shared>>) target_semaphore(%arg29 : memref<!tpu.dma_semaphore, #tpu.memory_space<semaphore_mem>>)
    %mul3A_858 = arith.constant 65536 : i32
    %mul3A_859 = arith.muli %arg1, %mul3A_858 : i32
    %add3A_860 = arith.constant 16384 : i32
    %add3A_861 = arith.addi %mul3A_859, %add3A_860 : i32
    %add3A_862 = arith.constant 4096 : i32
    %add3A_863 = arith.addi %add3A_861, %add3A_862 : i32
    %dma_start3A_864 = tpu.memref_slice %arg22[%add3A_863] : memref<1048576xf32, #tpu.memory_space<vmem_shared>> -> memref<4096xf32, #tpu.memory_space<vmem_shared>>
    %dma_start3A_865 = tpu.memref_slice %arg22[%add3A_863] : memref<1048576xf32, #tpu.memory_space<vmem_shared>> -> memref<4096xf32, #tpu.memory_space<vmem_shared>>
    tpu.enqueue_dma source(%arg21 : memref<4096xf32, #tpu.memory_space<vmem>>) target(%dma_start3A_865 : memref<4096xf32, #tpu.memory_space<vmem_shared>>) target_semaphore(%arg29 : memref<!tpu.dma_semaphore, #tpu.memory_space<semaphore_mem>>)
    %mul3A_866 = arith.constant 65536 : i32
    %mul3A_867 = arith.muli %arg1, %mul3A_866 : i32
    %add3A_868 = arith.constant 16384 : i32
    %add3A_869 = arith.addi %mul3A_867, %add3A_868 : i32
    %add3A_870 = arith.constant 8192 : i32
    %add3A_871 = arith.addi %add3A_869, %add3A_870 : i32
    %dma_start3A_872 = tpu.memref_slice %arg22[%add3A_871] : memref<1048576xf32, #tpu.memory_space<vmem_shared>> -> memref<4096xf32, #tpu.memory_space<vmem_shared>>
    %dma_start3A_873 = tpu.memref_slice %arg22[%add3A_871] : memref<1048576xf32, #tpu.memory_space<vmem_shared>> -> memref<4096xf32, #tpu.memory_space<vmem_shared>>
    tpu.enqueue_dma source(%arg21 : memref<4096xf32, #tpu.memory_space<vmem>>) target(%dma_start3A_873 : memref<4096xf32, #tpu.memory_space<vmem_shared>>) target_semaphore(%arg29 : memref<!tpu.dma_semaphore, #tpu.memory_space<semaphore_mem>>)
    %mul3A_874 = arith.constant 65536 : i32
    %mul3A_875 = arith.muli %arg1, %mul3A_874 : i32
    %add3A_876 = arith.constant 16384 : i32
    %add3A_877 = arith.addi %mul3A_875, %add3A_876 : i32
    %add3A_878 = arith.constant 12288 : i32
    %add3A_879 = arith.addi %add3A_877, %add3A_878 : i32
    %dma_start3A_880 = tpu.memref_slice %arg22[%add3A_879] : memref<1048576xf32, #tpu.memory_space<vmem_shared>> -> memref<4096xf32, #tpu.memory_space<vmem_shared>>
    %dma_start3A_881 = tpu.memref_slice %arg22[%add3A_879] : memref<1048576xf32, #tpu.memory_space<vmem_shared>> -> memref<4096xf32, #tpu.memory_space<vmem_shared>>
    tpu.enqueue_dma source(%arg21 : memref<4096xf32, #tpu.memory_space<vmem>>) target(%dma_start3A_881 : memref<4096xf32, #tpu.memory_space<vmem_shared>>) target_semaphore(%arg29 : memref<!tpu.dma_semaphore, #tpu.memory_space<semaphore_mem>>)
    %dma_wait3A_882 = tpu.memref_slice %arg6[%add3A_800] : memref<16777216xf32, #tpu.memory_space<hbm>> -> memref<16384xf32, #tpu.memory_space<hbm>>
    %dma_wait3A_883 = tpu.memref_slice %arg22[%add3A_795] : memref<1048576xf32, #tpu.memory_space<vmem_shared>> -> memref<16384xf32, #tpu.memory_space<vmem_shared>>
    tpu.wait_dma2 semaphore(%arg32 : memref<!tpu.dma_semaphore, #tpu.memory_space<semaphore_mem>>) src(%dma_wait3A_883 : memref<16384xf32, #tpu.memory_space<vmem_shared>>) dst(%dma_wait3A_882 : memref<16384xf32, #tpu.memory_space<hbm>>)
    %mul3A_884 = arith.constant 65536 : i32
    %mul3A_885 = arith.muli %arg1, %mul3A_884 : i32
    %add3A_886 = arith.constant 32768 : i32
    %add3A_887 = arith.addi %mul3A_885, %add3A_886 : i32
    %add3A_888 = arith.constant 0 : i32
    %add3A_889 = arith.addi %add3A_887, %add3A_888 : i32
    %dma_start3A_890 = tpu.memref_slice %arg22[%add3A_889] : memref<1048576xf32, #tpu.memory_space<vmem_shared>> -> memref<4096xf32, #tpu.memory_space<vmem_shared>>
    %dma_start3A_891 = tpu.memref_slice %arg22[%add3A_889] : memref<1048576xf32, #tpu.memory_space<vmem_shared>> -> memref<4096xf32, #tpu.memory_space<vmem_shared>>
    tpu.enqueue_dma source(%arg21 : memref<4096xf32, #tpu.memory_space<vmem>>) target(%dma_start3A_891 : memref<4096xf32, #tpu.memory_space<vmem_shared>>) target_semaphore(%arg29 : memref<!tpu.dma_semaphore, #tpu.memory_space<semaphore_mem>>)
    %mul3A_892 = arith.constant 65536 : i32
    %mul3A_893 = arith.muli %arg1, %mul3A_892 : i32
    %add3A_894 = arith.constant 32768 : i32
    %add3A_895 = arith.addi %mul3A_893, %add3A_894 : i32
    %add3A_896 = arith.constant 4096 : i32
    %add3A_897 = arith.addi %add3A_895, %add3A_896 : i32
    %dma_start3A_898 = tpu.memref_slice %arg22[%add3A_897] : memref<1048576xf32, #tpu.memory_space<vmem_shared>> -> memref<4096xf32, #tpu.memory_space<vmem_shared>>
    %dma_start3A_899 = tpu.memref_slice %arg22[%add3A_897] : memref<1048576xf32, #tpu.memory_space<vmem_shared>> -> memref<4096xf32, #tpu.memory_space<vmem_shared>>
    tpu.enqueue_dma source(%arg21 : memref<4096xf32, #tpu.memory_space<vmem>>) target(%dma_start3A_899 : memref<4096xf32, #tpu.memory_space<vmem_shared>>) target_semaphore(%arg29 : memref<!tpu.dma_semaphore, #tpu.memory_space<semaphore_mem>>)
    %mul3A_900 = arith.constant 65536 : i32
    %mul3A_901 = arith.muli %arg1, %mul3A_900 : i32
    %add3A_902 = arith.constant 32768 : i32
    %add3A_903 = arith.addi %mul3A_901, %add3A_902 : i32
    %add3A_904 = arith.constant 8192 : i32
    %add3A_905 = arith.addi %add3A_903, %add3A_904 : i32
    %dma_start3A_906 = tpu.memref_slice %arg22[%add3A_905] : memref<1048576xf32, #tpu.memory_space<vmem_shared>> -> memref<4096xf32, #tpu.memory_space<vmem_shared>>
    %dma_start3A_907 = tpu.memref_slice %arg22[%add3A_905] : memref<1048576xf32, #tpu.memory_space<vmem_shared>> -> memref<4096xf32, #tpu.memory_space<vmem_shared>>
    tpu.enqueue_dma source(%arg21 : memref<4096xf32, #tpu.memory_space<vmem>>) target(%dma_start3A_907 : memref<4096xf32, #tpu.memory_space<vmem_shared>>) target_semaphore(%arg29 : memref<!tpu.dma_semaphore, #tpu.memory_space<semaphore_mem>>)
    %mul3A_908 = arith.constant 65536 : i32
    %mul3A_909 = arith.muli %arg1, %mul3A_908 : i32
    %add3A_910 = arith.constant 32768 : i32
    %add3A_911 = arith.addi %mul3A_909, %add3A_910 : i32
    %add3A_912 = arith.constant 12288 : i32
    %add3A_913 = arith.addi %add3A_911, %add3A_912 : i32
    %dma_start3A_914 = tpu.memref_slice %arg22[%add3A_913] : memref<1048576xf32, #tpu.memory_space<vmem_shared>> -> memref<4096xf32, #tpu.memory_space<vmem_shared>>
    %dma_start3A_915 = tpu.memref_slice %arg22[%add3A_913] : memref<1048576xf32, #tpu.memory_space<vmem_shared>> -> memref<4096xf32, #tpu.memory_space<vmem_shared>>
    tpu.enqueue_dma source(%arg21 : memref<4096xf32, #tpu.memory_space<vmem>>) target(%dma_start3A_915 : memref<4096xf32, #tpu.memory_space<vmem_shared>>) target_semaphore(%arg29 : memref<!tpu.dma_semaphore, #tpu.memory_space<semaphore_mem>>)
    %dma_wait3A_916 = tpu.memref_slice %arg6[%add3A_811] : memref<16777216xf32, #tpu.memory_space<hbm>> -> memref<16384xf32, #tpu.memory_space<hbm>>
    %dma_wait3A_917 = tpu.memref_slice %arg22[%add3A_806] : memref<1048576xf32, #tpu.memory_space<vmem_shared>> -> memref<16384xf32, #tpu.memory_space<vmem_shared>>
    tpu.wait_dma2 semaphore(%arg33 : memref<!tpu.dma_semaphore, #tpu.memory_space<semaphore_mem>>) src(%dma_wait3A_917 : memref<16384xf32, #tpu.memory_space<vmem_shared>>) dst(%dma_wait3A_916 : memref<16384xf32, #tpu.memory_space<hbm>>)
    %mul3A_918 = arith.constant 65536 : i32
    %mul3A_919 = arith.muli %arg1, %mul3A_918 : i32
    %add3A_920 = arith.constant 49152 : i32
    %add3A_921 = arith.addi %mul3A_919, %add3A_920 : i32
    %add3A_922 = arith.constant 0 : i32
    %add3A_923 = arith.addi %add3A_921, %add3A_922 : i32
    %dma_start3A_924 = tpu.memref_slice %arg22[%add3A_923] : memref<1048576xf32, #tpu.memory_space<vmem_shared>> -> memref<4096xf32, #tpu.memory_space<vmem_shared>>
    %dma_start3A_925 = tpu.memref_slice %arg22[%add3A_923] : memref<1048576xf32, #tpu.memory_space<vmem_shared>> -> memref<4096xf32, #tpu.memory_space<vmem_shared>>
    tpu.enqueue_dma source(%arg21 : memref<4096xf32, #tpu.memory_space<vmem>>) target(%dma_start3A_925 : memref<4096xf32, #tpu.memory_space<vmem_shared>>) target_semaphore(%arg29 : memref<!tpu.dma_semaphore, #tpu.memory_space<semaphore_mem>>)
    %mul3A_926 = arith.constant 65536 : i32
    %mul3A_927 = arith.muli %arg1, %mul3A_926 : i32
    %add3A_928 = arith.constant 49152 : i32
    %add3A_929 = arith.addi %mul3A_927, %add3A_928 : i32
    %add3A_930 = arith.constant 4096 : i32
    %add3A_931 = arith.addi %add3A_929, %add3A_930 : i32
    %dma_start3A_932 = tpu.memref_slice %arg22[%add3A_931] : memref<1048576xf32, #tpu.memory_space<vmem_shared>> -> memref<4096xf32, #tpu.memory_space<vmem_shared>>
    %dma_start3A_933 = tpu.memref_slice %arg22[%add3A_931] : memref<1048576xf32, #tpu.memory_space<vmem_shared>> -> memref<4096xf32, #tpu.memory_space<vmem_shared>>
    tpu.enqueue_dma source(%arg21 : memref<4096xf32, #tpu.memory_space<vmem>>) target(%dma_start3A_933 : memref<4096xf32, #tpu.memory_space<vmem_shared>>) target_semaphore(%arg29 : memref<!tpu.dma_semaphore, #tpu.memory_space<semaphore_mem>>)
    %mul3A_934 = arith.constant 65536 : i32
    %mul3A_935 = arith.muli %arg1, %mul3A_934 : i32
    %add3A_936 = arith.constant 49152 : i32
    %add3A_937 = arith.addi %mul3A_935, %add3A_936 : i32
    %add3A_938 = arith.constant 8192 : i32
    %add3A_939 = arith.addi %add3A_937, %add3A_938 : i32
    %dma_start3A_940 = tpu.memref_slice %arg22[%add3A_939] : memref<1048576xf32, #tpu.memory_space<vmem_shared>> -> memref<4096xf32, #tpu.memory_space<vmem_shared>>
    %dma_start3A_941 = tpu.memref_slice %arg22[%add3A_939] : memref<1048576xf32, #tpu.memory_space<vmem_shared>> -> memref<4096xf32, #tpu.memory_space<vmem_shared>>
    tpu.enqueue_dma source(%arg21 : memref<4096xf32, #tpu.memory_space<vmem>>) target(%dma_start3A_941 : memref<4096xf32, #tpu.memory_space<vmem_shared>>) target_semaphore(%arg29 : memref<!tpu.dma_semaphore, #tpu.memory_space<semaphore_mem>>)
    %mul3A_942 = arith.constant 65536 : i32
    %mul3A_943 = arith.muli %arg1, %mul3A_942 : i32
    %add3A_944 = arith.constant 49152 : i32
    %add3A_945 = arith.addi %mul3A_943, %add3A_944 : i32
    %add3A_946 = arith.constant 12288 : i32
    %add3A_947 = arith.addi %add3A_945, %add3A_946 : i32
    %dma_start3A_948 = tpu.memref_slice %arg22[%add3A_947] : memref<1048576xf32, #tpu.memory_space<vmem_shared>> -> memref<4096xf32, #tpu.memory_space<vmem_shared>>
    %dma_start3A_949 = tpu.memref_slice %arg22[%add3A_947] : memref<1048576xf32, #tpu.memory_space<vmem_shared>> -> memref<4096xf32, #tpu.memory_space<vmem_shared>>
    tpu.enqueue_dma source(%arg21 : memref<4096xf32, #tpu.memory_space<vmem>>) target(%dma_start3A_949 : memref<4096xf32, #tpu.memory_space<vmem_shared>>) target_semaphore(%arg29 : memref<!tpu.dma_semaphore, #tpu.memory_space<semaphore_mem>>)
    %dma_wait3A_950 = tpu.memref_slice %arg22[%add3A_821] : memref<1048576xf32, #tpu.memory_space<vmem_shared>> -> memref<4096xf32, #tpu.memory_space<vmem_shared>>
    %dma_wait3A_951 = tpu.memref_slice %arg22[%add3A_821] : memref<1048576xf32, #tpu.memory_space<vmem_shared>> -> memref<4096xf32, #tpu.memory_space<vmem_shared>>
    tpu.wait_dma2 semaphore(%arg29 : memref<!tpu.dma_semaphore, #tpu.memory_space<semaphore_mem>>) src(%arg21 : memref<4096xf32, #tpu.memory_space<vmem>>) dst(%dma_wait3A_951 : memref<4096xf32, #tpu.memory_space<vmem_shared>>)
    %dma_wait3A_952 = tpu.memref_slice %arg22[%add3A_829] : memref<1048576xf32, #tpu.memory_space<vmem_shared>> -> memref<4096xf32, #tpu.memory_space<vmem_shared>>
    %dma_wait3A_953 = tpu.memref_slice %arg22[%add3A_829] : memref<1048576xf32, #tpu.memory_space<vmem_shared>> -> memref<4096xf32, #tpu.memory_space<vmem_shared>>
    tpu.wait_dma2 semaphore(%arg29 : memref<!tpu.dma_semaphore, #tpu.memory_space<semaphore_mem>>) src(%arg21 : memref<4096xf32, #tpu.memory_space<vmem>>) dst(%dma_wait3A_953 : memref<4096xf32, #tpu.memory_space<vmem_shared>>)
    %dma_wait3A_954 = tpu.memref_slice %arg22[%add3A_837] : memref<1048576xf32, #tpu.memory_space<vmem_shared>> -> memref<4096xf32, #tpu.memory_space<vmem_shared>>
    %dma_wait3A_955 = tpu.memref_slice %arg22[%add3A_837] : memref<1048576xf32, #tpu.memory_space<vmem_shared>> -> memref<4096xf32, #tpu.memory_space<vmem_shared>>
    tpu.wait_dma2 semaphore(%arg29 : memref<!tpu.dma_semaphore, #tpu.memory_space<semaphore_mem>>) src(%arg21 : memref<4096xf32, #tpu.memory_space<vmem>>) dst(%dma_wait3A_955 : memref<4096xf32, #tpu.memory_space<vmem_shared>>)
    %dma_wait3A_956 = tpu.memref_slice %arg22[%add3A_845] : memref<1048576xf32, #tpu.memory_space<vmem_shared>> -> memref<4096xf32, #tpu.memory_space<vmem_shared>>
    %dma_wait3A_957 = tpu.memref_slice %arg22[%add3A_845] : memref<1048576xf32, #tpu.memory_space<vmem_shared>> -> memref<4096xf32, #tpu.memory_space<vmem_shared>>
    tpu.wait_dma2 semaphore(%arg29 : memref<!tpu.dma_semaphore, #tpu.memory_space<semaphore_mem>>) src(%arg21 : memref<4096xf32, #tpu.memory_space<vmem>>) dst(%dma_wait3A_957 : memref<4096xf32, #tpu.memory_space<vmem_shared>>)
    %dma_wait3A_958 = tpu.memref_slice %arg22[%add3A_855] : memref<1048576xf32, #tpu.memory_space<vmem_shared>> -> memref<4096xf32, #tpu.memory_space<vmem_shared>>
    %dma_wait3A_959 = tpu.memref_slice %arg22[%add3A_855] : memref<1048576xf32, #tpu.memory_space<vmem_shared>> -> memref<4096xf32, #tpu.memory_space<vmem_shared>>
    tpu.wait_dma2 semaphore(%arg29 : memref<!tpu.dma_semaphore, #tpu.memory_space<semaphore_mem>>) src(%arg21 : memref<4096xf32, #tpu.memory_space<vmem>>) dst(%dma_wait3A_959 : memref<4096xf32, #tpu.memory_space<vmem_shared>>)
    %dma_wait3A_960 = tpu.memref_slice %arg22[%add3A_863] : memref<1048576xf32, #tpu.memory_space<vmem_shared>> -> memref<4096xf32, #tpu.memory_space<vmem_shared>>
    %dma_wait3A_961 = tpu.memref_slice %arg22[%add3A_863] : memref<1048576xf32, #tpu.memory_space<vmem_shared>> -> memref<4096xf32, #tpu.memory_space<vmem_shared>>
    tpu.wait_dma2 semaphore(%arg29 : memref<!tpu.dma_semaphore, #tpu.memory_space<semaphore_mem>>) src(%arg21 : memref<4096xf32, #tpu.memory_space<vmem>>) dst(%dma_wait3A_961 : memref<4096xf32, #tpu.memory_space<vmem_shared>>)
    %dma_wait3A_962 = tpu.memref_slice %arg22[%add3A_871] : memref<1048576xf32, #tpu.memory_space<vmem_shared>> -> memref<4096xf32, #tpu.memory_space<vmem_shared>>
    %dma_wait3A_963 = tpu.memref_slice %arg22[%add3A_871] : memref<1048576xf32, #tpu.memory_space<vmem_shared>> -> memref<4096xf32, #tpu.memory_space<vmem_shared>>
    tpu.wait_dma2 semaphore(%arg29 : memref<!tpu.dma_semaphore, #tpu.memory_space<semaphore_mem>>) src(%arg21 : memref<4096xf32, #tpu.memory_space<vmem>>) dst(%dma_wait3A_963 : memref<4096xf32, #tpu.memory_space<vmem_shared>>)
    %dma_wait3A_964 = tpu.memref_slice %arg22[%add3A_879] : memref<1048576xf32, #tpu.memory_space<vmem_shared>> -> memref<4096xf32, #tpu.memory_space<vmem_shared>>
    %dma_wait3A_965 = tpu.memref_slice %arg22[%add3A_879] : memref<1048576xf32, #tpu.memory_space<vmem_shared>> -> memref<4096xf32, #tpu.memory_space<vmem_shared>>
    tpu.wait_dma2 semaphore(%arg29 : memref<!tpu.dma_semaphore, #tpu.memory_space<semaphore_mem>>) src(%arg21 : memref<4096xf32, #tpu.memory_space<vmem>>) dst(%dma_wait3A_965 : memref<4096xf32, #tpu.memory_space<vmem_shared>>)
    %dma_wait3A_966 = tpu.memref_slice %arg22[%add3A_889] : memref<1048576xf32, #tpu.memory_space<vmem_shared>> -> memref<4096xf32, #tpu.memory_space<vmem_shared>>
    %dma_wait3A_967 = tpu.memref_slice %arg22[%add3A_889] : memref<1048576xf32, #tpu.memory_space<vmem_shared>> -> memref<4096xf32, #tpu.memory_space<vmem_shared>>
    tpu.wait_dma2 semaphore(%arg29 : memref<!tpu.dma_semaphore, #tpu.memory_space<semaphore_mem>>) src(%arg21 : memref<4096xf32, #tpu.memory_space<vmem>>) dst(%dma_wait3A_967 : memref<4096xf32, #tpu.memory_space<vmem_shared>>)
    %dma_wait3A_968 = tpu.memref_slice %arg22[%add3A_897] : memref<1048576xf32, #tpu.memory_space<vmem_shared>> -> memref<4096xf32, #tpu.memory_space<vmem_shared>>
    %dma_wait3A_969 = tpu.memref_slice %arg22[%add3A_897] : memref<1048576xf32, #tpu.memory_space<vmem_shared>> -> memref<4096xf32, #tpu.memory_space<vmem_shared>>
    tpu.wait_dma2 semaphore(%arg29 : memref<!tpu.dma_semaphore, #tpu.memory_space<semaphore_mem>>) src(%arg21 : memref<4096xf32, #tpu.memory_space<vmem>>) dst(%dma_wait3A_969 : memref<4096xf32, #tpu.memory_space<vmem_shared>>)
    %dma_wait3A_970 = tpu.memref_slice %arg22[%add3A_905] : memref<1048576xf32, #tpu.memory_space<vmem_shared>> -> memref<4096xf32, #tpu.memory_space<vmem_shared>>
    %dma_wait3A_971 = tpu.memref_slice %arg22[%add3A_905] : memref<1048576xf32, #tpu.memory_space<vmem_shared>> -> memref<4096xf32, #tpu.memory_space<vmem_shared>>
    tpu.wait_dma2 semaphore(%arg29 : memref<!tpu.dma_semaphore, #tpu.memory_space<semaphore_mem>>) src(%arg21 : memref<4096xf32, #tpu.memory_space<vmem>>) dst(%dma_wait3A_971 : memref<4096xf32, #tpu.memory_space<vmem_shared>>)
    %dma_wait3A_972 = tpu.memref_slice %arg22[%add3A_913] : memref<1048576xf32, #tpu.memory_space<vmem_shared>> -> memref<4096xf32, #tpu.memory_space<vmem_shared>>
    %dma_wait3A_973 = tpu.memref_slice %arg22[%add3A_913] : memref<1048576xf32, #tpu.memory_space<vmem_shared>> -> memref<4096xf32, #tpu.memory_space<vmem_shared>>
    tpu.wait_dma2 semaphore(%arg29 : memref<!tpu.dma_semaphore, #tpu.memory_space<semaphore_mem>>) src(%arg21 : memref<4096xf32, #tpu.memory_space<vmem>>) dst(%dma_wait3A_973 : memref<4096xf32, #tpu.memory_space<vmem_shared>>)
    %dma_wait3A_974 = tpu.memref_slice %arg22[%add3A_923] : memref<1048576xf32, #tpu.memory_space<vmem_shared>> -> memref<4096xf32, #tpu.memory_space<vmem_shared>>
    %dma_wait3A_975 = tpu.memref_slice %arg22[%add3A_923] : memref<1048576xf32, #tpu.memory_space<vmem_shared>> -> memref<4096xf32, #tpu.memory_space<vmem_shared>>
    tpu.wait_dma2 semaphore(%arg29 : memref<!tpu.dma_semaphore, #tpu.memory_space<semaphore_mem>>) src(%arg21 : memref<4096xf32, #tpu.memory_space<vmem>>) dst(%dma_wait3A_975 : memref<4096xf32, #tpu.memory_space<vmem_shared>>)
    %dma_wait3A_976 = tpu.memref_slice %arg22[%add3A_931] : memref<1048576xf32, #tpu.memory_space<vmem_shared>> -> memref<4096xf32, #tpu.memory_space<vmem_shared>>
    %dma_wait3A_977 = tpu.memref_slice %arg22[%add3A_931] : memref<1048576xf32, #tpu.memory_space<vmem_shared>> -> memref<4096xf32, #tpu.memory_space<vmem_shared>>
    tpu.wait_dma2 semaphore(%arg29 : memref<!tpu.dma_semaphore, #tpu.memory_space<semaphore_mem>>) src(%arg21 : memref<4096xf32, #tpu.memory_space<vmem>>) dst(%dma_wait3A_977 : memref<4096xf32, #tpu.memory_space<vmem_shared>>)
    %dma_wait3A_978 = tpu.memref_slice %arg22[%add3A_939] : memref<1048576xf32, #tpu.memory_space<vmem_shared>> -> memref<4096xf32, #tpu.memory_space<vmem_shared>>
    %dma_wait3A_979 = tpu.memref_slice %arg22[%add3A_939] : memref<1048576xf32, #tpu.memory_space<vmem_shared>> -> memref<4096xf32, #tpu.memory_space<vmem_shared>>
    tpu.wait_dma2 semaphore(%arg29 : memref<!tpu.dma_semaphore, #tpu.memory_space<semaphore_mem>>) src(%arg21 : memref<4096xf32, #tpu.memory_space<vmem>>) dst(%dma_wait3A_979 : memref<4096xf32, #tpu.memory_space<vmem_shared>>)
    %dma_wait3A_980 = tpu.memref_slice %arg22[%add3A_947] : memref<1048576xf32, #tpu.memory_space<vmem_shared>> -> memref<4096xf32, #tpu.memory_space<vmem_shared>>
    %dma_wait3A_981 = tpu.memref_slice %arg22[%add3A_947] : memref<1048576xf32, #tpu.memory_space<vmem_shared>> -> memref<4096xf32, #tpu.memory_space<vmem_shared>>
    tpu.wait_dma2 semaphore(%arg29 : memref<!tpu.dma_semaphore, #tpu.memory_space<semaphore_mem>>) src(%arg21 : memref<4096xf32, #tpu.memory_space<vmem>>) dst(%dma_wait3A_981 : memref<4096xf32, #tpu.memory_space<vmem_shared>>)
    %barrier3A_982 = arith.constant 0 : index
    tpu.barrier barrier_id(%barrier3A_982)
    %mul3A_983 = arith.constant 8 : i32
    %mul3A_984 = arith.muli %arg0, %mul3A_983 : i32
    %add3A_985 = arith.constant 3 : i32
    %add3A_986 = arith.addi %mul3A_984, %add3A_985 : i32
    %mul3A_987 = arith.constant 1048576 : i32
    %mul3A_988 = arith.muli %add3A_986, %mul3A_987 : i32
    %scan3A_989 = arith.constant 0 : i32
    %scan3A_990 = arith.constant 0 : i32
    %scan3A_991 = arith.constant 4 : i32
    %scan3A_992 = arith.addi %scan3A_990, %scan3A_991 : i32
    %scan3A_993 = arith.constant 1 : i32
    %scan3A_994 = scf.for %scan3A_1977 = %scan3A_990 to %scan3A_992 step %scan3A_993 iter_args(%scan3A_1978 = %scan3A_989) -> (i32)  : i32 {
      %gt3A = arith.constant 0 : i32
      %gt3A_1979 = arith.cmpi sgt, %scan3A_1977, %gt3A : i32
      %convert_element_type3A = arith.extui %gt3A_1979 : i1 to i32
      %cond3A = arith.constant 0 : i32
      %cond3A_1980 = arith.cmpi ne, %convert_element_type3A, %cond3A : i32
      scf.if %cond3A_1980 {
        %dma_wait3A_2008 = arith.constant 0 : i32
        %dma_wait3A_2009 = tpu.memref_slice %arg22[%dma_wait3A_2008] : memref<1048576xf32, #tpu.memory_space<vmem_shared>> -> memref<1048576xf32, #tpu.memory_space<vmem_shared>>
        tpu.wait_indirect_dma semaphore(%arg27 : memref<!tpu.dma_semaphore, #tpu.memory_space<semaphore_mem>>) src(%arg19 : memref<2048xf32, #tpu.memory_space<vmem>>) dst(%dma_wait3A_2009 : memref<1048576xf32, #tpu.memory_space<vmem_shared>>)
        %dma_wait3A_2010 = arith.constant 0 : i32
        %dma_wait3A_2011 = tpu.memref_slice %arg22[%dma_wait3A_2010] : memref<1048576xf32, #tpu.memory_space<vmem_shared>> -> memref<1048576xf32, #tpu.memory_space<vmem_shared>>
        tpu.wait_indirect_dma semaphore(%arg28 : memref<!tpu.dma_semaphore, #tpu.memory_space<semaphore_mem>>) src(%arg20 : memref<2048xf32, #tpu.memory_space<vmem>>) dst(%dma_wait3A_2011 : memref<1048576xf32, #tpu.memory_space<vmem_shared>>)
      } else {
      }
      %mul3A_1981 = arith.constant 4096 : i32
      %mul3A_1982 = arith.muli %scan3A_1977, %mul3A_1981 : i32
      %add3A_1983 = arith.constant 0 : i32
      %add3A_1984 = arith.addi %mul3A_1982, %add3A_1983 : i32
      %scan3A_1985 = arith.constant 0 : i32
      %scan3A_1986 = arith.constant 0 : i32
      %scan3A_1987 = arith.constant 128 : i32
      %scan3A_1988 = arith.addi %scan3A_1986, %scan3A_1987 : i32
      %scan3A_1989 = arith.constant 1 : i32
      %scan3A_1990 = scf.for %scan3A_2008 = %scan3A_1986 to %scan3A_1988 step %scan3A_1989 iter_args(%scan3A_2009 = %scan3A_1985) -> (i32)  : i32 {
        %mul3A_2010 = arith.constant 16 : i32
        %mul3A_2011 = arith.muli %scan3A_2008, %mul3A_2010 : i32
        %add3A_2012 = arith.addi %add3A_1984, %mul3A_2011 : i32
        %get3A = arith.index_cast %add3A_2012 : i32 to index
        %get3A_2013 = tpu.vector_load %arg15[%get3A] {strides = array<i32>} : memref<16400xi32, #tpu.memory_space<vmem>>, vector<16xi32>,
        %get3A_2014 = vector.shape_cast %get3A_2013 : vector<16xi32> to vector<16xi32>
        %sub3A = vector.broadcast %mul3A_988 : i32 to vector<16xi32>
        %sub3A_2015 = arith.subi %get3A_2014, %sub3A : vector<16xi32>
        %mul3A_2016 = arith.constant 16 : i32
        %mul3A_2017 = arith.muli %scan3A_2008, %mul3A_2016 : i32
        %add3A_2018 = arith.addi %add3A_1984, %mul3A_2017 : i32
        %get3A_2019 = arith.index_cast %add3A_2018 : i32 to index
        %get3A_2020 = tpu.vector_load %arg16[%get3A_2019] {strides = array<i32>} : memref<16400xf32, #tpu.memory_space<vmem>>, vector<16xf32>,
        %get3A_2021 = vector.shape_cast %get3A_2020 : vector<16xf32> to vector<16xf32>
        %bitcast3A = vector.bitcast %sub3A_2015 : vector<16xi32> to vector<16xi32>
        %lt3A = arith.constant 1048576 : i32
        %lt3A_2022 = vector.broadcast %lt3A : i32 to vector<16xi32>
        %lt3A_2023 = arith.cmpi ult, %bitcast3A, %lt3A_2022 : vector<16xi32>
        %and3A = arith.constant 1048575 : i32
        %and3A_2024 = vector.broadcast %and3A : i32 to vector<16xi32>
        %and3A_2025 = arith.andi %sub3A_2015, %and3A_2024 : vector<16xi32>
        %mul3A_2026 = arith.constant 16 : i32
        %mul3A_2027 = arith.muli %scan3A_2008, %mul3A_2026 : i32
        %swap3A = arith.index_cast %mul3A_2027 : i32 to index
        %swap3A_2028 = tpu.vector_load %arg17[%swap3A] {strides = array<i32>} : memref<2048xi32, #tpu.memory_space<vmem>>, vector<16xi32>,
        %swap3A_2029 = vector.shape_cast %swap3A_2028 : vector<16xi32> to vector<16xi32>
        %swap3A_2030 = vector.shape_cast %and3A_2025 : vector<16xi32> to vector<16xi32>
        tpu.vector_store %arg17[%swap3A], %swap3A_2030 {strides = array<i32>} : memref<2048xi32, #tpu.memory_space<vmem>>, vector<16xi32>,
        %jit3A = arith.constant 0.000000e+00 : f32
        %broadcast_in_dim3A_2031 = vector.broadcast %jit3A : f32 to vector<16xf32>
        %select_n3A = arith.select %lt3A_2023, %get3A_2021, %broadcast_in_dim3A_2031 : vector<16xi1>, vector<16xf32>
        %mul3A_2032 = arith.constant 16 : i32
        %mul3A_2033 = arith.muli %scan3A_2008, %mul3A_2032 : i32
        %swap3A_2034 = arith.index_cast %mul3A_2033 : i32 to index
        %swap3A_2035 = tpu.vector_load %arg19[%swap3A_2034] {strides = array<i32>} : memref<2048xf32, #tpu.memory_space<vmem>>, vector<16xf32>,
        %swap3A_2036 = vector.shape_cast %swap3A_2035 : vector<16xf32> to vector<16xf32>
        %swap3A_2037 = vector.shape_cast %select_n3A : vector<16xf32> to vector<16xf32>
        tpu.vector_store %arg19[%swap3A_2034], %swap3A_2037 {strides = array<i32>} : memref<2048xf32, #tpu.memory_space<vmem>>, vector<16xf32>,
        %scan3A_2038 = arith.constant 0 : i32
        scf.yield %scan3A_2038 : i32
      }
      %scan3A_1991 = arith.constant 128 : i32
      %dma_start3A_1992 = arith.constant 0 : i32
      %dma_start3A_1993 = tpu.memref_slice %arg22[%dma_start3A_1992] : memref<1048576xf32, #tpu.memory_space<vmem_shared>> -> memref<1048576xf32, #tpu.memory_space<vmem_shared>>
      tpu.enqueue_indirect_dma source(%arg19 : memref<2048xf32, #tpu.memory_space<vmem>>) target(%dma_start3A_1993 : memref<1048576xf32, #tpu.memory_space<vmem_shared>>) offsets(%arg17 : memref<2048xi32, #tpu.memory_space<vmem>>) semaphore(%arg27 : memref<!tpu.dma_semaphore, #tpu.memory_space<semaphore_mem>>) {add = true}
      %mul3A_1994 = arith.constant 4096 : i32
      %mul3A_1995 = arith.muli %scan3A_1977, %mul3A_1994 : i32
      %add3A_1996 = arith.constant 2048 : i32
      %add3A_1997 = arith.addi %mul3A_1995, %add3A_1996 : i32
      %scan3A_1998 = arith.constant 0 : i32
      %scan3A_1999 = arith.constant 0 : i32
      %scan3A_2000 = arith.constant 128 : i32
      %scan3A_2001 = arith.addi %scan3A_1999, %scan3A_2000 : i32
      %scan3A_2002 = arith.constant 1 : i32
      %scan3A_2003 = scf.for %scan3A_2008 = %scan3A_1999 to %scan3A_2001 step %scan3A_2002 iter_args(%scan3A_2009 = %scan3A_1998) -> (i32)  : i32 {
        %mul3A_2010 = arith.constant 16 : i32
        %mul3A_2011 = arith.muli %scan3A_2008, %mul3A_2010 : i32
        %add3A_2012 = arith.addi %add3A_1997, %mul3A_2011 : i32
        %get3A = arith.index_cast %add3A_2012 : i32 to index
        %get3A_2013 = tpu.vector_load %arg15[%get3A] {strides = array<i32>} : memref<16400xi32, #tpu.memory_space<vmem>>, vector<16xi32>,
        %get3A_2014 = vector.shape_cast %get3A_2013 : vector<16xi32> to vector<16xi32>
        %sub3A = vector.broadcast %mul3A_988 : i32 to vector<16xi32>
        %sub3A_2015 = arith.subi %get3A_2014, %sub3A : vector<16xi32>
        %mul3A_2016 = arith.constant 16 : i32
        %mul3A_2017 = arith.muli %scan3A_2008, %mul3A_2016 : i32
        %add3A_2018 = arith.addi %add3A_1997, %mul3A_2017 : i32
        %get3A_2019 = arith.index_cast %add3A_2018 : i32 to index
        %get3A_2020 = tpu.vector_load %arg16[%get3A_2019] {strides = array<i32>} : memref<16400xf32, #tpu.memory_space<vmem>>, vector<16xf32>,
        %get3A_2021 = vector.shape_cast %get3A_2020 : vector<16xf32> to vector<16xf32>
        %bitcast3A = vector.bitcast %sub3A_2015 : vector<16xi32> to vector<16xi32>
        %lt3A = arith.constant 1048576 : i32
        %lt3A_2022 = vector.broadcast %lt3A : i32 to vector<16xi32>
        %lt3A_2023 = arith.cmpi ult, %bitcast3A, %lt3A_2022 : vector<16xi32>
        %and3A = arith.constant 1048575 : i32
        %and3A_2024 = vector.broadcast %and3A : i32 to vector<16xi32>
        %and3A_2025 = arith.andi %sub3A_2015, %and3A_2024 : vector<16xi32>
        %mul3A_2026 = arith.constant 16 : i32
        %mul3A_2027 = arith.muli %scan3A_2008, %mul3A_2026 : i32
        %swap3A = arith.index_cast %mul3A_2027 : i32 to index
        %swap3A_2028 = tpu.vector_load %arg18[%swap3A] {strides = array<i32>} : memref<2048xi32, #tpu.memory_space<vmem>>, vector<16xi32>,
        %swap3A_2029 = vector.shape_cast %swap3A_2028 : vector<16xi32> to vector<16xi32>
        %swap3A_2030 = vector.shape_cast %and3A_2025 : vector<16xi32> to vector<16xi32>
        tpu.vector_store %arg18[%swap3A], %swap3A_2030 {strides = array<i32>} : memref<2048xi32, #tpu.memory_space<vmem>>, vector<16xi32>,
        %jit3A = arith.constant 0.000000e+00 : f32
        %broadcast_in_dim3A_2031 = vector.broadcast %jit3A : f32 to vector<16xf32>
        %select_n3A = arith.select %lt3A_2023, %get3A_2021, %broadcast_in_dim3A_2031 : vector<16xi1>, vector<16xf32>
        %mul3A_2032 = arith.constant 16 : i32
        %mul3A_2033 = arith.muli %scan3A_2008, %mul3A_2032 : i32
        %swap3A_2034 = arith.index_cast %mul3A_2033 : i32 to index
        %swap3A_2035 = tpu.vector_load %arg20[%swap3A_2034] {strides = array<i32>} : memref<2048xf32, #tpu.memory_space<vmem>>, vector<16xf32>,
        %swap3A_2036 = vector.shape_cast %swap3A_2035 : vector<16xf32> to vector<16xf32>
        %swap3A_2037 = vector.shape_cast %select_n3A : vector<16xf32> to vector<16xf32>
        tpu.vector_store %arg20[%swap3A_2034], %swap3A_2037 {strides = array<i32>} : memref<2048xf32, #tpu.memory_space<vmem>>, vector<16xf32>,
        %scan3A_2038 = arith.constant 0 : i32
        scf.yield %scan3A_2038 : i32
      }
      %scan3A_2004 = arith.constant 128 : i32
      %dma_start3A_2005 = arith.constant 0 : i32
      %dma_start3A_2006 = tpu.memref_slice %arg22[%dma_start3A_2005] : memref<1048576xf32, #tpu.memory_space<vmem_shared>> -> memref<1048576xf32, #tpu.memory_space<vmem_shared>>
      tpu.enqueue_indirect_dma source(%arg20 : memref<2048xf32, #tpu.memory_space<vmem>>) target(%dma_start3A_2006 : memref<1048576xf32, #tpu.memory_space<vmem_shared>>) offsets(%arg18 : memref<2048xi32, #tpu.memory_space<vmem>>) semaphore(%arg28 : memref<!tpu.dma_semaphore, #tpu.memory_space<semaphore_mem>>) {add = true}
      %scan3A_2007 = arith.constant 0 : i32
      scf.yield %scan3A_2007 : i32
    }
    %scan3A_995 = arith.constant 4 : i32
    %dma_wait3A_996 = arith.constant 0 : i32
    %dma_wait3A_997 = tpu.memref_slice %arg22[%dma_wait3A_996] : memref<1048576xf32, #tpu.memory_space<vmem_shared>> -> memref<1048576xf32, #tpu.memory_space<vmem_shared>>
    tpu.wait_indirect_dma semaphore(%arg27 : memref<!tpu.dma_semaphore, #tpu.memory_space<semaphore_mem>>) src(%arg19 : memref<2048xf32, #tpu.memory_space<vmem>>) dst(%dma_wait3A_997 : memref<1048576xf32, #tpu.memory_space<vmem_shared>>)
    %dma_wait3A_998 = arith.constant 0 : i32
    %dma_wait3A_999 = tpu.memref_slice %arg22[%dma_wait3A_998] : memref<1048576xf32, #tpu.memory_space<vmem_shared>> -> memref<1048576xf32, #tpu.memory_space<vmem_shared>>
    tpu.wait_indirect_dma semaphore(%arg28 : memref<!tpu.dma_semaphore, #tpu.memory_space<semaphore_mem>>) src(%arg20 : memref<2048xf32, #tpu.memory_space<vmem>>) dst(%dma_wait3A_999 : memref<1048576xf32, #tpu.memory_space<vmem_shared>>)
    %barrier3A_1000 = arith.constant 0 : index
    tpu.barrier barrier_id(%barrier3A_1000)
    %mul3A_1001 = arith.constant 65536 : i32
    %mul3A_1002 = arith.muli %arg1, %mul3A_1001 : i32
    %add3A_1003 = arith.constant 0 : i32
    %add3A_1004 = arith.addi %mul3A_1002, %add3A_1003 : i32
    %mul3A_1005 = arith.constant 65536 : i32
    %mul3A_1006 = arith.muli %arg1, %mul3A_1005 : i32
    %add3A_1007 = arith.addi %mul3A_988, %mul3A_1006 : i32
    %add3A_1008 = arith.constant 0 : i32
    %add3A_1009 = arith.addi %add3A_1007, %add3A_1008 : i32
    %dma_start3A_1010 = tpu.memref_slice %arg6[%add3A_1009] : memref<16777216xf32, #tpu.memory_space<hbm>> -> memref<16384xf32, #tpu.memory_space<hbm>>
    %dma_start3A_1011 = tpu.memref_slice %arg22[%add3A_1004] : memref<1048576xf32, #tpu.memory_space<vmem_shared>> -> memref<16384xf32, #tpu.memory_space<vmem_shared>>
    tpu.enqueue_dma source(%dma_start3A_1011 : memref<16384xf32, #tpu.memory_space<vmem_shared>>) target(%dma_start3A_1010 : memref<16384xf32, #tpu.memory_space<hbm>>) target_semaphore(%arg30 : memref<!tpu.dma_semaphore, #tpu.memory_space<semaphore_mem>>)
    %mul3A_1012 = arith.constant 65536 : i32
    %mul3A_1013 = arith.muli %arg1, %mul3A_1012 : i32
    %add3A_1014 = arith.constant 16384 : i32
    %add3A_1015 = arith.addi %mul3A_1013, %add3A_1014 : i32
    %mul3A_1016 = arith.constant 65536 : i32
    %mul3A_1017 = arith.muli %arg1, %mul3A_1016 : i32
    %add3A_1018 = arith.addi %mul3A_988, %mul3A_1017 : i32
    %add3A_1019 = arith.constant 16384 : i32
    %add3A_1020 = arith.addi %add3A_1018, %add3A_1019 : i32
    %dma_start3A_1021 = tpu.memref_slice %arg6[%add3A_1020] : memref<16777216xf32, #tpu.memory_space<hbm>> -> memref<16384xf32, #tpu.memory_space<hbm>>
    %dma_start3A_1022 = tpu.memref_slice %arg22[%add3A_1015] : memref<1048576xf32, #tpu.memory_space<vmem_shared>> -> memref<16384xf32, #tpu.memory_space<vmem_shared>>
    tpu.enqueue_dma source(%dma_start3A_1022 : memref<16384xf32, #tpu.memory_space<vmem_shared>>) target(%dma_start3A_1021 : memref<16384xf32, #tpu.memory_space<hbm>>) target_semaphore(%arg31 : memref<!tpu.dma_semaphore, #tpu.memory_space<semaphore_mem>>)
    %mul3A_1023 = arith.constant 65536 : i32
    %mul3A_1024 = arith.muli %arg1, %mul3A_1023 : i32
    %add3A_1025 = arith.constant 32768 : i32
    %add3A_1026 = arith.addi %mul3A_1024, %add3A_1025 : i32
    %mul3A_1027 = arith.constant 65536 : i32
    %mul3A_1028 = arith.muli %arg1, %mul3A_1027 : i32
    %add3A_1029 = arith.addi %mul3A_988, %mul3A_1028 : i32
    %add3A_1030 = arith.constant 32768 : i32
    %add3A_1031 = arith.addi %add3A_1029, %add3A_1030 : i32
    %dma_start3A_1032 = tpu.memref_slice %arg6[%add3A_1031] : memref<16777216xf32, #tpu.memory_space<hbm>> -> memref<16384xf32, #tpu.memory_space<hbm>>
    %dma_start3A_1033 = tpu.memref_slice %arg22[%add3A_1026] : memref<1048576xf32, #tpu.memory_space<vmem_shared>> -> memref<16384xf32, #tpu.memory_space<vmem_shared>>
    tpu.enqueue_dma source(%dma_start3A_1033 : memref<16384xf32, #tpu.memory_space<vmem_shared>>) target(%dma_start3A_1032 : memref<16384xf32, #tpu.memory_space<hbm>>) target_semaphore(%arg32 : memref<!tpu.dma_semaphore, #tpu.memory_space<semaphore_mem>>)
    %mul3A_1034 = arith.constant 65536 : i32
    %mul3A_1035 = arith.muli %arg1, %mul3A_1034 : i32
    %add3A_1036 = arith.constant 49152 : i32
    %add3A_1037 = arith.addi %mul3A_1035, %add3A_1036 : i32
    %mul3A_1038 = arith.constant 65536 : i32
    %mul3A_1039 = arith.muli %arg1, %mul3A_1038 : i32
    %add3A_1040 = arith.addi %mul3A_988, %mul3A_1039 : i32
    %add3A_1041 = arith.constant 49152 : i32
    %add3A_1042 = arith.addi %add3A_1040, %add3A_1041 : i32
    %dma_start3A_1043 = tpu.memref_slice %arg6[%add3A_1042] : memref<16777216xf32, #tpu.memory_space<hbm>> -> memref<16384xf32, #tpu.memory_space<hbm>>
    %dma_start3A_1044 = tpu.memref_slice %arg22[%add3A_1037] : memref<1048576xf32, #tpu.memory_space<vmem_shared>> -> memref<16384xf32, #tpu.memory_space<vmem_shared>>
    tpu.enqueue_dma source(%dma_start3A_1044 : memref<16384xf32, #tpu.memory_space<vmem_shared>>) target(%dma_start3A_1043 : memref<16384xf32, #tpu.memory_space<hbm>>) target_semaphore(%arg33 : memref<!tpu.dma_semaphore, #tpu.memory_space<semaphore_mem>>)
    %dma_wait3A_1045 = tpu.memref_slice %arg6[%add3A_1009] : memref<16777216xf32, #tpu.memory_space<hbm>> -> memref<16384xf32, #tpu.memory_space<hbm>>
    %dma_wait3A_1046 = tpu.memref_slice %arg22[%add3A_1004] : memref<1048576xf32, #tpu.memory_space<vmem_shared>> -> memref<16384xf32, #tpu.memory_space<vmem_shared>>
    tpu.wait_dma2 semaphore(%arg30 : memref<!tpu.dma_semaphore, #tpu.memory_space<semaphore_mem>>) src(%dma_wait3A_1046 : memref<16384xf32, #tpu.memory_space<vmem_shared>>) dst(%dma_wait3A_1045 : memref<16384xf32, #tpu.memory_space<hbm>>)
    %mul3A_1047 = arith.constant 65536 : i32
    %mul3A_1048 = arith.muli %arg1, %mul3A_1047 : i32
    %add3A_1049 = arith.constant 0 : i32
    %add3A_1050 = arith.addi %mul3A_1048, %add3A_1049 : i32
    %add3A_1051 = arith.constant 0 : i32
    %add3A_1052 = arith.addi %add3A_1050, %add3A_1051 : i32
    %dma_start3A_1053 = tpu.memref_slice %arg22[%add3A_1052] : memref<1048576xf32, #tpu.memory_space<vmem_shared>> -> memref<4096xf32, #tpu.memory_space<vmem_shared>>
    %dma_start3A_1054 = tpu.memref_slice %arg22[%add3A_1052] : memref<1048576xf32, #tpu.memory_space<vmem_shared>> -> memref<4096xf32, #tpu.memory_space<vmem_shared>>
    tpu.enqueue_dma source(%arg21 : memref<4096xf32, #tpu.memory_space<vmem>>) target(%dma_start3A_1054 : memref<4096xf32, #tpu.memory_space<vmem_shared>>) target_semaphore(%arg29 : memref<!tpu.dma_semaphore, #tpu.memory_space<semaphore_mem>>)
    %mul3A_1055 = arith.constant 65536 : i32
    %mul3A_1056 = arith.muli %arg1, %mul3A_1055 : i32
    %add3A_1057 = arith.constant 0 : i32
    %add3A_1058 = arith.addi %mul3A_1056, %add3A_1057 : i32
    %add3A_1059 = arith.constant 4096 : i32
    %add3A_1060 = arith.addi %add3A_1058, %add3A_1059 : i32
    %dma_start3A_1061 = tpu.memref_slice %arg22[%add3A_1060] : memref<1048576xf32, #tpu.memory_space<vmem_shared>> -> memref<4096xf32, #tpu.memory_space<vmem_shared>>
    %dma_start3A_1062 = tpu.memref_slice %arg22[%add3A_1060] : memref<1048576xf32, #tpu.memory_space<vmem_shared>> -> memref<4096xf32, #tpu.memory_space<vmem_shared>>
    tpu.enqueue_dma source(%arg21 : memref<4096xf32, #tpu.memory_space<vmem>>) target(%dma_start3A_1062 : memref<4096xf32, #tpu.memory_space<vmem_shared>>) target_semaphore(%arg29 : memref<!tpu.dma_semaphore, #tpu.memory_space<semaphore_mem>>)
    %mul3A_1063 = arith.constant 65536 : i32
    %mul3A_1064 = arith.muli %arg1, %mul3A_1063 : i32
    %add3A_1065 = arith.constant 0 : i32
    %add3A_1066 = arith.addi %mul3A_1064, %add3A_1065 : i32
    %add3A_1067 = arith.constant 8192 : i32
    %add3A_1068 = arith.addi %add3A_1066, %add3A_1067 : i32
    %dma_start3A_1069 = tpu.memref_slice %arg22[%add3A_1068] : memref<1048576xf32, #tpu.memory_space<vmem_shared>> -> memref<4096xf32, #tpu.memory_space<vmem_shared>>
    %dma_start3A_1070 = tpu.memref_slice %arg22[%add3A_1068] : memref<1048576xf32, #tpu.memory_space<vmem_shared>> -> memref<4096xf32, #tpu.memory_space<vmem_shared>>
    tpu.enqueue_dma source(%arg21 : memref<4096xf32, #tpu.memory_space<vmem>>) target(%dma_start3A_1070 : memref<4096xf32, #tpu.memory_space<vmem_shared>>) target_semaphore(%arg29 : memref<!tpu.dma_semaphore, #tpu.memory_space<semaphore_mem>>)
    %mul3A_1071 = arith.constant 65536 : i32
    %mul3A_1072 = arith.muli %arg1, %mul3A_1071 : i32
    %add3A_1073 = arith.constant 0 : i32
    %add3A_1074 = arith.addi %mul3A_1072, %add3A_1073 : i32
    %add3A_1075 = arith.constant 12288 : i32
    %add3A_1076 = arith.addi %add3A_1074, %add3A_1075 : i32
    %dma_start3A_1077 = tpu.memref_slice %arg22[%add3A_1076] : memref<1048576xf32, #tpu.memory_space<vmem_shared>> -> memref<4096xf32, #tpu.memory_space<vmem_shared>>
    %dma_start3A_1078 = tpu.memref_slice %arg22[%add3A_1076] : memref<1048576xf32, #tpu.memory_space<vmem_shared>> -> memref<4096xf32, #tpu.memory_space<vmem_shared>>
    tpu.enqueue_dma source(%arg21 : memref<4096xf32, #tpu.memory_space<vmem>>) target(%dma_start3A_1078 : memref<4096xf32, #tpu.memory_space<vmem_shared>>) target_semaphore(%arg29 : memref<!tpu.dma_semaphore, #tpu.memory_space<semaphore_mem>>)
    %dma_wait3A_1079 = tpu.memref_slice %arg6[%add3A_1020] : memref<16777216xf32, #tpu.memory_space<hbm>> -> memref<16384xf32, #tpu.memory_space<hbm>>
    %dma_wait3A_1080 = tpu.memref_slice %arg22[%add3A_1015] : memref<1048576xf32, #tpu.memory_space<vmem_shared>> -> memref<16384xf32, #tpu.memory_space<vmem_shared>>
    tpu.wait_dma2 semaphore(%arg31 : memref<!tpu.dma_semaphore, #tpu.memory_space<semaphore_mem>>) src(%dma_wait3A_1080 : memref<16384xf32, #tpu.memory_space<vmem_shared>>) dst(%dma_wait3A_1079 : memref<16384xf32, #tpu.memory_space<hbm>>)
    %mul3A_1081 = arith.constant 65536 : i32
    %mul3A_1082 = arith.muli %arg1, %mul3A_1081 : i32
    %add3A_1083 = arith.constant 16384 : i32
    %add3A_1084 = arith.addi %mul3A_1082, %add3A_1083 : i32
    %add3A_1085 = arith.constant 0 : i32
    %add3A_1086 = arith.addi %add3A_1084, %add3A_1085 : i32
    %dma_start3A_1087 = tpu.memref_slice %arg22[%add3A_1086] : memref<1048576xf32, #tpu.memory_space<vmem_shared>> -> memref<4096xf32, #tpu.memory_space<vmem_shared>>
    %dma_start3A_1088 = tpu.memref_slice %arg22[%add3A_1086] : memref<1048576xf32, #tpu.memory_space<vmem_shared>> -> memref<4096xf32, #tpu.memory_space<vmem_shared>>
    tpu.enqueue_dma source(%arg21 : memref<4096xf32, #tpu.memory_space<vmem>>) target(%dma_start3A_1088 : memref<4096xf32, #tpu.memory_space<vmem_shared>>) target_semaphore(%arg29 : memref<!tpu.dma_semaphore, #tpu.memory_space<semaphore_mem>>)
    %mul3A_1089 = arith.constant 65536 : i32
    %mul3A_1090 = arith.muli %arg1, %mul3A_1089 : i32
    %add3A_1091 = arith.constant 16384 : i32
    %add3A_1092 = arith.addi %mul3A_1090, %add3A_1091 : i32
    %add3A_1093 = arith.constant 4096 : i32
    %add3A_1094 = arith.addi %add3A_1092, %add3A_1093 : i32
    %dma_start3A_1095 = tpu.memref_slice %arg22[%add3A_1094] : memref<1048576xf32, #tpu.memory_space<vmem_shared>> -> memref<4096xf32, #tpu.memory_space<vmem_shared>>
    %dma_start3A_1096 = tpu.memref_slice %arg22[%add3A_1094] : memref<1048576xf32, #tpu.memory_space<vmem_shared>> -> memref<4096xf32, #tpu.memory_space<vmem_shared>>
    tpu.enqueue_dma source(%arg21 : memref<4096xf32, #tpu.memory_space<vmem>>) target(%dma_start3A_1096 : memref<4096xf32, #tpu.memory_space<vmem_shared>>) target_semaphore(%arg29 : memref<!tpu.dma_semaphore, #tpu.memory_space<semaphore_mem>>)
    %mul3A_1097 = arith.constant 65536 : i32
    %mul3A_1098 = arith.muli %arg1, %mul3A_1097 : i32
    %add3A_1099 = arith.constant 16384 : i32
    %add3A_1100 = arith.addi %mul3A_1098, %add3A_1099 : i32
    %add3A_1101 = arith.constant 8192 : i32
    %add3A_1102 = arith.addi %add3A_1100, %add3A_1101 : i32
    %dma_start3A_1103 = tpu.memref_slice %arg22[%add3A_1102] : memref<1048576xf32, #tpu.memory_space<vmem_shared>> -> memref<4096xf32, #tpu.memory_space<vmem_shared>>
    %dma_start3A_1104 = tpu.memref_slice %arg22[%add3A_1102] : memref<1048576xf32, #tpu.memory_space<vmem_shared>> -> memref<4096xf32, #tpu.memory_space<vmem_shared>>
    tpu.enqueue_dma source(%arg21 : memref<4096xf32, #tpu.memory_space<vmem>>) target(%dma_start3A_1104 : memref<4096xf32, #tpu.memory_space<vmem_shared>>) target_semaphore(%arg29 : memref<!tpu.dma_semaphore, #tpu.memory_space<semaphore_mem>>)
    %mul3A_1105 = arith.constant 65536 : i32
    %mul3A_1106 = arith.muli %arg1, %mul3A_1105 : i32
    %add3A_1107 = arith.constant 16384 : i32
    %add3A_1108 = arith.addi %mul3A_1106, %add3A_1107 : i32
    %add3A_1109 = arith.constant 12288 : i32
    %add3A_1110 = arith.addi %add3A_1108, %add3A_1109 : i32
    %dma_start3A_1111 = tpu.memref_slice %arg22[%add3A_1110] : memref<1048576xf32, #tpu.memory_space<vmem_shared>> -> memref<4096xf32, #tpu.memory_space<vmem_shared>>
    %dma_start3A_1112 = tpu.memref_slice %arg22[%add3A_1110] : memref<1048576xf32, #tpu.memory_space<vmem_shared>> -> memref<4096xf32, #tpu.memory_space<vmem_shared>>
    tpu.enqueue_dma source(%arg21 : memref<4096xf32, #tpu.memory_space<vmem>>) target(%dma_start3A_1112 : memref<4096xf32, #tpu.memory_space<vmem_shared>>) target_semaphore(%arg29 : memref<!tpu.dma_semaphore, #tpu.memory_space<semaphore_mem>>)
    %dma_wait3A_1113 = tpu.memref_slice %arg6[%add3A_1031] : memref<16777216xf32, #tpu.memory_space<hbm>> -> memref<16384xf32, #tpu.memory_space<hbm>>
    %dma_wait3A_1114 = tpu.memref_slice %arg22[%add3A_1026] : memref<1048576xf32, #tpu.memory_space<vmem_shared>> -> memref<16384xf32, #tpu.memory_space<vmem_shared>>
    tpu.wait_dma2 semaphore(%arg32 : memref<!tpu.dma_semaphore, #tpu.memory_space<semaphore_mem>>) src(%dma_wait3A_1114 : memref<16384xf32, #tpu.memory_space<vmem_shared>>) dst(%dma_wait3A_1113 : memref<16384xf32, #tpu.memory_space<hbm>>)
    %mul3A_1115 = arith.constant 65536 : i32
    %mul3A_1116 = arith.muli %arg1, %mul3A_1115 : i32
    %add3A_1117 = arith.constant 32768 : i32
    %add3A_1118 = arith.addi %mul3A_1116, %add3A_1117 : i32
    %add3A_1119 = arith.constant 0 : i32
    %add3A_1120 = arith.addi %add3A_1118, %add3A_1119 : i32
    %dma_start3A_1121 = tpu.memref_slice %arg22[%add3A_1120] : memref<1048576xf32, #tpu.memory_space<vmem_shared>> -> memref<4096xf32, #tpu.memory_space<vmem_shared>>
    %dma_start3A_1122 = tpu.memref_slice %arg22[%add3A_1120] : memref<1048576xf32, #tpu.memory_space<vmem_shared>> -> memref<4096xf32, #tpu.memory_space<vmem_shared>>
    tpu.enqueue_dma source(%arg21 : memref<4096xf32, #tpu.memory_space<vmem>>) target(%dma_start3A_1122 : memref<4096xf32, #tpu.memory_space<vmem_shared>>) target_semaphore(%arg29 : memref<!tpu.dma_semaphore, #tpu.memory_space<semaphore_mem>>)
    %mul3A_1123 = arith.constant 65536 : i32
    %mul3A_1124 = arith.muli %arg1, %mul3A_1123 : i32
    %add3A_1125 = arith.constant 32768 : i32
    %add3A_1126 = arith.addi %mul3A_1124, %add3A_1125 : i32
    %add3A_1127 = arith.constant 4096 : i32
    %add3A_1128 = arith.addi %add3A_1126, %add3A_1127 : i32
    %dma_start3A_1129 = tpu.memref_slice %arg22[%add3A_1128] : memref<1048576xf32, #tpu.memory_space<vmem_shared>> -> memref<4096xf32, #tpu.memory_space<vmem_shared>>
    %dma_start3A_1130 = tpu.memref_slice %arg22[%add3A_1128] : memref<1048576xf32, #tpu.memory_space<vmem_shared>> -> memref<4096xf32, #tpu.memory_space<vmem_shared>>
    tpu.enqueue_dma source(%arg21 : memref<4096xf32, #tpu.memory_space<vmem>>) target(%dma_start3A_1130 : memref<4096xf32, #tpu.memory_space<vmem_shared>>) target_semaphore(%arg29 : memref<!tpu.dma_semaphore, #tpu.memory_space<semaphore_mem>>)
    %mul3A_1131 = arith.constant 65536 : i32
    %mul3A_1132 = arith.muli %arg1, %mul3A_1131 : i32
    %add3A_1133 = arith.constant 32768 : i32
    %add3A_1134 = arith.addi %mul3A_1132, %add3A_1133 : i32
    %add3A_1135 = arith.constant 8192 : i32
    %add3A_1136 = arith.addi %add3A_1134, %add3A_1135 : i32
    %dma_start3A_1137 = tpu.memref_slice %arg22[%add3A_1136] : memref<1048576xf32, #tpu.memory_space<vmem_shared>> -> memref<4096xf32, #tpu.memory_space<vmem_shared>>
    %dma_start3A_1138 = tpu.memref_slice %arg22[%add3A_1136] : memref<1048576xf32, #tpu.memory_space<vmem_shared>> -> memref<4096xf32, #tpu.memory_space<vmem_shared>>
    tpu.enqueue_dma source(%arg21 : memref<4096xf32, #tpu.memory_space<vmem>>) target(%dma_start3A_1138 : memref<4096xf32, #tpu.memory_space<vmem_shared>>) target_semaphore(%arg29 : memref<!tpu.dma_semaphore, #tpu.memory_space<semaphore_mem>>)
    %mul3A_1139 = arith.constant 65536 : i32
    %mul3A_1140 = arith.muli %arg1, %mul3A_1139 : i32
    %add3A_1141 = arith.constant 32768 : i32
    %add3A_1142 = arith.addi %mul3A_1140, %add3A_1141 : i32
    %add3A_1143 = arith.constant 12288 : i32
    %add3A_1144 = arith.addi %add3A_1142, %add3A_1143 : i32
    %dma_start3A_1145 = tpu.memref_slice %arg22[%add3A_1144] : memref<1048576xf32, #tpu.memory_space<vmem_shared>> -> memref<4096xf32, #tpu.memory_space<vmem_shared>>
    %dma_start3A_1146 = tpu.memref_slice %arg22[%add3A_1144] : memref<1048576xf32, #tpu.memory_space<vmem_shared>> -> memref<4096xf32, #tpu.memory_space<vmem_shared>>
    tpu.enqueue_dma source(%arg21 : memref<4096xf32, #tpu.memory_space<vmem>>) target(%dma_start3A_1146 : memref<4096xf32, #tpu.memory_space<vmem_shared>>) target_semaphore(%arg29 : memref<!tpu.dma_semaphore, #tpu.memory_space<semaphore_mem>>)
    %dma_wait3A_1147 = tpu.memref_slice %arg6[%add3A_1042] : memref<16777216xf32, #tpu.memory_space<hbm>> -> memref<16384xf32, #tpu.memory_space<hbm>>
    %dma_wait3A_1148 = tpu.memref_slice %arg22[%add3A_1037] : memref<1048576xf32, #tpu.memory_space<vmem_shared>> -> memref<16384xf32, #tpu.memory_space<vmem_shared>>
    tpu.wait_dma2 semaphore(%arg33 : memref<!tpu.dma_semaphore, #tpu.memory_space<semaphore_mem>>) src(%dma_wait3A_1148 : memref<16384xf32, #tpu.memory_space<vmem_shared>>) dst(%dma_wait3A_1147 : memref<16384xf32, #tpu.memory_space<hbm>>)
    %mul3A_1149 = arith.constant 65536 : i32
    %mul3A_1150 = arith.muli %arg1, %mul3A_1149 : i32
    %add3A_1151 = arith.constant 49152 : i32
    %add3A_1152 = arith.addi %mul3A_1150, %add3A_1151 : i32
    %add3A_1153 = arith.constant 0 : i32
    %add3A_1154 = arith.addi %add3A_1152, %add3A_1153 : i32
    %dma_start3A_1155 = tpu.memref_slice %arg22[%add3A_1154] : memref<1048576xf32, #tpu.memory_space<vmem_shared>> -> memref<4096xf32, #tpu.memory_space<vmem_shared>>
    %dma_start3A_1156 = tpu.memref_slice %arg22[%add3A_1154] : memref<1048576xf32, #tpu.memory_space<vmem_shared>> -> memref<4096xf32, #tpu.memory_space<vmem_shared>>
    tpu.enqueue_dma source(%arg21 : memref<4096xf32, #tpu.memory_space<vmem>>) target(%dma_start3A_1156 : memref<4096xf32, #tpu.memory_space<vmem_shared>>) target_semaphore(%arg29 : memref<!tpu.dma_semaphore, #tpu.memory_space<semaphore_mem>>)
    %mul3A_1157 = arith.constant 65536 : i32
    %mul3A_1158 = arith.muli %arg1, %mul3A_1157 : i32
    %add3A_1159 = arith.constant 49152 : i32
    %add3A_1160 = arith.addi %mul3A_1158, %add3A_1159 : i32
    %add3A_1161 = arith.constant 4096 : i32
    %add3A_1162 = arith.addi %add3A_1160, %add3A_1161 : i32
    %dma_start3A_1163 = tpu.memref_slice %arg22[%add3A_1162] : memref<1048576xf32, #tpu.memory_space<vmem_shared>> -> memref<4096xf32, #tpu.memory_space<vmem_shared>>
    %dma_start3A_1164 = tpu.memref_slice %arg22[%add3A_1162] : memref<1048576xf32, #tpu.memory_space<vmem_shared>> -> memref<4096xf32, #tpu.memory_space<vmem_shared>>
    tpu.enqueue_dma source(%arg21 : memref<4096xf32, #tpu.memory_space<vmem>>) target(%dma_start3A_1164 : memref<4096xf32, #tpu.memory_space<vmem_shared>>) target_semaphore(%arg29 : memref<!tpu.dma_semaphore, #tpu.memory_space<semaphore_mem>>)
    %mul3A_1165 = arith.constant 65536 : i32
    %mul3A_1166 = arith.muli %arg1, %mul3A_1165 : i32
    %add3A_1167 = arith.constant 49152 : i32
    %add3A_1168 = arith.addi %mul3A_1166, %add3A_1167 : i32
    %add3A_1169 = arith.constant 8192 : i32
    %add3A_1170 = arith.addi %add3A_1168, %add3A_1169 : i32
    %dma_start3A_1171 = tpu.memref_slice %arg22[%add3A_1170] : memref<1048576xf32, #tpu.memory_space<vmem_shared>> -> memref<4096xf32, #tpu.memory_space<vmem_shared>>
    %dma_start3A_1172 = tpu.memref_slice %arg22[%add3A_1170] : memref<1048576xf32, #tpu.memory_space<vmem_shared>> -> memref<4096xf32, #tpu.memory_space<vmem_shared>>
    tpu.enqueue_dma source(%arg21 : memref<4096xf32, #tpu.memory_space<vmem>>) target(%dma_start3A_1172 : memref<4096xf32, #tpu.memory_space<vmem_shared>>) target_semaphore(%arg29 : memref<!tpu.dma_semaphore, #tpu.memory_space<semaphore_mem>>)
    %mul3A_1173 = arith.constant 65536 : i32
    %mul3A_1174 = arith.muli %arg1, %mul3A_1173 : i32
    %add3A_1175 = arith.constant 49152 : i32
    %add3A_1176 = arith.addi %mul3A_1174, %add3A_1175 : i32
    %add3A_1177 = arith.constant 12288 : i32
    %add3A_1178 = arith.addi %add3A_1176, %add3A_1177 : i32
    %dma_start3A_1179 = tpu.memref_slice %arg22[%add3A_1178] : memref<1048576xf32, #tpu.memory_space<vmem_shared>> -> memref<4096xf32, #tpu.memory_space<vmem_shared>>
    %dma_start3A_1180 = tpu.memref_slice %arg22[%add3A_1178] : memref<1048576xf32, #tpu.memory_space<vmem_shared>> -> memref<4096xf32, #tpu.memory_space<vmem_shared>>
    tpu.enqueue_dma source(%arg21 : memref<4096xf32, #tpu.memory_space<vmem>>) target(%dma_start3A_1180 : memref<4096xf32, #tpu.memory_space<vmem_shared>>) target_semaphore(%arg29 : memref<!tpu.dma_semaphore, #tpu.memory_space<semaphore_mem>>)
    %dma_wait3A_1181 = tpu.memref_slice %arg22[%add3A_1052] : memref<1048576xf32, #tpu.memory_space<vmem_shared>> -> memref<4096xf32, #tpu.memory_space<vmem_shared>>
    %dma_wait3A_1182 = tpu.memref_slice %arg22[%add3A_1052] : memref<1048576xf32, #tpu.memory_space<vmem_shared>> -> memref<4096xf32, #tpu.memory_space<vmem_shared>>
    tpu.wait_dma2 semaphore(%arg29 : memref<!tpu.dma_semaphore, #tpu.memory_space<semaphore_mem>>) src(%arg21 : memref<4096xf32, #tpu.memory_space<vmem>>) dst(%dma_wait3A_1182 : memref<4096xf32, #tpu.memory_space<vmem_shared>>)
    %dma_wait3A_1183 = tpu.memref_slice %arg22[%add3A_1060] : memref<1048576xf32, #tpu.memory_space<vmem_shared>> -> memref<4096xf32, #tpu.memory_space<vmem_shared>>
    %dma_wait3A_1184 = tpu.memref_slice %arg22[%add3A_1060] : memref<1048576xf32, #tpu.memory_space<vmem_shared>> -> memref<4096xf32, #tpu.memory_space<vmem_shared>>
    tpu.wait_dma2 semaphore(%arg29 : memref<!tpu.dma_semaphore, #tpu.memory_space<semaphore_mem>>) src(%arg21 : memref<4096xf32, #tpu.memory_space<vmem>>) dst(%dma_wait3A_1184 : memref<4096xf32, #tpu.memory_space<vmem_shared>>)
    %dma_wait3A_1185 = tpu.memref_slice %arg22[%add3A_1068] : memref<1048576xf32, #tpu.memory_space<vmem_shared>> -> memref<4096xf32, #tpu.memory_space<vmem_shared>>
    %dma_wait3A_1186 = tpu.memref_slice %arg22[%add3A_1068] : memref<1048576xf32, #tpu.memory_space<vmem_shared>> -> memref<4096xf32, #tpu.memory_space<vmem_shared>>
    tpu.wait_dma2 semaphore(%arg29 : memref<!tpu.dma_semaphore, #tpu.memory_space<semaphore_mem>>) src(%arg21 : memref<4096xf32, #tpu.memory_space<vmem>>) dst(%dma_wait3A_1186 : memref<4096xf32, #tpu.memory_space<vmem_shared>>)
    %dma_wait3A_1187 = tpu.memref_slice %arg22[%add3A_1076] : memref<1048576xf32, #tpu.memory_space<vmem_shared>> -> memref<4096xf32, #tpu.memory_space<vmem_shared>>
    %dma_wait3A_1188 = tpu.memref_slice %arg22[%add3A_1076] : memref<1048576xf32, #tpu.memory_space<vmem_shared>> -> memref<4096xf32, #tpu.memory_space<vmem_shared>>
    tpu.wait_dma2 semaphore(%arg29 : memref<!tpu.dma_semaphore, #tpu.memory_space<semaphore_mem>>) src(%arg21 : memref<4096xf32, #tpu.memory_space<vmem>>) dst(%dma_wait3A_1188 : memref<4096xf32, #tpu.memory_space<vmem_shared>>)
    %dma_wait3A_1189 = tpu.memref_slice %arg22[%add3A_1086] : memref<1048576xf32, #tpu.memory_space<vmem_shared>> -> memref<4096xf32, #tpu.memory_space<vmem_shared>>
    %dma_wait3A_1190 = tpu.memref_slice %arg22[%add3A_1086] : memref<1048576xf32, #tpu.memory_space<vmem_shared>> -> memref<4096xf32, #tpu.memory_space<vmem_shared>>
    tpu.wait_dma2 semaphore(%arg29 : memref<!tpu.dma_semaphore, #tpu.memory_space<semaphore_mem>>) src(%arg21 : memref<4096xf32, #tpu.memory_space<vmem>>) dst(%dma_wait3A_1190 : memref<4096xf32, #tpu.memory_space<vmem_shared>>)
    %dma_wait3A_1191 = tpu.memref_slice %arg22[%add3A_1094] : memref<1048576xf32, #tpu.memory_space<vmem_shared>> -> memref<4096xf32, #tpu.memory_space<vmem_shared>>
    %dma_wait3A_1192 = tpu.memref_slice %arg22[%add3A_1094] : memref<1048576xf32, #tpu.memory_space<vmem_shared>> -> memref<4096xf32, #tpu.memory_space<vmem_shared>>
    tpu.wait_dma2 semaphore(%arg29 : memref<!tpu.dma_semaphore, #tpu.memory_space<semaphore_mem>>) src(%arg21 : memref<4096xf32, #tpu.memory_space<vmem>>) dst(%dma_wait3A_1192 : memref<4096xf32, #tpu.memory_space<vmem_shared>>)
    %dma_wait3A_1193 = tpu.memref_slice %arg22[%add3A_1102] : memref<1048576xf32, #tpu.memory_space<vmem_shared>> -> memref<4096xf32, #tpu.memory_space<vmem_shared>>
    %dma_wait3A_1194 = tpu.memref_slice %arg22[%add3A_1102] : memref<1048576xf32, #tpu.memory_space<vmem_shared>> -> memref<4096xf32, #tpu.memory_space<vmem_shared>>
    tpu.wait_dma2 semaphore(%arg29 : memref<!tpu.dma_semaphore, #tpu.memory_space<semaphore_mem>>) src(%arg21 : memref<4096xf32, #tpu.memory_space<vmem>>) dst(%dma_wait3A_1194 : memref<4096xf32, #tpu.memory_space<vmem_shared>>)
    %dma_wait3A_1195 = tpu.memref_slice %arg22[%add3A_1110] : memref<1048576xf32, #tpu.memory_space<vmem_shared>> -> memref<4096xf32, #tpu.memory_space<vmem_shared>>
    %dma_wait3A_1196 = tpu.memref_slice %arg22[%add3A_1110] : memref<1048576xf32, #tpu.memory_space<vmem_shared>> -> memref<4096xf32, #tpu.memory_space<vmem_shared>>
    tpu.wait_dma2 semaphore(%arg29 : memref<!tpu.dma_semaphore, #tpu.memory_space<semaphore_mem>>) src(%arg21 : memref<4096xf32, #tpu.memory_space<vmem>>) dst(%dma_wait3A_1196 : memref<4096xf32, #tpu.memory_space<vmem_shared>>)
    %dma_wait3A_1197 = tpu.memref_slice %arg22[%add3A_1120] : memref<1048576xf32, #tpu.memory_space<vmem_shared>> -> memref<4096xf32, #tpu.memory_space<vmem_shared>>
    %dma_wait3A_1198 = tpu.memref_slice %arg22[%add3A_1120] : memref<1048576xf32, #tpu.memory_space<vmem_shared>> -> memref<4096xf32, #tpu.memory_space<vmem_shared>>
    tpu.wait_dma2 semaphore(%arg29 : memref<!tpu.dma_semaphore, #tpu.memory_space<semaphore_mem>>) src(%arg21 : memref<4096xf32, #tpu.memory_space<vmem>>) dst(%dma_wait3A_1198 : memref<4096xf32, #tpu.memory_space<vmem_shared>>)
    %dma_wait3A_1199 = tpu.memref_slice %arg22[%add3A_1128] : memref<1048576xf32, #tpu.memory_space<vmem_shared>> -> memref<4096xf32, #tpu.memory_space<vmem_shared>>
    %dma_wait3A_1200 = tpu.memref_slice %arg22[%add3A_1128] : memref<1048576xf32, #tpu.memory_space<vmem_shared>> -> memref<4096xf32, #tpu.memory_space<vmem_shared>>
    tpu.wait_dma2 semaphore(%arg29 : memref<!tpu.dma_semaphore, #tpu.memory_space<semaphore_mem>>) src(%arg21 : memref<4096xf32, #tpu.memory_space<vmem>>) dst(%dma_wait3A_1200 : memref<4096xf32, #tpu.memory_space<vmem_shared>>)
    %dma_wait3A_1201 = tpu.memref_slice %arg22[%add3A_1136] : memref<1048576xf32, #tpu.memory_space<vmem_shared>> -> memref<4096xf32, #tpu.memory_space<vmem_shared>>
    %dma_wait3A_1202 = tpu.memref_slice %arg22[%add3A_1136] : memref<1048576xf32, #tpu.memory_space<vmem_shared>> -> memref<4096xf32, #tpu.memory_space<vmem_shared>>
    tpu.wait_dma2 semaphore(%arg29 : memref<!tpu.dma_semaphore, #tpu.memory_space<semaphore_mem>>) src(%arg21 : memref<4096xf32, #tpu.memory_space<vmem>>) dst(%dma_wait3A_1202 : memref<4096xf32, #tpu.memory_space<vmem_shared>>)
    %dma_wait3A_1203 = tpu.memref_slice %arg22[%add3A_1144] : memref<1048576xf32, #tpu.memory_space<vmem_shared>> -> memref<4096xf32, #tpu.memory_space<vmem_shared>>
    %dma_wait3A_1204 = tpu.memref_slice %arg22[%add3A_1144] : memref<1048576xf32, #tpu.memory_space<vmem_shared>> -> memref<4096xf32, #tpu.memory_space<vmem_shared>>
    tpu.wait_dma2 semaphore(%arg29 : memref<!tpu.dma_semaphore, #tpu.memory_space<semaphore_mem>>) src(%arg21 : memref<4096xf32, #tpu.memory_space<vmem>>) dst(%dma_wait3A_1204 : memref<4096xf32, #tpu.memory_space<vmem_shared>>)
    %dma_wait3A_1205 = tpu.memref_slice %arg22[%add3A_1154] : memref<1048576xf32, #tpu.memory_space<vmem_shared>> -> memref<4096xf32, #tpu.memory_space<vmem_shared>>
    %dma_wait3A_1206 = tpu.memref_slice %arg22[%add3A_1154] : memref<1048576xf32, #tpu.memory_space<vmem_shared>> -> memref<4096xf32, #tpu.memory_space<vmem_shared>>
    tpu.wait_dma2 semaphore(%arg29 : memref<!tpu.dma_semaphore, #tpu.memory_space<semaphore_mem>>) src(%arg21 : memref<4096xf32, #tpu.memory_space<vmem>>) dst(%dma_wait3A_1206 : memref<4096xf32, #tpu.memory_space<vmem_shared>>)
    %dma_wait3A_1207 = tpu.memref_slice %arg22[%add3A_1162] : memref<1048576xf32, #tpu.memory_space<vmem_shared>> -> memref<4096xf32, #tpu.memory_space<vmem_shared>>
    %dma_wait3A_1208 = tpu.memref_slice %arg22[%add3A_1162] : memref<1048576xf32, #tpu.memory_space<vmem_shared>> -> memref<4096xf32, #tpu.memory_space<vmem_shared>>
    tpu.wait_dma2 semaphore(%arg29 : memref<!tpu.dma_semaphore, #tpu.memory_space<semaphore_mem>>) src(%arg21 : memref<4096xf32, #tpu.memory_space<vmem>>) dst(%dma_wait3A_1208 : memref<4096xf32, #tpu.memory_space<vmem_shared>>)
    %dma_wait3A_1209 = tpu.memref_slice %arg22[%add3A_1170] : memref<1048576xf32, #tpu.memory_space<vmem_shared>> -> memref<4096xf32, #tpu.memory_space<vmem_shared>>
    %dma_wait3A_1210 = tpu.memref_slice %arg22[%add3A_1170] : memref<1048576xf32, #tpu.memory_space<vmem_shared>> -> memref<4096xf32, #tpu.memory_space<vmem_shared>>
    tpu.wait_dma2 semaphore(%arg29 : memref<!tpu.dma_semaphore, #tpu.memory_space<semaphore_mem>>) src(%arg21 : memref<4096xf32, #tpu.memory_space<vmem>>) dst(%dma_wait3A_1210 : memref<4096xf32, #tpu.memory_space<vmem_shared>>)
    %dma_wait3A_1211 = tpu.memref_slice %arg22[%add3A_1178] : memref<1048576xf32, #tpu.memory_space<vmem_shared>> -> memref<4096xf32, #tpu.memory_space<vmem_shared>>
    %dma_wait3A_1212 = tpu.memref_slice %arg22[%add3A_1178] : memref<1048576xf32, #tpu.memory_space<vmem_shared>> -> memref<4096xf32, #tpu.memory_space<vmem_shared>>
    tpu.wait_dma2 semaphore(%arg29 : memref<!tpu.dma_semaphore, #tpu.memory_space<semaphore_mem>>) src(%arg21 : memref<4096xf32, #tpu.memory_space<vmem>>) dst(%dma_wait3A_1212 : memref<4096xf32, #tpu.memory_space<vmem_shared>>)
    %barrier3A_1213 = arith.constant 0 : index
    tpu.barrier barrier_id(%barrier3A_1213)
    %mul3A_1214 = arith.constant 8 : i32
    %mul3A_1215 = arith.muli %arg0, %mul3A_1214 : i32
    %add3A_1216 = arith.constant 4 : i32
    %add3A_1217 = arith.addi %mul3A_1215, %add3A_1216 : i32
    %mul3A_1218 = arith.constant 1048576 : i32
    %mul3A_1219 = arith.muli %add3A_1217, %mul3A_1218 : i32
    %scan3A_1220 = arith.constant 0 : i32
    %scan3A_1221 = arith.constant 0 : i32
    %scan3A_1222 = arith.constant 4 : i32
    %scan3A_1223 = arith.addi %scan3A_1221, %scan3A_1222 : i32
    %scan3A_1224 = arith.constant 1 : i32
    %scan3A_1225 = scf.for %scan3A_1977 = %scan3A_1221 to %scan3A_1223 step %scan3A_1224 iter_args(%scan3A_1978 = %scan3A_1220) -> (i32)  : i32 {
      %gt3A = arith.constant 0 : i32
      %gt3A_1979 = arith.cmpi sgt, %scan3A_1977, %gt3A : i32
      %convert_element_type3A = arith.extui %gt3A_1979 : i1 to i32
      %cond3A = arith.constant 0 : i32
      %cond3A_1980 = arith.cmpi ne, %convert_element_type3A, %cond3A : i32
      scf.if %cond3A_1980 {
        %dma_wait3A_2008 = arith.constant 0 : i32
        %dma_wait3A_2009 = tpu.memref_slice %arg22[%dma_wait3A_2008] : memref<1048576xf32, #tpu.memory_space<vmem_shared>> -> memref<1048576xf32, #tpu.memory_space<vmem_shared>>
        tpu.wait_indirect_dma semaphore(%arg27 : memref<!tpu.dma_semaphore, #tpu.memory_space<semaphore_mem>>) src(%arg19 : memref<2048xf32, #tpu.memory_space<vmem>>) dst(%dma_wait3A_2009 : memref<1048576xf32, #tpu.memory_space<vmem_shared>>)
        %dma_wait3A_2010 = arith.constant 0 : i32
        %dma_wait3A_2011 = tpu.memref_slice %arg22[%dma_wait3A_2010] : memref<1048576xf32, #tpu.memory_space<vmem_shared>> -> memref<1048576xf32, #tpu.memory_space<vmem_shared>>
        tpu.wait_indirect_dma semaphore(%arg28 : memref<!tpu.dma_semaphore, #tpu.memory_space<semaphore_mem>>) src(%arg20 : memref<2048xf32, #tpu.memory_space<vmem>>) dst(%dma_wait3A_2011 : memref<1048576xf32, #tpu.memory_space<vmem_shared>>)
      } else {
      }
      %mul3A_1981 = arith.constant 4096 : i32
      %mul3A_1982 = arith.muli %scan3A_1977, %mul3A_1981 : i32
      %add3A_1983 = arith.constant 0 : i32
      %add3A_1984 = arith.addi %mul3A_1982, %add3A_1983 : i32
      %scan3A_1985 = arith.constant 0 : i32
      %scan3A_1986 = arith.constant 0 : i32
      %scan3A_1987 = arith.constant 128 : i32
      %scan3A_1988 = arith.addi %scan3A_1986, %scan3A_1987 : i32
      %scan3A_1989 = arith.constant 1 : i32
      %scan3A_1990 = scf.for %scan3A_2008 = %scan3A_1986 to %scan3A_1988 step %scan3A_1989 iter_args(%scan3A_2009 = %scan3A_1985) -> (i32)  : i32 {
        %mul3A_2010 = arith.constant 16 : i32
        %mul3A_2011 = arith.muli %scan3A_2008, %mul3A_2010 : i32
        %add3A_2012 = arith.addi %add3A_1984, %mul3A_2011 : i32
        %get3A = arith.index_cast %add3A_2012 : i32 to index
        %get3A_2013 = tpu.vector_load %arg15[%get3A] {strides = array<i32>} : memref<16400xi32, #tpu.memory_space<vmem>>, vector<16xi32>,
        %get3A_2014 = vector.shape_cast %get3A_2013 : vector<16xi32> to vector<16xi32>
        %sub3A = vector.broadcast %mul3A_1219 : i32 to vector<16xi32>
        %sub3A_2015 = arith.subi %get3A_2014, %sub3A : vector<16xi32>
        %mul3A_2016 = arith.constant 16 : i32
        %mul3A_2017 = arith.muli %scan3A_2008, %mul3A_2016 : i32
        %add3A_2018 = arith.addi %add3A_1984, %mul3A_2017 : i32
        %get3A_2019 = arith.index_cast %add3A_2018 : i32 to index
        %get3A_2020 = tpu.vector_load %arg16[%get3A_2019] {strides = array<i32>} : memref<16400xf32, #tpu.memory_space<vmem>>, vector<16xf32>,
        %get3A_2021 = vector.shape_cast %get3A_2020 : vector<16xf32> to vector<16xf32>
        %bitcast3A = vector.bitcast %sub3A_2015 : vector<16xi32> to vector<16xi32>
        %lt3A = arith.constant 1048576 : i32
        %lt3A_2022 = vector.broadcast %lt3A : i32 to vector<16xi32>
        %lt3A_2023 = arith.cmpi ult, %bitcast3A, %lt3A_2022 : vector<16xi32>
        %and3A = arith.constant 1048575 : i32
        %and3A_2024 = vector.broadcast %and3A : i32 to vector<16xi32>
        %and3A_2025 = arith.andi %sub3A_2015, %and3A_2024 : vector<16xi32>
        %mul3A_2026 = arith.constant 16 : i32
        %mul3A_2027 = arith.muli %scan3A_2008, %mul3A_2026 : i32
        %swap3A = arith.index_cast %mul3A_2027 : i32 to index
        %swap3A_2028 = tpu.vector_load %arg17[%swap3A] {strides = array<i32>} : memref<2048xi32, #tpu.memory_space<vmem>>, vector<16xi32>,
        %swap3A_2029 = vector.shape_cast %swap3A_2028 : vector<16xi32> to vector<16xi32>
        %swap3A_2030 = vector.shape_cast %and3A_2025 : vector<16xi32> to vector<16xi32>
        tpu.vector_store %arg17[%swap3A], %swap3A_2030 {strides = array<i32>} : memref<2048xi32, #tpu.memory_space<vmem>>, vector<16xi32>,
        %jit3A = arith.constant 0.000000e+00 : f32
        %broadcast_in_dim3A_2031 = vector.broadcast %jit3A : f32 to vector<16xf32>
        %select_n3A = arith.select %lt3A_2023, %get3A_2021, %broadcast_in_dim3A_2031 : vector<16xi1>, vector<16xf32>
        %mul3A_2032 = arith.constant 16 : i32
        %mul3A_2033 = arith.muli %scan3A_2008, %mul3A_2032 : i32
        %swap3A_2034 = arith.index_cast %mul3A_2033 : i32 to index
        %swap3A_2035 = tpu.vector_load %arg19[%swap3A_2034] {strides = array<i32>} : memref<2048xf32, #tpu.memory_space<vmem>>, vector<16xf32>,
        %swap3A_2036 = vector.shape_cast %swap3A_2035 : vector<16xf32> to vector<16xf32>
        %swap3A_2037 = vector.shape_cast %select_n3A : vector<16xf32> to vector<16xf32>
        tpu.vector_store %arg19[%swap3A_2034], %swap3A_2037 {strides = array<i32>} : memref<2048xf32, #tpu.memory_space<vmem>>, vector<16xf32>,
        %scan3A_2038 = arith.constant 0 : i32
        scf.yield %scan3A_2038 : i32
      }
      %scan3A_1991 = arith.constant 128 : i32
      %dma_start3A_1992 = arith.constant 0 : i32
      %dma_start3A_1993 = tpu.memref_slice %arg22[%dma_start3A_1992] : memref<1048576xf32, #tpu.memory_space<vmem_shared>> -> memref<1048576xf32, #tpu.memory_space<vmem_shared>>
      tpu.enqueue_indirect_dma source(%arg19 : memref<2048xf32, #tpu.memory_space<vmem>>) target(%dma_start3A_1993 : memref<1048576xf32, #tpu.memory_space<vmem_shared>>) offsets(%arg17 : memref<2048xi32, #tpu.memory_space<vmem>>) semaphore(%arg27 : memref<!tpu.dma_semaphore, #tpu.memory_space<semaphore_mem>>) {add = true}
      %mul3A_1994 = arith.constant 4096 : i32
      %mul3A_1995 = arith.muli %scan3A_1977, %mul3A_1994 : i32
      %add3A_1996 = arith.constant 2048 : i32
      %add3A_1997 = arith.addi %mul3A_1995, %add3A_1996 : i32
      %scan3A_1998 = arith.constant 0 : i32
      %scan3A_1999 = arith.constant 0 : i32
      %scan3A_2000 = arith.constant 128 : i32
      %scan3A_2001 = arith.addi %scan3A_1999, %scan3A_2000 : i32
      %scan3A_2002 = arith.constant 1 : i32
      %scan3A_2003 = scf.for %scan3A_2008 = %scan3A_1999 to %scan3A_2001 step %scan3A_2002 iter_args(%scan3A_2009 = %scan3A_1998) -> (i32)  : i32 {
        %mul3A_2010 = arith.constant 16 : i32
        %mul3A_2011 = arith.muli %scan3A_2008, %mul3A_2010 : i32
        %add3A_2012 = arith.addi %add3A_1997, %mul3A_2011 : i32
        %get3A = arith.index_cast %add3A_2012 : i32 to index
        %get3A_2013 = tpu.vector_load %arg15[%get3A] {strides = array<i32>} : memref<16400xi32, #tpu.memory_space<vmem>>, vector<16xi32>,
        %get3A_2014 = vector.shape_cast %get3A_2013 : vector<16xi32> to vector<16xi32>
        %sub3A = vector.broadcast %mul3A_1219 : i32 to vector<16xi32>
        %sub3A_2015 = arith.subi %get3A_2014, %sub3A : vector<16xi32>
        %mul3A_2016 = arith.constant 16 : i32
        %mul3A_2017 = arith.muli %scan3A_2008, %mul3A_2016 : i32
        %add3A_2018 = arith.addi %add3A_1997, %mul3A_2017 : i32
        %get3A_2019 = arith.index_cast %add3A_2018 : i32 to index
        %get3A_2020 = tpu.vector_load %arg16[%get3A_2019] {strides = array<i32>} : memref<16400xf32, #tpu.memory_space<vmem>>, vector<16xf32>,
        %get3A_2021 = vector.shape_cast %get3A_2020 : vector<16xf32> to vector<16xf32>
        %bitcast3A = vector.bitcast %sub3A_2015 : vector<16xi32> to vector<16xi32>
        %lt3A = arith.constant 1048576 : i32
        %lt3A_2022 = vector.broadcast %lt3A : i32 to vector<16xi32>
        %lt3A_2023 = arith.cmpi ult, %bitcast3A, %lt3A_2022 : vector<16xi32>
        %and3A = arith.constant 1048575 : i32
        %and3A_2024 = vector.broadcast %and3A : i32 to vector<16xi32>
        %and3A_2025 = arith.andi %sub3A_2015, %and3A_2024 : vector<16xi32>
        %mul3A_2026 = arith.constant 16 : i32
        %mul3A_2027 = arith.muli %scan3A_2008, %mul3A_2026 : i32
        %swap3A = arith.index_cast %mul3A_2027 : i32 to index
        %swap3A_2028 = tpu.vector_load %arg18[%swap3A] {strides = array<i32>} : memref<2048xi32, #tpu.memory_space<vmem>>, vector<16xi32>,
        %swap3A_2029 = vector.shape_cast %swap3A_2028 : vector<16xi32> to vector<16xi32>
        %swap3A_2030 = vector.shape_cast %and3A_2025 : vector<16xi32> to vector<16xi32>
        tpu.vector_store %arg18[%swap3A], %swap3A_2030 {strides = array<i32>} : memref<2048xi32, #tpu.memory_space<vmem>>, vector<16xi32>,
        %jit3A = arith.constant 0.000000e+00 : f32
        %broadcast_in_dim3A_2031 = vector.broadcast %jit3A : f32 to vector<16xf32>
        %select_n3A = arith.select %lt3A_2023, %get3A_2021, %broadcast_in_dim3A_2031 : vector<16xi1>, vector<16xf32>
        %mul3A_2032 = arith.constant 16 : i32
        %mul3A_2033 = arith.muli %scan3A_2008, %mul3A_2032 : i32
        %swap3A_2034 = arith.index_cast %mul3A_2033 : i32 to index
        %swap3A_2035 = tpu.vector_load %arg20[%swap3A_2034] {strides = array<i32>} : memref<2048xf32, #tpu.memory_space<vmem>>, vector<16xf32>,
        %swap3A_2036 = vector.shape_cast %swap3A_2035 : vector<16xf32> to vector<16xf32>
        %swap3A_2037 = vector.shape_cast %select_n3A : vector<16xf32> to vector<16xf32>
        tpu.vector_store %arg20[%swap3A_2034], %swap3A_2037 {strides = array<i32>} : memref<2048xf32, #tpu.memory_space<vmem>>, vector<16xf32>,
        %scan3A_2038 = arith.constant 0 : i32
        scf.yield %scan3A_2038 : i32
      }
      %scan3A_2004 = arith.constant 128 : i32
      %dma_start3A_2005 = arith.constant 0 : i32
      %dma_start3A_2006 = tpu.memref_slice %arg22[%dma_start3A_2005] : memref<1048576xf32, #tpu.memory_space<vmem_shared>> -> memref<1048576xf32, #tpu.memory_space<vmem_shared>>
      tpu.enqueue_indirect_dma source(%arg20 : memref<2048xf32, #tpu.memory_space<vmem>>) target(%dma_start3A_2006 : memref<1048576xf32, #tpu.memory_space<vmem_shared>>) offsets(%arg18 : memref<2048xi32, #tpu.memory_space<vmem>>) semaphore(%arg28 : memref<!tpu.dma_semaphore, #tpu.memory_space<semaphore_mem>>) {add = true}
      %scan3A_2007 = arith.constant 0 : i32
      scf.yield %scan3A_2007 : i32
    }
    %scan3A_1226 = arith.constant 4 : i32
    %dma_wait3A_1227 = arith.constant 0 : i32
    %dma_wait3A_1228 = tpu.memref_slice %arg22[%dma_wait3A_1227] : memref<1048576xf32, #tpu.memory_space<vmem_shared>> -> memref<1048576xf32, #tpu.memory_space<vmem_shared>>
    tpu.wait_indirect_dma semaphore(%arg27 : memref<!tpu.dma_semaphore, #tpu.memory_space<semaphore_mem>>) src(%arg19 : memref<2048xf32, #tpu.memory_space<vmem>>) dst(%dma_wait3A_1228 : memref<1048576xf32, #tpu.memory_space<vmem_shared>>)
    %dma_wait3A_1229 = arith.constant 0 : i32
    %dma_wait3A_1230 = tpu.memref_slice %arg22[%dma_wait3A_1229] : memref<1048576xf32, #tpu.memory_space<vmem_shared>> -> memref<1048576xf32, #tpu.memory_space<vmem_shared>>
    tpu.wait_indirect_dma semaphore(%arg28 : memref<!tpu.dma_semaphore, #tpu.memory_space<semaphore_mem>>) src(%arg20 : memref<2048xf32, #tpu.memory_space<vmem>>) dst(%dma_wait3A_1230 : memref<1048576xf32, #tpu.memory_space<vmem_shared>>)
    %barrier3A_1231 = arith.constant 0 : index
    tpu.barrier barrier_id(%barrier3A_1231)
    %mul3A_1232 = arith.constant 65536 : i32
    %mul3A_1233 = arith.muli %arg1, %mul3A_1232 : i32
    %add3A_1234 = arith.constant 0 : i32
    %add3A_1235 = arith.addi %mul3A_1233, %add3A_1234 : i32
    %mul3A_1236 = arith.constant 65536 : i32
    %mul3A_1237 = arith.muli %arg1, %mul3A_1236 : i32
    %add3A_1238 = arith.addi %mul3A_1219, %mul3A_1237 : i32
    %add3A_1239 = arith.constant 0 : i32
    %add3A_1240 = arith.addi %add3A_1238, %add3A_1239 : i32
    %dma_start3A_1241 = tpu.memref_slice %arg6[%add3A_1240] : memref<16777216xf32, #tpu.memory_space<hbm>> -> memref<16384xf32, #tpu.memory_space<hbm>>
    %dma_start3A_1242 = tpu.memref_slice %arg22[%add3A_1235] : memref<1048576xf32, #tpu.memory_space<vmem_shared>> -> memref<16384xf32, #tpu.memory_space<vmem_shared>>
    tpu.enqueue_dma source(%dma_start3A_1242 : memref<16384xf32, #tpu.memory_space<vmem_shared>>) target(%dma_start3A_1241 : memref<16384xf32, #tpu.memory_space<hbm>>) target_semaphore(%arg30 : memref<!tpu.dma_semaphore, #tpu.memory_space<semaphore_mem>>)
    %mul3A_1243 = arith.constant 65536 : i32
    %mul3A_1244 = arith.muli %arg1, %mul3A_1243 : i32
    %add3A_1245 = arith.constant 16384 : i32
    %add3A_1246 = arith.addi %mul3A_1244, %add3A_1245 : i32
    %mul3A_1247 = arith.constant 65536 : i32
    %mul3A_1248 = arith.muli %arg1, %mul3A_1247 : i32
    %add3A_1249 = arith.addi %mul3A_1219, %mul3A_1248 : i32
    %add3A_1250 = arith.constant 16384 : i32
    %add3A_1251 = arith.addi %add3A_1249, %add3A_1250 : i32
    %dma_start3A_1252 = tpu.memref_slice %arg6[%add3A_1251] : memref<16777216xf32, #tpu.memory_space<hbm>> -> memref<16384xf32, #tpu.memory_space<hbm>>
    %dma_start3A_1253 = tpu.memref_slice %arg22[%add3A_1246] : memref<1048576xf32, #tpu.memory_space<vmem_shared>> -> memref<16384xf32, #tpu.memory_space<vmem_shared>>
    tpu.enqueue_dma source(%dma_start3A_1253 : memref<16384xf32, #tpu.memory_space<vmem_shared>>) target(%dma_start3A_1252 : memref<16384xf32, #tpu.memory_space<hbm>>) target_semaphore(%arg31 : memref<!tpu.dma_semaphore, #tpu.memory_space<semaphore_mem>>)
    %mul3A_1254 = arith.constant 65536 : i32
    %mul3A_1255 = arith.muli %arg1, %mul3A_1254 : i32
    %add3A_1256 = arith.constant 32768 : i32
    %add3A_1257 = arith.addi %mul3A_1255, %add3A_1256 : i32
    %mul3A_1258 = arith.constant 65536 : i32
    %mul3A_1259 = arith.muli %arg1, %mul3A_1258 : i32
    %add3A_1260 = arith.addi %mul3A_1219, %mul3A_1259 : i32
    %add3A_1261 = arith.constant 32768 : i32
    %add3A_1262 = arith.addi %add3A_1260, %add3A_1261 : i32
    %dma_start3A_1263 = tpu.memref_slice %arg6[%add3A_1262] : memref<16777216xf32, #tpu.memory_space<hbm>> -> memref<16384xf32, #tpu.memory_space<hbm>>
    %dma_start3A_1264 = tpu.memref_slice %arg22[%add3A_1257] : memref<1048576xf32, #tpu.memory_space<vmem_shared>> -> memref<16384xf32, #tpu.memory_space<vmem_shared>>
    tpu.enqueue_dma source(%dma_start3A_1264 : memref<16384xf32, #tpu.memory_space<vmem_shared>>) target(%dma_start3A_1263 : memref<16384xf32, #tpu.memory_space<hbm>>) target_semaphore(%arg32 : memref<!tpu.dma_semaphore, #tpu.memory_space<semaphore_mem>>)
    %mul3A_1265 = arith.constant 65536 : i32
    %mul3A_1266 = arith.muli %arg1, %mul3A_1265 : i32
    %add3A_1267 = arith.constant 49152 : i32
    %add3A_1268 = arith.addi %mul3A_1266, %add3A_1267 : i32
    %mul3A_1269 = arith.constant 65536 : i32
    %mul3A_1270 = arith.muli %arg1, %mul3A_1269 : i32
    %add3A_1271 = arith.addi %mul3A_1219, %mul3A_1270 : i32
    %add3A_1272 = arith.constant 49152 : i32
    %add3A_1273 = arith.addi %add3A_1271, %add3A_1272 : i32
    %dma_start3A_1274 = tpu.memref_slice %arg6[%add3A_1273] : memref<16777216xf32, #tpu.memory_space<hbm>> -> memref<16384xf32, #tpu.memory_space<hbm>>
    %dma_start3A_1275 = tpu.memref_slice %arg22[%add3A_1268] : memref<1048576xf32, #tpu.memory_space<vmem_shared>> -> memref<16384xf32, #tpu.memory_space<vmem_shared>>
    tpu.enqueue_dma source(%dma_start3A_1275 : memref<16384xf32, #tpu.memory_space<vmem_shared>>) target(%dma_start3A_1274 : memref<16384xf32, #tpu.memory_space<hbm>>) target_semaphore(%arg33 : memref<!tpu.dma_semaphore, #tpu.memory_space<semaphore_mem>>)
    %dma_wait3A_1276 = tpu.memref_slice %arg6[%add3A_1240] : memref<16777216xf32, #tpu.memory_space<hbm>> -> memref<16384xf32, #tpu.memory_space<hbm>>
    %dma_wait3A_1277 = tpu.memref_slice %arg22[%add3A_1235] : memref<1048576xf32, #tpu.memory_space<vmem_shared>> -> memref<16384xf32, #tpu.memory_space<vmem_shared>>
    tpu.wait_dma2 semaphore(%arg30 : memref<!tpu.dma_semaphore, #tpu.memory_space<semaphore_mem>>) src(%dma_wait3A_1277 : memref<16384xf32, #tpu.memory_space<vmem_shared>>) dst(%dma_wait3A_1276 : memref<16384xf32, #tpu.memory_space<hbm>>)
    %mul3A_1278 = arith.constant 65536 : i32
    %mul3A_1279 = arith.muli %arg1, %mul3A_1278 : i32
    %add3A_1280 = arith.constant 0 : i32
    %add3A_1281 = arith.addi %mul3A_1279, %add3A_1280 : i32
    %add3A_1282 = arith.constant 0 : i32
    %add3A_1283 = arith.addi %add3A_1281, %add3A_1282 : i32
    %dma_start3A_1284 = tpu.memref_slice %arg22[%add3A_1283] : memref<1048576xf32, #tpu.memory_space<vmem_shared>> -> memref<4096xf32, #tpu.memory_space<vmem_shared>>
    %dma_start3A_1285 = tpu.memref_slice %arg22[%add3A_1283] : memref<1048576xf32, #tpu.memory_space<vmem_shared>> -> memref<4096xf32, #tpu.memory_space<vmem_shared>>
    tpu.enqueue_dma source(%arg21 : memref<4096xf32, #tpu.memory_space<vmem>>) target(%dma_start3A_1285 : memref<4096xf32, #tpu.memory_space<vmem_shared>>) target_semaphore(%arg29 : memref<!tpu.dma_semaphore, #tpu.memory_space<semaphore_mem>>)
    %mul3A_1286 = arith.constant 65536 : i32
    %mul3A_1287 = arith.muli %arg1, %mul3A_1286 : i32
    %add3A_1288 = arith.constant 0 : i32
    %add3A_1289 = arith.addi %mul3A_1287, %add3A_1288 : i32
    %add3A_1290 = arith.constant 4096 : i32
    %add3A_1291 = arith.addi %add3A_1289, %add3A_1290 : i32
    %dma_start3A_1292 = tpu.memref_slice %arg22[%add3A_1291] : memref<1048576xf32, #tpu.memory_space<vmem_shared>> -> memref<4096xf32, #tpu.memory_space<vmem_shared>>
    %dma_start3A_1293 = tpu.memref_slice %arg22[%add3A_1291] : memref<1048576xf32, #tpu.memory_space<vmem_shared>> -> memref<4096xf32, #tpu.memory_space<vmem_shared>>
    tpu.enqueue_dma source(%arg21 : memref<4096xf32, #tpu.memory_space<vmem>>) target(%dma_start3A_1293 : memref<4096xf32, #tpu.memory_space<vmem_shared>>) target_semaphore(%arg29 : memref<!tpu.dma_semaphore, #tpu.memory_space<semaphore_mem>>)
    %mul3A_1294 = arith.constant 65536 : i32
    %mul3A_1295 = arith.muli %arg1, %mul3A_1294 : i32
    %add3A_1296 = arith.constant 0 : i32
    %add3A_1297 = arith.addi %mul3A_1295, %add3A_1296 : i32
    %add3A_1298 = arith.constant 8192 : i32
    %add3A_1299 = arith.addi %add3A_1297, %add3A_1298 : i32
    %dma_start3A_1300 = tpu.memref_slice %arg22[%add3A_1299] : memref<1048576xf32, #tpu.memory_space<vmem_shared>> -> memref<4096xf32, #tpu.memory_space<vmem_shared>>
    %dma_start3A_1301 = tpu.memref_slice %arg22[%add3A_1299] : memref<1048576xf32, #tpu.memory_space<vmem_shared>> -> memref<4096xf32, #tpu.memory_space<vmem_shared>>
    tpu.enqueue_dma source(%arg21 : memref<4096xf32, #tpu.memory_space<vmem>>) target(%dma_start3A_1301 : memref<4096xf32, #tpu.memory_space<vmem_shared>>) target_semaphore(%arg29 : memref<!tpu.dma_semaphore, #tpu.memory_space<semaphore_mem>>)
    %mul3A_1302 = arith.constant 65536 : i32
    %mul3A_1303 = arith.muli %arg1, %mul3A_1302 : i32
    %add3A_1304 = arith.constant 0 : i32
    %add3A_1305 = arith.addi %mul3A_1303, %add3A_1304 : i32
    %add3A_1306 = arith.constant 12288 : i32
    %add3A_1307 = arith.addi %add3A_1305, %add3A_1306 : i32
    %dma_start3A_1308 = tpu.memref_slice %arg22[%add3A_1307] : memref<1048576xf32, #tpu.memory_space<vmem_shared>> -> memref<4096xf32, #tpu.memory_space<vmem_shared>>
    %dma_start3A_1309 = tpu.memref_slice %arg22[%add3A_1307] : memref<1048576xf32, #tpu.memory_space<vmem_shared>> -> memref<4096xf32, #tpu.memory_space<vmem_shared>>
    tpu.enqueue_dma source(%arg21 : memref<4096xf32, #tpu.memory_space<vmem>>) target(%dma_start3A_1309 : memref<4096xf32, #tpu.memory_space<vmem_shared>>) target_semaphore(%arg29 : memref<!tpu.dma_semaphore, #tpu.memory_space<semaphore_mem>>)
    %dma_wait3A_1310 = tpu.memref_slice %arg6[%add3A_1251] : memref<16777216xf32, #tpu.memory_space<hbm>> -> memref<16384xf32, #tpu.memory_space<hbm>>
    %dma_wait3A_1311 = tpu.memref_slice %arg22[%add3A_1246] : memref<1048576xf32, #tpu.memory_space<vmem_shared>> -> memref<16384xf32, #tpu.memory_space<vmem_shared>>
    tpu.wait_dma2 semaphore(%arg31 : memref<!tpu.dma_semaphore, #tpu.memory_space<semaphore_mem>>) src(%dma_wait3A_1311 : memref<16384xf32, #tpu.memory_space<vmem_shared>>) dst(%dma_wait3A_1310 : memref<16384xf32, #tpu.memory_space<hbm>>)
    %mul3A_1312 = arith.constant 65536 : i32
    %mul3A_1313 = arith.muli %arg1, %mul3A_1312 : i32
    %add3A_1314 = arith.constant 16384 : i32
    %add3A_1315 = arith.addi %mul3A_1313, %add3A_1314 : i32
    %add3A_1316 = arith.constant 0 : i32
    %add3A_1317 = arith.addi %add3A_1315, %add3A_1316 : i32
    %dma_start3A_1318 = tpu.memref_slice %arg22[%add3A_1317] : memref<1048576xf32, #tpu.memory_space<vmem_shared>> -> memref<4096xf32, #tpu.memory_space<vmem_shared>>
    %dma_start3A_1319 = tpu.memref_slice %arg22[%add3A_1317] : memref<1048576xf32, #tpu.memory_space<vmem_shared>> -> memref<4096xf32, #tpu.memory_space<vmem_shared>>
    tpu.enqueue_dma source(%arg21 : memref<4096xf32, #tpu.memory_space<vmem>>) target(%dma_start3A_1319 : memref<4096xf32, #tpu.memory_space<vmem_shared>>) target_semaphore(%arg29 : memref<!tpu.dma_semaphore, #tpu.memory_space<semaphore_mem>>)
    %mul3A_1320 = arith.constant 65536 : i32
    %mul3A_1321 = arith.muli %arg1, %mul3A_1320 : i32
    %add3A_1322 = arith.constant 16384 : i32
    %add3A_1323 = arith.addi %mul3A_1321, %add3A_1322 : i32
    %add3A_1324 = arith.constant 4096 : i32
    %add3A_1325 = arith.addi %add3A_1323, %add3A_1324 : i32
    %dma_start3A_1326 = tpu.memref_slice %arg22[%add3A_1325] : memref<1048576xf32, #tpu.memory_space<vmem_shared>> -> memref<4096xf32, #tpu.memory_space<vmem_shared>>
    %dma_start3A_1327 = tpu.memref_slice %arg22[%add3A_1325] : memref<1048576xf32, #tpu.memory_space<vmem_shared>> -> memref<4096xf32, #tpu.memory_space<vmem_shared>>
    tpu.enqueue_dma source(%arg21 : memref<4096xf32, #tpu.memory_space<vmem>>) target(%dma_start3A_1327 : memref<4096xf32, #tpu.memory_space<vmem_shared>>) target_semaphore(%arg29 : memref<!tpu.dma_semaphore, #tpu.memory_space<semaphore_mem>>)
    %mul3A_1328 = arith.constant 65536 : i32
    %mul3A_1329 = arith.muli %arg1, %mul3A_1328 : i32
    %add3A_1330 = arith.constant 16384 : i32
    %add3A_1331 = arith.addi %mul3A_1329, %add3A_1330 : i32
    %add3A_1332 = arith.constant 8192 : i32
    %add3A_1333 = arith.addi %add3A_1331, %add3A_1332 : i32
    %dma_start3A_1334 = tpu.memref_slice %arg22[%add3A_1333] : memref<1048576xf32, #tpu.memory_space<vmem_shared>> -> memref<4096xf32, #tpu.memory_space<vmem_shared>>
    %dma_start3A_1335 = tpu.memref_slice %arg22[%add3A_1333] : memref<1048576xf32, #tpu.memory_space<vmem_shared>> -> memref<4096xf32, #tpu.memory_space<vmem_shared>>
    tpu.enqueue_dma source(%arg21 : memref<4096xf32, #tpu.memory_space<vmem>>) target(%dma_start3A_1335 : memref<4096xf32, #tpu.memory_space<vmem_shared>>) target_semaphore(%arg29 : memref<!tpu.dma_semaphore, #tpu.memory_space<semaphore_mem>>)
    %mul3A_1336 = arith.constant 65536 : i32
    %mul3A_1337 = arith.muli %arg1, %mul3A_1336 : i32
    %add3A_1338 = arith.constant 16384 : i32
    %add3A_1339 = arith.addi %mul3A_1337, %add3A_1338 : i32
    %add3A_1340 = arith.constant 12288 : i32
    %add3A_1341 = arith.addi %add3A_1339, %add3A_1340 : i32
    %dma_start3A_1342 = tpu.memref_slice %arg22[%add3A_1341] : memref<1048576xf32, #tpu.memory_space<vmem_shared>> -> memref<4096xf32, #tpu.memory_space<vmem_shared>>
    %dma_start3A_1343 = tpu.memref_slice %arg22[%add3A_1341] : memref<1048576xf32, #tpu.memory_space<vmem_shared>> -> memref<4096xf32, #tpu.memory_space<vmem_shared>>
    tpu.enqueue_dma source(%arg21 : memref<4096xf32, #tpu.memory_space<vmem>>) target(%dma_start3A_1343 : memref<4096xf32, #tpu.memory_space<vmem_shared>>) target_semaphore(%arg29 : memref<!tpu.dma_semaphore, #tpu.memory_space<semaphore_mem>>)
    %dma_wait3A_1344 = tpu.memref_slice %arg6[%add3A_1262] : memref<16777216xf32, #tpu.memory_space<hbm>> -> memref<16384xf32, #tpu.memory_space<hbm>>
    %dma_wait3A_1345 = tpu.memref_slice %arg22[%add3A_1257] : memref<1048576xf32, #tpu.memory_space<vmem_shared>> -> memref<16384xf32, #tpu.memory_space<vmem_shared>>
    tpu.wait_dma2 semaphore(%arg32 : memref<!tpu.dma_semaphore, #tpu.memory_space<semaphore_mem>>) src(%dma_wait3A_1345 : memref<16384xf32, #tpu.memory_space<vmem_shared>>) dst(%dma_wait3A_1344 : memref<16384xf32, #tpu.memory_space<hbm>>)
    %mul3A_1346 = arith.constant 65536 : i32
    %mul3A_1347 = arith.muli %arg1, %mul3A_1346 : i32
    %add3A_1348 = arith.constant 32768 : i32
    %add3A_1349 = arith.addi %mul3A_1347, %add3A_1348 : i32
    %add3A_1350 = arith.constant 0 : i32
    %add3A_1351 = arith.addi %add3A_1349, %add3A_1350 : i32
    %dma_start3A_1352 = tpu.memref_slice %arg22[%add3A_1351] : memref<1048576xf32, #tpu.memory_space<vmem_shared>> -> memref<4096xf32, #tpu.memory_space<vmem_shared>>
    %dma_start3A_1353 = tpu.memref_slice %arg22[%add3A_1351] : memref<1048576xf32, #tpu.memory_space<vmem_shared>> -> memref<4096xf32, #tpu.memory_space<vmem_shared>>
    tpu.enqueue_dma source(%arg21 : memref<4096xf32, #tpu.memory_space<vmem>>) target(%dma_start3A_1353 : memref<4096xf32, #tpu.memory_space<vmem_shared>>) target_semaphore(%arg29 : memref<!tpu.dma_semaphore, #tpu.memory_space<semaphore_mem>>)
    %mul3A_1354 = arith.constant 65536 : i32
    %mul3A_1355 = arith.muli %arg1, %mul3A_1354 : i32
    %add3A_1356 = arith.constant 32768 : i32
    %add3A_1357 = arith.addi %mul3A_1355, %add3A_1356 : i32
    %add3A_1358 = arith.constant 4096 : i32
    %add3A_1359 = arith.addi %add3A_1357, %add3A_1358 : i32
    %dma_start3A_1360 = tpu.memref_slice %arg22[%add3A_1359] : memref<1048576xf32, #tpu.memory_space<vmem_shared>> -> memref<4096xf32, #tpu.memory_space<vmem_shared>>
    %dma_start3A_1361 = tpu.memref_slice %arg22[%add3A_1359] : memref<1048576xf32, #tpu.memory_space<vmem_shared>> -> memref<4096xf32, #tpu.memory_space<vmem_shared>>
    tpu.enqueue_dma source(%arg21 : memref<4096xf32, #tpu.memory_space<vmem>>) target(%dma_start3A_1361 : memref<4096xf32, #tpu.memory_space<vmem_shared>>) target_semaphore(%arg29 : memref<!tpu.dma_semaphore, #tpu.memory_space<semaphore_mem>>)
    %mul3A_1362 = arith.constant 65536 : i32
    %mul3A_1363 = arith.muli %arg1, %mul3A_1362 : i32
    %add3A_1364 = arith.constant 32768 : i32
    %add3A_1365 = arith.addi %mul3A_1363, %add3A_1364 : i32
    %add3A_1366 = arith.constant 8192 : i32
    %add3A_1367 = arith.addi %add3A_1365, %add3A_1366 : i32
    %dma_start3A_1368 = tpu.memref_slice %arg22[%add3A_1367] : memref<1048576xf32, #tpu.memory_space<vmem_shared>> -> memref<4096xf32, #tpu.memory_space<vmem_shared>>
    %dma_start3A_1369 = tpu.memref_slice %arg22[%add3A_1367] : memref<1048576xf32, #tpu.memory_space<vmem_shared>> -> memref<4096xf32, #tpu.memory_space<vmem_shared>>
    tpu.enqueue_dma source(%arg21 : memref<4096xf32, #tpu.memory_space<vmem>>) target(%dma_start3A_1369 : memref<4096xf32, #tpu.memory_space<vmem_shared>>) target_semaphore(%arg29 : memref<!tpu.dma_semaphore, #tpu.memory_space<semaphore_mem>>)
    %mul3A_1370 = arith.constant 65536 : i32
    %mul3A_1371 = arith.muli %arg1, %mul3A_1370 : i32
    %add3A_1372 = arith.constant 32768 : i32
    %add3A_1373 = arith.addi %mul3A_1371, %add3A_1372 : i32
    %add3A_1374 = arith.constant 12288 : i32
    %add3A_1375 = arith.addi %add3A_1373, %add3A_1374 : i32
    %dma_start3A_1376 = tpu.memref_slice %arg22[%add3A_1375] : memref<1048576xf32, #tpu.memory_space<vmem_shared>> -> memref<4096xf32, #tpu.memory_space<vmem_shared>>
    %dma_start3A_1377 = tpu.memref_slice %arg22[%add3A_1375] : memref<1048576xf32, #tpu.memory_space<vmem_shared>> -> memref<4096xf32, #tpu.memory_space<vmem_shared>>
    tpu.enqueue_dma source(%arg21 : memref<4096xf32, #tpu.memory_space<vmem>>) target(%dma_start3A_1377 : memref<4096xf32, #tpu.memory_space<vmem_shared>>) target_semaphore(%arg29 : memref<!tpu.dma_semaphore, #tpu.memory_space<semaphore_mem>>)
    %dma_wait3A_1378 = tpu.memref_slice %arg6[%add3A_1273] : memref<16777216xf32, #tpu.memory_space<hbm>> -> memref<16384xf32, #tpu.memory_space<hbm>>
    %dma_wait3A_1379 = tpu.memref_slice %arg22[%add3A_1268] : memref<1048576xf32, #tpu.memory_space<vmem_shared>> -> memref<16384xf32, #tpu.memory_space<vmem_shared>>
    tpu.wait_dma2 semaphore(%arg33 : memref<!tpu.dma_semaphore, #tpu.memory_space<semaphore_mem>>) src(%dma_wait3A_1379 : memref<16384xf32, #tpu.memory_space<vmem_shared>>) dst(%dma_wait3A_1378 : memref<16384xf32, #tpu.memory_space<hbm>>)
    %mul3A_1380 = arith.constant 65536 : i32
    %mul3A_1381 = arith.muli %arg1, %mul3A_1380 : i32
    %add3A_1382 = arith.constant 49152 : i32
    %add3A_1383 = arith.addi %mul3A_1381, %add3A_1382 : i32
    %add3A_1384 = arith.constant 0 : i32
    %add3A_1385 = arith.addi %add3A_1383, %add3A_1384 : i32
    %dma_start3A_1386 = tpu.memref_slice %arg22[%add3A_1385] : memref<1048576xf32, #tpu.memory_space<vmem_shared>> -> memref<4096xf32, #tpu.memory_space<vmem_shared>>
    %dma_start3A_1387 = tpu.memref_slice %arg22[%add3A_1385] : memref<1048576xf32, #tpu.memory_space<vmem_shared>> -> memref<4096xf32, #tpu.memory_space<vmem_shared>>
    tpu.enqueue_dma source(%arg21 : memref<4096xf32, #tpu.memory_space<vmem>>) target(%dma_start3A_1387 : memref<4096xf32, #tpu.memory_space<vmem_shared>>) target_semaphore(%arg29 : memref<!tpu.dma_semaphore, #tpu.memory_space<semaphore_mem>>)
    %mul3A_1388 = arith.constant 65536 : i32
    %mul3A_1389 = arith.muli %arg1, %mul3A_1388 : i32
    %add3A_1390 = arith.constant 49152 : i32
    %add3A_1391 = arith.addi %mul3A_1389, %add3A_1390 : i32
    %add3A_1392 = arith.constant 4096 : i32
    %add3A_1393 = arith.addi %add3A_1391, %add3A_1392 : i32
    %dma_start3A_1394 = tpu.memref_slice %arg22[%add3A_1393] : memref<1048576xf32, #tpu.memory_space<vmem_shared>> -> memref<4096xf32, #tpu.memory_space<vmem_shared>>
    %dma_start3A_1395 = tpu.memref_slice %arg22[%add3A_1393] : memref<1048576xf32, #tpu.memory_space<vmem_shared>> -> memref<4096xf32, #tpu.memory_space<vmem_shared>>
    tpu.enqueue_dma source(%arg21 : memref<4096xf32, #tpu.memory_space<vmem>>) target(%dma_start3A_1395 : memref<4096xf32, #tpu.memory_space<vmem_shared>>) target_semaphore(%arg29 : memref<!tpu.dma_semaphore, #tpu.memory_space<semaphore_mem>>)
    %mul3A_1396 = arith.constant 65536 : i32
    %mul3A_1397 = arith.muli %arg1, %mul3A_1396 : i32
    %add3A_1398 = arith.constant 49152 : i32
    %add3A_1399 = arith.addi %mul3A_1397, %add3A_1398 : i32
    %add3A_1400 = arith.constant 8192 : i32
    %add3A_1401 = arith.addi %add3A_1399, %add3A_1400 : i32
    %dma_start3A_1402 = tpu.memref_slice %arg22[%add3A_1401] : memref<1048576xf32, #tpu.memory_space<vmem_shared>> -> memref<4096xf32, #tpu.memory_space<vmem_shared>>
    %dma_start3A_1403 = tpu.memref_slice %arg22[%add3A_1401] : memref<1048576xf32, #tpu.memory_space<vmem_shared>> -> memref<4096xf32, #tpu.memory_space<vmem_shared>>
    tpu.enqueue_dma source(%arg21 : memref<4096xf32, #tpu.memory_space<vmem>>) target(%dma_start3A_1403 : memref<4096xf32, #tpu.memory_space<vmem_shared>>) target_semaphore(%arg29 : memref<!tpu.dma_semaphore, #tpu.memory_space<semaphore_mem>>)
    %mul3A_1404 = arith.constant 65536 : i32
    %mul3A_1405 = arith.muli %arg1, %mul3A_1404 : i32
    %add3A_1406 = arith.constant 49152 : i32
    %add3A_1407 = arith.addi %mul3A_1405, %add3A_1406 : i32
    %add3A_1408 = arith.constant 12288 : i32
    %add3A_1409 = arith.addi %add3A_1407, %add3A_1408 : i32
    %dma_start3A_1410 = tpu.memref_slice %arg22[%add3A_1409] : memref<1048576xf32, #tpu.memory_space<vmem_shared>> -> memref<4096xf32, #tpu.memory_space<vmem_shared>>
    %dma_start3A_1411 = tpu.memref_slice %arg22[%add3A_1409] : memref<1048576xf32, #tpu.memory_space<vmem_shared>> -> memref<4096xf32, #tpu.memory_space<vmem_shared>>
    tpu.enqueue_dma source(%arg21 : memref<4096xf32, #tpu.memory_space<vmem>>) target(%dma_start3A_1411 : memref<4096xf32, #tpu.memory_space<vmem_shared>>) target_semaphore(%arg29 : memref<!tpu.dma_semaphore, #tpu.memory_space<semaphore_mem>>)
    %dma_wait3A_1412 = tpu.memref_slice %arg22[%add3A_1283] : memref<1048576xf32, #tpu.memory_space<vmem_shared>> -> memref<4096xf32, #tpu.memory_space<vmem_shared>>
    %dma_wait3A_1413 = tpu.memref_slice %arg22[%add3A_1283] : memref<1048576xf32, #tpu.memory_space<vmem_shared>> -> memref<4096xf32, #tpu.memory_space<vmem_shared>>
    tpu.wait_dma2 semaphore(%arg29 : memref<!tpu.dma_semaphore, #tpu.memory_space<semaphore_mem>>) src(%arg21 : memref<4096xf32, #tpu.memory_space<vmem>>) dst(%dma_wait3A_1413 : memref<4096xf32, #tpu.memory_space<vmem_shared>>)
    %dma_wait3A_1414 = tpu.memref_slice %arg22[%add3A_1291] : memref<1048576xf32, #tpu.memory_space<vmem_shared>> -> memref<4096xf32, #tpu.memory_space<vmem_shared>>
    %dma_wait3A_1415 = tpu.memref_slice %arg22[%add3A_1291] : memref<1048576xf32, #tpu.memory_space<vmem_shared>> -> memref<4096xf32, #tpu.memory_space<vmem_shared>>
    tpu.wait_dma2 semaphore(%arg29 : memref<!tpu.dma_semaphore, #tpu.memory_space<semaphore_mem>>) src(%arg21 : memref<4096xf32, #tpu.memory_space<vmem>>) dst(%dma_wait3A_1415 : memref<4096xf32, #tpu.memory_space<vmem_shared>>)
    %dma_wait3A_1416 = tpu.memref_slice %arg22[%add3A_1299] : memref<1048576xf32, #tpu.memory_space<vmem_shared>> -> memref<4096xf32, #tpu.memory_space<vmem_shared>>
    %dma_wait3A_1417 = tpu.memref_slice %arg22[%add3A_1299] : memref<1048576xf32, #tpu.memory_space<vmem_shared>> -> memref<4096xf32, #tpu.memory_space<vmem_shared>>
    tpu.wait_dma2 semaphore(%arg29 : memref<!tpu.dma_semaphore, #tpu.memory_space<semaphore_mem>>) src(%arg21 : memref<4096xf32, #tpu.memory_space<vmem>>) dst(%dma_wait3A_1417 : memref<4096xf32, #tpu.memory_space<vmem_shared>>)
    %dma_wait3A_1418 = tpu.memref_slice %arg22[%add3A_1307] : memref<1048576xf32, #tpu.memory_space<vmem_shared>> -> memref<4096xf32, #tpu.memory_space<vmem_shared>>
    %dma_wait3A_1419 = tpu.memref_slice %arg22[%add3A_1307] : memref<1048576xf32, #tpu.memory_space<vmem_shared>> -> memref<4096xf32, #tpu.memory_space<vmem_shared>>
    tpu.wait_dma2 semaphore(%arg29 : memref<!tpu.dma_semaphore, #tpu.memory_space<semaphore_mem>>) src(%arg21 : memref<4096xf32, #tpu.memory_space<vmem>>) dst(%dma_wait3A_1419 : memref<4096xf32, #tpu.memory_space<vmem_shared>>)
    %dma_wait3A_1420 = tpu.memref_slice %arg22[%add3A_1317] : memref<1048576xf32, #tpu.memory_space<vmem_shared>> -> memref<4096xf32, #tpu.memory_space<vmem_shared>>
    %dma_wait3A_1421 = tpu.memref_slice %arg22[%add3A_1317] : memref<1048576xf32, #tpu.memory_space<vmem_shared>> -> memref<4096xf32, #tpu.memory_space<vmem_shared>>
    tpu.wait_dma2 semaphore(%arg29 : memref<!tpu.dma_semaphore, #tpu.memory_space<semaphore_mem>>) src(%arg21 : memref<4096xf32, #tpu.memory_space<vmem>>) dst(%dma_wait3A_1421 : memref<4096xf32, #tpu.memory_space<vmem_shared>>)
    %dma_wait3A_1422 = tpu.memref_slice %arg22[%add3A_1325] : memref<1048576xf32, #tpu.memory_space<vmem_shared>> -> memref<4096xf32, #tpu.memory_space<vmem_shared>>
    %dma_wait3A_1423 = tpu.memref_slice %arg22[%add3A_1325] : memref<1048576xf32, #tpu.memory_space<vmem_shared>> -> memref<4096xf32, #tpu.memory_space<vmem_shared>>
    tpu.wait_dma2 semaphore(%arg29 : memref<!tpu.dma_semaphore, #tpu.memory_space<semaphore_mem>>) src(%arg21 : memref<4096xf32, #tpu.memory_space<vmem>>) dst(%dma_wait3A_1423 : memref<4096xf32, #tpu.memory_space<vmem_shared>>)
    %dma_wait3A_1424 = tpu.memref_slice %arg22[%add3A_1333] : memref<1048576xf32, #tpu.memory_space<vmem_shared>> -> memref<4096xf32, #tpu.memory_space<vmem_shared>>
    %dma_wait3A_1425 = tpu.memref_slice %arg22[%add3A_1333] : memref<1048576xf32, #tpu.memory_space<vmem_shared>> -> memref<4096xf32, #tpu.memory_space<vmem_shared>>
    tpu.wait_dma2 semaphore(%arg29 : memref<!tpu.dma_semaphore, #tpu.memory_space<semaphore_mem>>) src(%arg21 : memref<4096xf32, #tpu.memory_space<vmem>>) dst(%dma_wait3A_1425 : memref<4096xf32, #tpu.memory_space<vmem_shared>>)
    %dma_wait3A_1426 = tpu.memref_slice %arg22[%add3A_1341] : memref<1048576xf32, #tpu.memory_space<vmem_shared>> -> memref<4096xf32, #tpu.memory_space<vmem_shared>>
    %dma_wait3A_1427 = tpu.memref_slice %arg22[%add3A_1341] : memref<1048576xf32, #tpu.memory_space<vmem_shared>> -> memref<4096xf32, #tpu.memory_space<vmem_shared>>
    tpu.wait_dma2 semaphore(%arg29 : memref<!tpu.dma_semaphore, #tpu.memory_space<semaphore_mem>>) src(%arg21 : memref<4096xf32, #tpu.memory_space<vmem>>) dst(%dma_wait3A_1427 : memref<4096xf32, #tpu.memory_space<vmem_shared>>)
    %dma_wait3A_1428 = tpu.memref_slice %arg22[%add3A_1351] : memref<1048576xf32, #tpu.memory_space<vmem_shared>> -> memref<4096xf32, #tpu.memory_space<vmem_shared>>
    %dma_wait3A_1429 = tpu.memref_slice %arg22[%add3A_1351] : memref<1048576xf32, #tpu.memory_space<vmem_shared>> -> memref<4096xf32, #tpu.memory_space<vmem_shared>>
    tpu.wait_dma2 semaphore(%arg29 : memref<!tpu.dma_semaphore, #tpu.memory_space<semaphore_mem>>) src(%arg21 : memref<4096xf32, #tpu.memory_space<vmem>>) dst(%dma_wait3A_1429 : memref<4096xf32, #tpu.memory_space<vmem_shared>>)
    %dma_wait3A_1430 = tpu.memref_slice %arg22[%add3A_1359] : memref<1048576xf32, #tpu.memory_space<vmem_shared>> -> memref<4096xf32, #tpu.memory_space<vmem_shared>>
    %dma_wait3A_1431 = tpu.memref_slice %arg22[%add3A_1359] : memref<1048576xf32, #tpu.memory_space<vmem_shared>> -> memref<4096xf32, #tpu.memory_space<vmem_shared>>
    tpu.wait_dma2 semaphore(%arg29 : memref<!tpu.dma_semaphore, #tpu.memory_space<semaphore_mem>>) src(%arg21 : memref<4096xf32, #tpu.memory_space<vmem>>) dst(%dma_wait3A_1431 : memref<4096xf32, #tpu.memory_space<vmem_shared>>)
    %dma_wait3A_1432 = tpu.memref_slice %arg22[%add3A_1367] : memref<1048576xf32, #tpu.memory_space<vmem_shared>> -> memref<4096xf32, #tpu.memory_space<vmem_shared>>
    %dma_wait3A_1433 = tpu.memref_slice %arg22[%add3A_1367] : memref<1048576xf32, #tpu.memory_space<vmem_shared>> -> memref<4096xf32, #tpu.memory_space<vmem_shared>>
    tpu.wait_dma2 semaphore(%arg29 : memref<!tpu.dma_semaphore, #tpu.memory_space<semaphore_mem>>) src(%arg21 : memref<4096xf32, #tpu.memory_space<vmem>>) dst(%dma_wait3A_1433 : memref<4096xf32, #tpu.memory_space<vmem_shared>>)
    %dma_wait3A_1434 = tpu.memref_slice %arg22[%add3A_1375] : memref<1048576xf32, #tpu.memory_space<vmem_shared>> -> memref<4096xf32, #tpu.memory_space<vmem_shared>>
    %dma_wait3A_1435 = tpu.memref_slice %arg22[%add3A_1375] : memref<1048576xf32, #tpu.memory_space<vmem_shared>> -> memref<4096xf32, #tpu.memory_space<vmem_shared>>
    tpu.wait_dma2 semaphore(%arg29 : memref<!tpu.dma_semaphore, #tpu.memory_space<semaphore_mem>>) src(%arg21 : memref<4096xf32, #tpu.memory_space<vmem>>) dst(%dma_wait3A_1435 : memref<4096xf32, #tpu.memory_space<vmem_shared>>)
    %dma_wait3A_1436 = tpu.memref_slice %arg22[%add3A_1385] : memref<1048576xf32, #tpu.memory_space<vmem_shared>> -> memref<4096xf32, #tpu.memory_space<vmem_shared>>
    %dma_wait3A_1437 = tpu.memref_slice %arg22[%add3A_1385] : memref<1048576xf32, #tpu.memory_space<vmem_shared>> -> memref<4096xf32, #tpu.memory_space<vmem_shared>>
    tpu.wait_dma2 semaphore(%arg29 : memref<!tpu.dma_semaphore, #tpu.memory_space<semaphore_mem>>) src(%arg21 : memref<4096xf32, #tpu.memory_space<vmem>>) dst(%dma_wait3A_1437 : memref<4096xf32, #tpu.memory_space<vmem_shared>>)
    %dma_wait3A_1438 = tpu.memref_slice %arg22[%add3A_1393] : memref<1048576xf32, #tpu.memory_space<vmem_shared>> -> memref<4096xf32, #tpu.memory_space<vmem_shared>>
    %dma_wait3A_1439 = tpu.memref_slice %arg22[%add3A_1393] : memref<1048576xf32, #tpu.memory_space<vmem_shared>> -> memref<4096xf32, #tpu.memory_space<vmem_shared>>
    tpu.wait_dma2 semaphore(%arg29 : memref<!tpu.dma_semaphore, #tpu.memory_space<semaphore_mem>>) src(%arg21 : memref<4096xf32, #tpu.memory_space<vmem>>) dst(%dma_wait3A_1439 : memref<4096xf32, #tpu.memory_space<vmem_shared>>)
    %dma_wait3A_1440 = tpu.memref_slice %arg22[%add3A_1401] : memref<1048576xf32, #tpu.memory_space<vmem_shared>> -> memref<4096xf32, #tpu.memory_space<vmem_shared>>
    %dma_wait3A_1441 = tpu.memref_slice %arg22[%add3A_1401] : memref<1048576xf32, #tpu.memory_space<vmem_shared>> -> memref<4096xf32, #tpu.memory_space<vmem_shared>>
    tpu.wait_dma2 semaphore(%arg29 : memref<!tpu.dma_semaphore, #tpu.memory_space<semaphore_mem>>) src(%arg21 : memref<4096xf32, #tpu.memory_space<vmem>>) dst(%dma_wait3A_1441 : memref<4096xf32, #tpu.memory_space<vmem_shared>>)
    %dma_wait3A_1442 = tpu.memref_slice %arg22[%add3A_1409] : memref<1048576xf32, #tpu.memory_space<vmem_shared>> -> memref<4096xf32, #tpu.memory_space<vmem_shared>>
    %dma_wait3A_1443 = tpu.memref_slice %arg22[%add3A_1409] : memref<1048576xf32, #tpu.memory_space<vmem_shared>> -> memref<4096xf32, #tpu.memory_space<vmem_shared>>
    tpu.wait_dma2 semaphore(%arg29 : memref<!tpu.dma_semaphore, #tpu.memory_space<semaphore_mem>>) src(%arg21 : memref<4096xf32, #tpu.memory_space<vmem>>) dst(%dma_wait3A_1443 : memref<4096xf32, #tpu.memory_space<vmem_shared>>)
    %barrier3A_1444 = arith.constant 0 : index
    tpu.barrier barrier_id(%barrier3A_1444)
    %mul3A_1445 = arith.constant 8 : i32
    %mul3A_1446 = arith.muli %arg0, %mul3A_1445 : i32
    %add3A_1447 = arith.constant 5 : i32
    %add3A_1448 = arith.addi %mul3A_1446, %add3A_1447 : i32
    %mul3A_1449 = arith.constant 1048576 : i32
    %mul3A_1450 = arith.muli %add3A_1448, %mul3A_1449 : i32
    %scan3A_1451 = arith.constant 0 : i32
    %scan3A_1452 = arith.constant 0 : i32
    %scan3A_1453 = arith.constant 4 : i32
    %scan3A_1454 = arith.addi %scan3A_1452, %scan3A_1453 : i32
    %scan3A_1455 = arith.constant 1 : i32
    %scan3A_1456 = scf.for %scan3A_1977 = %scan3A_1452 to %scan3A_1454 step %scan3A_1455 iter_args(%scan3A_1978 = %scan3A_1451) -> (i32)  : i32 {
      %gt3A = arith.constant 0 : i32
      %gt3A_1979 = arith.cmpi sgt, %scan3A_1977, %gt3A : i32
      %convert_element_type3A = arith.extui %gt3A_1979 : i1 to i32
      %cond3A = arith.constant 0 : i32
      %cond3A_1980 = arith.cmpi ne, %convert_element_type3A, %cond3A : i32
      scf.if %cond3A_1980 {
        %dma_wait3A_2008 = arith.constant 0 : i32
        %dma_wait3A_2009 = tpu.memref_slice %arg22[%dma_wait3A_2008] : memref<1048576xf32, #tpu.memory_space<vmem_shared>> -> memref<1048576xf32, #tpu.memory_space<vmem_shared>>
        tpu.wait_indirect_dma semaphore(%arg27 : memref<!tpu.dma_semaphore, #tpu.memory_space<semaphore_mem>>) src(%arg19 : memref<2048xf32, #tpu.memory_space<vmem>>) dst(%dma_wait3A_2009 : memref<1048576xf32, #tpu.memory_space<vmem_shared>>)
        %dma_wait3A_2010 = arith.constant 0 : i32
        %dma_wait3A_2011 = tpu.memref_slice %arg22[%dma_wait3A_2010] : memref<1048576xf32, #tpu.memory_space<vmem_shared>> -> memref<1048576xf32, #tpu.memory_space<vmem_shared>>
        tpu.wait_indirect_dma semaphore(%arg28 : memref<!tpu.dma_semaphore, #tpu.memory_space<semaphore_mem>>) src(%arg20 : memref<2048xf32, #tpu.memory_space<vmem>>) dst(%dma_wait3A_2011 : memref<1048576xf32, #tpu.memory_space<vmem_shared>>)
      } else {
      }
      %mul3A_1981 = arith.constant 4096 : i32
      %mul3A_1982 = arith.muli %scan3A_1977, %mul3A_1981 : i32
      %add3A_1983 = arith.constant 0 : i32
      %add3A_1984 = arith.addi %mul3A_1982, %add3A_1983 : i32
      %scan3A_1985 = arith.constant 0 : i32
      %scan3A_1986 = arith.constant 0 : i32
      %scan3A_1987 = arith.constant 128 : i32
      %scan3A_1988 = arith.addi %scan3A_1986, %scan3A_1987 : i32
      %scan3A_1989 = arith.constant 1 : i32
      %scan3A_1990 = scf.for %scan3A_2008 = %scan3A_1986 to %scan3A_1988 step %scan3A_1989 iter_args(%scan3A_2009 = %scan3A_1985) -> (i32)  : i32 {
        %mul3A_2010 = arith.constant 16 : i32
        %mul3A_2011 = arith.muli %scan3A_2008, %mul3A_2010 : i32
        %add3A_2012 = arith.addi %add3A_1984, %mul3A_2011 : i32
        %get3A = arith.index_cast %add3A_2012 : i32 to index
        %get3A_2013 = tpu.vector_load %arg15[%get3A] {strides = array<i32>} : memref<16400xi32, #tpu.memory_space<vmem>>, vector<16xi32>,
        %get3A_2014 = vector.shape_cast %get3A_2013 : vector<16xi32> to vector<16xi32>
        %sub3A = vector.broadcast %mul3A_1450 : i32 to vector<16xi32>
        %sub3A_2015 = arith.subi %get3A_2014, %sub3A : vector<16xi32>
        %mul3A_2016 = arith.constant 16 : i32
        %mul3A_2017 = arith.muli %scan3A_2008, %mul3A_2016 : i32
        %add3A_2018 = arith.addi %add3A_1984, %mul3A_2017 : i32
        %get3A_2019 = arith.index_cast %add3A_2018 : i32 to index
        %get3A_2020 = tpu.vector_load %arg16[%get3A_2019] {strides = array<i32>} : memref<16400xf32, #tpu.memory_space<vmem>>, vector<16xf32>,
        %get3A_2021 = vector.shape_cast %get3A_2020 : vector<16xf32> to vector<16xf32>
        %bitcast3A = vector.bitcast %sub3A_2015 : vector<16xi32> to vector<16xi32>
        %lt3A = arith.constant 1048576 : i32
        %lt3A_2022 = vector.broadcast %lt3A : i32 to vector<16xi32>
        %lt3A_2023 = arith.cmpi ult, %bitcast3A, %lt3A_2022 : vector<16xi32>
        %and3A = arith.constant 1048575 : i32
        %and3A_2024 = vector.broadcast %and3A : i32 to vector<16xi32>
        %and3A_2025 = arith.andi %sub3A_2015, %and3A_2024 : vector<16xi32>
        %mul3A_2026 = arith.constant 16 : i32
        %mul3A_2027 = arith.muli %scan3A_2008, %mul3A_2026 : i32
        %swap3A = arith.index_cast %mul3A_2027 : i32 to index
        %swap3A_2028 = tpu.vector_load %arg17[%swap3A] {strides = array<i32>} : memref<2048xi32, #tpu.memory_space<vmem>>, vector<16xi32>,
        %swap3A_2029 = vector.shape_cast %swap3A_2028 : vector<16xi32> to vector<16xi32>
        %swap3A_2030 = vector.shape_cast %and3A_2025 : vector<16xi32> to vector<16xi32>
        tpu.vector_store %arg17[%swap3A], %swap3A_2030 {strides = array<i32>} : memref<2048xi32, #tpu.memory_space<vmem>>, vector<16xi32>,
        %jit3A = arith.constant 0.000000e+00 : f32
        %broadcast_in_dim3A_2031 = vector.broadcast %jit3A : f32 to vector<16xf32>
        %select_n3A = arith.select %lt3A_2023, %get3A_2021, %broadcast_in_dim3A_2031 : vector<16xi1>, vector<16xf32>
        %mul3A_2032 = arith.constant 16 : i32
        %mul3A_2033 = arith.muli %scan3A_2008, %mul3A_2032 : i32
        %swap3A_2034 = arith.index_cast %mul3A_2033 : i32 to index
        %swap3A_2035 = tpu.vector_load %arg19[%swap3A_2034] {strides = array<i32>} : memref<2048xf32, #tpu.memory_space<vmem>>, vector<16xf32>,
        %swap3A_2036 = vector.shape_cast %swap3A_2035 : vector<16xf32> to vector<16xf32>
        %swap3A_2037 = vector.shape_cast %select_n3A : vector<16xf32> to vector<16xf32>
        tpu.vector_store %arg19[%swap3A_2034], %swap3A_2037 {strides = array<i32>} : memref<2048xf32, #tpu.memory_space<vmem>>, vector<16xf32>,
        %scan3A_2038 = arith.constant 0 : i32
        scf.yield %scan3A_2038 : i32
      }
      %scan3A_1991 = arith.constant 128 : i32
      %dma_start3A_1992 = arith.constant 0 : i32
      %dma_start3A_1993 = tpu.memref_slice %arg22[%dma_start3A_1992] : memref<1048576xf32, #tpu.memory_space<vmem_shared>> -> memref<1048576xf32, #tpu.memory_space<vmem_shared>>
      tpu.enqueue_indirect_dma source(%arg19 : memref<2048xf32, #tpu.memory_space<vmem>>) target(%dma_start3A_1993 : memref<1048576xf32, #tpu.memory_space<vmem_shared>>) offsets(%arg17 : memref<2048xi32, #tpu.memory_space<vmem>>) semaphore(%arg27 : memref<!tpu.dma_semaphore, #tpu.memory_space<semaphore_mem>>) {add = true}
      %mul3A_1994 = arith.constant 4096 : i32
      %mul3A_1995 = arith.muli %scan3A_1977, %mul3A_1994 : i32
      %add3A_1996 = arith.constant 2048 : i32
      %add3A_1997 = arith.addi %mul3A_1995, %add3A_1996 : i32
      %scan3A_1998 = arith.constant 0 : i32
      %scan3A_1999 = arith.constant 0 : i32
      %scan3A_2000 = arith.constant 128 : i32
      %scan3A_2001 = arith.addi %scan3A_1999, %scan3A_2000 : i32
      %scan3A_2002 = arith.constant 1 : i32
      %scan3A_2003 = scf.for %scan3A_2008 = %scan3A_1999 to %scan3A_2001 step %scan3A_2002 iter_args(%scan3A_2009 = %scan3A_1998) -> (i32)  : i32 {
        %mul3A_2010 = arith.constant 16 : i32
        %mul3A_2011 = arith.muli %scan3A_2008, %mul3A_2010 : i32
        %add3A_2012 = arith.addi %add3A_1997, %mul3A_2011 : i32
        %get3A = arith.index_cast %add3A_2012 : i32 to index
        %get3A_2013 = tpu.vector_load %arg15[%get3A] {strides = array<i32>} : memref<16400xi32, #tpu.memory_space<vmem>>, vector<16xi32>,
        %get3A_2014 = vector.shape_cast %get3A_2013 : vector<16xi32> to vector<16xi32>
        %sub3A = vector.broadcast %mul3A_1450 : i32 to vector<16xi32>
        %sub3A_2015 = arith.subi %get3A_2014, %sub3A : vector<16xi32>
        %mul3A_2016 = arith.constant 16 : i32
        %mul3A_2017 = arith.muli %scan3A_2008, %mul3A_2016 : i32
        %add3A_2018 = arith.addi %add3A_1997, %mul3A_2017 : i32
        %get3A_2019 = arith.index_cast %add3A_2018 : i32 to index
        %get3A_2020 = tpu.vector_load %arg16[%get3A_2019] {strides = array<i32>} : memref<16400xf32, #tpu.memory_space<vmem>>, vector<16xf32>,
        %get3A_2021 = vector.shape_cast %get3A_2020 : vector<16xf32> to vector<16xf32>
        %bitcast3A = vector.bitcast %sub3A_2015 : vector<16xi32> to vector<16xi32>
        %lt3A = arith.constant 1048576 : i32
        %lt3A_2022 = vector.broadcast %lt3A : i32 to vector<16xi32>
        %lt3A_2023 = arith.cmpi ult, %bitcast3A, %lt3A_2022 : vector<16xi32>
        %and3A = arith.constant 1048575 : i32
        %and3A_2024 = vector.broadcast %and3A : i32 to vector<16xi32>
        %and3A_2025 = arith.andi %sub3A_2015, %and3A_2024 : vector<16xi32>
        %mul3A_2026 = arith.constant 16 : i32
        %mul3A_2027 = arith.muli %scan3A_2008, %mul3A_2026 : i32
        %swap3A = arith.index_cast %mul3A_2027 : i32 to index
        %swap3A_2028 = tpu.vector_load %arg18[%swap3A] {strides = array<i32>} : memref<2048xi32, #tpu.memory_space<vmem>>, vector<16xi32>,
        %swap3A_2029 = vector.shape_cast %swap3A_2028 : vector<16xi32> to vector<16xi32>
        %swap3A_2030 = vector.shape_cast %and3A_2025 : vector<16xi32> to vector<16xi32>
        tpu.vector_store %arg18[%swap3A], %swap3A_2030 {strides = array<i32>} : memref<2048xi32, #tpu.memory_space<vmem>>, vector<16xi32>,
        %jit3A = arith.constant 0.000000e+00 : f32
        %broadcast_in_dim3A_2031 = vector.broadcast %jit3A : f32 to vector<16xf32>
        %select_n3A = arith.select %lt3A_2023, %get3A_2021, %broadcast_in_dim3A_2031 : vector<16xi1>, vector<16xf32>
        %mul3A_2032 = arith.constant 16 : i32
        %mul3A_2033 = arith.muli %scan3A_2008, %mul3A_2032 : i32
        %swap3A_2034 = arith.index_cast %mul3A_2033 : i32 to index
        %swap3A_2035 = tpu.vector_load %arg20[%swap3A_2034] {strides = array<i32>} : memref<2048xf32, #tpu.memory_space<vmem>>, vector<16xf32>,
        %swap3A_2036 = vector.shape_cast %swap3A_2035 : vector<16xf32> to vector<16xf32>
        %swap3A_2037 = vector.shape_cast %select_n3A : vector<16xf32> to vector<16xf32>
        tpu.vector_store %arg20[%swap3A_2034], %swap3A_2037 {strides = array<i32>} : memref<2048xf32, #tpu.memory_space<vmem>>, vector<16xf32>,
        %scan3A_2038 = arith.constant 0 : i32
        scf.yield %scan3A_2038 : i32
      }
      %scan3A_2004 = arith.constant 128 : i32
      %dma_start3A_2005 = arith.constant 0 : i32
      %dma_start3A_2006 = tpu.memref_slice %arg22[%dma_start3A_2005] : memref<1048576xf32, #tpu.memory_space<vmem_shared>> -> memref<1048576xf32, #tpu.memory_space<vmem_shared>>
      tpu.enqueue_indirect_dma source(%arg20 : memref<2048xf32, #tpu.memory_space<vmem>>) target(%dma_start3A_2006 : memref<1048576xf32, #tpu.memory_space<vmem_shared>>) offsets(%arg18 : memref<2048xi32, #tpu.memory_space<vmem>>) semaphore(%arg28 : memref<!tpu.dma_semaphore, #tpu.memory_space<semaphore_mem>>) {add = true}
      %scan3A_2007 = arith.constant 0 : i32
      scf.yield %scan3A_2007 : i32
    }
    %scan3A_1457 = arith.constant 4 : i32
    %dma_wait3A_1458 = arith.constant 0 : i32
    %dma_wait3A_1459 = tpu.memref_slice %arg22[%dma_wait3A_1458] : memref<1048576xf32, #tpu.memory_space<vmem_shared>> -> memref<1048576xf32, #tpu.memory_space<vmem_shared>>
    tpu.wait_indirect_dma semaphore(%arg27 : memref<!tpu.dma_semaphore, #tpu.memory_space<semaphore_mem>>) src(%arg19 : memref<2048xf32, #tpu.memory_space<vmem>>) dst(%dma_wait3A_1459 : memref<1048576xf32, #tpu.memory_space<vmem_shared>>)
    %dma_wait3A_1460 = arith.constant 0 : i32
    %dma_wait3A_1461 = tpu.memref_slice %arg22[%dma_wait3A_1460] : memref<1048576xf32, #tpu.memory_space<vmem_shared>> -> memref<1048576xf32, #tpu.memory_space<vmem_shared>>
    tpu.wait_indirect_dma semaphore(%arg28 : memref<!tpu.dma_semaphore, #tpu.memory_space<semaphore_mem>>) src(%arg20 : memref<2048xf32, #tpu.memory_space<vmem>>) dst(%dma_wait3A_1461 : memref<1048576xf32, #tpu.memory_space<vmem_shared>>)
    %barrier3A_1462 = arith.constant 0 : index
    tpu.barrier barrier_id(%barrier3A_1462)
    %mul3A_1463 = arith.constant 65536 : i32
    %mul3A_1464 = arith.muli %arg1, %mul3A_1463 : i32
    %add3A_1465 = arith.constant 0 : i32
    %add3A_1466 = arith.addi %mul3A_1464, %add3A_1465 : i32
    %mul3A_1467 = arith.constant 65536 : i32
    %mul3A_1468 = arith.muli %arg1, %mul3A_1467 : i32
    %add3A_1469 = arith.addi %mul3A_1450, %mul3A_1468 : i32
    %add3A_1470 = arith.constant 0 : i32
    %add3A_1471 = arith.addi %add3A_1469, %add3A_1470 : i32
    %dma_start3A_1472 = tpu.memref_slice %arg6[%add3A_1471] : memref<16777216xf32, #tpu.memory_space<hbm>> -> memref<16384xf32, #tpu.memory_space<hbm>>
    %dma_start3A_1473 = tpu.memref_slice %arg22[%add3A_1466] : memref<1048576xf32, #tpu.memory_space<vmem_shared>> -> memref<16384xf32, #tpu.memory_space<vmem_shared>>
    tpu.enqueue_dma source(%dma_start3A_1473 : memref<16384xf32, #tpu.memory_space<vmem_shared>>) target(%dma_start3A_1472 : memref<16384xf32, #tpu.memory_space<hbm>>) target_semaphore(%arg30 : memref<!tpu.dma_semaphore, #tpu.memory_space<semaphore_mem>>)
    %mul3A_1474 = arith.constant 65536 : i32
    %mul3A_1475 = arith.muli %arg1, %mul3A_1474 : i32
    %add3A_1476 = arith.constant 16384 : i32
    %add3A_1477 = arith.addi %mul3A_1475, %add3A_1476 : i32
    %mul3A_1478 = arith.constant 65536 : i32
    %mul3A_1479 = arith.muli %arg1, %mul3A_1478 : i32
    %add3A_1480 = arith.addi %mul3A_1450, %mul3A_1479 : i32
    %add3A_1481 = arith.constant 16384 : i32
    %add3A_1482 = arith.addi %add3A_1480, %add3A_1481 : i32
    %dma_start3A_1483 = tpu.memref_slice %arg6[%add3A_1482] : memref<16777216xf32, #tpu.memory_space<hbm>> -> memref<16384xf32, #tpu.memory_space<hbm>>
    %dma_start3A_1484 = tpu.memref_slice %arg22[%add3A_1477] : memref<1048576xf32, #tpu.memory_space<vmem_shared>> -> memref<16384xf32, #tpu.memory_space<vmem_shared>>
    tpu.enqueue_dma source(%dma_start3A_1484 : memref<16384xf32, #tpu.memory_space<vmem_shared>>) target(%dma_start3A_1483 : memref<16384xf32, #tpu.memory_space<hbm>>) target_semaphore(%arg31 : memref<!tpu.dma_semaphore, #tpu.memory_space<semaphore_mem>>)
    %mul3A_1485 = arith.constant 65536 : i32
    %mul3A_1486 = arith.muli %arg1, %mul3A_1485 : i32
    %add3A_1487 = arith.constant 32768 : i32
    %add3A_1488 = arith.addi %mul3A_1486, %add3A_1487 : i32
    %mul3A_1489 = arith.constant 65536 : i32
    %mul3A_1490 = arith.muli %arg1, %mul3A_1489 : i32
    %add3A_1491 = arith.addi %mul3A_1450, %mul3A_1490 : i32
    %add3A_1492 = arith.constant 32768 : i32
    %add3A_1493 = arith.addi %add3A_1491, %add3A_1492 : i32
    %dma_start3A_1494 = tpu.memref_slice %arg6[%add3A_1493] : memref<16777216xf32, #tpu.memory_space<hbm>> -> memref<16384xf32, #tpu.memory_space<hbm>>
    %dma_start3A_1495 = tpu.memref_slice %arg22[%add3A_1488] : memref<1048576xf32, #tpu.memory_space<vmem_shared>> -> memref<16384xf32, #tpu.memory_space<vmem_shared>>
    tpu.enqueue_dma source(%dma_start3A_1495 : memref<16384xf32, #tpu.memory_space<vmem_shared>>) target(%dma_start3A_1494 : memref<16384xf32, #tpu.memory_space<hbm>>) target_semaphore(%arg32 : memref<!tpu.dma_semaphore, #tpu.memory_space<semaphore_mem>>)
    %mul3A_1496 = arith.constant 65536 : i32
    %mul3A_1497 = arith.muli %arg1, %mul3A_1496 : i32
    %add3A_1498 = arith.constant 49152 : i32
    %add3A_1499 = arith.addi %mul3A_1497, %add3A_1498 : i32
    %mul3A_1500 = arith.constant 65536 : i32
    %mul3A_1501 = arith.muli %arg1, %mul3A_1500 : i32
    %add3A_1502 = arith.addi %mul3A_1450, %mul3A_1501 : i32
    %add3A_1503 = arith.constant 49152 : i32
    %add3A_1504 = arith.addi %add3A_1502, %add3A_1503 : i32
    %dma_start3A_1505 = tpu.memref_slice %arg6[%add3A_1504] : memref<16777216xf32, #tpu.memory_space<hbm>> -> memref<16384xf32, #tpu.memory_space<hbm>>
    %dma_start3A_1506 = tpu.memref_slice %arg22[%add3A_1499] : memref<1048576xf32, #tpu.memory_space<vmem_shared>> -> memref<16384xf32, #tpu.memory_space<vmem_shared>>
    tpu.enqueue_dma source(%dma_start3A_1506 : memref<16384xf32, #tpu.memory_space<vmem_shared>>) target(%dma_start3A_1505 : memref<16384xf32, #tpu.memory_space<hbm>>) target_semaphore(%arg33 : memref<!tpu.dma_semaphore, #tpu.memory_space<semaphore_mem>>)
    %dma_wait3A_1507 = tpu.memref_slice %arg6[%add3A_1471] : memref<16777216xf32, #tpu.memory_space<hbm>> -> memref<16384xf32, #tpu.memory_space<hbm>>
    %dma_wait3A_1508 = tpu.memref_slice %arg22[%add3A_1466] : memref<1048576xf32, #tpu.memory_space<vmem_shared>> -> memref<16384xf32, #tpu.memory_space<vmem_shared>>
    tpu.wait_dma2 semaphore(%arg30 : memref<!tpu.dma_semaphore, #tpu.memory_space<semaphore_mem>>) src(%dma_wait3A_1508 : memref<16384xf32, #tpu.memory_space<vmem_shared>>) dst(%dma_wait3A_1507 : memref<16384xf32, #tpu.memory_space<hbm>>)
    %mul3A_1509 = arith.constant 65536 : i32
    %mul3A_1510 = arith.muli %arg1, %mul3A_1509 : i32
    %add3A_1511 = arith.constant 0 : i32
    %add3A_1512 = arith.addi %mul3A_1510, %add3A_1511 : i32
    %add3A_1513 = arith.constant 0 : i32
    %add3A_1514 = arith.addi %add3A_1512, %add3A_1513 : i32
    %dma_start3A_1515 = tpu.memref_slice %arg22[%add3A_1514] : memref<1048576xf32, #tpu.memory_space<vmem_shared>> -> memref<4096xf32, #tpu.memory_space<vmem_shared>>
    %dma_start3A_1516 = tpu.memref_slice %arg22[%add3A_1514] : memref<1048576xf32, #tpu.memory_space<vmem_shared>> -> memref<4096xf32, #tpu.memory_space<vmem_shared>>
    tpu.enqueue_dma source(%arg21 : memref<4096xf32, #tpu.memory_space<vmem>>) target(%dma_start3A_1516 : memref<4096xf32, #tpu.memory_space<vmem_shared>>) target_semaphore(%arg29 : memref<!tpu.dma_semaphore, #tpu.memory_space<semaphore_mem>>)
    %mul3A_1517 = arith.constant 65536 : i32
    %mul3A_1518 = arith.muli %arg1, %mul3A_1517 : i32
    %add3A_1519 = arith.constant 0 : i32
    %add3A_1520 = arith.addi %mul3A_1518, %add3A_1519 : i32
    %add3A_1521 = arith.constant 4096 : i32
    %add3A_1522 = arith.addi %add3A_1520, %add3A_1521 : i32
    %dma_start3A_1523 = tpu.memref_slice %arg22[%add3A_1522] : memref<1048576xf32, #tpu.memory_space<vmem_shared>> -> memref<4096xf32, #tpu.memory_space<vmem_shared>>
    %dma_start3A_1524 = tpu.memref_slice %arg22[%add3A_1522] : memref<1048576xf32, #tpu.memory_space<vmem_shared>> -> memref<4096xf32, #tpu.memory_space<vmem_shared>>
    tpu.enqueue_dma source(%arg21 : memref<4096xf32, #tpu.memory_space<vmem>>) target(%dma_start3A_1524 : memref<4096xf32, #tpu.memory_space<vmem_shared>>) target_semaphore(%arg29 : memref<!tpu.dma_semaphore, #tpu.memory_space<semaphore_mem>>)
    %mul3A_1525 = arith.constant 65536 : i32
    %mul3A_1526 = arith.muli %arg1, %mul3A_1525 : i32
    %add3A_1527 = arith.constant 0 : i32
    %add3A_1528 = arith.addi %mul3A_1526, %add3A_1527 : i32
    %add3A_1529 = arith.constant 8192 : i32
    %add3A_1530 = arith.addi %add3A_1528, %add3A_1529 : i32
    %dma_start3A_1531 = tpu.memref_slice %arg22[%add3A_1530] : memref<1048576xf32, #tpu.memory_space<vmem_shared>> -> memref<4096xf32, #tpu.memory_space<vmem_shared>>
    %dma_start3A_1532 = tpu.memref_slice %arg22[%add3A_1530] : memref<1048576xf32, #tpu.memory_space<vmem_shared>> -> memref<4096xf32, #tpu.memory_space<vmem_shared>>
    tpu.enqueue_dma source(%arg21 : memref<4096xf32, #tpu.memory_space<vmem>>) target(%dma_start3A_1532 : memref<4096xf32, #tpu.memory_space<vmem_shared>>) target_semaphore(%arg29 : memref<!tpu.dma_semaphore, #tpu.memory_space<semaphore_mem>>)
    %mul3A_1533 = arith.constant 65536 : i32
    %mul3A_1534 = arith.muli %arg1, %mul3A_1533 : i32
    %add3A_1535 = arith.constant 0 : i32
    %add3A_1536 = arith.addi %mul3A_1534, %add3A_1535 : i32
    %add3A_1537 = arith.constant 12288 : i32
    %add3A_1538 = arith.addi %add3A_1536, %add3A_1537 : i32
    %dma_start3A_1539 = tpu.memref_slice %arg22[%add3A_1538] : memref<1048576xf32, #tpu.memory_space<vmem_shared>> -> memref<4096xf32, #tpu.memory_space<vmem_shared>>
    %dma_start3A_1540 = tpu.memref_slice %arg22[%add3A_1538] : memref<1048576xf32, #tpu.memory_space<vmem_shared>> -> memref<4096xf32, #tpu.memory_space<vmem_shared>>
    tpu.enqueue_dma source(%arg21 : memref<4096xf32, #tpu.memory_space<vmem>>) target(%dma_start3A_1540 : memref<4096xf32, #tpu.memory_space<vmem_shared>>) target_semaphore(%arg29 : memref<!tpu.dma_semaphore, #tpu.memory_space<semaphore_mem>>)
    %dma_wait3A_1541 = tpu.memref_slice %arg6[%add3A_1482] : memref<16777216xf32, #tpu.memory_space<hbm>> -> memref<16384xf32, #tpu.memory_space<hbm>>
    %dma_wait3A_1542 = tpu.memref_slice %arg22[%add3A_1477] : memref<1048576xf32, #tpu.memory_space<vmem_shared>> -> memref<16384xf32, #tpu.memory_space<vmem_shared>>
    tpu.wait_dma2 semaphore(%arg31 : memref<!tpu.dma_semaphore, #tpu.memory_space<semaphore_mem>>) src(%dma_wait3A_1542 : memref<16384xf32, #tpu.memory_space<vmem_shared>>) dst(%dma_wait3A_1541 : memref<16384xf32, #tpu.memory_space<hbm>>)
    %mul3A_1543 = arith.constant 65536 : i32
    %mul3A_1544 = arith.muli %arg1, %mul3A_1543 : i32
    %add3A_1545 = arith.constant 16384 : i32
    %add3A_1546 = arith.addi %mul3A_1544, %add3A_1545 : i32
    %add3A_1547 = arith.constant 0 : i32
    %add3A_1548 = arith.addi %add3A_1546, %add3A_1547 : i32
    %dma_start3A_1549 = tpu.memref_slice %arg22[%add3A_1548] : memref<1048576xf32, #tpu.memory_space<vmem_shared>> -> memref<4096xf32, #tpu.memory_space<vmem_shared>>
    %dma_start3A_1550 = tpu.memref_slice %arg22[%add3A_1548] : memref<1048576xf32, #tpu.memory_space<vmem_shared>> -> memref<4096xf32, #tpu.memory_space<vmem_shared>>
    tpu.enqueue_dma source(%arg21 : memref<4096xf32, #tpu.memory_space<vmem>>) target(%dma_start3A_1550 : memref<4096xf32, #tpu.memory_space<vmem_shared>>) target_semaphore(%arg29 : memref<!tpu.dma_semaphore, #tpu.memory_space<semaphore_mem>>)
    %mul3A_1551 = arith.constant 65536 : i32
    %mul3A_1552 = arith.muli %arg1, %mul3A_1551 : i32
    %add3A_1553 = arith.constant 16384 : i32
    %add3A_1554 = arith.addi %mul3A_1552, %add3A_1553 : i32
    %add3A_1555 = arith.constant 4096 : i32
    %add3A_1556 = arith.addi %add3A_1554, %add3A_1555 : i32
    %dma_start3A_1557 = tpu.memref_slice %arg22[%add3A_1556] : memref<1048576xf32, #tpu.memory_space<vmem_shared>> -> memref<4096xf32, #tpu.memory_space<vmem_shared>>
    %dma_start3A_1558 = tpu.memref_slice %arg22[%add3A_1556] : memref<1048576xf32, #tpu.memory_space<vmem_shared>> -> memref<4096xf32, #tpu.memory_space<vmem_shared>>
    tpu.enqueue_dma source(%arg21 : memref<4096xf32, #tpu.memory_space<vmem>>) target(%dma_start3A_1558 : memref<4096xf32, #tpu.memory_space<vmem_shared>>) target_semaphore(%arg29 : memref<!tpu.dma_semaphore, #tpu.memory_space<semaphore_mem>>)
    %mul3A_1559 = arith.constant 65536 : i32
    %mul3A_1560 = arith.muli %arg1, %mul3A_1559 : i32
    %add3A_1561 = arith.constant 16384 : i32
    %add3A_1562 = arith.addi %mul3A_1560, %add3A_1561 : i32
    %add3A_1563 = arith.constant 8192 : i32
    %add3A_1564 = arith.addi %add3A_1562, %add3A_1563 : i32
    %dma_start3A_1565 = tpu.memref_slice %arg22[%add3A_1564] : memref<1048576xf32, #tpu.memory_space<vmem_shared>> -> memref<4096xf32, #tpu.memory_space<vmem_shared>>
    %dma_start3A_1566 = tpu.memref_slice %arg22[%add3A_1564] : memref<1048576xf32, #tpu.memory_space<vmem_shared>> -> memref<4096xf32, #tpu.memory_space<vmem_shared>>
    tpu.enqueue_dma source(%arg21 : memref<4096xf32, #tpu.memory_space<vmem>>) target(%dma_start3A_1566 : memref<4096xf32, #tpu.memory_space<vmem_shared>>) target_semaphore(%arg29 : memref<!tpu.dma_semaphore, #tpu.memory_space<semaphore_mem>>)
    %mul3A_1567 = arith.constant 65536 : i32
    %mul3A_1568 = arith.muli %arg1, %mul3A_1567 : i32
    %add3A_1569 = arith.constant 16384 : i32
    %add3A_1570 = arith.addi %mul3A_1568, %add3A_1569 : i32
    %add3A_1571 = arith.constant 12288 : i32
    %add3A_1572 = arith.addi %add3A_1570, %add3A_1571 : i32
    %dma_start3A_1573 = tpu.memref_slice %arg22[%add3A_1572] : memref<1048576xf32, #tpu.memory_space<vmem_shared>> -> memref<4096xf32, #tpu.memory_space<vmem_shared>>
    %dma_start3A_1574 = tpu.memref_slice %arg22[%add3A_1572] : memref<1048576xf32, #tpu.memory_space<vmem_shared>> -> memref<4096xf32, #tpu.memory_space<vmem_shared>>
    tpu.enqueue_dma source(%arg21 : memref<4096xf32, #tpu.memory_space<vmem>>) target(%dma_start3A_1574 : memref<4096xf32, #tpu.memory_space<vmem_shared>>) target_semaphore(%arg29 : memref<!tpu.dma_semaphore, #tpu.memory_space<semaphore_mem>>)
    %dma_wait3A_1575 = tpu.memref_slice %arg6[%add3A_1493] : memref<16777216xf32, #tpu.memory_space<hbm>> -> memref<16384xf32, #tpu.memory_space<hbm>>
    %dma_wait3A_1576 = tpu.memref_slice %arg22[%add3A_1488] : memref<1048576xf32, #tpu.memory_space<vmem_shared>> -> memref<16384xf32, #tpu.memory_space<vmem_shared>>
    tpu.wait_dma2 semaphore(%arg32 : memref<!tpu.dma_semaphore, #tpu.memory_space<semaphore_mem>>) src(%dma_wait3A_1576 : memref<16384xf32, #tpu.memory_space<vmem_shared>>) dst(%dma_wait3A_1575 : memref<16384xf32, #tpu.memory_space<hbm>>)
    %mul3A_1577 = arith.constant 65536 : i32
    %mul3A_1578 = arith.muli %arg1, %mul3A_1577 : i32
    %add3A_1579 = arith.constant 32768 : i32
    %add3A_1580 = arith.addi %mul3A_1578, %add3A_1579 : i32
    %add3A_1581 = arith.constant 0 : i32
    %add3A_1582 = arith.addi %add3A_1580, %add3A_1581 : i32
    %dma_start3A_1583 = tpu.memref_slice %arg22[%add3A_1582] : memref<1048576xf32, #tpu.memory_space<vmem_shared>> -> memref<4096xf32, #tpu.memory_space<vmem_shared>>
    %dma_start3A_1584 = tpu.memref_slice %arg22[%add3A_1582] : memref<1048576xf32, #tpu.memory_space<vmem_shared>> -> memref<4096xf32, #tpu.memory_space<vmem_shared>>
    tpu.enqueue_dma source(%arg21 : memref<4096xf32, #tpu.memory_space<vmem>>) target(%dma_start3A_1584 : memref<4096xf32, #tpu.memory_space<vmem_shared>>) target_semaphore(%arg29 : memref<!tpu.dma_semaphore, #tpu.memory_space<semaphore_mem>>)
    %mul3A_1585 = arith.constant 65536 : i32
    %mul3A_1586 = arith.muli %arg1, %mul3A_1585 : i32
    %add3A_1587 = arith.constant 32768 : i32
    %add3A_1588 = arith.addi %mul3A_1586, %add3A_1587 : i32
    %add3A_1589 = arith.constant 4096 : i32
    %add3A_1590 = arith.addi %add3A_1588, %add3A_1589 : i32
    %dma_start3A_1591 = tpu.memref_slice %arg22[%add3A_1590] : memref<1048576xf32, #tpu.memory_space<vmem_shared>> -> memref<4096xf32, #tpu.memory_space<vmem_shared>>
    %dma_start3A_1592 = tpu.memref_slice %arg22[%add3A_1590] : memref<1048576xf32, #tpu.memory_space<vmem_shared>> -> memref<4096xf32, #tpu.memory_space<vmem_shared>>
    tpu.enqueue_dma source(%arg21 : memref<4096xf32, #tpu.memory_space<vmem>>) target(%dma_start3A_1592 : memref<4096xf32, #tpu.memory_space<vmem_shared>>) target_semaphore(%arg29 : memref<!tpu.dma_semaphore, #tpu.memory_space<semaphore_mem>>)
    %mul3A_1593 = arith.constant 65536 : i32
    %mul3A_1594 = arith.muli %arg1, %mul3A_1593 : i32
    %add3A_1595 = arith.constant 32768 : i32
    %add3A_1596 = arith.addi %mul3A_1594, %add3A_1595 : i32
    %add3A_1597 = arith.constant 8192 : i32
    %add3A_1598 = arith.addi %add3A_1596, %add3A_1597 : i32
    %dma_start3A_1599 = tpu.memref_slice %arg22[%add3A_1598] : memref<1048576xf32, #tpu.memory_space<vmem_shared>> -> memref<4096xf32, #tpu.memory_space<vmem_shared>>
    %dma_start3A_1600 = tpu.memref_slice %arg22[%add3A_1598] : memref<1048576xf32, #tpu.memory_space<vmem_shared>> -> memref<4096xf32, #tpu.memory_space<vmem_shared>>
    tpu.enqueue_dma source(%arg21 : memref<4096xf32, #tpu.memory_space<vmem>>) target(%dma_start3A_1600 : memref<4096xf32, #tpu.memory_space<vmem_shared>>) target_semaphore(%arg29 : memref<!tpu.dma_semaphore, #tpu.memory_space<semaphore_mem>>)
    %mul3A_1601 = arith.constant 65536 : i32
    %mul3A_1602 = arith.muli %arg1, %mul3A_1601 : i32
    %add3A_1603 = arith.constant 32768 : i32
    %add3A_1604 = arith.addi %mul3A_1602, %add3A_1603 : i32
    %add3A_1605 = arith.constant 12288 : i32
    %add3A_1606 = arith.addi %add3A_1604, %add3A_1605 : i32
    %dma_start3A_1607 = tpu.memref_slice %arg22[%add3A_1606] : memref<1048576xf32, #tpu.memory_space<vmem_shared>> -> memref<4096xf32, #tpu.memory_space<vmem_shared>>
    %dma_start3A_1608 = tpu.memref_slice %arg22[%add3A_1606] : memref<1048576xf32, #tpu.memory_space<vmem_shared>> -> memref<4096xf32, #tpu.memory_space<vmem_shared>>
    tpu.enqueue_dma source(%arg21 : memref<4096xf32, #tpu.memory_space<vmem>>) target(%dma_start3A_1608 : memref<4096xf32, #tpu.memory_space<vmem_shared>>) target_semaphore(%arg29 : memref<!tpu.dma_semaphore, #tpu.memory_space<semaphore_mem>>)
    %dma_wait3A_1609 = tpu.memref_slice %arg6[%add3A_1504] : memref<16777216xf32, #tpu.memory_space<hbm>> -> memref<16384xf32, #tpu.memory_space<hbm>>
    %dma_wait3A_1610 = tpu.memref_slice %arg22[%add3A_1499] : memref<1048576xf32, #tpu.memory_space<vmem_shared>> -> memref<16384xf32, #tpu.memory_space<vmem_shared>>
    tpu.wait_dma2 semaphore(%arg33 : memref<!tpu.dma_semaphore, #tpu.memory_space<semaphore_mem>>) src(%dma_wait3A_1610 : memref<16384xf32, #tpu.memory_space<vmem_shared>>) dst(%dma_wait3A_1609 : memref<16384xf32, #tpu.memory_space<hbm>>)
    %mul3A_1611 = arith.constant 65536 : i32
    %mul3A_1612 = arith.muli %arg1, %mul3A_1611 : i32
    %add3A_1613 = arith.constant 49152 : i32
    %add3A_1614 = arith.addi %mul3A_1612, %add3A_1613 : i32
    %add3A_1615 = arith.constant 0 : i32
    %add3A_1616 = arith.addi %add3A_1614, %add3A_1615 : i32
    %dma_start3A_1617 = tpu.memref_slice %arg22[%add3A_1616] : memref<1048576xf32, #tpu.memory_space<vmem_shared>> -> memref<4096xf32, #tpu.memory_space<vmem_shared>>
    %dma_start3A_1618 = tpu.memref_slice %arg22[%add3A_1616] : memref<1048576xf32, #tpu.memory_space<vmem_shared>> -> memref<4096xf32, #tpu.memory_space<vmem_shared>>
    tpu.enqueue_dma source(%arg21 : memref<4096xf32, #tpu.memory_space<vmem>>) target(%dma_start3A_1618 : memref<4096xf32, #tpu.memory_space<vmem_shared>>) target_semaphore(%arg29 : memref<!tpu.dma_semaphore, #tpu.memory_space<semaphore_mem>>)
    %mul3A_1619 = arith.constant 65536 : i32
    %mul3A_1620 = arith.muli %arg1, %mul3A_1619 : i32
    %add3A_1621 = arith.constant 49152 : i32
    %add3A_1622 = arith.addi %mul3A_1620, %add3A_1621 : i32
    %add3A_1623 = arith.constant 4096 : i32
    %add3A_1624 = arith.addi %add3A_1622, %add3A_1623 : i32
    %dma_start3A_1625 = tpu.memref_slice %arg22[%add3A_1624] : memref<1048576xf32, #tpu.memory_space<vmem_shared>> -> memref<4096xf32, #tpu.memory_space<vmem_shared>>
    %dma_start3A_1626 = tpu.memref_slice %arg22[%add3A_1624] : memref<1048576xf32, #tpu.memory_space<vmem_shared>> -> memref<4096xf32, #tpu.memory_space<vmem_shared>>
    tpu.enqueue_dma source(%arg21 : memref<4096xf32, #tpu.memory_space<vmem>>) target(%dma_start3A_1626 : memref<4096xf32, #tpu.memory_space<vmem_shared>>) target_semaphore(%arg29 : memref<!tpu.dma_semaphore, #tpu.memory_space<semaphore_mem>>)
    %mul3A_1627 = arith.constant 65536 : i32
    %mul3A_1628 = arith.muli %arg1, %mul3A_1627 : i32
    %add3A_1629 = arith.constant 49152 : i32
    %add3A_1630 = arith.addi %mul3A_1628, %add3A_1629 : i32
    %add3A_1631 = arith.constant 8192 : i32
    %add3A_1632 = arith.addi %add3A_1630, %add3A_1631 : i32
    %dma_start3A_1633 = tpu.memref_slice %arg22[%add3A_1632] : memref<1048576xf32, #tpu.memory_space<vmem_shared>> -> memref<4096xf32, #tpu.memory_space<vmem_shared>>
    %dma_start3A_1634 = tpu.memref_slice %arg22[%add3A_1632] : memref<1048576xf32, #tpu.memory_space<vmem_shared>> -> memref<4096xf32, #tpu.memory_space<vmem_shared>>
    tpu.enqueue_dma source(%arg21 : memref<4096xf32, #tpu.memory_space<vmem>>) target(%dma_start3A_1634 : memref<4096xf32, #tpu.memory_space<vmem_shared>>) target_semaphore(%arg29 : memref<!tpu.dma_semaphore, #tpu.memory_space<semaphore_mem>>)
    %mul3A_1635 = arith.constant 65536 : i32
    %mul3A_1636 = arith.muli %arg1, %mul3A_1635 : i32
    %add3A_1637 = arith.constant 49152 : i32
    %add3A_1638 = arith.addi %mul3A_1636, %add3A_1637 : i32
    %add3A_1639 = arith.constant 12288 : i32
    %add3A_1640 = arith.addi %add3A_1638, %add3A_1639 : i32
    %dma_start3A_1641 = tpu.memref_slice %arg22[%add3A_1640] : memref<1048576xf32, #tpu.memory_space<vmem_shared>> -> memref<4096xf32, #tpu.memory_space<vmem_shared>>
    %dma_start3A_1642 = tpu.memref_slice %arg22[%add3A_1640] : memref<1048576xf32, #tpu.memory_space<vmem_shared>> -> memref<4096xf32, #tpu.memory_space<vmem_shared>>
    tpu.enqueue_dma source(%arg21 : memref<4096xf32, #tpu.memory_space<vmem>>) target(%dma_start3A_1642 : memref<4096xf32, #tpu.memory_space<vmem_shared>>) target_semaphore(%arg29 : memref<!tpu.dma_semaphore, #tpu.memory_space<semaphore_mem>>)
    %dma_wait3A_1643 = tpu.memref_slice %arg22[%add3A_1514] : memref<1048576xf32, #tpu.memory_space<vmem_shared>> -> memref<4096xf32, #tpu.memory_space<vmem_shared>>
    %dma_wait3A_1644 = tpu.memref_slice %arg22[%add3A_1514] : memref<1048576xf32, #tpu.memory_space<vmem_shared>> -> memref<4096xf32, #tpu.memory_space<vmem_shared>>
    tpu.wait_dma2 semaphore(%arg29 : memref<!tpu.dma_semaphore, #tpu.memory_space<semaphore_mem>>) src(%arg21 : memref<4096xf32, #tpu.memory_space<vmem>>) dst(%dma_wait3A_1644 : memref<4096xf32, #tpu.memory_space<vmem_shared>>)
    %dma_wait3A_1645 = tpu.memref_slice %arg22[%add3A_1522] : memref<1048576xf32, #tpu.memory_space<vmem_shared>> -> memref<4096xf32, #tpu.memory_space<vmem_shared>>
    %dma_wait3A_1646 = tpu.memref_slice %arg22[%add3A_1522] : memref<1048576xf32, #tpu.memory_space<vmem_shared>> -> memref<4096xf32, #tpu.memory_space<vmem_shared>>
    tpu.wait_dma2 semaphore(%arg29 : memref<!tpu.dma_semaphore, #tpu.memory_space<semaphore_mem>>) src(%arg21 : memref<4096xf32, #tpu.memory_space<vmem>>) dst(%dma_wait3A_1646 : memref<4096xf32, #tpu.memory_space<vmem_shared>>)
    %dma_wait3A_1647 = tpu.memref_slice %arg22[%add3A_1530] : memref<1048576xf32, #tpu.memory_space<vmem_shared>> -> memref<4096xf32, #tpu.memory_space<vmem_shared>>
    %dma_wait3A_1648 = tpu.memref_slice %arg22[%add3A_1530] : memref<1048576xf32, #tpu.memory_space<vmem_shared>> -> memref<4096xf32, #tpu.memory_space<vmem_shared>>
    tpu.wait_dma2 semaphore(%arg29 : memref<!tpu.dma_semaphore, #tpu.memory_space<semaphore_mem>>) src(%arg21 : memref<4096xf32, #tpu.memory_space<vmem>>) dst(%dma_wait3A_1648 : memref<4096xf32, #tpu.memory_space<vmem_shared>>)
    %dma_wait3A_1649 = tpu.memref_slice %arg22[%add3A_1538] : memref<1048576xf32, #tpu.memory_space<vmem_shared>> -> memref<4096xf32, #tpu.memory_space<vmem_shared>>
    %dma_wait3A_1650 = tpu.memref_slice %arg22[%add3A_1538] : memref<1048576xf32, #tpu.memory_space<vmem_shared>> -> memref<4096xf32, #tpu.memory_space<vmem_shared>>
    tpu.wait_dma2 semaphore(%arg29 : memref<!tpu.dma_semaphore, #tpu.memory_space<semaphore_mem>>) src(%arg21 : memref<4096xf32, #tpu.memory_space<vmem>>) dst(%dma_wait3A_1650 : memref<4096xf32, #tpu.memory_space<vmem_shared>>)
    %dma_wait3A_1651 = tpu.memref_slice %arg22[%add3A_1548] : memref<1048576xf32, #tpu.memory_space<vmem_shared>> -> memref<4096xf32, #tpu.memory_space<vmem_shared>>
    %dma_wait3A_1652 = tpu.memref_slice %arg22[%add3A_1548] : memref<1048576xf32, #tpu.memory_space<vmem_shared>> -> memref<4096xf32, #tpu.memory_space<vmem_shared>>
    tpu.wait_dma2 semaphore(%arg29 : memref<!tpu.dma_semaphore, #tpu.memory_space<semaphore_mem>>) src(%arg21 : memref<4096xf32, #tpu.memory_space<vmem>>) dst(%dma_wait3A_1652 : memref<4096xf32, #tpu.memory_space<vmem_shared>>)
    %dma_wait3A_1653 = tpu.memref_slice %arg22[%add3A_1556] : memref<1048576xf32, #tpu.memory_space<vmem_shared>> -> memref<4096xf32, #tpu.memory_space<vmem_shared>>
    %dma_wait3A_1654 = tpu.memref_slice %arg22[%add3A_1556] : memref<1048576xf32, #tpu.memory_space<vmem_shared>> -> memref<4096xf32, #tpu.memory_space<vmem_shared>>
    tpu.wait_dma2 semaphore(%arg29 : memref<!tpu.dma_semaphore, #tpu.memory_space<semaphore_mem>>) src(%arg21 : memref<4096xf32, #tpu.memory_space<vmem>>) dst(%dma_wait3A_1654 : memref<4096xf32, #tpu.memory_space<vmem_shared>>)
    %dma_wait3A_1655 = tpu.memref_slice %arg22[%add3A_1564] : memref<1048576xf32, #tpu.memory_space<vmem_shared>> -> memref<4096xf32, #tpu.memory_space<vmem_shared>>
    %dma_wait3A_1656 = tpu.memref_slice %arg22[%add3A_1564] : memref<1048576xf32, #tpu.memory_space<vmem_shared>> -> memref<4096xf32, #tpu.memory_space<vmem_shared>>
    tpu.wait_dma2 semaphore(%arg29 : memref<!tpu.dma_semaphore, #tpu.memory_space<semaphore_mem>>) src(%arg21 : memref<4096xf32, #tpu.memory_space<vmem>>) dst(%dma_wait3A_1656 : memref<4096xf32, #tpu.memory_space<vmem_shared>>)
    %dma_wait3A_1657 = tpu.memref_slice %arg22[%add3A_1572] : memref<1048576xf32, #tpu.memory_space<vmem_shared>> -> memref<4096xf32, #tpu.memory_space<vmem_shared>>
    %dma_wait3A_1658 = tpu.memref_slice %arg22[%add3A_1572] : memref<1048576xf32, #tpu.memory_space<vmem_shared>> -> memref<4096xf32, #tpu.memory_space<vmem_shared>>
    tpu.wait_dma2 semaphore(%arg29 : memref<!tpu.dma_semaphore, #tpu.memory_space<semaphore_mem>>) src(%arg21 : memref<4096xf32, #tpu.memory_space<vmem>>) dst(%dma_wait3A_1658 : memref<4096xf32, #tpu.memory_space<vmem_shared>>)
    %dma_wait3A_1659 = tpu.memref_slice %arg22[%add3A_1582] : memref<1048576xf32, #tpu.memory_space<vmem_shared>> -> memref<4096xf32, #tpu.memory_space<vmem_shared>>
    %dma_wait3A_1660 = tpu.memref_slice %arg22[%add3A_1582] : memref<1048576xf32, #tpu.memory_space<vmem_shared>> -> memref<4096xf32, #tpu.memory_space<vmem_shared>>
    tpu.wait_dma2 semaphore(%arg29 : memref<!tpu.dma_semaphore, #tpu.memory_space<semaphore_mem>>) src(%arg21 : memref<4096xf32, #tpu.memory_space<vmem>>) dst(%dma_wait3A_1660 : memref<4096xf32, #tpu.memory_space<vmem_shared>>)
    %dma_wait3A_1661 = tpu.memref_slice %arg22[%add3A_1590] : memref<1048576xf32, #tpu.memory_space<vmem_shared>> -> memref<4096xf32, #tpu.memory_space<vmem_shared>>
    %dma_wait3A_1662 = tpu.memref_slice %arg22[%add3A_1590] : memref<1048576xf32, #tpu.memory_space<vmem_shared>> -> memref<4096xf32, #tpu.memory_space<vmem_shared>>
    tpu.wait_dma2 semaphore(%arg29 : memref<!tpu.dma_semaphore, #tpu.memory_space<semaphore_mem>>) src(%arg21 : memref<4096xf32, #tpu.memory_space<vmem>>) dst(%dma_wait3A_1662 : memref<4096xf32, #tpu.memory_space<vmem_shared>>)
    %dma_wait3A_1663 = tpu.memref_slice %arg22[%add3A_1598] : memref<1048576xf32, #tpu.memory_space<vmem_shared>> -> memref<4096xf32, #tpu.memory_space<vmem_shared>>
    %dma_wait3A_1664 = tpu.memref_slice %arg22[%add3A_1598] : memref<1048576xf32, #tpu.memory_space<vmem_shared>> -> memref<4096xf32, #tpu.memory_space<vmem_shared>>
    tpu.wait_dma2 semaphore(%arg29 : memref<!tpu.dma_semaphore, #tpu.memory_space<semaphore_mem>>) src(%arg21 : memref<4096xf32, #tpu.memory_space<vmem>>) dst(%dma_wait3A_1664 : memref<4096xf32, #tpu.memory_space<vmem_shared>>)
    %dma_wait3A_1665 = tpu.memref_slice %arg22[%add3A_1606] : memref<1048576xf32, #tpu.memory_space<vmem_shared>> -> memref<4096xf32, #tpu.memory_space<vmem_shared>>
    %dma_wait3A_1666 = tpu.memref_slice %arg22[%add3A_1606] : memref<1048576xf32, #tpu.memory_space<vmem_shared>> -> memref<4096xf32, #tpu.memory_space<vmem_shared>>
    tpu.wait_dma2 semaphore(%arg29 : memref<!tpu.dma_semaphore, #tpu.memory_space<semaphore_mem>>) src(%arg21 : memref<4096xf32, #tpu.memory_space<vmem>>) dst(%dma_wait3A_1666 : memref<4096xf32, #tpu.memory_space<vmem_shared>>)
    %dma_wait3A_1667 = tpu.memref_slice %arg22[%add3A_1616] : memref<1048576xf32, #tpu.memory_space<vmem_shared>> -> memref<4096xf32, #tpu.memory_space<vmem_shared>>
    %dma_wait3A_1668 = tpu.memref_slice %arg22[%add3A_1616] : memref<1048576xf32, #tpu.memory_space<vmem_shared>> -> memref<4096xf32, #tpu.memory_space<vmem_shared>>
    tpu.wait_dma2 semaphore(%arg29 : memref<!tpu.dma_semaphore, #tpu.memory_space<semaphore_mem>>) src(%arg21 : memref<4096xf32, #tpu.memory_space<vmem>>) dst(%dma_wait3A_1668 : memref<4096xf32, #tpu.memory_space<vmem_shared>>)
    %dma_wait3A_1669 = tpu.memref_slice %arg22[%add3A_1624] : memref<1048576xf32, #tpu.memory_space<vmem_shared>> -> memref<4096xf32, #tpu.memory_space<vmem_shared>>
    %dma_wait3A_1670 = tpu.memref_slice %arg22[%add3A_1624] : memref<1048576xf32, #tpu.memory_space<vmem_shared>> -> memref<4096xf32, #tpu.memory_space<vmem_shared>>
    tpu.wait_dma2 semaphore(%arg29 : memref<!tpu.dma_semaphore, #tpu.memory_space<semaphore_mem>>) src(%arg21 : memref<4096xf32, #tpu.memory_space<vmem>>) dst(%dma_wait3A_1670 : memref<4096xf32, #tpu.memory_space<vmem_shared>>)
    %dma_wait3A_1671 = tpu.memref_slice %arg22[%add3A_1632] : memref<1048576xf32, #tpu.memory_space<vmem_shared>> -> memref<4096xf32, #tpu.memory_space<vmem_shared>>
    %dma_wait3A_1672 = tpu.memref_slice %arg22[%add3A_1632] : memref<1048576xf32, #tpu.memory_space<vmem_shared>> -> memref<4096xf32, #tpu.memory_space<vmem_shared>>
    tpu.wait_dma2 semaphore(%arg29 : memref<!tpu.dma_semaphore, #tpu.memory_space<semaphore_mem>>) src(%arg21 : memref<4096xf32, #tpu.memory_space<vmem>>) dst(%dma_wait3A_1672 : memref<4096xf32, #tpu.memory_space<vmem_shared>>)
    %dma_wait3A_1673 = tpu.memref_slice %arg22[%add3A_1640] : memref<1048576xf32, #tpu.memory_space<vmem_shared>> -> memref<4096xf32, #tpu.memory_space<vmem_shared>>
    %dma_wait3A_1674 = tpu.memref_slice %arg22[%add3A_1640] : memref<1048576xf32, #tpu.memory_space<vmem_shared>> -> memref<4096xf32, #tpu.memory_space<vmem_shared>>
    tpu.wait_dma2 semaphore(%arg29 : memref<!tpu.dma_semaphore, #tpu.memory_space<semaphore_mem>>) src(%arg21 : memref<4096xf32, #tpu.memory_space<vmem>>) dst(%dma_wait3A_1674 : memref<4096xf32, #tpu.memory_space<vmem_shared>>)
    %barrier3A_1675 = arith.constant 0 : index
    tpu.barrier barrier_id(%barrier3A_1675)
    %mul3A_1676 = arith.constant 8 : i32
    %mul3A_1677 = arith.muli %arg0, %mul3A_1676 : i32
    %add3A_1678 = arith.constant 6 : i32
    %add3A_1679 = arith.addi %mul3A_1677, %add3A_1678 : i32
    %mul3A_1680 = arith.constant 1048576 : i32
    %mul3A_1681 = arith.muli %add3A_1679, %mul3A_1680 : i32
    %scan3A_1682 = arith.constant 0 : i32
    %scan3A_1683 = arith.constant 0 : i32
    %scan3A_1684 = arith.constant 4 : i32
    %scan3A_1685 = arith.addi %scan3A_1683, %scan3A_1684 : i32
    %scan3A_1686 = arith.constant 1 : i32
    %scan3A_1687 = scf.for %scan3A_1977 = %scan3A_1683 to %scan3A_1685 step %scan3A_1686 iter_args(%scan3A_1978 = %scan3A_1682) -> (i32)  : i32 {
      %gt3A = arith.constant 0 : i32
      %gt3A_1979 = arith.cmpi sgt, %scan3A_1977, %gt3A : i32
      %convert_element_type3A = arith.extui %gt3A_1979 : i1 to i32
      %cond3A = arith.constant 0 : i32
      %cond3A_1980 = arith.cmpi ne, %convert_element_type3A, %cond3A : i32
      scf.if %cond3A_1980 {
        %dma_wait3A_2008 = arith.constant 0 : i32
        %dma_wait3A_2009 = tpu.memref_slice %arg22[%dma_wait3A_2008] : memref<1048576xf32, #tpu.memory_space<vmem_shared>> -> memref<1048576xf32, #tpu.memory_space<vmem_shared>>
        tpu.wait_indirect_dma semaphore(%arg27 : memref<!tpu.dma_semaphore, #tpu.memory_space<semaphore_mem>>) src(%arg19 : memref<2048xf32, #tpu.memory_space<vmem>>) dst(%dma_wait3A_2009 : memref<1048576xf32, #tpu.memory_space<vmem_shared>>)
        %dma_wait3A_2010 = arith.constant 0 : i32
        %dma_wait3A_2011 = tpu.memref_slice %arg22[%dma_wait3A_2010] : memref<1048576xf32, #tpu.memory_space<vmem_shared>> -> memref<1048576xf32, #tpu.memory_space<vmem_shared>>
        tpu.wait_indirect_dma semaphore(%arg28 : memref<!tpu.dma_semaphore, #tpu.memory_space<semaphore_mem>>) src(%arg20 : memref<2048xf32, #tpu.memory_space<vmem>>) dst(%dma_wait3A_2011 : memref<1048576xf32, #tpu.memory_space<vmem_shared>>)
      } else {
      }
      %mul3A_1981 = arith.constant 4096 : i32
      %mul3A_1982 = arith.muli %scan3A_1977, %mul3A_1981 : i32
      %add3A_1983 = arith.constant 0 : i32
      %add3A_1984 = arith.addi %mul3A_1982, %add3A_1983 : i32
      %scan3A_1985 = arith.constant 0 : i32
      %scan3A_1986 = arith.constant 0 : i32
      %scan3A_1987 = arith.constant 128 : i32
      %scan3A_1988 = arith.addi %scan3A_1986, %scan3A_1987 : i32
      %scan3A_1989 = arith.constant 1 : i32
      %scan3A_1990 = scf.for %scan3A_2008 = %scan3A_1986 to %scan3A_1988 step %scan3A_1989 iter_args(%scan3A_2009 = %scan3A_1985) -> (i32)  : i32 {
        %mul3A_2010 = arith.constant 16 : i32
        %mul3A_2011 = arith.muli %scan3A_2008, %mul3A_2010 : i32
        %add3A_2012 = arith.addi %add3A_1984, %mul3A_2011 : i32
        %get3A = arith.index_cast %add3A_2012 : i32 to index
        %get3A_2013 = tpu.vector_load %arg15[%get3A] {strides = array<i32>} : memref<16400xi32, #tpu.memory_space<vmem>>, vector<16xi32>,
        %get3A_2014 = vector.shape_cast %get3A_2013 : vector<16xi32> to vector<16xi32>
        %sub3A = vector.broadcast %mul3A_1681 : i32 to vector<16xi32>
        %sub3A_2015 = arith.subi %get3A_2014, %sub3A : vector<16xi32>
        %mul3A_2016 = arith.constant 16 : i32
        %mul3A_2017 = arith.muli %scan3A_2008, %mul3A_2016 : i32
        %add3A_2018 = arith.addi %add3A_1984, %mul3A_2017 : i32
        %get3A_2019 = arith.index_cast %add3A_2018 : i32 to index
        %get3A_2020 = tpu.vector_load %arg16[%get3A_2019] {strides = array<i32>} : memref<16400xf32, #tpu.memory_space<vmem>>, vector<16xf32>,
        %get3A_2021 = vector.shape_cast %get3A_2020 : vector<16xf32> to vector<16xf32>
        %bitcast3A = vector.bitcast %sub3A_2015 : vector<16xi32> to vector<16xi32>
        %lt3A = arith.constant 1048576 : i32
        %lt3A_2022 = vector.broadcast %lt3A : i32 to vector<16xi32>
        %lt3A_2023 = arith.cmpi ult, %bitcast3A, %lt3A_2022 : vector<16xi32>
        %and3A = arith.constant 1048575 : i32
        %and3A_2024 = vector.broadcast %and3A : i32 to vector<16xi32>
        %and3A_2025 = arith.andi %sub3A_2015, %and3A_2024 : vector<16xi32>
        %mul3A_2026 = arith.constant 16 : i32
        %mul3A_2027 = arith.muli %scan3A_2008, %mul3A_2026 : i32
        %swap3A = arith.index_cast %mul3A_2027 : i32 to index
        %swap3A_2028 = tpu.vector_load %arg17[%swap3A] {strides = array<i32>} : memref<2048xi32, #tpu.memory_space<vmem>>, vector<16xi32>,
        %swap3A_2029 = vector.shape_cast %swap3A_2028 : vector<16xi32> to vector<16xi32>
        %swap3A_2030 = vector.shape_cast %and3A_2025 : vector<16xi32> to vector<16xi32>
        tpu.vector_store %arg17[%swap3A], %swap3A_2030 {strides = array<i32>} : memref<2048xi32, #tpu.memory_space<vmem>>, vector<16xi32>,
        %jit3A = arith.constant 0.000000e+00 : f32
        %broadcast_in_dim3A_2031 = vector.broadcast %jit3A : f32 to vector<16xf32>
        %select_n3A = arith.select %lt3A_2023, %get3A_2021, %broadcast_in_dim3A_2031 : vector<16xi1>, vector<16xf32>
        %mul3A_2032 = arith.constant 16 : i32
        %mul3A_2033 = arith.muli %scan3A_2008, %mul3A_2032 : i32
        %swap3A_2034 = arith.index_cast %mul3A_2033 : i32 to index
        %swap3A_2035 = tpu.vector_load %arg19[%swap3A_2034] {strides = array<i32>} : memref<2048xf32, #tpu.memory_space<vmem>>, vector<16xf32>,
        %swap3A_2036 = vector.shape_cast %swap3A_2035 : vector<16xf32> to vector<16xf32>
        %swap3A_2037 = vector.shape_cast %select_n3A : vector<16xf32> to vector<16xf32>
        tpu.vector_store %arg19[%swap3A_2034], %swap3A_2037 {strides = array<i32>} : memref<2048xf32, #tpu.memory_space<vmem>>, vector<16xf32>,
        %scan3A_2038 = arith.constant 0 : i32
        scf.yield %scan3A_2038 : i32
      }
      %scan3A_1991 = arith.constant 128 : i32
      %dma_start3A_1992 = arith.constant 0 : i32
      %dma_start3A_1993 = tpu.memref_slice %arg22[%dma_start3A_1992] : memref<1048576xf32, #tpu.memory_space<vmem_shared>> -> memref<1048576xf32, #tpu.memory_space<vmem_shared>>
      tpu.enqueue_indirect_dma source(%arg19 : memref<2048xf32, #tpu.memory_space<vmem>>) target(%dma_start3A_1993 : memref<1048576xf32, #tpu.memory_space<vmem_shared>>) offsets(%arg17 : memref<2048xi32, #tpu.memory_space<vmem>>) semaphore(%arg27 : memref<!tpu.dma_semaphore, #tpu.memory_space<semaphore_mem>>) {add = true}
      %mul3A_1994 = arith.constant 4096 : i32
      %mul3A_1995 = arith.muli %scan3A_1977, %mul3A_1994 : i32
      %add3A_1996 = arith.constant 2048 : i32
      %add3A_1997 = arith.addi %mul3A_1995, %add3A_1996 : i32
      %scan3A_1998 = arith.constant 0 : i32
      %scan3A_1999 = arith.constant 0 : i32
      %scan3A_2000 = arith.constant 128 : i32
      %scan3A_2001 = arith.addi %scan3A_1999, %scan3A_2000 : i32
      %scan3A_2002 = arith.constant 1 : i32
      %scan3A_2003 = scf.for %scan3A_2008 = %scan3A_1999 to %scan3A_2001 step %scan3A_2002 iter_args(%scan3A_2009 = %scan3A_1998) -> (i32)  : i32 {
        %mul3A_2010 = arith.constant 16 : i32
        %mul3A_2011 = arith.muli %scan3A_2008, %mul3A_2010 : i32
        %add3A_2012 = arith.addi %add3A_1997, %mul3A_2011 : i32
        %get3A = arith.index_cast %add3A_2012 : i32 to index
        %get3A_2013 = tpu.vector_load %arg15[%get3A] {strides = array<i32>} : memref<16400xi32, #tpu.memory_space<vmem>>, vector<16xi32>,
        %get3A_2014 = vector.shape_cast %get3A_2013 : vector<16xi32> to vector<16xi32>
        %sub3A = vector.broadcast %mul3A_1681 : i32 to vector<16xi32>
        %sub3A_2015 = arith.subi %get3A_2014, %sub3A : vector<16xi32>
        %mul3A_2016 = arith.constant 16 : i32
        %mul3A_2017 = arith.muli %scan3A_2008, %mul3A_2016 : i32
        %add3A_2018 = arith.addi %add3A_1997, %mul3A_2017 : i32
        %get3A_2019 = arith.index_cast %add3A_2018 : i32 to index
        %get3A_2020 = tpu.vector_load %arg16[%get3A_2019] {strides = array<i32>} : memref<16400xf32, #tpu.memory_space<vmem>>, vector<16xf32>,
        %get3A_2021 = vector.shape_cast %get3A_2020 : vector<16xf32> to vector<16xf32>
        %bitcast3A = vector.bitcast %sub3A_2015 : vector<16xi32> to vector<16xi32>
        %lt3A = arith.constant 1048576 : i32
        %lt3A_2022 = vector.broadcast %lt3A : i32 to vector<16xi32>
        %lt3A_2023 = arith.cmpi ult, %bitcast3A, %lt3A_2022 : vector<16xi32>
        %and3A = arith.constant 1048575 : i32
        %and3A_2024 = vector.broadcast %and3A : i32 to vector<16xi32>
        %and3A_2025 = arith.andi %sub3A_2015, %and3A_2024 : vector<16xi32>
        %mul3A_2026 = arith.constant 16 : i32
        %mul3A_2027 = arith.muli %scan3A_2008, %mul3A_2026 : i32
        %swap3A = arith.index_cast %mul3A_2027 : i32 to index
        %swap3A_2028 = tpu.vector_load %arg18[%swap3A] {strides = array<i32>} : memref<2048xi32, #tpu.memory_space<vmem>>, vector<16xi32>,
        %swap3A_2029 = vector.shape_cast %swap3A_2028 : vector<16xi32> to vector<16xi32>
        %swap3A_2030 = vector.shape_cast %and3A_2025 : vector<16xi32> to vector<16xi32>
        tpu.vector_store %arg18[%swap3A], %swap3A_2030 {strides = array<i32>} : memref<2048xi32, #tpu.memory_space<vmem>>, vector<16xi32>,
        %jit3A = arith.constant 0.000000e+00 : f32
        %broadcast_in_dim3A_2031 = vector.broadcast %jit3A : f32 to vector<16xf32>
        %select_n3A = arith.select %lt3A_2023, %get3A_2021, %broadcast_in_dim3A_2031 : vector<16xi1>, vector<16xf32>
        %mul3A_2032 = arith.constant 16 : i32
        %mul3A_2033 = arith.muli %scan3A_2008, %mul3A_2032 : i32
        %swap3A_2034 = arith.index_cast %mul3A_2033 : i32 to index
        %swap3A_2035 = tpu.vector_load %arg20[%swap3A_2034] {strides = array<i32>} : memref<2048xf32, #tpu.memory_space<vmem>>, vector<16xf32>,
        %swap3A_2036 = vector.shape_cast %swap3A_2035 : vector<16xf32> to vector<16xf32>
        %swap3A_2037 = vector.shape_cast %select_n3A : vector<16xf32> to vector<16xf32>
        tpu.vector_store %arg20[%swap3A_2034], %swap3A_2037 {strides = array<i32>} : memref<2048xf32, #tpu.memory_space<vmem>>, vector<16xf32>,
        %scan3A_2038 = arith.constant 0 : i32
        scf.yield %scan3A_2038 : i32
      }
      %scan3A_2004 = arith.constant 128 : i32
      %dma_start3A_2005 = arith.constant 0 : i32
      %dma_start3A_2006 = tpu.memref_slice %arg22[%dma_start3A_2005] : memref<1048576xf32, #tpu.memory_space<vmem_shared>> -> memref<1048576xf32, #tpu.memory_space<vmem_shared>>
      tpu.enqueue_indirect_dma source(%arg20 : memref<2048xf32, #tpu.memory_space<vmem>>) target(%dma_start3A_2006 : memref<1048576xf32, #tpu.memory_space<vmem_shared>>) offsets(%arg18 : memref<2048xi32, #tpu.memory_space<vmem>>) semaphore(%arg28 : memref<!tpu.dma_semaphore, #tpu.memory_space<semaphore_mem>>) {add = true}
      %scan3A_2007 = arith.constant 0 : i32
      scf.yield %scan3A_2007 : i32
    }
    %scan3A_1688 = arith.constant 4 : i32
    %dma_wait3A_1689 = arith.constant 0 : i32
    %dma_wait3A_1690 = tpu.memref_slice %arg22[%dma_wait3A_1689] : memref<1048576xf32, #tpu.memory_space<vmem_shared>> -> memref<1048576xf32, #tpu.memory_space<vmem_shared>>
    tpu.wait_indirect_dma semaphore(%arg27 : memref<!tpu.dma_semaphore, #tpu.memory_space<semaphore_mem>>) src(%arg19 : memref<2048xf32, #tpu.memory_space<vmem>>) dst(%dma_wait3A_1690 : memref<1048576xf32, #tpu.memory_space<vmem_shared>>)
    %dma_wait3A_1691 = arith.constant 0 : i32
    %dma_wait3A_1692 = tpu.memref_slice %arg22[%dma_wait3A_1691] : memref<1048576xf32, #tpu.memory_space<vmem_shared>> -> memref<1048576xf32, #tpu.memory_space<vmem_shared>>
    tpu.wait_indirect_dma semaphore(%arg28 : memref<!tpu.dma_semaphore, #tpu.memory_space<semaphore_mem>>) src(%arg20 : memref<2048xf32, #tpu.memory_space<vmem>>) dst(%dma_wait3A_1692 : memref<1048576xf32, #tpu.memory_space<vmem_shared>>)
    %barrier3A_1693 = arith.constant 0 : index
    tpu.barrier barrier_id(%barrier3A_1693)
    %mul3A_1694 = arith.constant 65536 : i32
    %mul3A_1695 = arith.muli %arg1, %mul3A_1694 : i32
    %add3A_1696 = arith.constant 0 : i32
    %add3A_1697 = arith.addi %mul3A_1695, %add3A_1696 : i32
    %mul3A_1698 = arith.constant 65536 : i32
    %mul3A_1699 = arith.muli %arg1, %mul3A_1698 : i32
    %add3A_1700 = arith.addi %mul3A_1681, %mul3A_1699 : i32
    %add3A_1701 = arith.constant 0 : i32
    %add3A_1702 = arith.addi %add3A_1700, %add3A_1701 : i32
    %dma_start3A_1703 = tpu.memref_slice %arg6[%add3A_1702] : memref<16777216xf32, #tpu.memory_space<hbm>> -> memref<16384xf32, #tpu.memory_space<hbm>>
    %dma_start3A_1704 = tpu.memref_slice %arg22[%add3A_1697] : memref<1048576xf32, #tpu.memory_space<vmem_shared>> -> memref<16384xf32, #tpu.memory_space<vmem_shared>>
    tpu.enqueue_dma source(%dma_start3A_1704 : memref<16384xf32, #tpu.memory_space<vmem_shared>>) target(%dma_start3A_1703 : memref<16384xf32, #tpu.memory_space<hbm>>) target_semaphore(%arg30 : memref<!tpu.dma_semaphore, #tpu.memory_space<semaphore_mem>>)
    %mul3A_1705 = arith.constant 65536 : i32
    %mul3A_1706 = arith.muli %arg1, %mul3A_1705 : i32
    %add3A_1707 = arith.constant 16384 : i32
    %add3A_1708 = arith.addi %mul3A_1706, %add3A_1707 : i32
    %mul3A_1709 = arith.constant 65536 : i32
    %mul3A_1710 = arith.muli %arg1, %mul3A_1709 : i32
    %add3A_1711 = arith.addi %mul3A_1681, %mul3A_1710 : i32
    %add3A_1712 = arith.constant 16384 : i32
    %add3A_1713 = arith.addi %add3A_1711, %add3A_1712 : i32
    %dma_start3A_1714 = tpu.memref_slice %arg6[%add3A_1713] : memref<16777216xf32, #tpu.memory_space<hbm>> -> memref<16384xf32, #tpu.memory_space<hbm>>
    %dma_start3A_1715 = tpu.memref_slice %arg22[%add3A_1708] : memref<1048576xf32, #tpu.memory_space<vmem_shared>> -> memref<16384xf32, #tpu.memory_space<vmem_shared>>
    tpu.enqueue_dma source(%dma_start3A_1715 : memref<16384xf32, #tpu.memory_space<vmem_shared>>) target(%dma_start3A_1714 : memref<16384xf32, #tpu.memory_space<hbm>>) target_semaphore(%arg31 : memref<!tpu.dma_semaphore, #tpu.memory_space<semaphore_mem>>)
    %mul3A_1716 = arith.constant 65536 : i32
    %mul3A_1717 = arith.muli %arg1, %mul3A_1716 : i32
    %add3A_1718 = arith.constant 32768 : i32
    %add3A_1719 = arith.addi %mul3A_1717, %add3A_1718 : i32
    %mul3A_1720 = arith.constant 65536 : i32
    %mul3A_1721 = arith.muli %arg1, %mul3A_1720 : i32
    %add3A_1722 = arith.addi %mul3A_1681, %mul3A_1721 : i32
    %add3A_1723 = arith.constant 32768 : i32
    %add3A_1724 = arith.addi %add3A_1722, %add3A_1723 : i32
    %dma_start3A_1725 = tpu.memref_slice %arg6[%add3A_1724] : memref<16777216xf32, #tpu.memory_space<hbm>> -> memref<16384xf32, #tpu.memory_space<hbm>>
    %dma_start3A_1726 = tpu.memref_slice %arg22[%add3A_1719] : memref<1048576xf32, #tpu.memory_space<vmem_shared>> -> memref<16384xf32, #tpu.memory_space<vmem_shared>>
    tpu.enqueue_dma source(%dma_start3A_1726 : memref<16384xf32, #tpu.memory_space<vmem_shared>>) target(%dma_start3A_1725 : memref<16384xf32, #tpu.memory_space<hbm>>) target_semaphore(%arg32 : memref<!tpu.dma_semaphore, #tpu.memory_space<semaphore_mem>>)
    %mul3A_1727 = arith.constant 65536 : i32
    %mul3A_1728 = arith.muli %arg1, %mul3A_1727 : i32
    %add3A_1729 = arith.constant 49152 : i32
    %add3A_1730 = arith.addi %mul3A_1728, %add3A_1729 : i32
    %mul3A_1731 = arith.constant 65536 : i32
    %mul3A_1732 = arith.muli %arg1, %mul3A_1731 : i32
    %add3A_1733 = arith.addi %mul3A_1681, %mul3A_1732 : i32
    %add3A_1734 = arith.constant 49152 : i32
    %add3A_1735 = arith.addi %add3A_1733, %add3A_1734 : i32
    %dma_start3A_1736 = tpu.memref_slice %arg6[%add3A_1735] : memref<16777216xf32, #tpu.memory_space<hbm>> -> memref<16384xf32, #tpu.memory_space<hbm>>
    %dma_start3A_1737 = tpu.memref_slice %arg22[%add3A_1730] : memref<1048576xf32, #tpu.memory_space<vmem_shared>> -> memref<16384xf32, #tpu.memory_space<vmem_shared>>
    tpu.enqueue_dma source(%dma_start3A_1737 : memref<16384xf32, #tpu.memory_space<vmem_shared>>) target(%dma_start3A_1736 : memref<16384xf32, #tpu.memory_space<hbm>>) target_semaphore(%arg33 : memref<!tpu.dma_semaphore, #tpu.memory_space<semaphore_mem>>)
    %dma_wait3A_1738 = tpu.memref_slice %arg6[%add3A_1702] : memref<16777216xf32, #tpu.memory_space<hbm>> -> memref<16384xf32, #tpu.memory_space<hbm>>
    %dma_wait3A_1739 = tpu.memref_slice %arg22[%add3A_1697] : memref<1048576xf32, #tpu.memory_space<vmem_shared>> -> memref<16384xf32, #tpu.memory_space<vmem_shared>>
    tpu.wait_dma2 semaphore(%arg30 : memref<!tpu.dma_semaphore, #tpu.memory_space<semaphore_mem>>) src(%dma_wait3A_1739 : memref<16384xf32, #tpu.memory_space<vmem_shared>>) dst(%dma_wait3A_1738 : memref<16384xf32, #tpu.memory_space<hbm>>)
    %mul3A_1740 = arith.constant 65536 : i32
    %mul3A_1741 = arith.muli %arg1, %mul3A_1740 : i32
    %add3A_1742 = arith.constant 0 : i32
    %add3A_1743 = arith.addi %mul3A_1741, %add3A_1742 : i32
    %add3A_1744 = arith.constant 0 : i32
    %add3A_1745 = arith.addi %add3A_1743, %add3A_1744 : i32
    %dma_start3A_1746 = tpu.memref_slice %arg22[%add3A_1745] : memref<1048576xf32, #tpu.memory_space<vmem_shared>> -> memref<4096xf32, #tpu.memory_space<vmem_shared>>
    %dma_start3A_1747 = tpu.memref_slice %arg22[%add3A_1745] : memref<1048576xf32, #tpu.memory_space<vmem_shared>> -> memref<4096xf32, #tpu.memory_space<vmem_shared>>
    tpu.enqueue_dma source(%arg21 : memref<4096xf32, #tpu.memory_space<vmem>>) target(%dma_start3A_1747 : memref<4096xf32, #tpu.memory_space<vmem_shared>>) target_semaphore(%arg29 : memref<!tpu.dma_semaphore, #tpu.memory_space<semaphore_mem>>)
    %mul3A_1748 = arith.constant 65536 : i32
    %mul3A_1749 = arith.muli %arg1, %mul3A_1748 : i32
    %add3A_1750 = arith.constant 0 : i32
    %add3A_1751 = arith.addi %mul3A_1749, %add3A_1750 : i32
    %add3A_1752 = arith.constant 4096 : i32
    %add3A_1753 = arith.addi %add3A_1751, %add3A_1752 : i32
    %dma_start3A_1754 = tpu.memref_slice %arg22[%add3A_1753] : memref<1048576xf32, #tpu.memory_space<vmem_shared>> -> memref<4096xf32, #tpu.memory_space<vmem_shared>>
    %dma_start3A_1755 = tpu.memref_slice %arg22[%add3A_1753] : memref<1048576xf32, #tpu.memory_space<vmem_shared>> -> memref<4096xf32, #tpu.memory_space<vmem_shared>>
    tpu.enqueue_dma source(%arg21 : memref<4096xf32, #tpu.memory_space<vmem>>) target(%dma_start3A_1755 : memref<4096xf32, #tpu.memory_space<vmem_shared>>) target_semaphore(%arg29 : memref<!tpu.dma_semaphore, #tpu.memory_space<semaphore_mem>>)
    %mul3A_1756 = arith.constant 65536 : i32
    %mul3A_1757 = arith.muli %arg1, %mul3A_1756 : i32
    %add3A_1758 = arith.constant 0 : i32
    %add3A_1759 = arith.addi %mul3A_1757, %add3A_1758 : i32
    %add3A_1760 = arith.constant 8192 : i32
    %add3A_1761 = arith.addi %add3A_1759, %add3A_1760 : i32
    %dma_start3A_1762 = tpu.memref_slice %arg22[%add3A_1761] : memref<1048576xf32, #tpu.memory_space<vmem_shared>> -> memref<4096xf32, #tpu.memory_space<vmem_shared>>
    %dma_start3A_1763 = tpu.memref_slice %arg22[%add3A_1761] : memref<1048576xf32, #tpu.memory_space<vmem_shared>> -> memref<4096xf32, #tpu.memory_space<vmem_shared>>
    tpu.enqueue_dma source(%arg21 : memref<4096xf32, #tpu.memory_space<vmem>>) target(%dma_start3A_1763 : memref<4096xf32, #tpu.memory_space<vmem_shared>>) target_semaphore(%arg29 : memref<!tpu.dma_semaphore, #tpu.memory_space<semaphore_mem>>)
    %mul3A_1764 = arith.constant 65536 : i32
    %mul3A_1765 = arith.muli %arg1, %mul3A_1764 : i32
    %add3A_1766 = arith.constant 0 : i32
    %add3A_1767 = arith.addi %mul3A_1765, %add3A_1766 : i32
    %add3A_1768 = arith.constant 12288 : i32
    %add3A_1769 = arith.addi %add3A_1767, %add3A_1768 : i32
    %dma_start3A_1770 = tpu.memref_slice %arg22[%add3A_1769] : memref<1048576xf32, #tpu.memory_space<vmem_shared>> -> memref<4096xf32, #tpu.memory_space<vmem_shared>>
    %dma_start3A_1771 = tpu.memref_slice %arg22[%add3A_1769] : memref<1048576xf32, #tpu.memory_space<vmem_shared>> -> memref<4096xf32, #tpu.memory_space<vmem_shared>>
    tpu.enqueue_dma source(%arg21 : memref<4096xf32, #tpu.memory_space<vmem>>) target(%dma_start3A_1771 : memref<4096xf32, #tpu.memory_space<vmem_shared>>) target_semaphore(%arg29 : memref<!tpu.dma_semaphore, #tpu.memory_space<semaphore_mem>>)
    %dma_wait3A_1772 = tpu.memref_slice %arg6[%add3A_1713] : memref<16777216xf32, #tpu.memory_space<hbm>> -> memref<16384xf32, #tpu.memory_space<hbm>>
    %dma_wait3A_1773 = tpu.memref_slice %arg22[%add3A_1708] : memref<1048576xf32, #tpu.memory_space<vmem_shared>> -> memref<16384xf32, #tpu.memory_space<vmem_shared>>
    tpu.wait_dma2 semaphore(%arg31 : memref<!tpu.dma_semaphore, #tpu.memory_space<semaphore_mem>>) src(%dma_wait3A_1773 : memref<16384xf32, #tpu.memory_space<vmem_shared>>) dst(%dma_wait3A_1772 : memref<16384xf32, #tpu.memory_space<hbm>>)
    %mul3A_1774 = arith.constant 65536 : i32
    %mul3A_1775 = arith.muli %arg1, %mul3A_1774 : i32
    %add3A_1776 = arith.constant 16384 : i32
    %add3A_1777 = arith.addi %mul3A_1775, %add3A_1776 : i32
    %add3A_1778 = arith.constant 0 : i32
    %add3A_1779 = arith.addi %add3A_1777, %add3A_1778 : i32
    %dma_start3A_1780 = tpu.memref_slice %arg22[%add3A_1779] : memref<1048576xf32, #tpu.memory_space<vmem_shared>> -> memref<4096xf32, #tpu.memory_space<vmem_shared>>
    %dma_start3A_1781 = tpu.memref_slice %arg22[%add3A_1779] : memref<1048576xf32, #tpu.memory_space<vmem_shared>> -> memref<4096xf32, #tpu.memory_space<vmem_shared>>
    tpu.enqueue_dma source(%arg21 : memref<4096xf32, #tpu.memory_space<vmem>>) target(%dma_start3A_1781 : memref<4096xf32, #tpu.memory_space<vmem_shared>>) target_semaphore(%arg29 : memref<!tpu.dma_semaphore, #tpu.memory_space<semaphore_mem>>)
    %mul3A_1782 = arith.constant 65536 : i32
    %mul3A_1783 = arith.muli %arg1, %mul3A_1782 : i32
    %add3A_1784 = arith.constant 16384 : i32
    %add3A_1785 = arith.addi %mul3A_1783, %add3A_1784 : i32
    %add3A_1786 = arith.constant 4096 : i32
    %add3A_1787 = arith.addi %add3A_1785, %add3A_1786 : i32
    %dma_start3A_1788 = tpu.memref_slice %arg22[%add3A_1787] : memref<1048576xf32, #tpu.memory_space<vmem_shared>> -> memref<4096xf32, #tpu.memory_space<vmem_shared>>
    %dma_start3A_1789 = tpu.memref_slice %arg22[%add3A_1787] : memref<1048576xf32, #tpu.memory_space<vmem_shared>> -> memref<4096xf32, #tpu.memory_space<vmem_shared>>
    tpu.enqueue_dma source(%arg21 : memref<4096xf32, #tpu.memory_space<vmem>>) target(%dma_start3A_1789 : memref<4096xf32, #tpu.memory_space<vmem_shared>>) target_semaphore(%arg29 : memref<!tpu.dma_semaphore, #tpu.memory_space<semaphore_mem>>)
    %mul3A_1790 = arith.constant 65536 : i32
    %mul3A_1791 = arith.muli %arg1, %mul3A_1790 : i32
    %add3A_1792 = arith.constant 16384 : i32
    %add3A_1793 = arith.addi %mul3A_1791, %add3A_1792 : i32
    %add3A_1794 = arith.constant 8192 : i32
    %add3A_1795 = arith.addi %add3A_1793, %add3A_1794 : i32
    %dma_start3A_1796 = tpu.memref_slice %arg22[%add3A_1795] : memref<1048576xf32, #tpu.memory_space<vmem_shared>> -> memref<4096xf32, #tpu.memory_space<vmem_shared>>
    %dma_start3A_1797 = tpu.memref_slice %arg22[%add3A_1795] : memref<1048576xf32, #tpu.memory_space<vmem_shared>> -> memref<4096xf32, #tpu.memory_space<vmem_shared>>
    tpu.enqueue_dma source(%arg21 : memref<4096xf32, #tpu.memory_space<vmem>>) target(%dma_start3A_1797 : memref<4096xf32, #tpu.memory_space<vmem_shared>>) target_semaphore(%arg29 : memref<!tpu.dma_semaphore, #tpu.memory_space<semaphore_mem>>)
    %mul3A_1798 = arith.constant 65536 : i32
    %mul3A_1799 = arith.muli %arg1, %mul3A_1798 : i32
    %add3A_1800 = arith.constant 16384 : i32
    %add3A_1801 = arith.addi %mul3A_1799, %add3A_1800 : i32
    %add3A_1802 = arith.constant 12288 : i32
    %add3A_1803 = arith.addi %add3A_1801, %add3A_1802 : i32
    %dma_start3A_1804 = tpu.memref_slice %arg22[%add3A_1803] : memref<1048576xf32, #tpu.memory_space<vmem_shared>> -> memref<4096xf32, #tpu.memory_space<vmem_shared>>
    %dma_start3A_1805 = tpu.memref_slice %arg22[%add3A_1803] : memref<1048576xf32, #tpu.memory_space<vmem_shared>> -> memref<4096xf32, #tpu.memory_space<vmem_shared>>
    tpu.enqueue_dma source(%arg21 : memref<4096xf32, #tpu.memory_space<vmem>>) target(%dma_start3A_1805 : memref<4096xf32, #tpu.memory_space<vmem_shared>>) target_semaphore(%arg29 : memref<!tpu.dma_semaphore, #tpu.memory_space<semaphore_mem>>)
    %dma_wait3A_1806 = tpu.memref_slice %arg6[%add3A_1724] : memref<16777216xf32, #tpu.memory_space<hbm>> -> memref<16384xf32, #tpu.memory_space<hbm>>
    %dma_wait3A_1807 = tpu.memref_slice %arg22[%add3A_1719] : memref<1048576xf32, #tpu.memory_space<vmem_shared>> -> memref<16384xf32, #tpu.memory_space<vmem_shared>>
    tpu.wait_dma2 semaphore(%arg32 : memref<!tpu.dma_semaphore, #tpu.memory_space<semaphore_mem>>) src(%dma_wait3A_1807 : memref<16384xf32, #tpu.memory_space<vmem_shared>>) dst(%dma_wait3A_1806 : memref<16384xf32, #tpu.memory_space<hbm>>)
    %mul3A_1808 = arith.constant 65536 : i32
    %mul3A_1809 = arith.muli %arg1, %mul3A_1808 : i32
    %add3A_1810 = arith.constant 32768 : i32
    %add3A_1811 = arith.addi %mul3A_1809, %add3A_1810 : i32
    %add3A_1812 = arith.constant 0 : i32
    %add3A_1813 = arith.addi %add3A_1811, %add3A_1812 : i32
    %dma_start3A_1814 = tpu.memref_slice %arg22[%add3A_1813] : memref<1048576xf32, #tpu.memory_space<vmem_shared>> -> memref<4096xf32, #tpu.memory_space<vmem_shared>>
    %dma_start3A_1815 = tpu.memref_slice %arg22[%add3A_1813] : memref<1048576xf32, #tpu.memory_space<vmem_shared>> -> memref<4096xf32, #tpu.memory_space<vmem_shared>>
    tpu.enqueue_dma source(%arg21 : memref<4096xf32, #tpu.memory_space<vmem>>) target(%dma_start3A_1815 : memref<4096xf32, #tpu.memory_space<vmem_shared>>) target_semaphore(%arg29 : memref<!tpu.dma_semaphore, #tpu.memory_space<semaphore_mem>>)
    %mul3A_1816 = arith.constant 65536 : i32
    %mul3A_1817 = arith.muli %arg1, %mul3A_1816 : i32
    %add3A_1818 = arith.constant 32768 : i32
    %add3A_1819 = arith.addi %mul3A_1817, %add3A_1818 : i32
    %add3A_1820 = arith.constant 4096 : i32
    %add3A_1821 = arith.addi %add3A_1819, %add3A_1820 : i32
    %dma_start3A_1822 = tpu.memref_slice %arg22[%add3A_1821] : memref<1048576xf32, #tpu.memory_space<vmem_shared>> -> memref<4096xf32, #tpu.memory_space<vmem_shared>>
    %dma_start3A_1823 = tpu.memref_slice %arg22[%add3A_1821] : memref<1048576xf32, #tpu.memory_space<vmem_shared>> -> memref<4096xf32, #tpu.memory_space<vmem_shared>>
    tpu.enqueue_dma source(%arg21 : memref<4096xf32, #tpu.memory_space<vmem>>) target(%dma_start3A_1823 : memref<4096xf32, #tpu.memory_space<vmem_shared>>) target_semaphore(%arg29 : memref<!tpu.dma_semaphore, #tpu.memory_space<semaphore_mem>>)
    %mul3A_1824 = arith.constant 65536 : i32
    %mul3A_1825 = arith.muli %arg1, %mul3A_1824 : i32
    %add3A_1826 = arith.constant 32768 : i32
    %add3A_1827 = arith.addi %mul3A_1825, %add3A_1826 : i32
    %add3A_1828 = arith.constant 8192 : i32
    %add3A_1829 = arith.addi %add3A_1827, %add3A_1828 : i32
    %dma_start3A_1830 = tpu.memref_slice %arg22[%add3A_1829] : memref<1048576xf32, #tpu.memory_space<vmem_shared>> -> memref<4096xf32, #tpu.memory_space<vmem_shared>>
    %dma_start3A_1831 = tpu.memref_slice %arg22[%add3A_1829] : memref<1048576xf32, #tpu.memory_space<vmem_shared>> -> memref<4096xf32, #tpu.memory_space<vmem_shared>>
    tpu.enqueue_dma source(%arg21 : memref<4096xf32, #tpu.memory_space<vmem>>) target(%dma_start3A_1831 : memref<4096xf32, #tpu.memory_space<vmem_shared>>) target_semaphore(%arg29 : memref<!tpu.dma_semaphore, #tpu.memory_space<semaphore_mem>>)
    %mul3A_1832 = arith.constant 65536 : i32
    %mul3A_1833 = arith.muli %arg1, %mul3A_1832 : i32
    %add3A_1834 = arith.constant 32768 : i32
    %add3A_1835 = arith.addi %mul3A_1833, %add3A_1834 : i32
    %add3A_1836 = arith.constant 12288 : i32
    %add3A_1837 = arith.addi %add3A_1835, %add3A_1836 : i32
    %dma_start3A_1838 = tpu.memref_slice %arg22[%add3A_1837] : memref<1048576xf32, #tpu.memory_space<vmem_shared>> -> memref<4096xf32, #tpu.memory_space<vmem_shared>>
    %dma_start3A_1839 = tpu.memref_slice %arg22[%add3A_1837] : memref<1048576xf32, #tpu.memory_space<vmem_shared>> -> memref<4096xf32, #tpu.memory_space<vmem_shared>>
    tpu.enqueue_dma source(%arg21 : memref<4096xf32, #tpu.memory_space<vmem>>) target(%dma_start3A_1839 : memref<4096xf32, #tpu.memory_space<vmem_shared>>) target_semaphore(%arg29 : memref<!tpu.dma_semaphore, #tpu.memory_space<semaphore_mem>>)
    %dma_wait3A_1840 = tpu.memref_slice %arg6[%add3A_1735] : memref<16777216xf32, #tpu.memory_space<hbm>> -> memref<16384xf32, #tpu.memory_space<hbm>>
    %dma_wait3A_1841 = tpu.memref_slice %arg22[%add3A_1730] : memref<1048576xf32, #tpu.memory_space<vmem_shared>> -> memref<16384xf32, #tpu.memory_space<vmem_shared>>
    tpu.wait_dma2 semaphore(%arg33 : memref<!tpu.dma_semaphore, #tpu.memory_space<semaphore_mem>>) src(%dma_wait3A_1841 : memref<16384xf32, #tpu.memory_space<vmem_shared>>) dst(%dma_wait3A_1840 : memref<16384xf32, #tpu.memory_space<hbm>>)
    %mul3A_1842 = arith.constant 65536 : i32
    %mul3A_1843 = arith.muli %arg1, %mul3A_1842 : i32
    %add3A_1844 = arith.constant 49152 : i32
    %add3A_1845 = arith.addi %mul3A_1843, %add3A_1844 : i32
    %add3A_1846 = arith.constant 0 : i32
    %add3A_1847 = arith.addi %add3A_1845, %add3A_1846 : i32
    %dma_start3A_1848 = tpu.memref_slice %arg22[%add3A_1847] : memref<1048576xf32, #tpu.memory_space<vmem_shared>> -> memref<4096xf32, #tpu.memory_space<vmem_shared>>
    %dma_start3A_1849 = tpu.memref_slice %arg22[%add3A_1847] : memref<1048576xf32, #tpu.memory_space<vmem_shared>> -> memref<4096xf32, #tpu.memory_space<vmem_shared>>
    tpu.enqueue_dma source(%arg21 : memref<4096xf32, #tpu.memory_space<vmem>>) target(%dma_start3A_1849 : memref<4096xf32, #tpu.memory_space<vmem_shared>>) target_semaphore(%arg29 : memref<!tpu.dma_semaphore, #tpu.memory_space<semaphore_mem>>)
    %mul3A_1850 = arith.constant 65536 : i32
    %mul3A_1851 = arith.muli %arg1, %mul3A_1850 : i32
    %add3A_1852 = arith.constant 49152 : i32
    %add3A_1853 = arith.addi %mul3A_1851, %add3A_1852 : i32
    %add3A_1854 = arith.constant 4096 : i32
    %add3A_1855 = arith.addi %add3A_1853, %add3A_1854 : i32
    %dma_start3A_1856 = tpu.memref_slice %arg22[%add3A_1855] : memref<1048576xf32, #tpu.memory_space<vmem_shared>> -> memref<4096xf32, #tpu.memory_space<vmem_shared>>
    %dma_start3A_1857 = tpu.memref_slice %arg22[%add3A_1855] : memref<1048576xf32, #tpu.memory_space<vmem_shared>> -> memref<4096xf32, #tpu.memory_space<vmem_shared>>
    tpu.enqueue_dma source(%arg21 : memref<4096xf32, #tpu.memory_space<vmem>>) target(%dma_start3A_1857 : memref<4096xf32, #tpu.memory_space<vmem_shared>>) target_semaphore(%arg29 : memref<!tpu.dma_semaphore, #tpu.memory_space<semaphore_mem>>)
    %mul3A_1858 = arith.constant 65536 : i32
    %mul3A_1859 = arith.muli %arg1, %mul3A_1858 : i32
    %add3A_1860 = arith.constant 49152 : i32
    %add3A_1861 = arith.addi %mul3A_1859, %add3A_1860 : i32
    %add3A_1862 = arith.constant 8192 : i32
    %add3A_1863 = arith.addi %add3A_1861, %add3A_1862 : i32
    %dma_start3A_1864 = tpu.memref_slice %arg22[%add3A_1863] : memref<1048576xf32, #tpu.memory_space<vmem_shared>> -> memref<4096xf32, #tpu.memory_space<vmem_shared>>
    %dma_start3A_1865 = tpu.memref_slice %arg22[%add3A_1863] : memref<1048576xf32, #tpu.memory_space<vmem_shared>> -> memref<4096xf32, #tpu.memory_space<vmem_shared>>
    tpu.enqueue_dma source(%arg21 : memref<4096xf32, #tpu.memory_space<vmem>>) target(%dma_start3A_1865 : memref<4096xf32, #tpu.memory_space<vmem_shared>>) target_semaphore(%arg29 : memref<!tpu.dma_semaphore, #tpu.memory_space<semaphore_mem>>)
    %mul3A_1866 = arith.constant 65536 : i32
    %mul3A_1867 = arith.muli %arg1, %mul3A_1866 : i32
    %add3A_1868 = arith.constant 49152 : i32
    %add3A_1869 = arith.addi %mul3A_1867, %add3A_1868 : i32
    %add3A_1870 = arith.constant 12288 : i32
    %add3A_1871 = arith.addi %add3A_1869, %add3A_1870 : i32
    %dma_start3A_1872 = tpu.memref_slice %arg22[%add3A_1871] : memref<1048576xf32, #tpu.memory_space<vmem_shared>> -> memref<4096xf32, #tpu.memory_space<vmem_shared>>
    %dma_start3A_1873 = tpu.memref_slice %arg22[%add3A_1871] : memref<1048576xf32, #tpu.memory_space<vmem_shared>> -> memref<4096xf32, #tpu.memory_space<vmem_shared>>
    tpu.enqueue_dma source(%arg21 : memref<4096xf32, #tpu.memory_space<vmem>>) target(%dma_start3A_1873 : memref<4096xf32, #tpu.memory_space<vmem_shared>>) target_semaphore(%arg29 : memref<!tpu.dma_semaphore, #tpu.memory_space<semaphore_mem>>)
    %dma_wait3A_1874 = tpu.memref_slice %arg22[%add3A_1745] : memref<1048576xf32, #tpu.memory_space<vmem_shared>> -> memref<4096xf32, #tpu.memory_space<vmem_shared>>
    %dma_wait3A_1875 = tpu.memref_slice %arg22[%add3A_1745] : memref<1048576xf32, #tpu.memory_space<vmem_shared>> -> memref<4096xf32, #tpu.memory_space<vmem_shared>>
    tpu.wait_dma2 semaphore(%arg29 : memref<!tpu.dma_semaphore, #tpu.memory_space<semaphore_mem>>) src(%arg21 : memref<4096xf32, #tpu.memory_space<vmem>>) dst(%dma_wait3A_1875 : memref<4096xf32, #tpu.memory_space<vmem_shared>>)
    %dma_wait3A_1876 = tpu.memref_slice %arg22[%add3A_1753] : memref<1048576xf32, #tpu.memory_space<vmem_shared>> -> memref<4096xf32, #tpu.memory_space<vmem_shared>>
    %dma_wait3A_1877 = tpu.memref_slice %arg22[%add3A_1753] : memref<1048576xf32, #tpu.memory_space<vmem_shared>> -> memref<4096xf32, #tpu.memory_space<vmem_shared>>
    tpu.wait_dma2 semaphore(%arg29 : memref<!tpu.dma_semaphore, #tpu.memory_space<semaphore_mem>>) src(%arg21 : memref<4096xf32, #tpu.memory_space<vmem>>) dst(%dma_wait3A_1877 : memref<4096xf32, #tpu.memory_space<vmem_shared>>)
    %dma_wait3A_1878 = tpu.memref_slice %arg22[%add3A_1761] : memref<1048576xf32, #tpu.memory_space<vmem_shared>> -> memref<4096xf32, #tpu.memory_space<vmem_shared>>
    %dma_wait3A_1879 = tpu.memref_slice %arg22[%add3A_1761] : memref<1048576xf32, #tpu.memory_space<vmem_shared>> -> memref<4096xf32, #tpu.memory_space<vmem_shared>>
    tpu.wait_dma2 semaphore(%arg29 : memref<!tpu.dma_semaphore, #tpu.memory_space<semaphore_mem>>) src(%arg21 : memref<4096xf32, #tpu.memory_space<vmem>>) dst(%dma_wait3A_1879 : memref<4096xf32, #tpu.memory_space<vmem_shared>>)
    %dma_wait3A_1880 = tpu.memref_slice %arg22[%add3A_1769] : memref<1048576xf32, #tpu.memory_space<vmem_shared>> -> memref<4096xf32, #tpu.memory_space<vmem_shared>>
    %dma_wait3A_1881 = tpu.memref_slice %arg22[%add3A_1769] : memref<1048576xf32, #tpu.memory_space<vmem_shared>> -> memref<4096xf32, #tpu.memory_space<vmem_shared>>
    tpu.wait_dma2 semaphore(%arg29 : memref<!tpu.dma_semaphore, #tpu.memory_space<semaphore_mem>>) src(%arg21 : memref<4096xf32, #tpu.memory_space<vmem>>) dst(%dma_wait3A_1881 : memref<4096xf32, #tpu.memory_space<vmem_shared>>)
    %dma_wait3A_1882 = tpu.memref_slice %arg22[%add3A_1779] : memref<1048576xf32, #tpu.memory_space<vmem_shared>> -> memref<4096xf32, #tpu.memory_space<vmem_shared>>
    %dma_wait3A_1883 = tpu.memref_slice %arg22[%add3A_1779] : memref<1048576xf32, #tpu.memory_space<vmem_shared>> -> memref<4096xf32, #tpu.memory_space<vmem_shared>>
    tpu.wait_dma2 semaphore(%arg29 : memref<!tpu.dma_semaphore, #tpu.memory_space<semaphore_mem>>) src(%arg21 : memref<4096xf32, #tpu.memory_space<vmem>>) dst(%dma_wait3A_1883 : memref<4096xf32, #tpu.memory_space<vmem_shared>>)
    %dma_wait3A_1884 = tpu.memref_slice %arg22[%add3A_1787] : memref<1048576xf32, #tpu.memory_space<vmem_shared>> -> memref<4096xf32, #tpu.memory_space<vmem_shared>>
    %dma_wait3A_1885 = tpu.memref_slice %arg22[%add3A_1787] : memref<1048576xf32, #tpu.memory_space<vmem_shared>> -> memref<4096xf32, #tpu.memory_space<vmem_shared>>
    tpu.wait_dma2 semaphore(%arg29 : memref<!tpu.dma_semaphore, #tpu.memory_space<semaphore_mem>>) src(%arg21 : memref<4096xf32, #tpu.memory_space<vmem>>) dst(%dma_wait3A_1885 : memref<4096xf32, #tpu.memory_space<vmem_shared>>)
    %dma_wait3A_1886 = tpu.memref_slice %arg22[%add3A_1795] : memref<1048576xf32, #tpu.memory_space<vmem_shared>> -> memref<4096xf32, #tpu.memory_space<vmem_shared>>
    %dma_wait3A_1887 = tpu.memref_slice %arg22[%add3A_1795] : memref<1048576xf32, #tpu.memory_space<vmem_shared>> -> memref<4096xf32, #tpu.memory_space<vmem_shared>>
    tpu.wait_dma2 semaphore(%arg29 : memref<!tpu.dma_semaphore, #tpu.memory_space<semaphore_mem>>) src(%arg21 : memref<4096xf32, #tpu.memory_space<vmem>>) dst(%dma_wait3A_1887 : memref<4096xf32, #tpu.memory_space<vmem_shared>>)
    %dma_wait3A_1888 = tpu.memref_slice %arg22[%add3A_1803] : memref<1048576xf32, #tpu.memory_space<vmem_shared>> -> memref<4096xf32, #tpu.memory_space<vmem_shared>>
    %dma_wait3A_1889 = tpu.memref_slice %arg22[%add3A_1803] : memref<1048576xf32, #tpu.memory_space<vmem_shared>> -> memref<4096xf32, #tpu.memory_space<vmem_shared>>
    tpu.wait_dma2 semaphore(%arg29 : memref<!tpu.dma_semaphore, #tpu.memory_space<semaphore_mem>>) src(%arg21 : memref<4096xf32, #tpu.memory_space<vmem>>) dst(%dma_wait3A_1889 : memref<4096xf32, #tpu.memory_space<vmem_shared>>)
    %dma_wait3A_1890 = tpu.memref_slice %arg22[%add3A_1813] : memref<1048576xf32, #tpu.memory_space<vmem_shared>> -> memref<4096xf32, #tpu.memory_space<vmem_shared>>
    %dma_wait3A_1891 = tpu.memref_slice %arg22[%add3A_1813] : memref<1048576xf32, #tpu.memory_space<vmem_shared>> -> memref<4096xf32, #tpu.memory_space<vmem_shared>>
    tpu.wait_dma2 semaphore(%arg29 : memref<!tpu.dma_semaphore, #tpu.memory_space<semaphore_mem>>) src(%arg21 : memref<4096xf32, #tpu.memory_space<vmem>>) dst(%dma_wait3A_1891 : memref<4096xf32, #tpu.memory_space<vmem_shared>>)
    %dma_wait3A_1892 = tpu.memref_slice %arg22[%add3A_1821] : memref<1048576xf32, #tpu.memory_space<vmem_shared>> -> memref<4096xf32, #tpu.memory_space<vmem_shared>>
    %dma_wait3A_1893 = tpu.memref_slice %arg22[%add3A_1821] : memref<1048576xf32, #tpu.memory_space<vmem_shared>> -> memref<4096xf32, #tpu.memory_space<vmem_shared>>
    tpu.wait_dma2 semaphore(%arg29 : memref<!tpu.dma_semaphore, #tpu.memory_space<semaphore_mem>>) src(%arg21 : memref<4096xf32, #tpu.memory_space<vmem>>) dst(%dma_wait3A_1893 : memref<4096xf32, #tpu.memory_space<vmem_shared>>)
    %dma_wait3A_1894 = tpu.memref_slice %arg22[%add3A_1829] : memref<1048576xf32, #tpu.memory_space<vmem_shared>> -> memref<4096xf32, #tpu.memory_space<vmem_shared>>
    %dma_wait3A_1895 = tpu.memref_slice %arg22[%add3A_1829] : memref<1048576xf32, #tpu.memory_space<vmem_shared>> -> memref<4096xf32, #tpu.memory_space<vmem_shared>>
    tpu.wait_dma2 semaphore(%arg29 : memref<!tpu.dma_semaphore, #tpu.memory_space<semaphore_mem>>) src(%arg21 : memref<4096xf32, #tpu.memory_space<vmem>>) dst(%dma_wait3A_1895 : memref<4096xf32, #tpu.memory_space<vmem_shared>>)
    %dma_wait3A_1896 = tpu.memref_slice %arg22[%add3A_1837] : memref<1048576xf32, #tpu.memory_space<vmem_shared>> -> memref<4096xf32, #tpu.memory_space<vmem_shared>>
    %dma_wait3A_1897 = tpu.memref_slice %arg22[%add3A_1837] : memref<1048576xf32, #tpu.memory_space<vmem_shared>> -> memref<4096xf32, #tpu.memory_space<vmem_shared>>
    tpu.wait_dma2 semaphore(%arg29 : memref<!tpu.dma_semaphore, #tpu.memory_space<semaphore_mem>>) src(%arg21 : memref<4096xf32, #tpu.memory_space<vmem>>) dst(%dma_wait3A_1897 : memref<4096xf32, #tpu.memory_space<vmem_shared>>)
    %dma_wait3A_1898 = tpu.memref_slice %arg22[%add3A_1847] : memref<1048576xf32, #tpu.memory_space<vmem_shared>> -> memref<4096xf32, #tpu.memory_space<vmem_shared>>
    %dma_wait3A_1899 = tpu.memref_slice %arg22[%add3A_1847] : memref<1048576xf32, #tpu.memory_space<vmem_shared>> -> memref<4096xf32, #tpu.memory_space<vmem_shared>>
    tpu.wait_dma2 semaphore(%arg29 : memref<!tpu.dma_semaphore, #tpu.memory_space<semaphore_mem>>) src(%arg21 : memref<4096xf32, #tpu.memory_space<vmem>>) dst(%dma_wait3A_1899 : memref<4096xf32, #tpu.memory_space<vmem_shared>>)
    %dma_wait3A_1900 = tpu.memref_slice %arg22[%add3A_1855] : memref<1048576xf32, #tpu.memory_space<vmem_shared>> -> memref<4096xf32, #tpu.memory_space<vmem_shared>>
    %dma_wait3A_1901 = tpu.memref_slice %arg22[%add3A_1855] : memref<1048576xf32, #tpu.memory_space<vmem_shared>> -> memref<4096xf32, #tpu.memory_space<vmem_shared>>
    tpu.wait_dma2 semaphore(%arg29 : memref<!tpu.dma_semaphore, #tpu.memory_space<semaphore_mem>>) src(%arg21 : memref<4096xf32, #tpu.memory_space<vmem>>) dst(%dma_wait3A_1901 : memref<4096xf32, #tpu.memory_space<vmem_shared>>)
    %dma_wait3A_1902 = tpu.memref_slice %arg22[%add3A_1863] : memref<1048576xf32, #tpu.memory_space<vmem_shared>> -> memref<4096xf32, #tpu.memory_space<vmem_shared>>
    %dma_wait3A_1903 = tpu.memref_slice %arg22[%add3A_1863] : memref<1048576xf32, #tpu.memory_space<vmem_shared>> -> memref<4096xf32, #tpu.memory_space<vmem_shared>>
    tpu.wait_dma2 semaphore(%arg29 : memref<!tpu.dma_semaphore, #tpu.memory_space<semaphore_mem>>) src(%arg21 : memref<4096xf32, #tpu.memory_space<vmem>>) dst(%dma_wait3A_1903 : memref<4096xf32, #tpu.memory_space<vmem_shared>>)
    %dma_wait3A_1904 = tpu.memref_slice %arg22[%add3A_1871] : memref<1048576xf32, #tpu.memory_space<vmem_shared>> -> memref<4096xf32, #tpu.memory_space<vmem_shared>>
    %dma_wait3A_1905 = tpu.memref_slice %arg22[%add3A_1871] : memref<1048576xf32, #tpu.memory_space<vmem_shared>> -> memref<4096xf32, #tpu.memory_space<vmem_shared>>
    tpu.wait_dma2 semaphore(%arg29 : memref<!tpu.dma_semaphore, #tpu.memory_space<semaphore_mem>>) src(%arg21 : memref<4096xf32, #tpu.memory_space<vmem>>) dst(%dma_wait3A_1905 : memref<4096xf32, #tpu.memory_space<vmem_shared>>)
    %barrier3A_1906 = arith.constant 0 : index
    tpu.barrier barrier_id(%barrier3A_1906)
    %mul3A_1907 = arith.constant 8 : i32
    %mul3A_1908 = arith.muli %arg0, %mul3A_1907 : i32
    %add3A_1909 = arith.constant 7 : i32
    %add3A_1910 = arith.addi %mul3A_1908, %add3A_1909 : i32
    %mul3A_1911 = arith.constant 1048576 : i32
    %mul3A_1912 = arith.muli %add3A_1910, %mul3A_1911 : i32
    %scan3A_1913 = arith.constant 0 : i32
    %scan3A_1914 = arith.constant 0 : i32
    %scan3A_1915 = arith.constant 4 : i32
    %scan3A_1916 = arith.addi %scan3A_1914, %scan3A_1915 : i32
    %scan3A_1917 = arith.constant 1 : i32
    %scan3A_1918 = scf.for %scan3A_1977 = %scan3A_1914 to %scan3A_1916 step %scan3A_1917 iter_args(%scan3A_1978 = %scan3A_1913) -> (i32)  : i32 {
      %gt3A = arith.constant 0 : i32
      %gt3A_1979 = arith.cmpi sgt, %scan3A_1977, %gt3A : i32
      %convert_element_type3A = arith.extui %gt3A_1979 : i1 to i32
      %cond3A = arith.constant 0 : i32
      %cond3A_1980 = arith.cmpi ne, %convert_element_type3A, %cond3A : i32
      scf.if %cond3A_1980 {
        %dma_wait3A_2008 = arith.constant 0 : i32
        %dma_wait3A_2009 = tpu.memref_slice %arg22[%dma_wait3A_2008] : memref<1048576xf32, #tpu.memory_space<vmem_shared>> -> memref<1048576xf32, #tpu.memory_space<vmem_shared>>
        tpu.wait_indirect_dma semaphore(%arg27 : memref<!tpu.dma_semaphore, #tpu.memory_space<semaphore_mem>>) src(%arg19 : memref<2048xf32, #tpu.memory_space<vmem>>) dst(%dma_wait3A_2009 : memref<1048576xf32, #tpu.memory_space<vmem_shared>>)
        %dma_wait3A_2010 = arith.constant 0 : i32
        %dma_wait3A_2011 = tpu.memref_slice %arg22[%dma_wait3A_2010] : memref<1048576xf32, #tpu.memory_space<vmem_shared>> -> memref<1048576xf32, #tpu.memory_space<vmem_shared>>
        tpu.wait_indirect_dma semaphore(%arg28 : memref<!tpu.dma_semaphore, #tpu.memory_space<semaphore_mem>>) src(%arg20 : memref<2048xf32, #tpu.memory_space<vmem>>) dst(%dma_wait3A_2011 : memref<1048576xf32, #tpu.memory_space<vmem_shared>>)
      } else {
      }
      %mul3A_1981 = arith.constant 4096 : i32
      %mul3A_1982 = arith.muli %scan3A_1977, %mul3A_1981 : i32
      %add3A_1983 = arith.constant 0 : i32
      %add3A_1984 = arith.addi %mul3A_1982, %add3A_1983 : i32
      %scan3A_1985 = arith.constant 0 : i32
      %scan3A_1986 = arith.constant 0 : i32
      %scan3A_1987 = arith.constant 128 : i32
      %scan3A_1988 = arith.addi %scan3A_1986, %scan3A_1987 : i32
      %scan3A_1989 = arith.constant 1 : i32
      %scan3A_1990 = scf.for %scan3A_2008 = %scan3A_1986 to %scan3A_1988 step %scan3A_1989 iter_args(%scan3A_2009 = %scan3A_1985) -> (i32)  : i32 {
        %mul3A_2010 = arith.constant 16 : i32
        %mul3A_2011 = arith.muli %scan3A_2008, %mul3A_2010 : i32
        %add3A_2012 = arith.addi %add3A_1984, %mul3A_2011 : i32
        %get3A = arith.index_cast %add3A_2012 : i32 to index
        %get3A_2013 = tpu.vector_load %arg15[%get3A] {strides = array<i32>} : memref<16400xi32, #tpu.memory_space<vmem>>, vector<16xi32>,
        %get3A_2014 = vector.shape_cast %get3A_2013 : vector<16xi32> to vector<16xi32>
        %sub3A = vector.broadcast %mul3A_1912 : i32 to vector<16xi32>
        %sub3A_2015 = arith.subi %get3A_2014, %sub3A : vector<16xi32>
        %mul3A_2016 = arith.constant 16 : i32
        %mul3A_2017 = arith.muli %scan3A_2008, %mul3A_2016 : i32
        %add3A_2018 = arith.addi %add3A_1984, %mul3A_2017 : i32
        %get3A_2019 = arith.index_cast %add3A_2018 : i32 to index
        %get3A_2020 = tpu.vector_load %arg16[%get3A_2019] {strides = array<i32>} : memref<16400xf32, #tpu.memory_space<vmem>>, vector<16xf32>,
        %get3A_2021 = vector.shape_cast %get3A_2020 : vector<16xf32> to vector<16xf32>
        %bitcast3A = vector.bitcast %sub3A_2015 : vector<16xi32> to vector<16xi32>
        %lt3A = arith.constant 1048576 : i32
        %lt3A_2022 = vector.broadcast %lt3A : i32 to vector<16xi32>
        %lt3A_2023 = arith.cmpi ult, %bitcast3A, %lt3A_2022 : vector<16xi32>
        %and3A = arith.constant 1048575 : i32
        %and3A_2024 = vector.broadcast %and3A : i32 to vector<16xi32>
        %and3A_2025 = arith.andi %sub3A_2015, %and3A_2024 : vector<16xi32>
        %mul3A_2026 = arith.constant 16 : i32
        %mul3A_2027 = arith.muli %scan3A_2008, %mul3A_2026 : i32
        %swap3A = arith.index_cast %mul3A_2027 : i32 to index
        %swap3A_2028 = tpu.vector_load %arg17[%swap3A] {strides = array<i32>} : memref<2048xi32, #tpu.memory_space<vmem>>, vector<16xi32>,
        %swap3A_2029 = vector.shape_cast %swap3A_2028 : vector<16xi32> to vector<16xi32>
        %swap3A_2030 = vector.shape_cast %and3A_2025 : vector<16xi32> to vector<16xi32>
        tpu.vector_store %arg17[%swap3A], %swap3A_2030 {strides = array<i32>} : memref<2048xi32, #tpu.memory_space<vmem>>, vector<16xi32>,
        %jit3A = arith.constant 0.000000e+00 : f32
        %broadcast_in_dim3A_2031 = vector.broadcast %jit3A : f32 to vector<16xf32>
        %select_n3A = arith.select %lt3A_2023, %get3A_2021, %broadcast_in_dim3A_2031 : vector<16xi1>, vector<16xf32>
        %mul3A_2032 = arith.constant 16 : i32
        %mul3A_2033 = arith.muli %scan3A_2008, %mul3A_2032 : i32
        %swap3A_2034 = arith.index_cast %mul3A_2033 : i32 to index
        %swap3A_2035 = tpu.vector_load %arg19[%swap3A_2034] {strides = array<i32>} : memref<2048xf32, #tpu.memory_space<vmem>>, vector<16xf32>,
        %swap3A_2036 = vector.shape_cast %swap3A_2035 : vector<16xf32> to vector<16xf32>
        %swap3A_2037 = vector.shape_cast %select_n3A : vector<16xf32> to vector<16xf32>
        tpu.vector_store %arg19[%swap3A_2034], %swap3A_2037 {strides = array<i32>} : memref<2048xf32, #tpu.memory_space<vmem>>, vector<16xf32>,
        %scan3A_2038 = arith.constant 0 : i32
        scf.yield %scan3A_2038 : i32
      }
      %scan3A_1991 = arith.constant 128 : i32
      %dma_start3A_1992 = arith.constant 0 : i32
      %dma_start3A_1993 = tpu.memref_slice %arg22[%dma_start3A_1992] : memref<1048576xf32, #tpu.memory_space<vmem_shared>> -> memref<1048576xf32, #tpu.memory_space<vmem_shared>>
      tpu.enqueue_indirect_dma source(%arg19 : memref<2048xf32, #tpu.memory_space<vmem>>) target(%dma_start3A_1993 : memref<1048576xf32, #tpu.memory_space<vmem_shared>>) offsets(%arg17 : memref<2048xi32, #tpu.memory_space<vmem>>) semaphore(%arg27 : memref<!tpu.dma_semaphore, #tpu.memory_space<semaphore_mem>>) {add = true}
      %mul3A_1994 = arith.constant 4096 : i32
      %mul3A_1995 = arith.muli %scan3A_1977, %mul3A_1994 : i32
      %add3A_1996 = arith.constant 2048 : i32
      %add3A_1997 = arith.addi %mul3A_1995, %add3A_1996 : i32
      %scan3A_1998 = arith.constant 0 : i32
      %scan3A_1999 = arith.constant 0 : i32
      %scan3A_2000 = arith.constant 128 : i32
      %scan3A_2001 = arith.addi %scan3A_1999, %scan3A_2000 : i32
      %scan3A_2002 = arith.constant 1 : i32
      %scan3A_2003 = scf.for %scan3A_2008 = %scan3A_1999 to %scan3A_2001 step %scan3A_2002 iter_args(%scan3A_2009 = %scan3A_1998) -> (i32)  : i32 {
        %mul3A_2010 = arith.constant 16 : i32
        %mul3A_2011 = arith.muli %scan3A_2008, %mul3A_2010 : i32
        %add3A_2012 = arith.addi %add3A_1997, %mul3A_2011 : i32
        %get3A = arith.index_cast %add3A_2012 : i32 to index
        %get3A_2013 = tpu.vector_load %arg15[%get3A] {strides = array<i32>} : memref<16400xi32, #tpu.memory_space<vmem>>, vector<16xi32>,
        %get3A_2014 = vector.shape_cast %get3A_2013 : vector<16xi32> to vector<16xi32>
        %sub3A = vector.broadcast %mul3A_1912 : i32 to vector<16xi32>
        %sub3A_2015 = arith.subi %get3A_2014, %sub3A : vector<16xi32>
        %mul3A_2016 = arith.constant 16 : i32
        %mul3A_2017 = arith.muli %scan3A_2008, %mul3A_2016 : i32
        %add3A_2018 = arith.addi %add3A_1997, %mul3A_2017 : i32
        %get3A_2019 = arith.index_cast %add3A_2018 : i32 to index
        %get3A_2020 = tpu.vector_load %arg16[%get3A_2019] {strides = array<i32>} : memref<16400xf32, #tpu.memory_space<vmem>>, vector<16xf32>,
        %get3A_2021 = vector.shape_cast %get3A_2020 : vector<16xf32> to vector<16xf32>
        %bitcast3A = vector.bitcast %sub3A_2015 : vector<16xi32> to vector<16xi32>
        %lt3A = arith.constant 1048576 : i32
        %lt3A_2022 = vector.broadcast %lt3A : i32 to vector<16xi32>
        %lt3A_2023 = arith.cmpi ult, %bitcast3A, %lt3A_2022 : vector<16xi32>
        %and3A = arith.constant 1048575 : i32
        %and3A_2024 = vector.broadcast %and3A : i32 to vector<16xi32>
        %and3A_2025 = arith.andi %sub3A_2015, %and3A_2024 : vector<16xi32>
        %mul3A_2026 = arith.constant 16 : i32
        %mul3A_2027 = arith.muli %scan3A_2008, %mul3A_2026 : i32
        %swap3A = arith.index_cast %mul3A_2027 : i32 to index
        %swap3A_2028 = tpu.vector_load %arg18[%swap3A] {strides = array<i32>} : memref<2048xi32, #tpu.memory_space<vmem>>, vector<16xi32>,
        %swap3A_2029 = vector.shape_cast %swap3A_2028 : vector<16xi32> to vector<16xi32>
        %swap3A_2030 = vector.shape_cast %and3A_2025 : vector<16xi32> to vector<16xi32>
        tpu.vector_store %arg18[%swap3A], %swap3A_2030 {strides = array<i32>} : memref<2048xi32, #tpu.memory_space<vmem>>, vector<16xi32>,
        %jit3A = arith.constant 0.000000e+00 : f32
        %broadcast_in_dim3A_2031 = vector.broadcast %jit3A : f32 to vector<16xf32>
        %select_n3A = arith.select %lt3A_2023, %get3A_2021, %broadcast_in_dim3A_2031 : vector<16xi1>, vector<16xf32>
        %mul3A_2032 = arith.constant 16 : i32
        %mul3A_2033 = arith.muli %scan3A_2008, %mul3A_2032 : i32
        %swap3A_2034 = arith.index_cast %mul3A_2033 : i32 to index
        %swap3A_2035 = tpu.vector_load %arg20[%swap3A_2034] {strides = array<i32>} : memref<2048xf32, #tpu.memory_space<vmem>>, vector<16xf32>,
        %swap3A_2036 = vector.shape_cast %swap3A_2035 : vector<16xf32> to vector<16xf32>
        %swap3A_2037 = vector.shape_cast %select_n3A : vector<16xf32> to vector<16xf32>
        tpu.vector_store %arg20[%swap3A_2034], %swap3A_2037 {strides = array<i32>} : memref<2048xf32, #tpu.memory_space<vmem>>, vector<16xf32>,
        %scan3A_2038 = arith.constant 0 : i32
        scf.yield %scan3A_2038 : i32
      }
      %scan3A_2004 = arith.constant 128 : i32
      %dma_start3A_2005 = arith.constant 0 : i32
      %dma_start3A_2006 = tpu.memref_slice %arg22[%dma_start3A_2005] : memref<1048576xf32, #tpu.memory_space<vmem_shared>> -> memref<1048576xf32, #tpu.memory_space<vmem_shared>>
      tpu.enqueue_indirect_dma source(%arg20 : memref<2048xf32, #tpu.memory_space<vmem>>) target(%dma_start3A_2006 : memref<1048576xf32, #tpu.memory_space<vmem_shared>>) offsets(%arg18 : memref<2048xi32, #tpu.memory_space<vmem>>) semaphore(%arg28 : memref<!tpu.dma_semaphore, #tpu.memory_space<semaphore_mem>>) {add = true}
      %scan3A_2007 = arith.constant 0 : i32
      scf.yield %scan3A_2007 : i32
    }
    %scan3A_1919 = arith.constant 4 : i32
    %dma_wait3A_1920 = arith.constant 0 : i32
    %dma_wait3A_1921 = tpu.memref_slice %arg22[%dma_wait3A_1920] : memref<1048576xf32, #tpu.memory_space<vmem_shared>> -> memref<1048576xf32, #tpu.memory_space<vmem_shared>>
    tpu.wait_indirect_dma semaphore(%arg27 : memref<!tpu.dma_semaphore, #tpu.memory_space<semaphore_mem>>) src(%arg19 : memref<2048xf32, #tpu.memory_space<vmem>>) dst(%dma_wait3A_1921 : memref<1048576xf32, #tpu.memory_space<vmem_shared>>)
    %dma_wait3A_1922 = arith.constant 0 : i32
    %dma_wait3A_1923 = tpu.memref_slice %arg22[%dma_wait3A_1922] : memref<1048576xf32, #tpu.memory_space<vmem_shared>> -> memref<1048576xf32, #tpu.memory_space<vmem_shared>>
    tpu.wait_indirect_dma semaphore(%arg28 : memref<!tpu.dma_semaphore, #tpu.memory_space<semaphore_mem>>) src(%arg20 : memref<2048xf32, #tpu.memory_space<vmem>>) dst(%dma_wait3A_1923 : memref<1048576xf32, #tpu.memory_space<vmem_shared>>)
    %barrier3A_1924 = arith.constant 0 : index
    tpu.barrier barrier_id(%barrier3A_1924)
    %mul3A_1925 = arith.constant 65536 : i32
    %mul3A_1926 = arith.muli %arg1, %mul3A_1925 : i32
    %add3A_1927 = arith.constant 0 : i32
    %add3A_1928 = arith.addi %mul3A_1926, %add3A_1927 : i32
    %mul3A_1929 = arith.constant 65536 : i32
    %mul3A_1930 = arith.muli %arg1, %mul3A_1929 : i32
    %add3A_1931 = arith.addi %mul3A_1912, %mul3A_1930 : i32
    %add3A_1932 = arith.constant 0 : i32
    %add3A_1933 = arith.addi %add3A_1931, %add3A_1932 : i32
    %dma_start3A_1934 = tpu.memref_slice %arg6[%add3A_1933] : memref<16777216xf32, #tpu.memory_space<hbm>> -> memref<16384xf32, #tpu.memory_space<hbm>>
    %dma_start3A_1935 = tpu.memref_slice %arg22[%add3A_1928] : memref<1048576xf32, #tpu.memory_space<vmem_shared>> -> memref<16384xf32, #tpu.memory_space<vmem_shared>>
    tpu.enqueue_dma source(%dma_start3A_1935 : memref<16384xf32, #tpu.memory_space<vmem_shared>>) target(%dma_start3A_1934 : memref<16384xf32, #tpu.memory_space<hbm>>) target_semaphore(%arg30 : memref<!tpu.dma_semaphore, #tpu.memory_space<semaphore_mem>>)
    %mul3A_1936 = arith.constant 65536 : i32
    %mul3A_1937 = arith.muli %arg1, %mul3A_1936 : i32
    %add3A_1938 = arith.constant 16384 : i32
    %add3A_1939 = arith.addi %mul3A_1937, %add3A_1938 : i32
    %mul3A_1940 = arith.constant 65536 : i32
    %mul3A_1941 = arith.muli %arg1, %mul3A_1940 : i32
    %add3A_1942 = arith.addi %mul3A_1912, %mul3A_1941 : i32
    %add3A_1943 = arith.constant 16384 : i32
    %add3A_1944 = arith.addi %add3A_1942, %add3A_1943 : i32
    %dma_start3A_1945 = tpu.memref_slice %arg6[%add3A_1944] : memref<16777216xf32, #tpu.memory_space<hbm>> -> memref<16384xf32, #tpu.memory_space<hbm>>
    %dma_start3A_1946 = tpu.memref_slice %arg22[%add3A_1939] : memref<1048576xf32, #tpu.memory_space<vmem_shared>> -> memref<16384xf32, #tpu.memory_space<vmem_shared>>
    tpu.enqueue_dma source(%dma_start3A_1946 : memref<16384xf32, #tpu.memory_space<vmem_shared>>) target(%dma_start3A_1945 : memref<16384xf32, #tpu.memory_space<hbm>>) target_semaphore(%arg31 : memref<!tpu.dma_semaphore, #tpu.memory_space<semaphore_mem>>)
    %mul3A_1947 = arith.constant 65536 : i32
    %mul3A_1948 = arith.muli %arg1, %mul3A_1947 : i32
    %add3A_1949 = arith.constant 32768 : i32
    %add3A_1950 = arith.addi %mul3A_1948, %add3A_1949 : i32
    %mul3A_1951 = arith.constant 65536 : i32
    %mul3A_1952 = arith.muli %arg1, %mul3A_1951 : i32
    %add3A_1953 = arith.addi %mul3A_1912, %mul3A_1952 : i32
    %add3A_1954 = arith.constant 32768 : i32
    %add3A_1955 = arith.addi %add3A_1953, %add3A_1954 : i32
    %dma_start3A_1956 = tpu.memref_slice %arg6[%add3A_1955] : memref<16777216xf32, #tpu.memory_space<hbm>> -> memref<16384xf32, #tpu.memory_space<hbm>>
    %dma_start3A_1957 = tpu.memref_slice %arg22[%add3A_1950] : memref<1048576xf32, #tpu.memory_space<vmem_shared>> -> memref<16384xf32, #tpu.memory_space<vmem_shared>>
    tpu.enqueue_dma source(%dma_start3A_1957 : memref<16384xf32, #tpu.memory_space<vmem_shared>>) target(%dma_start3A_1956 : memref<16384xf32, #tpu.memory_space<hbm>>) target_semaphore(%arg32 : memref<!tpu.dma_semaphore, #tpu.memory_space<semaphore_mem>>)
    %mul3A_1958 = arith.constant 65536 : i32
    %mul3A_1959 = arith.muli %arg1, %mul3A_1958 : i32
    %add3A_1960 = arith.constant 49152 : i32
    %add3A_1961 = arith.addi %mul3A_1959, %add3A_1960 : i32
    %mul3A_1962 = arith.constant 65536 : i32
    %mul3A_1963 = arith.muli %arg1, %mul3A_1962 : i32
    %add3A_1964 = arith.addi %mul3A_1912, %mul3A_1963 : i32
    %add3A_1965 = arith.constant 49152 : i32
    %add3A_1966 = arith.addi %add3A_1964, %add3A_1965 : i32
    %dma_start3A_1967 = tpu.memref_slice %arg6[%add3A_1966] : memref<16777216xf32, #tpu.memory_space<hbm>> -> memref<16384xf32, #tpu.memory_space<hbm>>
    %dma_start3A_1968 = tpu.memref_slice %arg22[%add3A_1961] : memref<1048576xf32, #tpu.memory_space<vmem_shared>> -> memref<16384xf32, #tpu.memory_space<vmem_shared>>
    tpu.enqueue_dma source(%dma_start3A_1968 : memref<16384xf32, #tpu.memory_space<vmem_shared>>) target(%dma_start3A_1967 : memref<16384xf32, #tpu.memory_space<hbm>>) target_semaphore(%arg33 : memref<!tpu.dma_semaphore, #tpu.memory_space<semaphore_mem>>)
    %dma_wait3A_1969 = tpu.memref_slice %arg6[%add3A_1933] : memref<16777216xf32, #tpu.memory_space<hbm>> -> memref<16384xf32, #tpu.memory_space<hbm>>
    %dma_wait3A_1970 = tpu.memref_slice %arg22[%add3A_1928] : memref<1048576xf32, #tpu.memory_space<vmem_shared>> -> memref<16384xf32, #tpu.memory_space<vmem_shared>>
    tpu.wait_dma2 semaphore(%arg30 : memref<!tpu.dma_semaphore, #tpu.memory_space<semaphore_mem>>) src(%dma_wait3A_1970 : memref<16384xf32, #tpu.memory_space<vmem_shared>>) dst(%dma_wait3A_1969 : memref<16384xf32, #tpu.memory_space<hbm>>)
    %dma_wait3A_1971 = tpu.memref_slice %arg6[%add3A_1944] : memref<16777216xf32, #tpu.memory_space<hbm>> -> memref<16384xf32, #tpu.memory_space<hbm>>
    %dma_wait3A_1972 = tpu.memref_slice %arg22[%add3A_1939] : memref<1048576xf32, #tpu.memory_space<vmem_shared>> -> memref<16384xf32, #tpu.memory_space<vmem_shared>>
    tpu.wait_dma2 semaphore(%arg31 : memref<!tpu.dma_semaphore, #tpu.memory_space<semaphore_mem>>) src(%dma_wait3A_1972 : memref<16384xf32, #tpu.memory_space<vmem_shared>>) dst(%dma_wait3A_1971 : memref<16384xf32, #tpu.memory_space<hbm>>)
    %dma_wait3A_1973 = tpu.memref_slice %arg6[%add3A_1955] : memref<16777216xf32, #tpu.memory_space<hbm>> -> memref<16384xf32, #tpu.memory_space<hbm>>
    %dma_wait3A_1974 = tpu.memref_slice %arg22[%add3A_1950] : memref<1048576xf32, #tpu.memory_space<vmem_shared>> -> memref<16384xf32, #tpu.memory_space<vmem_shared>>
    tpu.wait_dma2 semaphore(%arg32 : memref<!tpu.dma_semaphore, #tpu.memory_space<semaphore_mem>>) src(%dma_wait3A_1974 : memref<16384xf32, #tpu.memory_space<vmem_shared>>) dst(%dma_wait3A_1973 : memref<16384xf32, #tpu.memory_space<hbm>>)
    %dma_wait3A_1975 = tpu.memref_slice %arg6[%add3A_1966] : memref<16777216xf32, #tpu.memory_space<hbm>> -> memref<16384xf32, #tpu.memory_space<hbm>>
    %dma_wait3A_1976 = tpu.memref_slice %arg22[%add3A_1961] : memref<1048576xf32, #tpu.memory_space<vmem_shared>> -> memref<16384xf32, #tpu.memory_space<vmem_shared>>
    tpu.wait_dma2 semaphore(%arg33 : memref<!tpu.dma_semaphore, #tpu.memory_space<semaphore_mem>>) src(%dma_wait3A_1976 : memref<16384xf32, #tpu.memory_space<vmem_shared>>) dst(%dma_wait3A_1975 : memref<16384xf32, #tpu.memory_space<hbm>>)
    return
  }
}

module attributes {stable_mosaic.version = 14 : i64} {
  func.func @body(%arg0: memref<4096x256xf32, #tpu.memory_space<vmem>>, %arg1: memref<256x128xf32, #tpu.memory_space<vmem>>, %arg2: memref<1x128xf32, #tpu.memory_space<vmem>>, %arg3: memref<4096x128xf32, #tpu.memory_space<vmem>>) attributes {dimension_semantics = [], scalar_prefetch = 0 : i64, scratch_operands = 0 : i64, tpu.core_type = #tpu.core_type<tc>} {
    %get3A = arith.constant 0 : index
    %get3A_0 = arith.constant 0 : index
    %get3A_1 = vector.load %arg0[%get3A, %get3A_0] : memref<4096x256xf32, #tpu.memory_space<vmem>>, vector<4096x256xf32>
    %get3A_2 = arith.constant 0 : index
    %get3A_3 = arith.constant 0 : index
    %get3A_4 = vector.load %arg1[%get3A_2, %get3A_3] : memref<256x128xf32, #tpu.memory_space<vmem>>, vector<256x128xf32>
    %dot_general3A = arith.constant dense<0.000000e+00> : vector<4096x128xf32>
    %dot_general3A_5 = tpu.matmul %get3A_1, %get3A_4, %dot_general3A {dimension_numbers = #tpu.dot_dimension_numbers<[1], [0], [0], [1], [0, 0, 1, 1], [], []>, transpose_lhs_hint = false} : vector<4096x256xf32>, vector<256x128xf32>, vector<4096x128xf32> -> vector<4096x128xf32>
    %get3A_6 = arith.constant 0 : index
    %get3A_7 = arith.constant 0 : index
    %get3A_8 = vector.load %arg2[%get3A_6, %get3A_7] : memref<1x128xf32, #tpu.memory_space<vmem>>, vector<1x128xf32>
    %add3A = vector.broadcast %get3A_8 : vector<1x128xf32> to vector<4096x128xf32>
    %add3A_9 = arith.addf %dot_general3A_5, %add3A : vector<4096x128xf32>
    %swap3A = arith.constant 0 : index
    %swap3A_10 = arith.constant 0 : index
    %swap3A_11 = vector.load %arg3[%swap3A, %swap3A_10] : memref<4096x128xf32, #tpu.memory_space<vmem>>, vector<4096x128xf32>
    tpu.vector_store %arg3[%swap3A, %swap3A_10], %add3A_9 {strides = array<i32>} : memref<4096x128xf32, #tpu.memory_space<vmem>>, vector<4096x128xf32>,
    return
  }
}

</mosaic_0001>

<sc_bundles>
// kernel: kernel.4.cloned.1.call-start
scs
__scs_entry_jumppad:
0x0: {  	(pc) =	sbr.rel $0x88, $3  }
0x1: {  	(tag) =	ssettag $0x0;
	lr =	simm.s32 $0x1  }
0x2: {  	[smem:$0x3F9D] =	sst lr;
	_ =	strace $0xD0000000  }
0x3: {  	_ = 	snop  }
0x4: {  	_ = 	snop  }
0x5: {  	_ = 	snop  }
0x6: {  	_ = 	snop  }
0x7: {  	_ = 	snop  }
__scs_overlays_trampoline_lowered:
0x8: {  	[smem:$0x3FAC] =	sst s0  }
0x9: {  	[smem:$0x3FAD] =	sst s1  }
0xa: {  	[smem:$0x3FAE] =	sst s2  }
0xb: {  	[smem:$0x3FAF] =	sst s3  }
0xc: {  	[smem:$0x3FB0] =	sst s4  }
0xd: {  	[smem:$0x3FB1] =	sst s5  }
0xe: {  	[smem:$0x3FB2] =	sst s6  }
0xf: {  	[smem:$0x3FB3] =	sst s7  }
0x10: {  	[smem:$0x3FB4] =	sst s8  }
0x11: {  	[smem:$0x3FB5] =	sst s9;
	s0 =	simm.s32 @!p0 $0x0  }
0x12: {  	s1 =	sld [smem:$0x3F9B];
	s0 =	simm.s32 @p0 $0x1  }
0x13: {  	[smem:$0x3FB6] =	sst s0;
	s0 =	simm.s32 @!p1 $0x0  }
0x14: {  	s2 =	sld [smem:$0x3F9A];
	s0 =	simm.s32 @p1 $0x1  }
0x15: {  	[smem:$0x3FB7] =	sst s0;
	s0 =	simm.s32 @!p2 $0x0  }
0x16: {  	s3 =	sld [smem:$0x3FDB];
	s0 =	simm.s32 @p2 $0x1  }
0x17: {  	s4 =	simm.s32 $0x1BF5;
	[smem:$0x3FB9] =	sst s0  }
0x18: {  	s0 =	sld [smem:$0x3F9C];
	_ =	swait.ge [sflag:s4], $0x0  }
0x19: {  	s7 =	sld [smem:$0x3F9D]  }
0x1a: {  	s8 =	sadd.s32 $0xFFFFE003, lr  }
0x1b: {  	s9 =	sadd.s32 $0xFFFFFEF7, lr;
	s5 =	simm.s32 $0xFFFFFFFF;
	p2 =	slt.u32 s8, $0xFFFFF086  }
0x1c: {  	p1 =	slt.u32 s9, $0xF7A;
	s5 =	simm.s32 @!p2 $0x0  }
0x1d: {  	s5 =	simm.s32 @p1 $0x1;
	p0 =	seq.s32 s7, s2  }
0x1e: {  	s7 =	smul.u32 @!p0 $0xF7A, s2;
	p2 =	seq.s32 @!p0 s5, $0x0  }
0x1f: {  	s9 =	smul.u32 $0xF7A, s1;
	s8 =	simm.s32 @!p0 $0x1BF5;
	p2 =	por !p2, p0  }
0x20: {  	[sflag:s8] =	ssyncset.s32 @!p0 $0xFFFFF086;
	s6 =	sadd.s32 @!p0 s3, s7;
	s7 =	simm.s32 @!p0 $0x108  }
0x21: {  	s3 =	sadd.s32 s3, s9;
	s6 =	sadd.s32 @!p0 $0x88, s6;
	s7 =	simm.s32 @p2 $0x1082  }
0x22: {  	[simem:s7], [sflag:s8] =	dma.local @!p0 [hbm:s6], $0xF7A  }
0x23: {  	s9 =	sor.u32 $0xD0000000, s2;
	s6 =	simm.s32 $0x108;
	_ =	swait.ge @!p0 [sflag:s8], $0x0  }
0x24: {  	s3 =	sadd.s32 $0x88, s3;
	s6 =	simm.s32 @!p1 $0x1082;
	[sflag:s4] =	ssyncset.s32 $0xFFFFF086  }
0x25: {  	[simem:s6], [sflag:s4] =	dma.local [hbm:s3], $0xF7A  }
0x26: {  	[smem:$0x3F9D] =	sst s1;
	(tag) =	ssettag s2;
	_ =	strace s9  }
0x27: {  	s1 =	sld [smem:$0x3FAD]  }
0x28: {  	s2 =	sld [smem:$0x3FAE]  }
0x29: {  	s4 =	sld [smem:$0x3FB0]  }
0x2a: {  	p0 =	seq.s32 s5, $0x0;
	s5 =	sld [smem:$0x3FB1]  }
0x2b: {  	s6 =	sld [smem:$0x3FB2]  }
0x2c: {  	s7 =	sld [smem:$0x3FB3]  }
0x2d: {  	s3 =	simm.s32 $0x108;
	s8 =	sld [smem:$0x3FB4]  }
0x2e: {  	s3 =	simm.s32 @!p0 $0x1082;
	s9 =	sld [smem:$0x3FB5]  }
0x2f: {  	lr =	sadd.s32 s0, s3;
	s0 =	sld [smem:$0x3FAC]  }
0x30: {  	s3 =	sld [smem:$0x3FAF]  }
0x31: {  	[smem:$0x3FB8] =	sst s10  }
0x32: {  	s10 =	sld [smem:$0x3FB6];
	_ =	sdelay $0x3  }
0x33: {  	p0 =	seq.s32 s10, $0x1;
	s10 =	sld [smem:$0x3FB8];
	_ =	sdelay $0x3  }
0x34: {  	[smem:$0x3FB8] =	sst s10  }
0x35: {  	s10 =	sld [smem:$0x3FB7];
	_ =	sdelay $0x3  }
0x36: {  	p1 =	seq.s32 s10, $0x1;
	s10 =	sld [smem:$0x3FB8];
	_ =	sdelay $0x3  }
0x37: {  	[smem:$0x3FB8] =	sst s10  }
0x38: {  	s10 =	sld [smem:$0x3FB9]  }
0x39: {  	_ = 	snop;
	(pc) =	sbr.ind lr, $3  }
0x3a: {  	_ = 	snop  }
0x3b: {  	_ = 	snop  }
0x3c: {  	p2 =	seq.s32 s10, $0x1;
	s10 =	sld [smem:$0x3FB8]  }
0x3d: {  	_ =	shalt  }
0x3e: {  	_ =	shalt  }
0x3f: {  	_ =	shalt  }
0x40: {  	_ =	shalt  }
0x41: {  	_ =	shalt  }
0x42: {  	_ =	shalt  }
0x43: {  	_ =	shalt  }
0x44: {  	_ =	shalt  }
0x45: {  	_ =	shalt  }
0x46: {  	_ =	shalt  }
0x47: {  	_ =	shalt  }
0x48: {  	_ =	shalt  }
0x49: {  	_ =	shalt  }
0x4a: {  	_ =	shalt  }
0x4b: {  	_ =	shalt  }
0x4c: {  	_ =	shalt  }
0x4d: {  	_ =	shalt  }
0x4e: {  	_ =	shalt  }
0x4f: {  	_ =	shalt  }
0x50: {  	_ =	shalt  }
0x51: {  	_ =	shalt  }
0x52: {  	_ =	shalt  }
0x53: {  	_ =	shalt  }
0x54: {  	_ =	shalt  }
0x55: {  	_ =	shalt  }
0x56: {  	_ =	shalt  }
0x57: {  	_ =	shalt  }
0x58: {  	_ =	shalt  }
0x59: {  	_ =	shalt  }
0x5a: {  	_ =	shalt  }
0x5b: {  	_ =	shalt  }
0x5c: {  	_ =	shalt  }
0x5d: {  	_ =	shalt  }
0x5e: {  	_ =	shalt  }
0x5f: {  	_ =	shalt  }
0x60: {  	_ =	shalt  }
0x61: {  	_ =	shalt  }
0x62: {  	_ =	shalt  }
0x63: {  	_ =	shalt  }
0x64: {  	_ =	shalt  }
0x65: {  	_ =	shalt  }
0x66: {  	_ =	shalt  }
0x67: {  	_ =	shalt  }
0x68: {  	_ =	shalt  }
0x69: {  	_ =	shalt  }
0x6a: {  	_ =	shalt  }
0x6b: {  	_ =	shalt  }
0x6c: {  	_ =	shalt  }
0x6d: {  	_ =	shalt  }
0x6e: {  	_ =	shalt  }
0x6f: {  	_ =	shalt  }
0x70: {  	_ =	shalt  }
0x71: {  	_ =	shalt  }
0x72: {  	_ =	shalt  }
0x73: {  	_ =	shalt  }
0x74: {  	_ =	shalt  }
0x75: {  	_ =	shalt  }
0x76: {  	_ =	shalt  }
0x77: {  	_ =	shalt  }
0x78: {  	_ =	shalt  }
0x79: {  	_ =	shalt  }
0x7a: {  	_ =	shalt  }
0x7b: {  	_ =	shalt  }
0x7c: {  	_ =	shalt  }
0x7d: {  	_ =	shalt  }
0x7e: {  	_ =	shalt  }
0x7f: {  	_ =	shalt  }
0x80: {  	_ =	shalt  }
0x81: {  	_ =	shalt  }
0x82: {  	_ =	shalt  }
0x83: {  	_ =	shalt  }
0x84: {  	_ =	shalt  }
0x85: {  	_ =	shalt  }
0x86: {  	_ =	shalt  }
0x87: {  	_ =	shalt  }
.Lfunc_end0:
.L_simem_size_0:
called_computation_lowered:
.L_overlay_start_0:
0x88: {  	s2 =	sld [smem:$0x3FD9]  }
0x89: {  	s3 =	sld [smem:$0x3FFE];
	_ =	sdelay $0x1  }
0x8a: {  	s1 =	srdreg.scid  }
0x8b: {  	s0 =	sand.u32 $0x1, s1  }
0x8c: {  	s17 =	sshll.u32 s0, $0xA;
	s2 =	sadd.s32 s3, s2  }
0x8d: {  	s2 =	sadd.s32 s2, s17  }
0x8e: {  	[smem:$0x3FC4] =	sst s2  }
0x8f: {  	_ = 	snop  }
0x90: {  	s2 =	sld [smem:$0x3FD0];
	(tm) =	ssettm $0x1  }
0x91: {  	s18 =	sld [smem:$0x3FFB];
	_ =	sdelay $0x3  }
0x92: {  	_ =	strace s18  }
0x93: {  	s3 =	sld [smem:$0x3FFC];
	_ =	sdelay $0x3  }
0x94: {  	_ =	strace s3  }
0x95: {  	s3 =	sld [smem:$0x3FFD];
	_ =	sdelay $0x3  }
0x96: {  	_ =	strace s3  }
0x97: {  	_ =	strace $0x8FFFFFFF  }
0x98: {  	s19 =	sld [smem:$0x3FDB];
	_ =	sdelay $0x1  }
0x99: {  	s4 =	simm.s32 $_scs_section_size  }
0x9a: {  	s5 =	simm.s32 $_size__tile_overlayer_lowered;
	s6 =	simm.s32 $_tile_overlayer_lowered  }
0x9b: {  	s22 =	simm.s32 $0x1BFF;
	s21 =	sshll.u32 s6, $0x1;
	s3 =	sadd.s32 s4, s19  }
0x9c: {  	s7 =	simm.s32 $0x0;
	s20 =	sshll.u32 s5, $0x1;
	s5 =	sadd.s32 s21, s3  }
0x9d: {  	[timem:s7], [sflag:s22] =	dma.local [hbm:s5], s20  }
0x9e: {  	_ =	swait.ge [sflag:s22], s20  }
0x9f: {  	s4 =	ssub.s32 $0x0, s20;
	[sflag:s22] =	ssyncset.done $0x0  }
0xa0: {  	[sflag:s22] =	ssyncadd.s32 s4;
	_ =	sdelay $0x1  }
0xa1: {  	s23 =	simm.s32 $0x1B8B  }
0xa2: {  	_ =	swait.ge [sflag:s23], $0x1  }
0xa3: {  	[sflag:s23] =	ssyncset.done $0x0  }
0xa4: {  	s25 =	simm.s32 $0x1B8E;
	s24 =	sld [smem:$0x3FFE];
	[sflag:s23] =	ssyncadd.s32 $0xFFFFFFFF  }
0xa5: {  	s26 =	simm.s32 $execute0_lowered;
	[smem:$0x3FD2] =	sst s25  }
0xa6: {  	s5 =	sshll.u32 s26, $0x1;
	_ =	strace $0x80000046;
	[dreg:$0x1] =	wrdreg $0xFFFFFFFF  }
0xa7: {  	s28 =	simm.s32 $_size_execute0_lowered;
	s3 =	sadd.s32 s3, s5;
	[dreg:$0x0] =	wrdreg $0x0  }
0xa8: {  	s5 =	sshll.u32 s28, $0x1;
	[dreg:$0x2] =	wrdreg s3  }
0xa9: {  	[dreg:$0x3] =	wrdreg s5  }
0xaa: {  	[dreg:$0x4] =	wrdreg $0xC0  }
0xab: {  	_ =	task [dreg:s7], $0x5FFFF  }
0xac: {  	[dreg:$0x1] =	wrdreg $0xFFFFFFFF  }
0xad: {  	[dreg:$0x0] =	wrdreg $0x60  }
0xae: {  	[dreg:$0x2] =	wrdreg s24  }
0xaf: {  	[dreg:$0x3] =	wrdreg s2  }
0xb0: {  	[dreg:$0x4] =	wrdreg $0xF1000  }
0xb1: {  	[dreg:$0x5] =	wrdreg $0x9  }
0xb2: {  	_ =	task.clear_ibuf [dreg:s7], $0x6FFFF;
	_ =	strace $0x90000046  }
0xb3: {  	s29 =	simm.s32 $0x9;
	_ =	strace $0x80000048  }
0xb4: {  	_ =	swait.ge [sflag:s29], $0x1  }
0xb5: {  	[sflag:s29] =	ssyncadd.s32 $0xFFFFFFFF  }
0xb6: {  	_ =	strace $0x90000048  }
0xb7: {  	_ =	sfence  }
0xb8: {  	s30 =	sld [smem:$0x0];
	_ =	sdelay $0x2  }
0xb9: {  	s31 =	sshll.u32 s1, $0xD;
	s1 =	sshrl.u32 s1, $0x2  }
0xba: {  	s3 =	sand.u32 $0x4000, s31;
	s1 =	sadd.s32 s1, s30  }
0xbb: {  	s0 =	sor.u32 s3, s0;
	s1 =	sshll.u32 s1, $0x11  }
0xbc: {  	s0 =	sor.u32 s1, s0  }
0xbd: {  	s0 =	sadd.s32 $0x8F2B, s0  }
0xbe: {  	[sflag:s0] =	ssyncadd.remote.s32 $0x1  }
0xbf: {  	_ =	sfence.sel $0xFFFF  }
0xc0: {  	[dreg:$0x0] =	wrdreg $0xFFFFFFFF;
	(pc) =	sbr.abs _section_cstart, $3  }
0xc1: {  	[dreg:$0x1] =	wrdreg $0xFFFFFFFF  }
0xc2: {  	_ =	task.clear_ibuf [dreg:s7], $0x2FFFF;
	_ =	strace $0x9FFFFFFF  }
0xc3: {  	(tm) =	ssettm $0x7FFFFFFF  }
tec
execute0_lowered:
.L_overlay_start_1:
0x0: {  	(tag) =	ssettag $0x1  }
0x1: {  	s0 =	rddreg [dreg:$0x0]  }
0x2: {  	s1 =	srdreg.scid;
	s3 =	rddreg [dreg:$0x1]  }
0x3: {  	s30 =	simm.s32 $0x0;
	s9 =	stileid.u32;
	s1 =	sand.u32 $0x1, s1  }
0x4: {  	[smem:$0x7FF] =	sst s30;
	s4 =	sadd.s32 $0x400, s0;
	s7 =	sshll.u32 s9, $0xB  }
0x5: {  	s5 =	sadd.s32 $0x8400, s0;
	s9 =	sshll.u32 s9, $0x10;
	s14 =	sadd.s32 s4, s7  }
0x6: {  	s15 =	sadd.s32 s3, s7;
	s16 =	sor.u32 $0x100, s7;
	[dreg:$0x5] =	wrdreg s14  }
0x7: {  	s8 =	sor.u32 $0x200, s7;
	[dreg:$0x6] =	wrdreg s15;
	s10 =	sadd.s32 s4, s16  }
0x8: {  	s2 =	ssub.s32 $0x2, s1;
	s17 =	sadd.s32 s4, s8;
	[dreg:$0x7] =	wrdreg s10  }
0x9: {  	s19 =	sor.u32 $0x300, s7;
	s18 =	sadd.s32 s3, s8;
	[dreg:$0x9] =	wrdreg s17  }
0xa: {  	s20 =	sor.u32 $0x400, s7;
	s21 =	sadd.s32 s4, s19;
	[dreg:$0xa] =	wrdreg s18  }
0xb: {  	s24 =	sor.u32 $0x500, s7;
	s22 =	sadd.s32 s4, s20;
	[dreg:$0xb] =	wrdreg s21  }
0xc: {  	s25 =	sor.u32 $0x600, s7;
	s23 =	sadd.s32 s3, s20;
	[dreg:$0xd] =	wrdreg s22  }
0xd: {  	s12 =	sor.u32 $0x700, s7;
	s26 =	sadd.s32 s4, s24;
	[dreg:$0xe] =	wrdreg s23  }
0xe: {  	s1 =	sshll.u32 s1, $0x17;
	s11 =	sadd.s32 s4, s25;
	[dreg:$0xf] =	wrdreg s26  }
0xf: {  	s6 =	sshrl.u32 s2, $0x1;
	s13 =	sadd.s32 s3, s25;
	[dreg:$0x11] =	wrdreg s11  }
0x10: {  	s4 =	sadd.s32 s4, s12;
	s14 =	sor.u32 s9, s1;
	[dreg:$0x12] =	wrdreg s13  }
0x11: {  	s2 =	ssub.s32 s2, s6;
	s6 =	sadd.s32 s3, s16;
	[dreg:$0x13] =	wrdreg s4  }
0x12: {  	s4 =	sshrl.u32 s14, $0x3;
	[dreg:$0x8] =	wrdreg s6;
	s6 =	sadd.s32 s3, s19  }
0x13: {  	s11 =	sadd.s32 $0x8C00, s0;
	s15 =	sadd.s32 s5, s4;
	[dreg:$0xc] =	wrdreg s6  }
0x14: {  	s13 =	sadd.s32 $0x9C00, s0;
	s16 =	sadd.s32 s4, s11;
	[dreg:$0x15] =	wrdreg s15  }
0x15: {  	s6 =	sadd.s32 s3, s24;
	s3 =	sadd.s32 s3, s12;
	[dreg:$0x16] =	wrdreg s16  }
0x16: {  	s12 =	sadd.s32 $0x9400, s0;
	[dreg:$0x14] =	wrdreg s3;
	s3 =	sor.u32 $0x100000, s1  }
0x17: {  	[dreg:$0x10] =	wrdreg s6;
	s18 =	sadd.s32 s4, s12;
	s17 =	sor.u32 s9, s3  }
0x18: {  	s4 =	sadd.s32 s4, s13;
	[dreg:$0x17] =	wrdreg s18;
	s19 =	sshrl.u32 s17, $0x3  }
0x19: {  	[dreg:$0x18] =	wrdreg s4;
	s20 =	sadd.s32 s5, s19  }
0x1a: {  	s6 =	sor.u32 $0x200000, s1;
	s21 =	sadd.s32 s19, s11;
	[dreg:$0x19] =	wrdreg s20  }
0x1b: {  	s23 =	sor.u32 s9, s6;
	s22 =	sadd.s32 s19, s12;
	[dreg:$0x1a] =	wrdreg s21  }
0x1c: {  	s24 =	sshrl.u32 s23, $0x3;
	s7 =	sadd.s32 s19, s13;
	[dreg:$0x1b] =	wrdreg s22  }
0x1d: {  	s14 =	sadd.s32 s5, s24;
	[dreg:$0x1c] =	wrdreg s7  }
0x1e: {  	s4 =	sor.u32 $0x300000, s1;
	s15 =	sadd.s32 s24, s11;
	[dreg:$0x1d] =	wrdreg s14  }
0x1f: {  	s25 =	sor.u32 s9, s4;
	s16 =	sadd.s32 s24, s12;
	[dreg:$0x1e] =	wrdreg s15  }
0x20: {  	s26 =	sshrl.u32 s25, $0x3;
	[dreg:$0x1f] =	wrdreg s16;
	s7 =	sadd.s32 s24, s13  }
0x21: {  	s17 =	sadd.s32 s5, s26;
	[smem:$0x7D8] =	sst s7  }
0x22: {  	s8 =	sor.u32 $0x500000, s1;
	s18 =	sadd.s32 s26, s11;
	[smem:$0x7D9] =	sst s17  }
0x23: {  	s14 =	sadd.s32 s26, s12;
	s15 =	sor.u32 s9, s8;
	[smem:$0x7DA] =	sst s18  }
0x24: {  	s10 =	sadd.s32 s26, s13;
	[smem:$0x7DB] =	sst s14;
	s21 =	sshrl.u32 s15, $0x3  }
0x25: {  	[smem:$0x7DC] =	sst s10;
	s25 =	sadd.s32 s5, s21  }
0x26: {  	s7 =	sor.u32 $0x400000, s1;
	s26 =	sadd.s32 s21, s11;
	[smem:$0x7E1] =	sst s25  }
0x27: {  	s19 =	sor.u32 s9, s7;
	s16 =	sadd.s32 s21, s12;
	[smem:$0x7E2] =	sst s26  }
0x28: {  	s14 =	sadd.s32 s21, s13;
	s20 =	sshrl.u32 s19, $0x3;
	[smem:$0x7E3] =	sst s16  }
0x29: {  	[smem:$0x7E4] =	sst s14;
	s22 =	sadd.s32 s5, s20  }
0x2a: {  	s23 =	sadd.s32 s20, s11;
	s10 =	sadd.s32 s20, s13;
	[smem:$0x7DD] =	sst s22  }
0x2b: {  	s24 =	sadd.s32 s20, s12;
	[smem:$0x7E0] =	sst s10;
	s10 =	sor.u32 $0x600000, s1  }
0x2c: {  	[smem:$0x7DE] =	sst s23;
	s23 =	sor.u32 $0x700000, s1;
	s17 =	sor.u32 s9, s10  }
0x2d: {  	[smem:$0x7DF] =	sst s24;
	s20 =	sor.u32 s9, s23;
	s18 =	sshrl.u32 s17, $0x3  }
0x2e: {  	s21 =	sshrl.u32 s20, $0x3;
	s20 =	rddreg [dreg:$0x2];
	s15 =	sadd.s32 s5, s18  }
0x2f: {  	s19 =	sadd.s32 s18, s11;
	[smem:$0x7E5] =	sst s15  }
0x30: {  	s16 =	sadd.s32 s18, s12;
	[smem:$0x7E6] =	sst s19  }
0x31: {  	s14 =	sadd.s32 s18, s13;
	[smem:$0x7E7] =	sst s16  }
0x32: {  	s5 =	sadd.s32 s5, s21;
	[smem:$0x7E8] =	sst s14  }
0x33: {  	s22 =	sadd.s32 s21, s11;
	[smem:$0x7E9] =	sst s5  }
0x34: {  	s24 =	sadd.s32 s21, s12;
	[smem:$0x7EA] =	sst s22  }
0x35: {  	s25 =	sadd.s32 s21, s13;
	[smem:$0x7EB] =	sst s24  }
0x36: {  	s2 =	smax.u32 s2, $0x1;
	[smem:$0x7EC] =	sst s25  }
0x37: {  	s5 =	sadd.s32 s9, s20;
	_ =	strace $0x80000047;
	[smem:$0x7ED] =	sst s2  }
0x38: {  	s26 =	sadd.s32 $0x1000, s5;
	[smem:$0x7FC] =	sst s5  }
0x39: {  	s9 =	sadd.s32 $0x2000, s5;
	[smem:$0x7EE] =	sst s26  }
0x3a: {  	s11 =	sadd.s32 $0x3000, s5;
	[smem:$0x7EF] =	sst s9  }
0x3b: {  	s12 =	sadd.s32 $0x4000, s5;
	[smem:$0x7F0] =	sst s11  }
0x3c: {  	s13 =	sadd.s32 $0x5000, s5;
	[smem:$0x7F1] =	sst s12  }
0x3d: {  	s14 =	sadd.s32 $0x6000, s5;
	[smem:$0x7F2] =	sst s13  }
0x3e: {  	s15 =	sadd.s32 $0x7000, s5;
	[smem:$0x7F3] =	sst s14  }
0x3f: {  	s16 =	sadd.s32 $0x8000, s5;
	[smem:$0x7F4] =	sst s15  }
0x40: {  	s28 =	simm.s32 $0xC100;
	s17 =	sadd.s32 $0x9000, s5;
	[smem:$0x7F5] =	sst s16  }
0x41: {  	s29 =	simm.s32 $0xD100;
	s18 =	sadd.s32 $0xA000, s5;
	[smem:$0x7F6] =	sst s17  }
0x42: {  	s31 =	simm.s32 $0xC900;
	s19 =	sadd.s32 $0xB000, s5;
	[smem:$0x7F7] =	sst s18  }
0x43: {  	v0 =	vmov s1;
	s1 =	simm.s32 $0xD900;
	s21 =	sadd.s32 $0xC000, s5;
	[smem:$0x7F8] =	sst s19  }
0x44: {  	s25 =	sadd.s32 $0x200, s0;
	s22 =	sadd.s32 $0xD000, s5;
	[smem:$0x7F9] =	sst s21  }
0x45: {  	s24 =	sadd.s32 $0xE000, s5;
	s2 =	simm.s32 $0xE100;
	[smem:$0x7FA] =	sst s22  }
0x46: {  	[smem:$0x7FB] =	sst s24;
	s26 =	sadd.s32 $0xF000, s5;
	s12 =	simm.s32 $0x1000  }
0x47: {  	s9 =	simm.s32 $0x1;
	s11 =	simm.s32 $0x2;
	s15 =	simm.s32 $0x800  }
0x48: {  	v8 =	vimm.f32 $0.0e+00;
	v5 =	vmov s8;
	s16 =	simm.s32 $0x1800;
	s17 =	simm.s32 $0x2000;
	s18 =	simm.s32 $0x3000  }
0x49: {  	v1 =	vmov s3;
	v2 =	vmov s6;
	v3 =	vmov s4;
	s19 =	simm.s32 $0x2800;
	s21 =	simm.s32 $0x3800;
	s22 =	simm.s32 $0x3  }
0x4a: {  	v4 =	vmov s7;
	v6 =	vmov s10;
	v7 =	vmov s23;
	s24 =	simm.s32 $0x4;
	[smem:$0x7FD] =	sst s26;
	s26 =	simm.s32 $0x7  }
.LBB2_1:
0x4b: {  	s3 =	simm.s32 $0x40;
	s4 =	simm.s32 $0x0  }
.LBB2_2:
0x4c: {  	p0 =	sne.s32 s3, $0x3FC0;
	[tilespmem:s4+$0xE100] =	vst v8;
	s4 =	smov.u32 s3;
	s3 =	sadd.s32 $0x40, s3  }
.Ltmp0:
0x4d: {  	(pc) =	sbr.rel @p0 .LBB2_2-.Ltmp0, $2  }
0x4e: {  	_ =	sdelay $0x2  }
0x4f: {  	s4 =	sshra.s32 s4, $0x2  }
0x50: {  	[tilespmem:s4+$0xE100] =	vst v8;
	s3 =	simm.s32 $0x0;
	s10 =	rddreg [dreg:$0x5]  }
0x51: {  	[tilespmem:s3], [sflag:$0x1] =	stream.linear.gather [hbm4b:s10+s3], $0x800, $0x38;
	[tilespmem:$0x1F100] =	vst v63  }
0x52: {  	s13 =	rddreg [dreg:$0x6]  }
0x53: {  	[tilespmem:s12], [sflag:$0x2] =	stream.linear.gather [hbm4b:s13+s3], $0x800, $0x38;
	[tilespmem:$0x1F100] =	vst v63  }
0x54: {  	_ =	swait.ge [sflag:s9], $0x800  }
0x55: {  	[sflag:s9] =	ssyncset.done $0x0  }
0x56: {  	[sflag:s9] =	ssyncadd.s32 $0xFFFFF800  }
0x57: {  	_ =	swait.ge [sflag:s11], $0x800  }
0x58: {  	[sflag:s11] =	ssyncset.done $0x0  }
0x59: {  	s14 =	rddreg [dreg:$0x7];
	[sflag:s11] =	ssyncadd.s32 $0xFFFFF800  }
0x5a: {  	[tilespmem:s15], [sflag:$0x1] =	stream.linear.gather [hbm4b:s14+s3], $0x800, $0x38;
	[tilespmem:$0x1F100] =	vst v63  }
0x5b: {  	s23 =	rddreg [dreg:$0x8]  }
0x5c: {  	[tilespmem:s16], [sflag:$0x2] =	stream.linear.gather [hbm4b:s23+s3], $0x800, $0x38;
	[tilespmem:$0x1F100] =	vst v63  }
0x5d: {  	s3 =	simm.s32 $0x0  }
0x5e: {  	v9 =	vld [tilespmem:s3+$0x0]  }
0x5f: {  	s4 =	simm.s32 $0x40;
	v10 =	vld [tilespmem:s3+$0x1000]  }
.LBB2_4:
0x60: {  	p0 =	sne.s32 s4, $0x1FC0  }
.Ltmp1:
0x61: {  	_ = 	snop;
	(pc) =	sbr.rel @p0 .LBB2_4-.Ltmp1, $4  }
0x62: {  	_ = 	snop  }
0x63: {  	s5 =	sshra.s32 s4, $0x2;
	s4 =	sadd.s32 $0x40, s4;
	v11 =	vshll.u32 v9, $0xC  }
0x64: {  	v9 =	vld [tilespmem:s5+$0x0];
	v11 =	vadd.s32 v10, v11  }
0x65: {  	v10 =	vld [tilespmem:s5+$0x1000];
	[tilespmem:s3+$0x4000] =	vst v11;
	s3 =	smov.u32 s5  }
0x66: {  	_ =	sdelay $0x2  }
0x67: {  	v9 =	vshll.u32 v9, $0xC  }
0x68: {  	v9 =	vadd.s32 v10, v9  }
0x69: {  	[tilespmem:s3+$0x4000] =	vst v9  }
0x6a: {  	_ =	swait.ge [sflag:s9], $0x800  }
0x6b: {  	[sflag:s9] =	ssyncset.done $0x0  }
0x6c: {  	[sflag:s9] =	ssyncadd.s32 $0xFFFFF800  }
0x6d: {  	_ =	swait.ge [sflag:s11], $0x800  }
0x6e: {  	[sflag:s11] =	ssyncset.done $0x0  }
0x6f: {  	s3 =	simm.s32 $0x0;
	s4 =	rddreg [dreg:$0x9];
	[sflag:s11] =	ssyncadd.s32 $0xFFFFF800  }
0x70: {  	[tilespmem:s3], [sflag:$0x1] =	stream.linear.gather [hbm4b:s4+s3], $0x800, $0x38;
	[tilespmem:$0x1F100] =	vst v63  }
0x71: {  	s5 =	simm.s32 $0x800;
	s23 =	rddreg [dreg:$0xa]  }
0x72: {  	[tilespmem:s12], [sflag:$0x2] =	stream.linear.gather [hbm4b:s23+s3], $0x800, $0x38;
	[tilespmem:$0x1F100] =	vst v63  }
0x73: {  	s6 =	simm.s32 $0x10;
	s4 =	simm.s32 $0x1800;
	v9 =	vld [tilespmem:s5+$0x0]  }
.LBB2_6:
0x74: {  	p0 =	sne.s32 s6, $0x7F0;
	v10 =	vld [tilespmem:s4+$0x0];
	_ =	sdelay $0x2  }
.Ltmp2:
0x75: {  	(pc) =	sbr.rel @p0 .LBB2_6-.Ltmp2, $4  }
0x76: {  	v9 =	vshll.u32 v9, $0xC  }
0x77: {  	s7 =	sand.u32 $0x7F0, s3;
	s3 =	smov.u32 s6;
	v9 =	vadd.s32 v10, v9  }
0x78: {  	s5 =	sadd.s32 $0x10, s5;
	[tilespmem:s7+$0x4800] =	vst v9  }
0x79: {  	s6 =	sadd.s32 $0x10, s6;
	s4 =	sadd.s32 $0x10, s4;
	v9 =	vld [tilespmem:s5+$0x0]  }
0x7a: {  	v10 =	vld [tilespmem:s4+$0x0];
	_ =	sdelay $0x3  }
0x7b: {  	v9 =	vshll.u32 v9, $0xC  }
0x7c: {  	s3 =	sand.u32 $0x7F0, s3;
	v9 =	vadd.s32 v10, v9  }
0x7d: {  	[tilespmem:s3+$0x4800] =	vst v9  }
0x7e: {  	_ =	swait.ge [sflag:s9], $0x800  }
0x7f: {  	[sflag:s9] =	ssyncset.done $0x0  }
0x80: {  	[sflag:s9] =	ssyncadd.s32 $0xFFFFF800  }
0x81: {  	_ =	swait.ge [sflag:s11], $0x800  }
0x82: {  	[sflag:s11] =	ssyncset.done $0x0  }
0x83: {  	s3 =	simm.s32 $0x0;
	s14 =	rddreg [dreg:$0xb];
	[sflag:s11] =	ssyncadd.s32 $0xFFFFF800  }
0x84: {  	[tilespmem:s15], [sflag:$0x1] =	stream.linear.gather [hbm4b:s14+s3], $0x800, $0x38;
	[tilespmem:$0x1F100] =	vst v63  }
0x85: {  	s23 =	rddreg [dreg:$0xc]  }
0x86: {  	[tilespmem:s16], [sflag:$0x2] =	stream.linear.gather [hbm4b:s23+s3], $0x800, $0x38;
	[tilespmem:$0x1F100] =	vst v63  }
0x87: {  	s4 =	simm.s32 $0x1000;
	s5 =	simm.s32 $0x10;
	s6 =	simm.s32 $0x0;
	v9 =	vld [tilespmem:s3+$0x0]  }
.LBB2_8:
0x88: {  	p0 =	sne.s32 s5, $0x7F0;
	v10 =	vld [tilespmem:s4+$0x0];
	_ =	sdelay $0x2  }
.Ltmp3:
0x89: {  	(pc) =	sbr.rel @p0 .LBB2_8-.Ltmp3, $4  }
0x8a: {  	v9 =	vshll.u32 v9, $0xC  }
0x8b: {  	s7 =	sand.u32 $0x7F0, s3;
	s3 =	smov.u32 s5;
	v9 =	vadd.s32 v10, v9  }
0x8c: {  	s6 =	sadd.s32 $0x10, s6;
	[tilespmem:s7+$0x5000] =	vst v9  }
0x8d: {  	s5 =	sadd.s32 $0x10, s5;
	s4 =	sadd.s32 $0x10, s4;
	v9 =	vld [tilespmem:s6+$0x0]  }
0x8e: {  	v10 =	vld [tilespmem:s4+$0x0];
	_ =	sdelay $0x3  }
0x8f: {  	v9 =	vshll.u32 v9, $0xC  }
0x90: {  	s3 =	sand.u32 $0x7F0, s3;
	v9 =	vadd.s32 v10, v9  }
0x91: {  	[tilespmem:s3+$0x5000] =	vst v9  }
0x92: {  	_ =	swait.ge [sflag:s9], $0x800  }
0x93: {  	[sflag:s9] =	ssyncset.done $0x0  }
0x94: {  	[sflag:s9] =	ssyncadd.s32 $0xFFFFF800  }
0x95: {  	_ =	swait.ge [sflag:s11], $0x800  }
0x96: {  	[sflag:s11] =	ssyncset.done $0x0  }
0x97: {  	s3 =	simm.s32 $0x0;
	s14 =	rddreg [dreg:$0xd];
	[sflag:s11] =	ssyncadd.s32 $0xFFFFF800  }
0x98: {  	[tilespmem:s3], [sflag:$0x1] =	stream.linear.gather [hbm4b:s14+s3], $0x800, $0x38;
	[tilespmem:$0x1F100] =	vst v63  }
0x99: {  	s5 =	simm.s32 $0x800;
	s23 =	rddreg [dreg:$0xe]  }
0x9a: {  	[tilespmem:s12], [sflag:$0x2] =	stream.linear.gather [hbm4b:s23+s3], $0x800, $0x38;
	[tilespmem:$0x1F100] =	vst v63  }
0x9b: {  	s4 =	simm.s32 $0x1800;
	s6 =	simm.s32 $0x10;
	v9 =	vld [tilespmem:s5+$0x0]  }
.LBB2_10:
0x9c: {  	p0 =	sne.s32 s6, $0x7F0;
	v10 =	vld [tilespmem:s4+$0x0];
	_ =	sdelay $0x2  }
.Ltmp4:
0x9d: {  	(pc) =	sbr.rel @p0 .LBB2_10-.Ltmp4, $4  }
0x9e: {  	v9 =	vshll.u32 v9, $0xC  }
0x9f: {  	s7 =	sand.u32 $0x7F0, s3;
	s3 =	smov.u32 s6;
	v9 =	vadd.s32 v10, v9  }
0xa0: {  	s5 =	sadd.s32 $0x10, s5;
	[tilespmem:s7+$0x5800] =	vst v9  }
0xa1: {  	s6 =	sadd.s32 $0x10, s6;
	s4 =	sadd.s32 $0x10, s4;
	v9 =	vld [tilespmem:s5+$0x0]  }
0xa2: {  	v10 =	vld [tilespmem:s4+$0x0];
	_ =	sdelay $0x3  }
0xa3: {  	v9 =	vshll.u32 v9, $0xC  }
0xa4: {  	s3 =	sand.u32 $0x7F0, s3;
	v9 =	vadd.s32 v10, v9  }
0xa5: {  	[tilespmem:s3+$0x5800] =	vst v9  }
0xa6: {  	_ =	swait.ge [sflag:s9], $0x800  }
0xa7: {  	[sflag:s9] =	ssyncset.done $0x0  }
0xa8: {  	[sflag:s9] =	ssyncadd.s32 $0xFFFFF800  }
0xa9: {  	_ =	swait.ge [sflag:s11], $0x800  }
0xaa: {  	[sflag:s11] =	ssyncset.done $0x0  }
0xab: {  	s3 =	simm.s32 $0x0;
	s14 =	rddreg [dreg:$0xf];
	[sflag:s11] =	ssyncadd.s32 $0xFFFFF800  }
0xac: {  	[tilespmem:s15], [sflag:$0x1] =	stream.linear.gather [hbm4b:s14+s3], $0x800, $0x38;
	[tilespmem:$0x1F100] =	vst v63  }
0xad: {  	s23 =	rddreg [dreg:$0x10]  }
0xae: {  	[tilespmem:s16], [sflag:$0x2] =	stream.linear.gather [hbm4b:s23+s3], $0x800, $0x38;
	[tilespmem:$0x1F100] =	vst v63  }
0xaf: {  	s4 =	simm.s32 $0x1000;
	s5 =	simm.s32 $0x10;
	s6 =	simm.s32 $0x0;
	v9 =	vld [tilespmem:s3+$0x0]  }
.LBB2_12:
0xb0: {  	p0 =	sne.s32 s5, $0x7F0;
	v10 =	vld [tilespmem:s4+$0x0];
	_ =	sdelay $0x2  }
.Ltmp5:
0xb1: {  	(pc) =	sbr.rel @p0 .LBB2_12-.Ltmp5, $4  }
0xb2: {  	v9 =	vshll.u32 v9, $0xC  }
0xb3: {  	s7 =	sand.u32 $0x7F0, s3;
	s3 =	smov.u32 s5;
	v9 =	vadd.s32 v10, v9  }
0xb4: {  	s6 =	sadd.s32 $0x10, s6;
	[tilespmem:s7+$0x6000] =	vst v9  }
0xb5: {  	s5 =	sadd.s32 $0x10, s5;
	s4 =	sadd.s32 $0x10, s4;
	v9 =	vld [tilespmem:s6+$0x0]  }
0xb6: {  	v10 =	vld [tilespmem:s4+$0x0];
	_ =	sdelay $0x3  }
0xb7: {  	v9 =	vshll.u32 v9, $0xC  }
0xb8: {  	s3 =	sand.u32 $0x7F0, s3;
	v9 =	vadd.s32 v10, v9  }
0xb9: {  	[tilespmem:s3+$0x6000] =	vst v9  }
0xba: {  	_ =	swait.ge [sflag:s9], $0x800  }
0xbb: {  	[sflag:s9] =	ssyncset.done $0x0  }
0xbc: {  	[sflag:s9] =	ssyncadd.s32 $0xFFFFF800  }
0xbd: {  	_ =	swait.ge [sflag:s11], $0x800  }
0xbe: {  	[sflag:s11] =	ssyncset.done $0x0  }
0xbf: {  	s3 =	simm.s32 $0x0;
	s14 =	rddreg [dreg:$0x11];
	[sflag:s11] =	ssyncadd.s32 $0xFFFFF800  }
0xc0: {  	[tilespmem:s3], [sflag:$0x1] =	stream.linear.gather [hbm4b:s14+s3], $0x800, $0x38;
	[tilespmem:$0x1F100] =	vst v63  }
0xc1: {  	s5 =	simm.s32 $0x800;
	s23 =	rddreg [dreg:$0x12]  }
0xc2: {  	[tilespmem:s12], [sflag:$0x2] =	stream.linear.gather [hbm4b:s23+s3], $0x800, $0x38;
	[tilespmem:$0x1F100] =	vst v63  }
0xc3: {  	s4 =	simm.s32 $0x1800;
	s6 =	simm.s32 $0x10;
	v9 =	vld [tilespmem:s5+$0x0]  }
.LBB2_14:
0xc4: {  	p0 =	sne.s32 s6, $0x7F0;
	v10 =	vld [tilespmem:s4+$0x0];
	_ =	sdelay $0x2  }
.Ltmp6:
0xc5: {  	(pc) =	sbr.rel @p0 .LBB2_14-.Ltmp6, $4  }
0xc6: {  	v9 =	vshll.u32 v9, $0xC  }
0xc7: {  	s7 =	sand.u32 $0x7F0, s3;
	s3 =	smov.u32 s6;
	v9 =	vadd.s32 v10, v9  }
0xc8: {  	s5 =	sadd.s32 $0x10, s5;
	[tilespmem:s7+$0x6800] =	vst v9  }
0xc9: {  	s6 =	sadd.s32 $0x10, s6;
	s4 =	sadd.s32 $0x10, s4;
	v9 =	vld [tilespmem:s5+$0x0]  }
0xca: {  	v10 =	vld [tilespmem:s4+$0x0];
	_ =	sdelay $0x3  }
0xcb: {  	v9 =	vshll.u32 v9, $0xC  }
0xcc: {  	s3 =	sand.u32 $0x7F0, s3;
	v9 =	vadd.s32 v10, v9  }
0xcd: {  	[tilespmem:s3+$0x6800] =	vst v9  }
0xce: {  	_ =	swait.ge [sflag:s9], $0x800  }
0xcf: {  	[sflag:s9] =	ssyncset.done $0x0  }
0xd0: {  	[sflag:s9] =	ssyncadd.s32 $0xFFFFF800  }
0xd1: {  	_ =	swait.ge [sflag:s11], $0x800  }
0xd2: {  	[sflag:s11] =	ssyncset.done $0x0  }
0xd3: {  	s3 =	simm.s32 $0x0;
	s14 =	rddreg [dreg:$0x13];
	[sflag:s11] =	ssyncadd.s32 $0xFFFFF800  }
0xd4: {  	[tilespmem:s15], [sflag:$0x1] =	stream.linear.gather [hbm4b:s14+s3], $0x800, $0x38;
	[tilespmem:$0x1F100] =	vst v63  }
0xd5: {  	s23 =	rddreg [dreg:$0x14]  }
0xd6: {  	[tilespmem:s16], [sflag:$0x2] =	stream.linear.gather [hbm4b:s23+s3], $0x800, $0x38;
	[tilespmem:$0x1F100] =	vst v63  }
0xd7: {  	s4 =	simm.s32 $0x1000;
	s5 =	simm.s32 $0x10;
	s6 =	simm.s32 $0x0;
	v9 =	vld [tilespmem:s3+$0x0]  }
.LBB2_16:
0xd8: {  	p0 =	sne.s32 s5, $0x7F0;
	v10 =	vld [tilespmem:s4+$0x0];
	_ =	sdelay $0x2  }
.Ltmp7:
0xd9: {  	(pc) =	sbr.rel @p0 .LBB2_16-.Ltmp7, $4  }
0xda: {  	v9 =	vshll.u32 v9, $0xC  }
0xdb: {  	s7 =	sand.u32 $0x7F0, s3;
	s3 =	smov.u32 s5;
	v9 =	vadd.s32 v10, v9  }
0xdc: {  	s6 =	sadd.s32 $0x10, s6;
	[tilespmem:s7+$0x7000] =	vst v9  }
0xdd: {  	s5 =	sadd.s32 $0x10, s5;
	s4 =	sadd.s32 $0x10, s4;
	v9 =	vld [tilespmem:s6+$0x0]  }
0xde: {  	v10 =	vld [tilespmem:s4+$0x0];
	_ =	sdelay $0x3  }
0xdf: {  	v9 =	vshll.u32 v9, $0xC  }
0xe0: {  	s3 =	sand.u32 $0x7F0, s3;
	v9 =	vadd.s32 v10, v9  }
0xe1: {  	[tilespmem:s3+$0x7000] =	vst v9  }
0xe2: {  	_ =	swait.ge [sflag:s9], $0x800  }
0xe3: {  	[sflag:s9] =	ssyncset.done $0x0  }
0xe4: {  	[sflag:s9] =	ssyncadd.s32 $0xFFFFF800  }
0xe5: {  	_ =	swait.ge [sflag:s11], $0x800  }
0xe6: {  	[sflag:s11] =	ssyncset.done $0x0  }
0xe7: {  	s5 =	simm.s32 $0x800;
	s4 =	simm.s32 $0x1800;
	[sflag:s11] =	ssyncadd.s32 $0xFFFFF800  }
0xe8: {  	s7 =	simm.s32 $0x10;
	s6 =	simm.s32 $0x0;
	s3 =	simm.s32 $0x0;
	v9 =	vld [tilespmem:s5+$0x0]  }
.LBB2_18:
0xe9: {  	p0 =	sne.s32 s7, $0x7F0;
	v10 =	vld [tilespmem:s4+$0x0];
	_ =	sdelay $0x2  }
.Ltmp8:
0xea: {  	(pc) =	sbr.rel @p0 .LBB2_18-.Ltmp8, $4  }
0xeb: {  	v9 =	vshll.u32 v9, $0xC  }
0xec: {  	s8 =	sand.u32 $0x7F0, s6;
	s6 =	smov.u32 s7;
	v9 =	vadd.s32 v10, v9  }
0xed: {  	s5 =	sadd.s32 $0x10, s5;
	[tilespmem:s8+$0x7800] =	vst v9  }
0xee: {  	s7 =	sadd.s32 $0x10, s7;
	s4 =	sadd.s32 $0x10, s4;
	v9 =	vld [tilespmem:s5+$0x0]  }
0xef: {  	v10 =	vld [tilespmem:s4+$0x0];
	_ =	sdelay $0x3  }
0xf0: {  	v9 =	vshll.u32 v9, $0xC  }
0xf1: {  	s23 =	sand.u32 $0x7F0, s6;
	v9 =	vadd.s32 v10, v9  }
0xf2: {  	[tilespmem:s23+$0x7800] =	vst v9  }
.LBB2_20:
0xf3: {  	s4 =	sshll.u32 s3, $0xC;
	s5 =	simm.s32 $0x0  }
0xf4: {  	s7 =	sadd.s32 $0x4000, s4;
	s6 =	sand.u32 $0x780, s5  }
0xf5: {  	s8 =	sand.u32 $0x70, s5;
	s6 =	sadd.s32 s6, s7  }
0xf6: {  	s6 =	sadd.s32 s8, s6  }
0xf7: {  	v9 =	vld [tilespmem:s6+$0x0];
	_ =	sdelay $0x4  }
0xf8: {  	s23 =	simm.s32 $0x10;
	v10 =	vshrl.u32 v9, $0xC  }
0xf9: {  	s10 =	sand.u32 $0x780, s23;
	s9 =	sand.u32 $0x70, s23;
	v10 =	vand.u32 $0xFFF, v10  }
0xfa: {  	s10 =	sadd.s32 s10, s7;
	s8 =	simm.s32 $0x20;
	s6 =	simm.s32 $0x1000;
	v9 =	vand.u32 $0xFFF, v9;
	[tilespmem:s5+$0x0] =	vst v10  }
.LBB2_21:
0xfb: {  	p0 =	sne.s32 s8, $0x7F0;
	s9 =	sadd.s32 s9, s10;
	[tilespmem:s6+$0x0] =	vst v9  }
0xfc: {  	v9 =	vld [tilespmem:s9+$0x0];
	_ =	sdelay $0x2  }
.Ltmp9:
0xfd: {  	(pc) =	sbr.rel @p0 .LBB2_21-.Ltmp9, $4  }
0xfe: {  	_ = 	snop  }
0xff: {  	v10 =	vshrl.u32 v9, $0xC;
	v9 =	vand.u32 $0xFFF, v9  }
0x100: {  	s10 =	sand.u32 $0x780, s8;
	s5 =	sadd.s32 $0x10, s5;
	s6 =	sadd.s32 $0x10, s6;
	v10 =	vand.u32 $0xFFF, v10  }
0x101: {  	s9 =	sand.u32 $0x70, s8;
	s10 =	sadd.s32 s10, s7;
	s8 =	sadd.s32 $0x10, s8;
	[tilespmem:s5+$0x0] =	vst v10  }
0x102: {  	s7 =	sadd.s32 s9, s10;
	[tilespmem:s6+$0x0] =	vst v9  }
0x103: {  	v9 =	vld [tilespmem:s7+$0x0];
	_ =	sdelay $0x4  }
0x104: {  	v10 =	vshrl.u32 v9, $0xC  }
0x105: {  	s5 =	sadd.s32 $0x10, s5;
	s14 =	simm.s32 $0x0;
	v10 =	vand.u32 $0xFFF, v10  }
0x106: {  	s13 =	sadd.s32 $0x10, s6;
	s6 =	sadd.s32 $0x4800, s4;
	s8 =	sand.u32 $0x780, s14;
	v9 =	vand.u32 $0xFFF, v9;
	[tilespmem:s5+$0x0] =	vst v10  }
0x107: {  	s7 =	sand.u32 $0x70, s14;
	s8 =	sadd.s32 s8, s6;
	s5 =	simm.s32 $0x800;
	[tilespmem:s13+$0x0] =	vst v9  }
0x108: {  	[tilespmem:s17], [sflag:$0x3] =	stream.indirect.gather [hbm4b:s25+s5], $0x1, s14, s5, $0xb8;
	[tilespmem:$0x1F100] =	vst v63  }
0x109: {  	s7 =	sadd.s32 s7, s8  }
0x10a: {  	[tilespmem:s18], [sflag:$0x4] =	stream.indirect.gather [hbm4b:s0+s5], $0x1, s12, s5, $0xb8;
	[tilespmem:$0x1F100] =	vst v63  }
0x10b: {  	v9 =	vld [tilespmem:s7+$0x0];
	_ =	sdelay $0x4  }
0x10c: {  	s23 =	simm.s32 $0x10;
	v10 =	vshrl.u32 v9, $0xC  }
0x10d: {  	s9 =	simm.s32 $0x20;
	s11 =	sand.u32 $0x780, s23;
	s10 =	sand.u32 $0x70, s23;
	v10 =	vand.u32 $0xFFF, v10  }
0x10e: {  	s11 =	sadd.s32 s11, s6;
	s8 =	sor.u32 $0x800, s4;
	s7 =	simm.s32 $0x1800;
	v9 =	vand.u32 $0xFFF, v9;
	[tilespmem:s5+$0x0] =	vst v10  }
.LBB2_23:
0x10f: {  	p0 =	sne.s32 s9, $0x7F0;
	s10 =	sadd.s32 s10, s11;
	[tilespmem:s7+$0x0] =	vst v9  }
0x110: {  	v9 =	vld [tilespmem:s10+$0x0];
	_ =	sdelay $0x2  }
.Ltmp10:
0x111: {  	(pc) =	sbr.rel @p0 .LBB2_23-.Ltmp10, $4  }
0x112: {  	_ = 	snop  }
0x113: {  	v10 =	vshrl.u32 v9, $0xC;
	v9 =	vand.u32 $0xFFF, v9  }
0x114: {  	s11 =	sand.u32 $0x780, s9;
	s5 =	sadd.s32 $0x10, s5;
	s7 =	sadd.s32 $0x10, s7;
	v10 =	vand.u32 $0xFFF, v10  }
0x115: {  	s10 =	sand.u32 $0x70, s9;
	s11 =	sadd.s32 s11, s6;
	s9 =	sadd.s32 $0x10, s9;
	[tilespmem:s5+$0x0] =	vst v10  }
0x116: {  	s6 =	sadd.s32 s10, s11;
	[tilespmem:s7+$0x0] =	vst v9  }
0x117: {  	v9 =	vld [tilespmem:s6+$0x0];
	_ =	sdelay $0x4  }
0x118: {  	v10 =	vshrl.u32 v9, $0xC  }
0x119: {  	s5 =	sadd.s32 $0x10, s5;
	v10 =	vand.u32 $0xFFF, v10  }
0x11a: {  	s23 =	sadd.s32 $0x10, s7;
	v9 =	vand.u32 $0xFFF, v9;
	[tilespmem:s5+$0x0] =	vst v10  }
0x11b: {  	[tilespmem:s23+$0x0] =	vst v9  }
0x11c: {  	[tilespmem:s19], [sflag:$0x3] =	stream.indirect.gather [hbm4b:s25+s15], $0x1, s15, s15, $0xb8;
	[tilespmem:$0x1F100] =	vst v63  }
0x11d: {  	_ = 	snop  }
0x11e: {  	[tilespmem:s21], [sflag:$0x4] =	stream.indirect.gather [hbm4b:s0+s15], $0x1, s16, s15, $0xb8;
	[tilespmem:$0x1F100] =	vst v63  }
0x11f: {  	_ =	swait.ge [sflag:s22], $0x800  }
0x120: {  	[sflag:s22] =	ssyncset.done $0x0  }
0x121: {  	[sflag:s22] =	ssyncadd.s32 $0xFFFFF800  }
0x122: {  	_ =	swait.ge [sflag:s24], $0x800  }
0x123: {  	[sflag:s24] =	ssyncset.done $0x0  }
0x124: {  	s5 =	simm.s32 $0x3000;
	[sflag:s24] =	ssyncadd.s32 $0xFFFFF800  }
0x125: {  	s6 =	simm.s32 $0x2000;
	v9 =	vld [tilespmem:s5+$0x0]  }
0x126: {  	s4 =	sadd.s32 $0x8080, s4;
	s7 =	simm.s32 $0x0;
	s9 =	simm.s32 $0x10;
	v10 =	vld [tilespmem:s6+$0x0]  }
.LBB2_25:
0x127: {  	p0 =	sne.s32 s9, $0x7F0;
	_ =	sdelay $0x2  }
0x128: {  	s10 =	sand.u32 $0x780, s7  }
.Ltmp11:
0x129: {  	s7 =	sand.u32 $0x70, s7;
	s10 =	sadd.s32 s10, s4;
	v9 =	vadd.f32 v9, v10;
	(pc) =	sbr.rel @p0 .LBB2_25-.Ltmp11, $4  }
0x12a: {  	s10 =	sadd.s32 s7, s10;
	s7 =	smov.u32 s9  }
0x12b: {  	s5 =	sadd.s32 $0x10, s5;
	[tilespmem:s10+$0x0] =	vst v9  }
0x12c: {  	s6 =	sadd.s32 $0x10, s6;
	v9 =	vld [tilespmem:s5+$0x0]  }
0x12d: {  	s9 =	sadd.s32 $0x10, s9;
	v10 =	vld [tilespmem:s6+$0x0]  }
0x12e: {  	_ =	sdelay $0x2  }
0x12f: {  	s5 =	sand.u32 $0x780, s7  }
0x130: {  	s6 =	sand.u32 $0x70, s7;
	s4 =	sadd.s32 s5, s4;
	v9 =	vadd.f32 v9, v10  }
0x131: {  	s4 =	sadd.s32 s6, s4  }
0x132: {  	[tilespmem:s4+$0x0] =	vst v9  }
0x133: {  	_ =	swait.ge [sflag:s22], $0x800  }
0x134: {  	[sflag:s22] =	ssyncset.done $0x0  }
0x135: {  	[sflag:s22] =	ssyncadd.s32 $0xFFFFF800  }
0x136: {  	_ =	swait.ge [sflag:s24], $0x800  }
0x137: {  	[sflag:s24] =	ssyncset.done $0x0  }
0x138: {  	s5 =	simm.s32 $0x3800;
	[sflag:s24] =	ssyncadd.s32 $0xFFFFF800  }
0x139: {  	s6 =	simm.s32 $0x2800;
	v9 =	vld [tilespmem:s5+$0x0]  }
0x13a: {  	s7 =	simm.s32 $0x0;
	s4 =	sadd.s32 $0x8080, s8;
	s8 =	simm.s32 $0x10;
	v10 =	vld [tilespmem:s6+$0x0]  }
.LBB2_27:
0x13b: {  	p0 =	sne.s32 s8, $0x7F0;
	_ =	sdelay $0x2  }
0x13c: {  	s9 =	sand.u32 $0x780, s7  }
.Ltmp12:
0x13d: {  	s7 =	sand.u32 $0x70, s7;
	s9 =	sadd.s32 s9, s4;
	v9 =	vadd.f32 v9, v10;
	(pc) =	sbr.rel @p0 .LBB2_27-.Ltmp12, $4  }
0x13e: {  	s9 =	sadd.s32 s7, s9;
	s7 =	smov.u32 s8  }
0x13f: {  	s5 =	sadd.s32 $0x10, s5;
	[tilespmem:s9+$0x0] =	vst v9  }
0x140: {  	s6 =	sadd.s32 $0x10, s6;
	v9 =	vld [tilespmem:s5+$0x0]  }
0x141: {  	s8 =	sadd.s32 $0x10, s8;
	v10 =	vld [tilespmem:s6+$0x0]  }
0x142: {  	s3 =	sadd.s32 $0x1, s3  }
0x143: {  	p0 =	sne.s32 s3, $0x4  }
.Ltmp13:
0x144: {  	_ = 	snop;
	(pc) =	sbr.rel @p0 .LBB2_20-.Ltmp13, $4  }
0x145: {  	s5 =	sand.u32 $0x780, s7  }
0x146: {  	s6 =	sand.u32 $0x70, s7;
	s4 =	sadd.s32 s5, s4;
	v9 =	vadd.f32 v9, v10  }
0x147: {  	s4 =	sadd.s32 s6, s4  }
0x148: {  	[tilespmem:s4+$0x0] =	vst v9  }
0x149: {  	s3 =	sld [smem:$0x7FC];
	_ =	sdelay $0x1  }
0x14a: {  	s11 =	sld [smem:$0x7EE]  }
0x14b: {  	[spmem:s3] =	stream.linear.scatter [tilespmem:s2], [sflag:$0x7], $0x1000, $0x38;
	[tilespmem:$0x1F100] =	vst v63  }
0x14c: {  	s13 =	sld [smem:$0x7EF]  }
0x14d: {  	[spmem:s11] =	stream.linear.scatter [tilespmem:s2], [sflag:$0x7], $0x1000, $0x38;
	[tilespmem:$0x1F100] =	vst v63  }
0x14e: {  	s14 =	sld [smem:$0x7F0]  }
0x14f: {  	[spmem:s13] =	stream.linear.scatter [tilespmem:s2], [sflag:$0x7], $0x1000, $0x38;
	[tilespmem:$0x1F100] =	vst v63  }
0x150: {  	s23 =	sld [smem:$0x7F1]  }
0x151: {  	[spmem:s14] =	stream.linear.scatter [tilespmem:s2], [sflag:$0x7], $0x1000, $0x38;
	[tilespmem:$0x1F100] =	vst v63  }
0x152: {  	s4 =	sld [smem:$0x7F2]  }
0x153: {  	[spmem:s23] =	stream.linear.scatter [tilespmem:s2], [sflag:$0x7], $0x1000, $0x38;
	[tilespmem:$0x1F100] =	vst v63  }
0x154: {  	s5 =	sld [smem:$0x7F3]  }
0x155: {  	[spmem:s4] =	stream.linear.scatter [tilespmem:s2], [sflag:$0x7], $0x1000, $0x38;
	[tilespmem:$0x1F100] =	vst v63  }
0x156: {  	s6 =	sld [smem:$0x7F4]  }
0x157: {  	[spmem:s5] =	stream.linear.scatter [tilespmem:s2], [sflag:$0x7], $0x1000, $0x38;
	[tilespmem:$0x1F100] =	vst v63  }
0x158: {  	s7 =	sld [smem:$0x7F5]  }
0x159: {  	[spmem:s6] =	stream.linear.scatter [tilespmem:s2], [sflag:$0x7], $0x1000, $0x38;
	[tilespmem:$0x1F100] =	vst v63  }
0x15a: {  	s8 =	sld [smem:$0x7F6]  }
0x15b: {  	[spmem:s7] =	stream.linear.scatter [tilespmem:s2], [sflag:$0x7], $0x1000, $0x38;
	[tilespmem:$0x1F100] =	vst v63  }
0x15c: {  	s9 =	sld [smem:$0x7F7]  }
0x15d: {  	[spmem:s8] =	stream.linear.scatter [tilespmem:s2], [sflag:$0x7], $0x1000, $0x38;
	[tilespmem:$0x1F100] =	vst v63  }
0x15e: {  	s10 =	sld [smem:$0x7F8]  }
0x15f: {  	[spmem:s9] =	stream.linear.scatter [tilespmem:s2], [sflag:$0x7], $0x1000, $0x38;
	[tilespmem:$0x1F100] =	vst v63  }
0x160: {  	s11 =	sld [smem:$0x7F9]  }
0x161: {  	[spmem:s10] =	stream.linear.scatter [tilespmem:s2], [sflag:$0x7], $0x1000, $0x38;
	[tilespmem:$0x1F100] =	vst v63  }
0x162: {  	s13 =	sld [smem:$0x7FA]  }
0x163: {  	[spmem:s11] =	stream.linear.scatter [tilespmem:s2], [sflag:$0x7], $0x1000, $0x38;
	[tilespmem:$0x1F100] =	vst v63  }
0x164: {  	s14 =	sld [smem:$0x7FB]  }
0x165: {  	[spmem:s13] =	stream.linear.scatter [tilespmem:s2], [sflag:$0x7], $0x1000, $0x38;
	[tilespmem:$0x1F100] =	vst v63  }
0x166: {  	s23 =	sld [smem:$0x7FD]  }
0x167: {  	[spmem:s14] =	stream.linear.scatter [tilespmem:s2], [sflag:$0x7], $0x1000, $0x38;
	[tilespmem:$0x1F100] =	vst v63  }
0x168: {  	_ = 	snop  }
0x169: {  	[spmem:s23] =	stream.linear.scatter [tilespmem:s2], [sflag:$0x7], $0x1000, $0x38;
	[tilespmem:$0x1F100] =	vst v63  }
0x16a: {  	_ =	swait.ge [sflag:s26], $0x1000  }
0x16b: {  	[sflag:s26] =	ssyncset.done $0x0  }
0x16c: {  	[sflag:s26] =	ssyncadd.s32 $0xFFFFF000  }
0x16d: {  	_ =	swait.ge [sflag:s26], $0x1000  }
0x16e: {  	[sflag:s26] =	ssyncset.done $0x0  }
0x16f: {  	[sflag:s26] =	ssyncadd.s32 $0xFFFFF000  }
0x170: {  	_ =	swait.ge [sflag:s26], $0x1000  }
0x171: {  	[sflag:s26] =	ssyncset.done $0x0  }
0x172: {  	[sflag:s26] =	ssyncadd.s32 $0xFFFFF000  }
0x173: {  	_ =	swait.ge [sflag:s26], $0x1000  }
0x174: {  	[sflag:s26] =	ssyncset.done $0x0  }
0x175: {  	[sflag:s26] =	ssyncadd.s32 $0xFFFFF000  }
0x176: {  	_ =	swait.ge [sflag:s26], $0x1000  }
0x177: {  	[sflag:s26] =	ssyncset.done $0x0  }
0x178: {  	[sflag:s26] =	ssyncadd.s32 $0xFFFFF000  }
0x179: {  	_ =	swait.ge [sflag:s26], $0x1000  }
0x17a: {  	[sflag:s26] =	ssyncset.done $0x0  }
0x17b: {  	[sflag:s26] =	ssyncadd.s32 $0xFFFFF000  }
0x17c: {  	_ =	swait.ge [sflag:s26], $0x1000  }
0x17d: {  	[sflag:s26] =	ssyncset.done $0x0  }
0x17e: {  	[sflag:s26] =	ssyncadd.s32 $0xFFFFF000  }
0x17f: {  	_ =	swait.ge [sflag:s26], $0x1000  }
0x180: {  	[sflag:s26] =	ssyncset.done $0x0  }
0x181: {  	[sflag:s26] =	ssyncadd.s32 $0xFFFFF000  }
0x182: {  	_ =	swait.ge [sflag:s26], $0x1000  }
0x183: {  	[sflag:s26] =	ssyncset.done $0x0  }
0x184: {  	[sflag:s26] =	ssyncadd.s32 $0xFFFFF000  }
0x185: {  	_ =	swait.ge [sflag:s26], $0x1000  }
0x186: {  	[sflag:s26] =	ssyncset.done $0x0  }
0x187: {  	[sflag:s26] =	ssyncadd.s32 $0xFFFFF000  }
0x188: {  	_ =	swait.ge [sflag:s26], $0x1000  }
0x189: {  	[sflag:s26] =	ssyncset.done $0x0  }
0x18a: {  	[sflag:s26] =	ssyncadd.s32 $0xFFFFF000  }
0x18b: {  	_ =	swait.ge [sflag:s26], $0x1000  }
0x18c: {  	[sflag:s26] =	ssyncset.done $0x0  }
0x18d: {  	[sflag:s26] =	ssyncadd.s32 $0xFFFFF000  }
0x18e: {  	_ =	swait.ge [sflag:s26], $0x1000  }
0x18f: {  	[sflag:s26] =	ssyncset.done $0x0  }
0x190: {  	[sflag:s26] =	ssyncadd.s32 $0xFFFFF000  }
0x191: {  	_ =	swait.ge [sflag:s26], $0x1000  }
0x192: {  	[sflag:s26] =	ssyncset.done $0x0  }
0x193: {  	[sflag:s26] =	ssyncadd.s32 $0xFFFFF000  }
0x194: {  	_ =	swait.ge [sflag:s26], $0x1000  }
0x195: {  	[sflag:s26] =	ssyncset.done $0x0  }
0x196: {  	[sflag:s26] =	ssyncadd.s32 $0xFFFFF000  }
0x197: {  	_ =	swait.ge [sflag:s26], $0x1000  }
0x198: {  	s3 =	simm.s32 $0x0;
	[sflag:s26] =	ssyncset.done $0x0  }
0x199: {  	s4 =	simm.s32 $0x8080;
	s5 =	simm.s32 $0x4000;
	[sflag:s26] =	ssyncadd.s32 $0xFFFFF000  }
0x19a: {  	s6 =	simm.s32 $0x8880;
	s7 =	simm.s32 $0x4800;
	[bflag:$0x0] =	sbarrier.arrive $0xFFFF  }
.LBB2_30:
0x19b: {  	p0 =	seq.s32 s3, $0x0  }
0x19c: {  	s8 =	simm.s32 @!p0 $0x5  }
0x19d: {  	_ =	swait.ge @!p0 [sflag:s8], $0x800  }
0x19e: {  	v9 =	vmov s5;
	[sflag:s8] =	ssyncset.done @!p0 $0x0  }
0x19f: {  	[sflag:s8] =	ssyncadd.s32 @!p0 $0xFFFFF800;
	s8 =	simm.s32 @!p0 $0x6  }
0x1a0: {  	v10 =	vmov s4;
	_ =	swait.ge @!p0 [sflag:s8], $0x800  }
0x1a1: {  	[sflag:s8] =	ssyncset.done @!p0 $0x0  }
0x1a2: {  	s9 =	simm.s32 $0x40;
	[sflag:s8] =	ssyncadd.s32 @!p0 $0xFFFFF800;
	s8 =	simm.s32 $0x0  }
.LBB2_31:
0x1a3: {  	p0 =	sne.s32 s9, $0x1FC0;
	v11 =	vld.idx.msk [tilespmem:v9+s8+$0x0 ss:$0x1], $0xffff;
	_ =	sdelay $0x1  }
0x1a4: {  	v12 =	vld.idx.msk [tilespmem:v10+s8+$0x0 ss:$0x1], $0xffff;
	_ =	sdelay $0x2  }
.Ltmp14:
0x1a5: {  	(pc) =	sbr.rel @p0 .LBB2_31-.Ltmp14, $4  }
0x1a6: {  	v13 =	vsub.s32 v11, v0;
	v11 =	vand.u32 $0xFFFFF, v11  }
0x1a7: {  	vm0 =	vlt.u32 v13, $0x100000;
	[tilespmem:s8+$0xC100] =	vst v11  }
0x1a8: {  	v11 =	vnsel vm0, $0x0, v12  }
0x1a9: {  	[tilespmem:s8+$0xD100] =	vst v11;
	s8 =	sshra.s32 s9, $0x2;
	s9 =	sadd.s32 $0x40, s9  }
0x1aa: {  	_ =	sdelay $0x3  }
0x1ab: {  	v9 =	vld.idx.msk [tilespmem:v9+s8+$0x0 ss:$0x1], $0xffff;
	_ =	sdelay $0x1  }
0x1ac: {  	v10 =	vld.idx.msk [tilespmem:v10+s8+$0x0 ss:$0x1], $0xffff;
	_ =	sdelay $0x2  }
0x1ad: {  	v11 =	vsub.s32 v9, v0  }
0x1ae: {  	v9 =	vand.u32 $0xFFFFF, v9;
	vm0 =	vlt.u32 v11, $0x100000  }
0x1af: {  	[tilespmem:s8+$0xC100] =	vst v9;
	v9 =	vnsel vm0, $0x0, v10  }
0x1b0: {  	[tilespmem:s8+$0xD100] =	vst v9;
	v9 =	vmov s7;
	_ =	sdelay $0x1  }
0x1b1: {  	v10 =	vmov s6  }
0x1b2: {  	s9 =	simm.s32 $0x40;
	s8 =	simm.s32 $0x0  }
0x1b3: {  	[spmem:s20] =	stream.indirect.scatter.add.f32 [tilespmem:s29], [sflag:$0x5], $0x1, s28, s15, $0xb8;
	[tilespmem:$0x1F100] =	vst v63  }
.LBB2_33:
0x1b4: {  	p0 =	sne.s32 s9, $0x1FC0;
	v11 =	vld.idx.msk [tilespmem:v9+s8+$0x0 ss:$0x1], $0xffff;
	_ =	sdelay $0x1  }
0x1b5: {  	v12 =	vld.idx.msk [tilespmem:v10+s8+$0x0 ss:$0x1], $0xffff;
	_ =	sdelay $0x2  }
.Ltmp15:
0x1b6: {  	(pc) =	sbr.rel @p0 .LBB2_33-.Ltmp15, $4  }
0x1b7: {  	v13 =	vsub.s32 v11, v0;
	v11 =	vand.u32 $0xFFFFF, v11  }
0x1b8: {  	vm0 =	vlt.u32 v13, $0x100000;
	[tilespmem:s8+$0xC900] =	vst v11  }
0x1b9: {  	v11 =	vnsel vm0, $0x0, v12  }
0x1ba: {  	[tilespmem:s8+$0xD900] =	vst v11;
	s8 =	sshra.s32 s9, $0x2;
	s9 =	sadd.s32 $0x40, s9  }
0x1bb: {  	_ =	sdelay $0x3  }
0x1bc: {  	v9 =	vld.idx.msk [tilespmem:v9+s8+$0x0 ss:$0x1], $0xffff;
	_ =	sdelay $0x1  }
0x1bd: {  	v10 =	vld.idx.msk [tilespmem:v10+s8+$0x0 ss:$0x1], $0xffff  }
0x1be: {  	s3 =	sadd.s32 $0x1, s3  }
0x1bf: {  	p0 =	sne.s32 s3, $0x4  }
.Ltmp16:
0x1c0: {  	v11 =	vsub.s32 v9, v0;
	(pc) =	sbr.rel @p0 .LBB2_30-.Ltmp16, $4  }
0x1c1: {  	v9 =	vand.u32 $0xFFFFF, v9;
	vm0 =	vlt.u32 v11, $0x100000  }
0x1c2: {  	s4 =	sadd.s32 $0x1000, s4;
	[tilespmem:s8+$0xC900] =	vst v9;
	v9 =	vnsel vm0, $0x0, v10  }
0x1c3: {  	s5 =	sadd.s32 $0x1000, s5;
	s6 =	sadd.s32 $0x1000, s6;
	s7 =	sadd.s32 $0x1000, s7;
	[tilespmem:s8+$0xD900] =	vst v9  }
0x1c4: {  	[spmem:s20] =	stream.indirect.scatter.add.f32 [tilespmem:s1], [sflag:$0x6], $0x1, s31, s15, $0xb8;
	[tilespmem:$0x1F100] =	vst v63  }
0x1c5: {  	[dreg:$0x4] =	wrdreg s30;
	s3 =	simm.s32 $0x5  }
0x1c6: {  	_ =	swait.ge [sflag:s3], $0x800  }
0x1c7: {  	[sflag:s3] =	ssyncset.done $0x0  }
0x1c8: {  	s14 =	simm.s32 $0x6;
	[sflag:s3] =	ssyncadd.s32 $0xFFFFF800  }
0x1c9: {  	_ =	swait.ge [sflag:s14], $0x800  }
0x1ca: {  	[sflag:s14] =	ssyncset.done $0x0  }
0x1cb: {  	[sflag:s14] =	ssyncadd.s32 $0xFFFFF800  }
0x1cc: {  	[bflag:$0x0] =	sbarrier.arrive $0xFFFF  }
0x1cd: {  	s23 =	stileid.u32;
	s6 =	sld [smem:$0x7FC]  }
0x1ce: {  	s3 =	sshll.u32 s23, $0x6  }
0x1cf: {  	s5 =	sor.u32 $0x1C08, s3;
	s4 =	rddreg [dreg:$0x15]  }
0x1d0: {  	[smem:$0x7D6] =	sst s5;
	s7 =	sshrl.u32 s6, $0x3  }
0x1d1: {  	[smem:$0x7D7] =	sst s7  }
0x1d2: {  	[hbm:s4], [sflag:s5] =	dma.local [spmem:s7], $0x800  }
0x1d3: {  	s7 =	sld [smem:$0x7F1];
	_ =	sdelay $0x2  }
0x1d4: {  	s4 =	sor.u32 $0x1C09, s3;
	s5 =	rddreg [dreg:$0x16];
	s8 =	sshrl.u32 s7, $0x3  }
0x1d5: {  	[hbm:s5], [sflag:s4] =	dma.local [spmem:s8], $0x800  }
0x1d6: {  	s9 =	sld [smem:$0x7F5];
	_ =	sdelay $0x2  }
0x1d7: {  	s23 =	sor.u32 $0x1C0A, s3;
	s5 =	rddreg [dreg:$0x17];
	s13 =	sshrl.u32 s9, $0x3  }
0x1d8: {  	[hbm:s5], [sflag:s23] =	dma.local [spmem:s13], $0x800  }
0x1d9: {  	s10 =	sld [smem:$0x7F9];
	_ =	sdelay $0x1  }
0x1da: {  	s30 =	simm.s32 $0x8  }
0x1db: {  	s14 =	sor.u32 $0x1C0B, s3;
	s5 =	rddreg [dreg:$0x18];
	s3 =	sshrl.u32 s10, $0x3  }
0x1dc: {  	[hbm:s5], [sflag:s14] =	dma.local [spmem:s3], $0x800  }
0x1dd: {  	_ =	swait.ge [sflag:s30], $0x800  }
0x1de: {  	[sflag:s30] =	ssyncset.done $0x0  }
0x1df: {  	s11 =	sld [smem:$0x7EE];
	[sflag:s30] =	ssyncadd.s32 $0xFFFFF800  }
0x1e0: {  	[spmem:s6] =	stream.linear.scatter [tilespmem:s2], [sflag:$0x7], $0x1000, $0x38;
	[tilespmem:$0x1F100] =	vst v63  }
0x1e1: {  	s30 =	sld [smem:$0x7EF]  }
0x1e2: {  	[spmem:s11] =	stream.linear.scatter [tilespmem:s2], [sflag:$0x7], $0x1000, $0x38;
	[tilespmem:$0x1F100] =	vst v63  }
0x1e3: {  	s6 =	sld [smem:$0x7F0]  }
0x1e4: {  	[spmem:s30] =	stream.linear.scatter [tilespmem:s2], [sflag:$0x7], $0x1000, $0x38;
	[tilespmem:$0x1F100] =	vst v63  }
0x1e5: {  	s11 =	simm.s32 $0x9  }
0x1e6: {  	[spmem:s6] =	stream.linear.scatter [tilespmem:s2], [sflag:$0x7], $0x1000, $0x38;
	[tilespmem:$0x1F100] =	vst v63  }
0x1e7: {  	_ =	swait.ge [sflag:s11], $0x800  }
0x1e8: {  	[sflag:s11] =	ssyncset.done $0x0  }
0x1e9: {  	s30 =	sld [smem:$0x7F2];
	[sflag:s11] =	ssyncadd.s32 $0xFFFFF800  }
0x1ea: {  	[spmem:s7] =	stream.linear.scatter [tilespmem:s2], [sflag:$0x7], $0x1000, $0x38;
	[tilespmem:$0x1F100] =	vst v63  }
0x1eb: {  	s6 =	sld [smem:$0x7F3]  }
0x1ec: {  	[spmem:s30] =	stream.linear.scatter [tilespmem:s2], [sflag:$0x7], $0x1000, $0x38;
	[tilespmem:$0x1F100] =	vst v63  }
0x1ed: {  	s7 =	sld [smem:$0x7F4]  }
0x1ee: {  	[spmem:s6] =	stream.linear.scatter [tilespmem:s2], [sflag:$0x7], $0x1000, $0x38;
	[tilespmem:$0x1F100] =	vst v63  }
0x1ef: {  	s11 =	simm.s32 $0xA  }
0x1f0: {  	[spmem:s7] =	stream.linear.scatter [tilespmem:s2], [sflag:$0x7], $0x1000, $0x38;
	[tilespmem:$0x1F100] =	vst v63  }
0x1f1: {  	_ =	swait.ge [sflag:s11], $0x800  }
0x1f2: {  	[sflag:s11] =	ssyncset.done $0x0  }
0x1f3: {  	s30 =	sld [smem:$0x7F6];
	[sflag:s11] =	ssyncadd.s32 $0xFFFFF800  }
0x1f4: {  	[spmem:s9] =	stream.linear.scatter [tilespmem:s2], [sflag:$0x7], $0x1000, $0x38;
	[tilespmem:$0x1F100] =	vst v63  }
0x1f5: {  	s6 =	sld [smem:$0x7F7]  }
0x1f6: {  	[spmem:s30] =	stream.linear.scatter [tilespmem:s2], [sflag:$0x7], $0x1000, $0x38;
	[tilespmem:$0x1F100] =	vst v63  }
0x1f7: {  	s7 =	sld [smem:$0x7F8]  }
0x1f8: {  	[spmem:s6] =	stream.linear.scatter [tilespmem:s2], [sflag:$0x7], $0x1000, $0x38;
	[tilespmem:$0x1F100] =	vst v63  }
0x1f9: {  	s9 =	simm.s32 $0xB  }
0x1fa: {  	[spmem:s7] =	stream.linear.scatter [tilespmem:s2], [sflag:$0x7], $0x1000, $0x38;
	[tilespmem:$0x1F100] =	vst v63  }
0x1fb: {  	_ =	swait.ge [sflag:s9], $0x800  }
0x1fc: {  	[sflag:s9] =	ssyncset.done $0x0  }
0x1fd: {  	[sflag:s9] =	ssyncadd.s32 $0xFFFFF800  }
0x1fe: {  	[spmem:s10] =	stream.linear.scatter [tilespmem:s2], [sflag:$0x7], $0x1000, $0x38;
	[tilespmem:$0x1F100] =	vst v63  }
0x1ff: {  	s10 =	sld [smem:$0x7FA];
	_ =	sdelay $0x1  }
0x200: {  	s11 =	sld [smem:$0x7FB]  }
0x201: {  	[spmem:s10] =	stream.linear.scatter [tilespmem:s2], [sflag:$0x7], $0x1000, $0x38;
	[tilespmem:$0x1F100] =	vst v63  }
0x202: {  	s30 =	sld [smem:$0x7FD]  }
0x203: {  	[spmem:s11] =	stream.linear.scatter [tilespmem:s2], [sflag:$0x7], $0x1000, $0x38;
	[tilespmem:$0x1F100] =	vst v63  }
0x204: {  	_ = 	snop  }
0x205: {  	[spmem:s30] =	stream.linear.scatter [tilespmem:s2], [sflag:$0x7], $0x1000, $0x38;
	[tilespmem:$0x1F100] =	vst v63  }
0x206: {  	_ =	swait.ge [sflag:s26], $0x1000  }
0x207: {  	[sflag:s26] =	ssyncset.done $0x0  }
0x208: {  	[sflag:s26] =	ssyncadd.s32 $0xFFFFF000  }
0x209: {  	_ =	swait.ge [sflag:s26], $0x1000  }
0x20a: {  	[sflag:s26] =	ssyncset.done $0x0  }
0x20b: {  	[sflag:s26] =	ssyncadd.s32 $0xFFFFF000  }
0x20c: {  	_ =	swait.ge [sflag:s26], $0x1000  }
0x20d: {  	[sflag:s26] =	ssyncset.done $0x0  }
0x20e: {  	[sflag:s26] =	ssyncadd.s32 $0xFFFFF000  }
0x20f: {  	_ =	swait.ge [sflag:s26], $0x1000  }
0x210: {  	[sflag:s26] =	ssyncset.done $0x0  }
0x211: {  	[sflag:s26] =	ssyncadd.s32 $0xFFFFF000  }
0x212: {  	_ =	swait.ge [sflag:s26], $0x1000  }
0x213: {  	[sflag:s26] =	ssyncset.done $0x0  }
0x214: {  	[sflag:s26] =	ssyncadd.s32 $0xFFFFF000  }
0x215: {  	_ =	swait.ge [sflag:s26], $0x1000  }
0x216: {  	[sflag:s26] =	ssyncset.done $0x0  }
0x217: {  	[sflag:s26] =	ssyncadd.s32 $0xFFFFF000  }
0x218: {  	_ =	swait.ge [sflag:s26], $0x1000  }
0x219: {  	[sflag:s26] =	ssyncset.done $0x0  }
0x21a: {  	[sflag:s26] =	ssyncadd.s32 $0xFFFFF000  }
0x21b: {  	_ =	swait.ge [sflag:s26], $0x1000  }
0x21c: {  	[sflag:s26] =	ssyncset.done $0x0  }
0x21d: {  	[sflag:s26] =	ssyncadd.s32 $0xFFFFF000  }
0x21e: {  	_ =	swait.ge [sflag:s26], $0x1000  }
0x21f: {  	[sflag:s26] =	ssyncset.done $0x0  }
0x220: {  	[sflag:s26] =	ssyncadd.s32 $0xFFFFF000  }
0x221: {  	_ =	swait.ge [sflag:s26], $0x1000  }
0x222: {  	[sflag:s26] =	ssyncset.done $0x0  }
0x223: {  	[sflag:s26] =	ssyncadd.s32 $0xFFFFF000  }
0x224: {  	_ =	swait.ge [sflag:s26], $0x1000  }
0x225: {  	[sflag:s26] =	ssyncset.done $0x0  }
0x226: {  	[sflag:s26] =	ssyncadd.s32 $0xFFFFF000  }
0x227: {  	_ =	swait.ge [sflag:s26], $0x1000  }
0x228: {  	[sflag:s26] =	ssyncset.done $0x0  }
0x229: {  	[sflag:s26] =	ssyncadd.s32 $0xFFFFF000  }
0x22a: {  	_ =	swait.ge [sflag:s26], $0x1000  }
0x22b: {  	[sflag:s26] =	ssyncset.done $0x0  }
0x22c: {  	[sflag:s26] =	ssyncadd.s32 $0xFFFFF000  }
0x22d: {  	_ =	swait.ge [sflag:s26], $0x1000  }
0x22e: {  	[sflag:s26] =	ssyncset.done $0x0  }
0x22f: {  	[sflag:s26] =	ssyncadd.s32 $0xFFFFF000  }
0x230: {  	_ =	swait.ge [sflag:s26], $0x1000  }
0x231: {  	[sflag:s26] =	ssyncset.done $0x0  }
0x232: {  	[sflag:s26] =	ssyncadd.s32 $0xFFFFF000  }
0x233: {  	_ =	swait.ge [sflag:s26], $0x1000  }
0x234: {  	s5 =	simm.s32 $0x0;
	[sflag:s26] =	ssyncset.done $0x0  }
0x235: {  	s6 =	simm.s32 $0x8080;
	s7 =	simm.s32 $0x4000;
	[sflag:s26] =	ssyncadd.s32 $0xFFFFF000  }
0x236: {  	s9 =	simm.s32 $0x8880;
	s10 =	simm.s32 $0x4800;
	[bflag:$0x0] =	sbarrier.arrive $0xFFFF  }
.LBB2_36:
0x237: {  	p0 =	seq.s32 s5, $0x0  }
0x238: {  	s11 =	simm.s32 @!p0 $0x5  }
0x239: {  	_ =	swait.ge @!p0 [sflag:s11], $0x800  }
0x23a: {  	v9 =	vmov s7;
	[sflag:s11] =	ssyncset.done @!p0 $0x0  }
0x23b: {  	[sflag:s11] =	ssyncadd.s32 @!p0 $0xFFFFF800;
	s11 =	simm.s32 @!p0 $0x6  }
0x23c: {  	v10 =	vmov s6;
	_ =	swait.ge @!p0 [sflag:s11], $0x800  }
0x23d: {  	[sflag:s11] =	ssyncset.done @!p0 $0x0  }
0x23e: {  	s30 =	simm.s32 $0x40;
	[sflag:s11] =	ssyncadd.s32 @!p0 $0xFFFFF800;
	s11 =	simm.s32 $0x0  }
.LBB2_37:
0x23f: {  	p0 =	sne.s32 s30, $0x1FC0;
	v11 =	vld.idx.msk [tilespmem:v9+s11+$0x0 ss:$0x1], $0xffff;
	_ =	sdelay $0x1  }
0x240: {  	v12 =	vld.idx.msk [tilespmem:v10+s11+$0x0 ss:$0x1], $0xffff;
	_ =	sdelay $0x2  }
.Ltmp17:
0x241: {  	(pc) =	sbr.rel @p0 .LBB2_37-.Ltmp17, $4  }
0x242: {  	v13 =	vsub.s32 v11, v1;
	v11 =	vand.u32 $0xFFFFF, v11  }
0x243: {  	vm0 =	vlt.u32 v13, $0x100000;
	[tilespmem:s11+$0xC100] =	vst v11  }
0x244: {  	v11 =	vnsel vm0, $0x0, v12  }
0x245: {  	[tilespmem:s11+$0xD100] =	vst v11;
	s11 =	sshra.s32 s30, $0x2;
	s30 =	sadd.s32 $0x40, s30  }
0x246: {  	_ =	sdelay $0x3  }
0x247: {  	v9 =	vld.idx.msk [tilespmem:v9+s11+$0x0 ss:$0x1], $0xffff;
	_ =	sdelay $0x1  }
0x248: {  	v10 =	vld.idx.msk [tilespmem:v10+s11+$0x0 ss:$0x1], $0xffff;
	_ =	sdelay $0x2  }
0x249: {  	v11 =	vsub.s32 v9, v1  }
0x24a: {  	v9 =	vand.u32 $0xFFFFF, v9;
	vm0 =	vlt.u32 v11, $0x100000  }
0x24b: {  	[tilespmem:s11+$0xC100] =	vst v9;
	v9 =	vnsel vm0, $0x0, v10  }
0x24c: {  	[tilespmem:s11+$0xD100] =	vst v9;
	v9 =	vmov s10;
	_ =	sdelay $0x1  }
0x24d: {  	v10 =	vmov s9  }
0x24e: {  	s30 =	simm.s32 $0x40;
	s11 =	simm.s32 $0x0  }
0x24f: {  	[spmem:s20] =	stream.indirect.scatter.add.f32 [tilespmem:s29], [sflag:$0x5], $0x1, s28, s15, $0xb8;
	[tilespmem:$0x1F100] =	vst v63  }
.LBB2_39:
0x250: {  	p0 =	sne.s32 s30, $0x1FC0;
	v11 =	vld.idx.msk [tilespmem:v9+s11+$0x0 ss:$0x1], $0xffff;
	_ =	sdelay $0x1  }
0x251: {  	v12 =	vld.idx.msk [tilespmem:v10+s11+$0x0 ss:$0x1], $0xffff;
	_ =	sdelay $0x2  }
.Ltmp18:
0x252: {  	(pc) =	sbr.rel @p0 .LBB2_39-.Ltmp18, $4  }
0x253: {  	v13 =	vsub.s32 v11, v1;
	v11 =	vand.u32 $0xFFFFF, v11  }
0x254: {  	vm0 =	vlt.u32 v13, $0x100000;
	[tilespmem:s11+$0xC900] =	vst v11  }
0x255: {  	v11 =	vnsel vm0, $0x0, v12  }
0x256: {  	[tilespmem:s11+$0xD900] =	vst v11;
	s11 =	sshra.s32 s30, $0x2;
	s30 =	sadd.s32 $0x40, s30  }
0x257: {  	_ =	sdelay $0x3  }
0x258: {  	v9 =	vld.idx.msk [tilespmem:v9+s11+$0x0 ss:$0x1], $0xffff;
	_ =	sdelay $0x1  }
0x259: {  	v10 =	vld.idx.msk [tilespmem:v10+s11+$0x0 ss:$0x1], $0xffff  }
0x25a: {  	s5 =	sadd.s32 $0x1, s5  }
0x25b: {  	p0 =	sne.s32 s5, $0x4  }
.Ltmp19:
0x25c: {  	v11 =	vsub.s32 v9, v1;
	(pc) =	sbr.rel @p0 .LBB2_36-.Ltmp19, $4  }
0x25d: {  	v9 =	vand.u32 $0xFFFFF, v9;
	vm0 =	vlt.u32 v11, $0x100000  }
0x25e: {  	s6 =	sadd.s32 $0x1000, s6;
	[tilespmem:s11+$0xC900] =	vst v9;
	v9 =	vnsel vm0, $0x0, v10  }
0x25f: {  	s7 =	sadd.s32 $0x1000, s7;
	s9 =	sadd.s32 $0x1000, s9;
	s10 =	sadd.s32 $0x1000, s10;
	[tilespmem:s11+$0xD900] =	vst v9  }
0x260: {  	[spmem:s20] =	stream.indirect.scatter.add.f32 [tilespmem:s1], [sflag:$0x6], $0x1, s31, s15, $0xb8;
	[tilespmem:$0x1F100] =	vst v63  }
0x261: {  	s5 =	simm.s32 $0x5  }
0x262: {  	_ =	swait.ge [sflag:s5], $0x800  }
0x263: {  	[sflag:s5] =	ssyncset.done $0x0  }
0x264: {  	s9 =	simm.s32 $0x6;
	[sflag:s5] =	ssyncadd.s32 $0xFFFFF800  }
0x265: {  	_ =	swait.ge [sflag:s9], $0x800  }
0x266: {  	[sflag:s9] =	ssyncset.done $0x0  }
0x267: {  	[sflag:s9] =	ssyncadd.s32 $0xFFFFF800  }
0x268: {  	[bflag:$0x0] =	sbarrier.arrive $0xFFFF  }
0x269: {  	s6 =	sld [smem:$0x7D6]  }
0x26a: {  	s7 =	sld [smem:$0x7D7];
	_ =	sdelay $0x1  }
0x26b: {  	s10 =	rddreg [dreg:$0x19]  }
0x26c: {  	[hbm:s10], [sflag:s6] =	dma.local [spmem:s7], $0x800  }
0x26d: {  	s5 =	rddreg [dreg:$0x1a]  }
0x26e: {  	[hbm:s5], [sflag:s4] =	dma.local [spmem:s8], $0x800  }
0x26f: {  	s5 =	rddreg [dreg:$0x1b]  }
0x270: {  	[hbm:s5], [sflag:s23] =	dma.local [spmem:s13], $0x800  }
0x271: {  	s11 =	simm.s32 $0x8;
	s5 =	rddreg [dreg:$0x1c]  }
0x272: {  	[hbm:s5], [sflag:s14] =	dma.local [spmem:s3], $0x800  }
0x273: {  	_ =	swait.ge [sflag:s11], $0x800  }
0x274: {  	s30 =	sld [smem:$0x7FC]  }
0x275: {  	[sflag:s11] =	ssyncset.done $0x0  }
0x276: {  	s6 =	sld [smem:$0x7EE];
	[sflag:s11] =	ssyncadd.s32 $0xFFFFF800  }
0x277: {  	[spmem:s30] =	stream.linear.scatter [tilespmem:s2], [sflag:$0x7], $0x1000, $0x38;
	[tilespmem:$0x1F100] =	vst v63  }
0x278: {  	s7 =	sld [smem:$0x7EF]  }
0x279: {  	[spmem:s6] =	stream.linear.scatter [tilespmem:s2], [sflag:$0x7], $0x1000, $0x38;
	[tilespmem:$0x1F100] =	vst v63  }
0x27a: {  	s9 =	sld [smem:$0x7F0]  }
0x27b: {  	[spmem:s7] =	stream.linear.scatter [tilespmem:s2], [sflag:$0x7], $0x1000, $0x38;
	[tilespmem:$0x1F100] =	vst v63  }
0x27c: {  	s10 =	simm.s32 $0x9  }
0x27d: {  	[spmem:s9] =	stream.linear.scatter [tilespmem:s2], [sflag:$0x7], $0x1000, $0x38;
	[tilespmem:$0x1F100] =	vst v63  }
0x27e: {  	_ =	swait.ge [sflag:s10], $0x800  }
0x27f: {  	s11 =	sld [smem:$0x7F1]  }
0x280: {  	[sflag:s10] =	ssyncset.done $0x0  }
0x281: {  	s30 =	sld [smem:$0x7F2];
	[sflag:s10] =	ssyncadd.s32 $0xFFFFF800  }
0x282: {  	[spmem:s11] =	stream.linear.scatter [tilespmem:s2], [sflag:$0x7], $0x1000, $0x38;
	[tilespmem:$0x1F100] =	vst v63  }
0x283: {  	s6 =	sld [smem:$0x7F3]  }
0x284: {  	[spmem:s30] =	stream.linear.scatter [tilespmem:s2], [sflag:$0x7], $0x1000, $0x38;
	[tilespmem:$0x1F100] =	vst v63  }
0x285: {  	s7 =	sld [smem:$0x7F4]  }
0x286: {  	[spmem:s6] =	stream.linear.scatter [tilespmem:s2], [sflag:$0x7], $0x1000, $0x38;
	[tilespmem:$0x1F100] =	vst v63  }
0x287: {  	s9 =	simm.s32 $0xA  }
0x288: {  	[spmem:s7] =	stream.linear.scatter [tilespmem:s2], [sflag:$0x7], $0x1000, $0x38;
	[tilespmem:$0x1F100] =	vst v63  }
0x289: {  	_ =	swait.ge [sflag:s9], $0x800  }
0x28a: {  	s10 =	sld [smem:$0x7F5]  }
0x28b: {  	[sflag:s9] =	ssyncset.done $0x0  }
0x28c: {  	s11 =	sld [smem:$0x7F6];
	[sflag:s9] =	ssyncadd.s32 $0xFFFFF800  }
0x28d: {  	[spmem:s10] =	stream.linear.scatter [tilespmem:s2], [sflag:$0x7], $0x1000, $0x38;
	[tilespmem:$0x1F100] =	vst v63  }
0x28e: {  	s30 =	sld [smem:$0x7F7]  }
0x28f: {  	[spmem:s11] =	stream.linear.scatter [tilespmem:s2], [sflag:$0x7], $0x1000, $0x38;
	[tilespmem:$0x1F100] =	vst v63  }
0x290: {  	s6 =	sld [smem:$0x7F8]  }
0x291: {  	[spmem:s30] =	stream.linear.scatter [tilespmem:s2], [sflag:$0x7], $0x1000, $0x38;
	[tilespmem:$0x1F100] =	vst v63  }
0x292: {  	s7 =	simm.s32 $0xB  }
0x293: {  	[spmem:s6] =	stream.linear.scatter [tilespmem:s2], [sflag:$0x7], $0x1000, $0x38;
	[tilespmem:$0x1F100] =	vst v63  }
0x294: {  	_ =	swait.ge [sflag:s7], $0x800  }
0x295: {  	s9 =	sld [smem:$0x7F9]  }
0x296: {  	[sflag:s7] =	ssyncset.done $0x0  }
0x297: {  	s10 =	sld [smem:$0x7FA];
	[sflag:s7] =	ssyncadd.s32 $0xFFFFF800  }
0x298: {  	[spmem:s9] =	stream.linear.scatter [tilespmem:s2], [sflag:$0x7], $0x1000, $0x38;
	[tilespmem:$0x1F100] =	vst v63  }
0x299: {  	s11 =	sld [smem:$0x7FB]  }
0x29a: {  	[spmem:s10] =	stream.linear.scatter [tilespmem:s2], [sflag:$0x7], $0x1000, $0x38;
	[tilespmem:$0x1F100] =	vst v63  }
0x29b: {  	s30 =	sld [smem:$0x7FD]  }
0x29c: {  	[spmem:s11] =	stream.linear.scatter [tilespmem:s2], [sflag:$0x7], $0x1000, $0x38;
	[tilespmem:$0x1F100] =	vst v63  }
0x29d: {  	_ = 	snop  }
0x29e: {  	[spmem:s30] =	stream.linear.scatter [tilespmem:s2], [sflag:$0x7], $0x1000, $0x38;
	[tilespmem:$0x1F100] =	vst v63  }
0x29f: {  	_ =	swait.ge [sflag:s26], $0x1000  }
0x2a0: {  	[sflag:s26] =	ssyncset.done $0x0  }
0x2a1: {  	[sflag:s26] =	ssyncadd.s32 $0xFFFFF000  }
0x2a2: {  	_ =	swait.ge [sflag:s26], $0x1000  }
0x2a3: {  	[sflag:s26] =	ssyncset.done $0x0  }
0x2a4: {  	[sflag:s26] =	ssyncadd.s32 $0xFFFFF000  }
0x2a5: {  	_ =	swait.ge [sflag:s26], $0x1000  }
0x2a6: {  	[sflag:s26] =	ssyncset.done $0x0  }
0x2a7: {  	[sflag:s26] =	ssyncadd.s32 $0xFFFFF000  }
0x2a8: {  	_ =	swait.ge [sflag:s26], $0x1000  }
0x2a9: {  	[sflag:s26] =	ssyncset.done $0x0  }
0x2aa: {  	[sflag:s26] =	ssyncadd.s32 $0xFFFFF000  }
0x2ab: {  	_ =	swait.ge [sflag:s26], $0x1000  }
0x2ac: {  	[sflag:s26] =	ssyncset.done $0x0  }
0x2ad: {  	[sflag:s26] =	ssyncadd.s32 $0xFFFFF000  }
0x2ae: {  	_ =	swait.ge [sflag:s26], $0x1000  }
0x2af: {  	[sflag:s26] =	ssyncset.done $0x0  }
0x2b0: {  	[sflag:s26] =	ssyncadd.s32 $0xFFFFF000  }
0x2b1: {  	_ =	swait.ge [sflag:s26], $0x1000  }
0x2b2: {  	[sflag:s26] =	ssyncset.done $0x0  }
0x2b3: {  	[sflag:s26] =	ssyncadd.s32 $0xFFFFF000  }
0x2b4: {  	_ =	swait.ge [sflag:s26], $0x1000  }
0x2b5: {  	[sflag:s26] =	ssyncset.done $0x0  }
0x2b6: {  	[sflag:s26] =	ssyncadd.s32 $0xFFFFF000  }
0x2b7: {  	_ =	swait.ge [sflag:s26], $0x1000  }
0x2b8: {  	[sflag:s26] =	ssyncset.done $0x0  }
0x2b9: {  	[sflag:s26] =	ssyncadd.s32 $0xFFFFF000  }
0x2ba: {  	_ =	swait.ge [sflag:s26], $0x1000  }
0x2bb: {  	[sflag:s26] =	ssyncset.done $0x0  }
0x2bc: {  	[sflag:s26] =	ssyncadd.s32 $0xFFFFF000  }
0x2bd: {  	_ =	swait.ge [sflag:s26], $0x1000  }
0x2be: {  	[sflag:s26] =	ssyncset.done $0x0  }
0x2bf: {  	[sflag:s26] =	ssyncadd.s32 $0xFFFFF000  }
0x2c0: {  	_ =	swait.ge [sflag:s26], $0x1000  }
0x2c1: {  	[sflag:s26] =	ssyncset.done $0x0  }
0x2c2: {  	[sflag:s26] =	ssyncadd.s32 $0xFFFFF000  }
0x2c3: {  	_ =	swait.ge [sflag:s26], $0x1000  }
0x2c4: {  	[sflag:s26] =	ssyncset.done $0x0  }
0x2c5: {  	[sflag:s26] =	ssyncadd.s32 $0xFFFFF000  }
0x2c6: {  	_ =	swait.ge [sflag:s26], $0x1000  }
0x2c7: {  	[sflag:s26] =	ssyncset.done $0x0  }
0x2c8: {  	[sflag:s26] =	ssyncadd.s32 $0xFFFFF000  }
0x2c9: {  	_ =	swait.ge [sflag:s26], $0x1000  }
0x2ca: {  	[sflag:s26] =	ssyncset.done $0x0  }
0x2cb: {  	[sflag:s26] =	ssyncadd.s32 $0xFFFFF000  }
0x2cc: {  	_ =	swait.ge [sflag:s26], $0x1000  }
0x2cd: {  	s5 =	simm.s32 $0x0;
	[sflag:s26] =	ssyncset.done $0x0  }
0x2ce: {  	s6 =	simm.s32 $0x8080;
	s7 =	simm.s32 $0x4000;
	[sflag:s26] =	ssyncadd.s32 $0xFFFFF000  }
0x2cf: {  	s9 =	simm.s32 $0x8880;
	s10 =	simm.s32 $0x4800;
	[bflag:$0x0] =	sbarrier.arrive $0xFFFF  }
.LBB2_42:
0x2d0: {  	p0 =	seq.s32 s5, $0x0  }
0x2d1: {  	s11 =	simm.s32 @!p0 $0x5  }
0x2d2: {  	_ =	swait.ge @!p0 [sflag:s11], $0x800  }
0x2d3: {  	v9 =	vmov s7;
	[sflag:s11] =	ssyncset.done @!p0 $0x0  }
0x2d4: {  	[sflag:s11] =	ssyncadd.s32 @!p0 $0xFFFFF800;
	s11 =	simm.s32 @!p0 $0x6  }
0x2d5: {  	v10 =	vmov s6;
	_ =	swait.ge @!p0 [sflag:s11], $0x800  }
0x2d6: {  	[sflag:s11] =	ssyncset.done @!p0 $0x0  }
0x2d7: {  	s30 =	simm.s32 $0x40;
	[sflag:s11] =	ssyncadd.s32 @!p0 $0xFFFFF800;
	s11 =	simm.s32 $0x0  }
.LBB2_43:
0x2d8: {  	p0 =	sne.s32 s30, $0x1FC0;
	v11 =	vld.idx.msk [tilespmem:v9+s11+$0x0 ss:$0x1], $0xffff;
	_ =	sdelay $0x1  }
0x2d9: {  	v12 =	vld.idx.msk [tilespmem:v10+s11+$0x0 ss:$0x1], $0xffff;
	_ =	sdelay $0x2  }
.Ltmp20:
0x2da: {  	(pc) =	sbr.rel @p0 .LBB2_43-.Ltmp20, $4  }
0x2db: {  	v13 =	vsub.s32 v11, v2;
	v11 =	vand.u32 $0xFFFFF, v11  }
0x2dc: {  	vm0 =	vlt.u32 v13, $0x100000;
	[tilespmem:s11+$0xC100] =	vst v11  }
0x2dd: {  	v11 =	vnsel vm0, $0x0, v12  }
0x2de: {  	[tilespmem:s11+$0xD100] =	vst v11;
	s11 =	sshra.s32 s30, $0x2;
	s30 =	sadd.s32 $0x40, s30  }
0x2df: {  	_ =	sdelay $0x3  }
0x2e0: {  	v9 =	vld.idx.msk [tilespmem:v9+s11+$0x0 ss:$0x1], $0xffff;
	_ =	sdelay $0x1  }
0x2e1: {  	v10 =	vld.idx.msk [tilespmem:v10+s11+$0x0 ss:$0x1], $0xffff;
	_ =	sdelay $0x2  }
0x2e2: {  	v11 =	vsub.s32 v9, v2  }
0x2e3: {  	v9 =	vand.u32 $0xFFFFF, v9;
	vm0 =	vlt.u32 v11, $0x100000  }
0x2e4: {  	[tilespmem:s11+$0xC100] =	vst v9;
	v9 =	vnsel vm0, $0x0, v10  }
0x2e5: {  	[tilespmem:s11+$0xD100] =	vst v9;
	v9 =	vmov s10;
	_ =	sdelay $0x1  }
0x2e6: {  	v10 =	vmov s9  }
0x2e7: {  	s30 =	simm.s32 $0x40;
	s11 =	simm.s32 $0x0  }
0x2e8: {  	[spmem:s20] =	stream.indirect.scatter.add.f32 [tilespmem:s29], [sflag:$0x5], $0x1, s28, s15, $0xb8;
	[tilespmem:$0x1F100] =	vst v63  }
.LBB2_45:
0x2e9: {  	p0 =	sne.s32 s30, $0x1FC0;
	v11 =	vld.idx.msk [tilespmem:v9+s11+$0x0 ss:$0x1], $0xffff;
	_ =	sdelay $0x1  }
0x2ea: {  	v12 =	vld.idx.msk [tilespmem:v10+s11+$0x0 ss:$0x1], $0xffff;
	_ =	sdelay $0x2  }
.Ltmp21:
0x2eb: {  	(pc) =	sbr.rel @p0 .LBB2_45-.Ltmp21, $4  }
0x2ec: {  	v13 =	vsub.s32 v11, v2;
	v11 =	vand.u32 $0xFFFFF, v11  }
0x2ed: {  	vm0 =	vlt.u32 v13, $0x100000;
	[tilespmem:s11+$0xC900] =	vst v11  }
0x2ee: {  	v11 =	vnsel vm0, $0x0, v12  }
0x2ef: {  	[tilespmem:s11+$0xD900] =	vst v11;
	s11 =	sshra.s32 s30, $0x2;
	s30 =	sadd.s32 $0x40, s30  }
0x2f0: {  	_ =	sdelay $0x3  }
0x2f1: {  	v9 =	vld.idx.msk [tilespmem:v9+s11+$0x0 ss:$0x1], $0xffff;
	_ =	sdelay $0x1  }
0x2f2: {  	v10 =	vld.idx.msk [tilespmem:v10+s11+$0x0 ss:$0x1], $0xffff  }
0x2f3: {  	s5 =	sadd.s32 $0x1, s5  }
0x2f4: {  	p0 =	sne.s32 s5, $0x4  }
.Ltmp22:
0x2f5: {  	v11 =	vsub.s32 v9, v2;
	(pc) =	sbr.rel @p0 .LBB2_42-.Ltmp22, $4  }
0x2f6: {  	v9 =	vand.u32 $0xFFFFF, v9;
	vm0 =	vlt.u32 v11, $0x100000  }
0x2f7: {  	s6 =	sadd.s32 $0x1000, s6;
	[tilespmem:s11+$0xC900] =	vst v9;
	v9 =	vnsel vm0, $0x0, v10  }
0x2f8: {  	s7 =	sadd.s32 $0x1000, s7;
	s9 =	sadd.s32 $0x1000, s9;
	s10 =	sadd.s32 $0x1000, s10;
	[tilespmem:s11+$0xD900] =	vst v9  }
0x2f9: {  	[spmem:s20] =	stream.indirect.scatter.add.f32 [tilespmem:s1], [sflag:$0x6], $0x1, s31, s15, $0xb8;
	[tilespmem:$0x1F100] =	vst v63  }
0x2fa: {  	s5 =	simm.s32 $0x5  }
0x2fb: {  	_ =	swait.ge [sflag:s5], $0x800  }
0x2fc: {  	[sflag:s5] =	ssyncset.done $0x0  }
0x2fd: {  	s9 =	simm.s32 $0x6;
	[sflag:s5] =	ssyncadd.s32 $0xFFFFF800  }
0x2fe: {  	_ =	swait.ge [sflag:s9], $0x800  }
0x2ff: {  	[sflag:s9] =	ssyncset.done $0x0  }
0x300: {  	[sflag:s9] =	ssyncadd.s32 $0xFFFFF800  }
0x301: {  	[bflag:$0x0] =	sbarrier.arrive $0xFFFF  }
0x302: {  	s6 =	sld [smem:$0x7D6]  }
0x303: {  	s7 =	sld [smem:$0x7D7];
	_ =	sdelay $0x1  }
0x304: {  	s10 =	rddreg [dreg:$0x1d]  }
0x305: {  	[hbm:s10], [sflag:s6] =	dma.local [spmem:s7], $0x800  }
0x306: {  	s5 =	rddreg [dreg:$0x1e]  }
0x307: {  	[hbm:s5], [sflag:s4] =	dma.local [spmem:s8], $0x800  }
0x308: {  	s5 =	rddreg [dreg:$0x1f]  }
0x309: {  	[hbm:s5], [sflag:s23] =	dma.local [spmem:s13], $0x800  }
0x30a: {  	s5 =	sld [smem:$0x7D8];
	_ =	sdelay $0x1  }
0x30b: {  	s11 =	simm.s32 $0x8  }
0x30c: {  	[hbm:s5], [sflag:s14] =	dma.local [spmem:s3], $0x800  }
0x30d: {  	_ =	swait.ge [sflag:s11], $0x800  }
0x30e: {  	s30 =	sld [smem:$0x7FC]  }
0x30f: {  	[sflag:s11] =	ssyncset.done $0x0  }
0x310: {  	s6 =	sld [smem:$0x7EE];
	[sflag:s11] =	ssyncadd.s32 $0xFFFFF800  }
0x311: {  	[spmem:s30] =	stream.linear.scatter [tilespmem:s2], [sflag:$0x7], $0x1000, $0x38;
	[tilespmem:$0x1F100] =	vst v63  }
0x312: {  	s7 =	sld [smem:$0x7EF]  }
0x313: {  	[spmem:s6] =	stream.linear.scatter [tilespmem:s2], [sflag:$0x7], $0x1000, $0x38;
	[tilespmem:$0x1F100] =	vst v63  }
0x314: {  	s9 =	sld [smem:$0x7F0]  }
0x315: {  	[spmem:s7] =	stream.linear.scatter [tilespmem:s2], [sflag:$0x7], $0x1000, $0x38;
	[tilespmem:$0x1F100] =	vst v63  }
0x316: {  	s10 =	simm.s32 $0x9  }
0x317: {  	[spmem:s9] =	stream.linear.scatter [tilespmem:s2], [sflag:$0x7], $0x1000, $0x38;
	[tilespmem:$0x1F100] =	vst v63  }
0x318: {  	_ =	swait.ge [sflag:s10], $0x800  }
0x319: {  	s11 =	sld [smem:$0x7F1]  }
0x31a: {  	[sflag:s10] =	ssyncset.done $0x0  }
0x31b: {  	s30 =	sld [smem:$0x7F2];
	[sflag:s10] =	ssyncadd.s32 $0xFFFFF800  }
0x31c: {  	[spmem:s11] =	stream.linear.scatter [tilespmem:s2], [sflag:$0x7], $0x1000, $0x38;
	[tilespmem:$0x1F100] =	vst v63  }
0x31d: {  	s6 =	sld [smem:$0x7F3]  }
0x31e: {  	[spmem:s30] =	stream.linear.scatter [tilespmem:s2], [sflag:$0x7], $0x1000, $0x38;
	[tilespmem:$0x1F100] =	vst v63  }
0x31f: {  	s7 =	sld [smem:$0x7F4]  }
0x320: {  	[spmem:s6] =	stream.linear.scatter [tilespmem:s2], [sflag:$0x7], $0x1000, $0x38;
	[tilespmem:$0x1F100] =	vst v63  }
0x321: {  	s9 =	simm.s32 $0xA  }
0x322: {  	[spmem:s7] =	stream.linear.scatter [tilespmem:s2], [sflag:$0x7], $0x1000, $0x38;
	[tilespmem:$0x1F100] =	vst v63  }
0x323: {  	_ =	swait.ge [sflag:s9], $0x800  }
0x324: {  	s10 =	sld [smem:$0x7F5]  }
0x325: {  	[sflag:s9] =	ssyncset.done $0x0  }
0x326: {  	s11 =	sld [smem:$0x7F6];
	[sflag:s9] =	ssyncadd.s32 $0xFFFFF800  }
0x327: {  	[spmem:s10] =	stream.linear.scatter [tilespmem:s2], [sflag:$0x7], $0x1000, $0x38;
	[tilespmem:$0x1F100] =	vst v63  }
0x328: {  	s30 =	sld [smem:$0x7F7]  }
0x329: {  	[spmem:s11] =	stream.linear.scatter [tilespmem:s2], [sflag:$0x7], $0x1000, $0x38;
	[tilespmem:$0x1F100] =	vst v63  }
0x32a: {  	s6 =	sld [smem:$0x7F8]  }
0x32b: {  	[spmem:s30] =	stream.linear.scatter [tilespmem:s2], [sflag:$0x7], $0x1000, $0x38;
	[tilespmem:$0x1F100] =	vst v63  }
0x32c: {  	s7 =	simm.s32 $0xB  }
0x32d: {  	[spmem:s6] =	stream.linear.scatter [tilespmem:s2], [sflag:$0x7], $0x1000, $0x38;
	[tilespmem:$0x1F100] =	vst v63  }
0x32e: {  	_ =	swait.ge [sflag:s7], $0x800  }
0x32f: {  	s9 =	sld [smem:$0x7F9]  }
0x330: {  	[sflag:s7] =	ssyncset.done $0x0  }
0x331: {  	s10 =	sld [smem:$0x7FA];
	[sflag:s7] =	ssyncadd.s32 $0xFFFFF800  }
0x332: {  	[spmem:s9] =	stream.linear.scatter [tilespmem:s2], [sflag:$0x7], $0x1000, $0x38;
	[tilespmem:$0x1F100] =	vst v63  }
0x333: {  	s11 =	sld [smem:$0x7FB]  }
0x334: {  	[spmem:s10] =	stream.linear.scatter [tilespmem:s2], [sflag:$0x7], $0x1000, $0x38;
	[tilespmem:$0x1F100] =	vst v63  }
0x335: {  	s30 =	sld [smem:$0x7FD]  }
0x336: {  	[spmem:s11] =	stream.linear.scatter [tilespmem:s2], [sflag:$0x7], $0x1000, $0x38;
	[tilespmem:$0x1F100] =	vst v63  }
0x337: {  	_ = 	snop  }
0x338: {  	[spmem:s30] =	stream.linear.scatter [tilespmem:s2], [sflag:$0x7], $0x1000, $0x38;
	[tilespmem:$0x1F100] =	vst v63  }
0x339: {  	_ =	swait.ge [sflag:s26], $0x1000  }
0x33a: {  	[sflag:s26] =	ssyncset.done $0x0  }
0x33b: {  	[sflag:s26] =	ssyncadd.s32 $0xFFFFF000  }
0x33c: {  	_ =	swait.ge [sflag:s26], $0x1000  }
0x33d: {  	[sflag:s26] =	ssyncset.done $0x0  }
0x33e: {  	[sflag:s26] =	ssyncadd.s32 $0xFFFFF000  }
0x33f: {  	_ =	swait.ge [sflag:s26], $0x1000  }
0x340: {  	[sflag:s26] =	ssyncset.done $0x0  }
0x341: {  	[sflag:s26] =	ssyncadd.s32 $0xFFFFF000  }
0x342: {  	_ =	swait.ge [sflag:s26], $0x1000  }
0x343: {  	[sflag:s26] =	ssyncset.done $0x0  }
0x344: {  	[sflag:s26] =	ssyncadd.s32 $0xFFFFF000  }
0x345: {  	_ =	swait.ge [sflag:s26], $0x1000  }
0x346: {  	[sflag:s26] =	ssyncset.done $0x0  }
0x347: {  	[sflag:s26] =	ssyncadd.s32 $0xFFFFF000  }
0x348: {  	_ =	swait.ge [sflag:s26], $0x1000  }
0x349: {  	[sflag:s26] =	ssyncset.done $0x0  }
0x34a: {  	[sflag:s26] =	ssyncadd.s32 $0xFFFFF000  }
0x34b: {  	_ =	swait.ge [sflag:s26], $0x1000  }
0x34c: {  	[sflag:s26] =	ssyncset.done $0x0  }
0x34d: {  	[sflag:s26] =	ssyncadd.s32 $0xFFFFF000  }
0x34e: {  	_ =	swait.ge [sflag:s26], $0x1000  }
0x34f: {  	[sflag:s26] =	ssyncset.done $0x0  }
0x350: {  	[sflag:s26] =	ssyncadd.s32 $0xFFFFF000  }
0x351: {  	_ =	swait.ge [sflag:s26], $0x1000  }
0x352: {  	[sflag:s26] =	ssyncset.done $0x0  }
0x353: {  	[sflag:s26] =	ssyncadd.s32 $0xFFFFF000  }
0x354: {  	_ =	swait.ge [sflag:s26], $0x1000  }
0x355: {  	[sflag:s26] =	ssyncset.done $0x0  }
0x356: {  	[sflag:s26] =	ssyncadd.s32 $0xFFFFF000  }
0x357: {  	_ =	swait.ge [sflag:s26], $0x1000  }
0x358: {  	[sflag:s26] =	ssyncset.done $0x0  }
0x359: {  	[sflag:s26] =	ssyncadd.s32 $0xFFFFF000  }
0x35a: {  	_ =	swait.ge [sflag:s26], $0x1000  }
0x35b: {  	[sflag:s26] =	ssyncset.done $0x0  }
0x35c: {  	[sflag:s26] =	ssyncadd.s32 $0xFFFFF000  }
0x35d: {  	_ =	swait.ge [sflag:s26], $0x1000  }
0x35e: {  	[sflag:s26] =	ssyncset.done $0x0  }
0x35f: {  	[sflag:s26] =	ssyncadd.s32 $0xFFFFF000  }
0x360: {  	_ =	swait.ge [sflag:s26], $0x1000  }
0x361: {  	[sflag:s26] =	ssyncset.done $0x0  }
0x362: {  	[sflag:s26] =	ssyncadd.s32 $0xFFFFF000  }
0x363: {  	_ =	swait.ge [sflag:s26], $0x1000  }
0x364: {  	[sflag:s26] =	ssyncset.done $0x0  }
0x365: {  	[sflag:s26] =	ssyncadd.s32 $0xFFFFF000  }
0x366: {  	_ =	swait.ge [sflag:s26], $0x1000  }
0x367: {  	s5 =	simm.s32 $0x0;
	[sflag:s26] =	ssyncset.done $0x0  }
0x368: {  	s6 =	simm.s32 $0x8080;
	s7 =	simm.s32 $0x4000;
	[sflag:s26] =	ssyncadd.s32 $0xFFFFF000  }
0x369: {  	s9 =	simm.s32 $0x8880;
	s10 =	simm.s32 $0x4800;
	[bflag:$0x0] =	sbarrier.arrive $0xFFFF  }
.LBB2_48:
0x36a: {  	p0 =	seq.s32 s5, $0x0  }
0x36b: {  	s11 =	simm.s32 @!p0 $0x5  }
0x36c: {  	_ =	swait.ge @!p0 [sflag:s11], $0x800  }
0x36d: {  	v9 =	vmov s7;
	[sflag:s11] =	ssyncset.done @!p0 $0x0  }
0x36e: {  	[sflag:s11] =	ssyncadd.s32 @!p0 $0xFFFFF800;
	s11 =	simm.s32 @!p0 $0x6  }
0x36f: {  	v10 =	vmov s6;
	_ =	swait.ge @!p0 [sflag:s11], $0x800  }
0x370: {  	[sflag:s11] =	ssyncset.done @!p0 $0x0  }
0x371: {  	s30 =	simm.s32 $0x40;
	[sflag:s11] =	ssyncadd.s32 @!p0 $0xFFFFF800;
	s11 =	simm.s32 $0x0  }
.LBB2_49:
0x372: {  	p0 =	sne.s32 s30, $0x1FC0;
	v11 =	vld.idx.msk [tilespmem:v9+s11+$0x0 ss:$0x1], $0xffff;
	_ =	sdelay $0x1  }
0x373: {  	v12 =	vld.idx.msk [tilespmem:v10+s11+$0x0 ss:$0x1], $0xffff;
	_ =	sdelay $0x2  }
.Ltmp23:
0x374: {  	(pc) =	sbr.rel @p0 .LBB2_49-.Ltmp23, $4  }
0x375: {  	v13 =	vsub.s32 v11, v3;
	v11 =	vand.u32 $0xFFFFF, v11  }
0x376: {  	vm0 =	vlt.u32 v13, $0x100000;
	[tilespmem:s11+$0xC100] =	vst v11  }
0x377: {  	v11 =	vnsel vm0, $0x0, v12  }
0x378: {  	[tilespmem:s11+$0xD100] =	vst v11;
	s11 =	sshra.s32 s30, $0x2;
	s30 =	sadd.s32 $0x40, s30  }
0x379: {  	_ =	sdelay $0x3  }
0x37a: {  	v9 =	vld.idx.msk [tilespmem:v9+s11+$0x0 ss:$0x1], $0xffff;
	_ =	sdelay $0x1  }
0x37b: {  	v10 =	vld.idx.msk [tilespmem:v10+s11+$0x0 ss:$0x1], $0xffff;
	_ =	sdelay $0x2  }
0x37c: {  	v11 =	vsub.s32 v9, v3  }
0x37d: {  	v9 =	vand.u32 $0xFFFFF, v9;
	vm0 =	vlt.u32 v11, $0x100000  }
0x37e: {  	[tilespmem:s11+$0xC100] =	vst v9;
	v9 =	vnsel vm0, $0x0, v10  }
0x37f: {  	[tilespmem:s11+$0xD100] =	vst v9;
	v9 =	vmov s10;
	_ =	sdelay $0x1  }
0x380: {  	v10 =	vmov s9  }
0x381: {  	s30 =	simm.s32 $0x40;
	s11 =	simm.s32 $0x0  }
0x382: {  	[spmem:s20] =	stream.indirect.scatter.add.f32 [tilespmem:s29], [sflag:$0x5], $0x1, s28, s15, $0xb8;
	[tilespmem:$0x1F100] =	vst v63  }
.LBB2_51:
0x383: {  	p0 =	sne.s32 s30, $0x1FC0;
	v11 =	vld.idx.msk [tilespmem:v9+s11+$0x0 ss:$0x1], $0xffff;
	_ =	sdelay $0x1  }
0x384: {  	v12 =	vld.idx.msk [tilespmem:v10+s11+$0x0 ss:$0x1], $0xffff;
	_ =	sdelay $0x2  }
.Ltmp24:
0x385: {  	(pc) =	sbr.rel @p0 .LBB2_51-.Ltmp24, $4  }
0x386: {  	v13 =	vsub.s32 v11, v3;
	v11 =	vand.u32 $0xFFFFF, v11  }
0x387: {  	vm0 =	vlt.u32 v13, $0x100000;
	[tilespmem:s11+$0xC900] =	vst v11  }
0x388: {  	v11 =	vnsel vm0, $0x0, v12  }
0x389: {  	[tilespmem:s11+$0xD900] =	vst v11;
	s11 =	sshra.s32 s30, $0x2;
	s30 =	sadd.s32 $0x40, s30  }
0x38a: {  	_ =	sdelay $0x3  }
0x38b: {  	v9 =	vld.idx.msk [tilespmem:v9+s11+$0x0 ss:$0x1], $0xffff;
	_ =	sdelay $0x1  }
0x38c: {  	v10 =	vld.idx.msk [tilespmem:v10+s11+$0x0 ss:$0x1], $0xffff  }
0x38d: {  	s5 =	sadd.s32 $0x1, s5  }
0x38e: {  	p0 =	sne.s32 s5, $0x4  }
.Ltmp25:
0x38f: {  	v11 =	vsub.s32 v9, v3;
	(pc) =	sbr.rel @p0 .LBB2_48-.Ltmp25, $4  }
0x390: {  	v9 =	vand.u32 $0xFFFFF, v9;
	vm0 =	vlt.u32 v11, $0x100000  }
0x391: {  	s6 =	sadd.s32 $0x1000, s6;
	[tilespmem:s11+$0xC900] =	vst v9;
	v9 =	vnsel vm0, $0x0, v10  }
0x392: {  	s7 =	sadd.s32 $0x1000, s7;
	s9 =	sadd.s32 $0x1000, s9;
	s10 =	sadd.s32 $0x1000, s10;
	[tilespmem:s11+$0xD900] =	vst v9  }
0x393: {  	[spmem:s20] =	stream.indirect.scatter.add.f32 [tilespmem:s1], [sflag:$0x6], $0x1, s31, s15, $0xb8;
	[tilespmem:$0x1F100] =	vst v63  }
0x394: {  	s5 =	simm.s32 $0x5  }
0x395: {  	_ =	swait.ge [sflag:s5], $0x800  }
0x396: {  	[sflag:s5] =	ssyncset.done $0x0  }
0x397: {  	s9 =	simm.s32 $0x6;
	[sflag:s5] =	ssyncadd.s32 $0xFFFFF800  }
0x398: {  	_ =	swait.ge [sflag:s9], $0x800  }
0x399: {  	[sflag:s9] =	ssyncset.done $0x0  }
0x39a: {  	[sflag:s9] =	ssyncadd.s32 $0xFFFFF800  }
0x39b: {  	[bflag:$0x0] =	sbarrier.arrive $0xFFFF  }
0x39c: {  	s10 =	sld [smem:$0x7D9]  }
0x39d: {  	s6 =	sld [smem:$0x7D6]  }
0x39e: {  	s7 =	sld [smem:$0x7D7];
	_ =	sdelay $0x2  }
0x39f: {  	[hbm:s10], [sflag:s6] =	dma.local [spmem:s7], $0x800  }
0x3a0: {  	s5 =	sld [smem:$0x7DA];
	_ =	sdelay $0x2  }
0x3a1: {  	[hbm:s5], [sflag:s4] =	dma.local [spmem:s8], $0x800  }
0x3a2: {  	s5 =	sld [smem:$0x7DB];
	_ =	sdelay $0x2  }
0x3a3: {  	[hbm:s5], [sflag:s23] =	dma.local [spmem:s13], $0x800  }
0x3a4: {  	s5 =	sld [smem:$0x7DC];
	_ =	sdelay $0x1  }
0x3a5: {  	s11 =	simm.s32 $0x8  }
0x3a6: {  	[hbm:s5], [sflag:s14] =	dma.local [spmem:s3], $0x800  }
0x3a7: {  	_ =	swait.ge [sflag:s11], $0x800  }
0x3a8: {  	s30 =	sld [smem:$0x7FC]  }
0x3a9: {  	[sflag:s11] =	ssyncset.done $0x0  }
0x3aa: {  	s6 =	sld [smem:$0x7EE];
	[sflag:s11] =	ssyncadd.s32 $0xFFFFF800  }
0x3ab: {  	[spmem:s30] =	stream.linear.scatter [tilespmem:s2], [sflag:$0x7], $0x1000, $0x38;
	[tilespmem:$0x1F100] =	vst v63  }
0x3ac: {  	s7 =	sld [smem:$0x7EF]  }
0x3ad: {  	[spmem:s6] =	stream.linear.scatter [tilespmem:s2], [sflag:$0x7], $0x1000, $0x38;
	[tilespmem:$0x1F100] =	vst v63  }
0x3ae: {  	s9 =	sld [smem:$0x7F0]  }
0x3af: {  	[spmem:s7] =	stream.linear.scatter [tilespmem:s2], [sflag:$0x7], $0x1000, $0x38;
	[tilespmem:$0x1F100] =	vst v63  }
0x3b0: {  	s10 =	simm.s32 $0x9  }
0x3b1: {  	[spmem:s9] =	stream.linear.scatter [tilespmem:s2], [sflag:$0x7], $0x1000, $0x38;
	[tilespmem:$0x1F100] =	vst v63  }
0x3b2: {  	_ =	swait.ge [sflag:s10], $0x800  }
0x3b3: {  	s11 =	sld [smem:$0x7F1]  }
0x3b4: {  	[sflag:s10] =	ssyncset.done $0x0  }
0x3b5: {  	s30 =	sld [smem:$0x7F2];
	[sflag:s10] =	ssyncadd.s32 $0xFFFFF800  }
0x3b6: {  	[spmem:s11] =	stream.linear.scatter [tilespmem:s2], [sflag:$0x7], $0x1000, $0x38;
	[tilespmem:$0x1F100] =	vst v63  }
0x3b7: {  	s6 =	sld [smem:$0x7F3]  }
0x3b8: {  	[spmem:s30] =	stream.linear.scatter [tilespmem:s2], [sflag:$0x7], $0x1000, $0x38;
	[tilespmem:$0x1F100] =	vst v63  }
0x3b9: {  	s7 =	sld [smem:$0x7F4]  }
0x3ba: {  	[spmem:s6] =	stream.linear.scatter [tilespmem:s2], [sflag:$0x7], $0x1000, $0x38;
	[tilespmem:$0x1F100] =	vst v63  }
0x3bb: {  	s9 =	simm.s32 $0xA  }
0x3bc: {  	[spmem:s7] =	stream.linear.scatter [tilespmem:s2], [sflag:$0x7], $0x1000, $0x38;
	[tilespmem:$0x1F100] =	vst v63  }
0x3bd: {  	_ =	swait.ge [sflag:s9], $0x800  }
0x3be: {  	s10 =	sld [smem:$0x7F5]  }
0x3bf: {  	[sflag:s9] =	ssyncset.done $0x0  }
0x3c0: {  	s11 =	sld [smem:$0x7F6];
	[sflag:s9] =	ssyncadd.s32 $0xFFFFF800  }
0x3c1: {  	[spmem:s10] =	stream.linear.scatter [tilespmem:s2], [sflag:$0x7], $0x1000, $0x38;
	[tilespmem:$0x1F100] =	vst v63  }
0x3c2: {  	s30 =	sld [smem:$0x7F7]  }
0x3c3: {  	[spmem:s11] =	stream.linear.scatter [tilespmem:s2], [sflag:$0x7], $0x1000, $0x38;
	[tilespmem:$0x1F100] =	vst v63  }
0x3c4: {  	s6 =	sld [smem:$0x7F8]  }
0x3c5: {  	[spmem:s30] =	stream.linear.scatter [tilespmem:s2], [sflag:$0x7], $0x1000, $0x38;
	[tilespmem:$0x1F100] =	vst v63  }
0x3c6: {  	s7 =	simm.s32 $0xB  }
0x3c7: {  	[spmem:s6] =	stream.linear.scatter [tilespmem:s2], [sflag:$0x7], $0x1000, $0x38;
	[tilespmem:$0x1F100] =	vst v63  }
0x3c8: {  	_ =	swait.ge [sflag:s7], $0x800  }
0x3c9: {  	s9 =	sld [smem:$0x7F9]  }
0x3ca: {  	[sflag:s7] =	ssyncset.done $0x0  }
0x3cb: {  	s10 =	sld [smem:$0x7FA];
	[sflag:s7] =	ssyncadd.s32 $0xFFFFF800  }
0x3cc: {  	[spmem:s9] =	stream.linear.scatter [tilespmem:s2], [sflag:$0x7], $0x1000, $0x38;
	[tilespmem:$0x1F100] =	vst v63  }
0x3cd: {  	s11 =	sld [smem:$0x7FB]  }
0x3ce: {  	[spmem:s10] =	stream.linear.scatter [tilespmem:s2], [sflag:$0x7], $0x1000, $0x38;
	[tilespmem:$0x1F100] =	vst v63  }
0x3cf: {  	s30 =	sld [smem:$0x7FD]  }
0x3d0: {  	[spmem:s11] =	stream.linear.scatter [tilespmem:s2], [sflag:$0x7], $0x1000, $0x38;
	[tilespmem:$0x1F100] =	vst v63  }
0x3d1: {  	_ = 	snop  }
0x3d2: {  	[spmem:s30] =	stream.linear.scatter [tilespmem:s2], [sflag:$0x7], $0x1000, $0x38;
	[tilespmem:$0x1F100] =	vst v63  }
0x3d3: {  	_ =	swait.ge [sflag:s26], $0x1000  }
0x3d4: {  	[sflag:s26] =	ssyncset.done $0x0  }
0x3d5: {  	[sflag:s26] =	ssyncadd.s32 $0xFFFFF000  }
0x3d6: {  	_ =	swait.ge [sflag:s26], $0x1000  }
0x3d7: {  	[sflag:s26] =	ssyncset.done $0x0  }
0x3d8: {  	[sflag:s26] =	ssyncadd.s32 $0xFFFFF000  }
0x3d9: {  	_ =	swait.ge [sflag:s26], $0x1000  }
0x3da: {  	[sflag:s26] =	ssyncset.done $0x0  }
0x3db: {  	[sflag:s26] =	ssyncadd.s32 $0xFFFFF000  }
0x3dc: {  	_ =	swait.ge [sflag:s26], $0x1000  }
0x3dd: {  	[sflag:s26] =	ssyncset.done $0x0  }
0x3de: {  	[sflag:s26] =	ssyncadd.s32 $0xFFFFF000  }
0x3df: {  	_ =	swait.ge [sflag:s26], $0x1000  }
0x3e0: {  	[sflag:s26] =	ssyncset.done $0x0  }
0x3e1: {  	[sflag:s26] =	ssyncadd.s32 $0xFFFFF000  }
0x3e2: {  	_ =	swait.ge [sflag:s26], $0x1000  }
0x3e3: {  	[sflag:s26] =	ssyncset.done $0x0  }
0x3e4: {  	[sflag:s26] =	ssyncadd.s32 $0xFFFFF000  }
0x3e5: {  	_ =	swait.ge [sflag:s26], $0x1000  }
0x3e6: {  	[sflag:s26] =	ssyncset.done $0x0  }
0x3e7: {  	[sflag:s26] =	ssyncadd.s32 $0xFFFFF000  }
0x3e8: {  	_ =	swait.ge [sflag:s26], $0x1000  }
0x3e9: {  	[sflag:s26] =	ssyncset.done $0x0  }
0x3ea: {  	[sflag:s26] =	ssyncadd.s32 $0xFFFFF000  }
0x3eb: {  	_ =	swait.ge [sflag:s26], $0x1000  }
0x3ec: {  	[sflag:s26] =	ssyncset.done $0x0  }
0x3ed: {  	[sflag:s26] =	ssyncadd.s32 $0xFFFFF000  }
0x3ee: {  	_ =	swait.ge [sflag:s26], $0x1000  }
0x3ef: {  	[sflag:s26] =	ssyncset.done $0x0  }
0x3f0: {  	[sflag:s26] =	ssyncadd.s32 $0xFFFFF000  }
0x3f1: {  	_ =	swait.ge [sflag:s26], $0x1000  }
0x3f2: {  	[sflag:s26] =	ssyncset.done $0x0  }
0x3f3: {  	[sflag:s26] =	ssyncadd.s32 $0xFFFFF000  }
0x3f4: {  	_ =	swait.ge [sflag:s26], $0x1000  }
0x3f5: {  	[sflag:s26] =	ssyncset.done $0x0  }
0x3f6: {  	[sflag:s26] =	ssyncadd.s32 $0xFFFFF000  }
0x3f7: {  	_ =	swait.ge [sflag:s26], $0x1000  }
0x3f8: {  	[sflag:s26] =	ssyncset.done $0x0  }
0x3f9: {  	[sflag:s26] =	ssyncadd.s32 $0xFFFFF000  }
0x3fa: {  	_ =	swait.ge [sflag:s26], $0x1000  }
0x3fb: {  	[sflag:s26] =	ssyncset.done $0x0  }
0x3fc: {  	[sflag:s26] =	ssyncadd.s32 $0xFFFFF000  }
0x3fd: {  	_ =	swait.ge [sflag:s26], $0x1000  }
0x3fe: {  	[sflag:s26] =	ssyncset.done $0x0  }
0x3ff: {  	[sflag:s26] =	ssyncadd.s32 $0xFFFFF000  }
0x400: {  	_ =	swait.ge [sflag:s26], $0x1000  }
0x401: {  	s5 =	simm.s32 $0x0;
	[sflag:s26] =	ssyncset.done $0x0  }
0x402: {  	s6 =	simm.s32 $0x8080;
	s7 =	simm.s32 $0x4000;
	[sflag:s26] =	ssyncadd.s32 $0xFFFFF000  }
0x403: {  	s9 =	simm.s32 $0x8880;
	s10 =	simm.s32 $0x4800;
	[bflag:$0x0] =	sbarrier.arrive $0xFFFF  }
.LBB2_54:
0x404: {  	p0 =	seq.s32 s5, $0x0  }
0x405: {  	s11 =	simm.s32 @!p0 $0x5  }
0x406: {  	_ =	swait.ge @!p0 [sflag:s11], $0x800  }
0x407: {  	v9 =	vmov s7;
	[sflag:s11] =	ssyncset.done @!p0 $0x0  }
0x408: {  	[sflag:s11] =	ssyncadd.s32 @!p0 $0xFFFFF800;
	s11 =	simm.s32 @!p0 $0x6  }
0x409: {  	v10 =	vmov s6;
	_ =	swait.ge @!p0 [sflag:s11], $0x800  }
0x40a: {  	[sflag:s11] =	ssyncset.done @!p0 $0x0  }
0x40b: {  	s30 =	simm.s32 $0x40;
	[sflag:s11] =	ssyncadd.s32 @!p0 $0xFFFFF800;
	s11 =	simm.s32 $0x0  }
.LBB2_55:
0x40c: {  	p0 =	sne.s32 s30, $0x1FC0;
	v11 =	vld.idx.msk [tilespmem:v9+s11+$0x0 ss:$0x1], $0xffff;
	_ =	sdelay $0x1  }
0x40d: {  	v12 =	vld.idx.msk [tilespmem:v10+s11+$0x0 ss:$0x1], $0xffff;
	_ =	sdelay $0x2  }
.Ltmp26:
0x40e: {  	(pc) =	sbr.rel @p0 .LBB2_55-.Ltmp26, $4  }
0x40f: {  	v13 =	vsub.s32 v11, v4;
	v11 =	vand.u32 $0xFFFFF, v11  }
0x410: {  	vm0 =	vlt.u32 v13, $0x100000;
	[tilespmem:s11+$0xC100] =	vst v11  }
0x411: {  	v11 =	vnsel vm0, $0x0, v12  }
0x412: {  	[tilespmem:s11+$0xD100] =	vst v11;
	s11 =	sshra.s32 s30, $0x2;
	s30 =	sadd.s32 $0x40, s30  }
0x413: {  	_ =	sdelay $0x3  }
0x414: {  	v9 =	vld.idx.msk [tilespmem:v9+s11+$0x0 ss:$0x1], $0xffff;
	_ =	sdelay $0x1  }
0x415: {  	v10 =	vld.idx.msk [tilespmem:v10+s11+$0x0 ss:$0x1], $0xffff;
	_ =	sdelay $0x2  }
0x416: {  	v11 =	vsub.s32 v9, v4  }
0x417: {  	v9 =	vand.u32 $0xFFFFF, v9;
	vm0 =	vlt.u32 v11, $0x100000  }
0x418: {  	[tilespmem:s11+$0xC100] =	vst v9;
	v9 =	vnsel vm0, $0x0, v10  }
0x419: {  	[tilespmem:s11+$0xD100] =	vst v9;
	v9 =	vmov s10;
	_ =	sdelay $0x1  }
0x41a: {  	v10 =	vmov s9  }
0x41b: {  	s30 =	simm.s32 $0x40;
	s11 =	simm.s32 $0x0  }
0x41c: {  	[spmem:s20] =	stream.indirect.scatter.add.f32 [tilespmem:s29], [sflag:$0x5], $0x1, s28, s15, $0xb8;
	[tilespmem:$0x1F100] =	vst v63  }
.LBB2_57:
0x41d: {  	p0 =	sne.s32 s30, $0x1FC0;
	v11 =	vld.idx.msk [tilespmem:v9+s11+$0x0 ss:$0x1], $0xffff;
	_ =	sdelay $0x1  }
0x41e: {  	v12 =	vld.idx.msk [tilespmem:v10+s11+$0x0 ss:$0x1], $0xffff;
	_ =	sdelay $0x2  }
.Ltmp27:
0x41f: {  	(pc) =	sbr.rel @p0 .LBB2_57-.Ltmp27, $4  }
0x420: {  	v13 =	vsub.s32 v11, v4;
	v11 =	vand.u32 $0xFFFFF, v11  }
0x421: {  	vm0 =	vlt.u32 v13, $0x100000;
	[tilespmem:s11+$0xC900] =	vst v11  }
0x422: {  	v11 =	vnsel vm0, $0x0, v12  }
0x423: {  	[tilespmem:s11+$0xD900] =	vst v11;
	s11 =	sshra.s32 s30, $0x2;
	s30 =	sadd.s32 $0x40, s30  }
0x424: {  	_ =	sdelay $0x3  }
0x425: {  	v9 =	vld.idx.msk [tilespmem:v9+s11+$0x0 ss:$0x1], $0xffff;
	_ =	sdelay $0x1  }
0x426: {  	v10 =	vld.idx.msk [tilespmem:v10+s11+$0x0 ss:$0x1], $0xffff  }
0x427: {  	s5 =	sadd.s32 $0x1, s5  }
0x428: {  	p0 =	sne.s32 s5, $0x4  }
.Ltmp28:
0x429: {  	v11 =	vsub.s32 v9, v4;
	(pc) =	sbr.rel @p0 .LBB2_54-.Ltmp28, $4  }
0x42a: {  	v9 =	vand.u32 $0xFFFFF, v9;
	vm0 =	vlt.u32 v11, $0x100000  }
0x42b: {  	s6 =	sadd.s32 $0x1000, s6;
	[tilespmem:s11+$0xC900] =	vst v9;
	v9 =	vnsel vm0, $0x0, v10  }
0x42c: {  	s7 =	sadd.s32 $0x1000, s7;
	s9 =	sadd.s32 $0x1000, s9;
	s10 =	sadd.s32 $0x1000, s10;
	[tilespmem:s11+$0xD900] =	vst v9  }
0x42d: {  	[spmem:s20] =	stream.indirect.scatter.add.f32 [tilespmem:s1], [sflag:$0x6], $0x1, s31, s15, $0xb8;
	[tilespmem:$0x1F100] =	vst v63  }
0x42e: {  	s5 =	simm.s32 $0x5  }
0x42f: {  	_ =	swait.ge [sflag:s5], $0x800  }
0x430: {  	[sflag:s5] =	ssyncset.done $0x0  }
0x431: {  	s9 =	simm.s32 $0x6;
	[sflag:s5] =	ssyncadd.s32 $0xFFFFF800  }
0x432: {  	_ =	swait.ge [sflag:s9], $0x800  }
0x433: {  	[sflag:s9] =	ssyncset.done $0x0  }
0x434: {  	[sflag:s9] =	ssyncadd.s32 $0xFFFFF800  }
0x435: {  	[bflag:$0x0] =	sbarrier.arrive $0xFFFF  }
0x436: {  	s10 =	sld [smem:$0x7DD]  }
0x437: {  	s6 =	sld [smem:$0x7D6]  }
0x438: {  	s7 =	sld [smem:$0x7D7];
	_ =	sdelay $0x2  }
0x439: {  	[hbm:s10], [sflag:s6] =	dma.local [spmem:s7], $0x800  }
0x43a: {  	s5 =	sld [smem:$0x7DE];
	_ =	sdelay $0x2  }
0x43b: {  	[hbm:s5], [sflag:s4] =	dma.local [spmem:s8], $0x800  }
0x43c: {  	s5 =	sld [smem:$0x7DF];
	_ =	sdelay $0x2  }
0x43d: {  	[hbm:s5], [sflag:s23] =	dma.local [spmem:s13], $0x800  }
0x43e: {  	s5 =	sld [smem:$0x7E0];
	_ =	sdelay $0x1  }
0x43f: {  	s11 =	simm.s32 $0x8  }
0x440: {  	[hbm:s5], [sflag:s14] =	dma.local [spmem:s3], $0x800  }
0x441: {  	_ =	swait.ge [sflag:s11], $0x800  }
0x442: {  	s30 =	sld [smem:$0x7FC]  }
0x443: {  	[sflag:s11] =	ssyncset.done $0x0  }
0x444: {  	s6 =	sld [smem:$0x7EE];
	[sflag:s11] =	ssyncadd.s32 $0xFFFFF800  }
0x445: {  	[spmem:s30] =	stream.linear.scatter [tilespmem:s2], [sflag:$0x7], $0x1000, $0x38;
	[tilespmem:$0x1F100] =	vst v63  }
0x446: {  	s7 =	sld [smem:$0x7EF]  }
0x447: {  	[spmem:s6] =	stream.linear.scatter [tilespmem:s2], [sflag:$0x7], $0x1000, $0x38;
	[tilespmem:$0x1F100] =	vst v63  }
0x448: {  	s9 =	sld [smem:$0x7F0]  }
0x449: {  	[spmem:s7] =	stream.linear.scatter [tilespmem:s2], [sflag:$0x7], $0x1000, $0x38;
	[tilespmem:$0x1F100] =	vst v63  }
0x44a: {  	s10 =	simm.s32 $0x9  }
0x44b: {  	[spmem:s9] =	stream.linear.scatter [tilespmem:s2], [sflag:$0x7], $0x1000, $0x38;
	[tilespmem:$0x1F100] =	vst v63  }
0x44c: {  	_ =	swait.ge [sflag:s10], $0x800  }
0x44d: {  	s11 =	sld [smem:$0x7F1]  }
0x44e: {  	[sflag:s10] =	ssyncset.done $0x0  }
0x44f: {  	s30 =	sld [smem:$0x7F2];
	[sflag:s10] =	ssyncadd.s32 $0xFFFFF800  }
0x450: {  	[spmem:s11] =	stream.linear.scatter [tilespmem:s2], [sflag:$0x7], $0x1000, $0x38;
	[tilespmem:$0x1F100] =	vst v63  }
0x451: {  	s6 =	sld [smem:$0x7F3]  }
0x452: {  	[spmem:s30] =	stream.linear.scatter [tilespmem:s2], [sflag:$0x7], $0x1000, $0x38;
	[tilespmem:$0x1F100] =	vst v63  }
0x453: {  	s7 =	sld [smem:$0x7F4]  }
0x454: {  	[spmem:s6] =	stream.linear.scatter [tilespmem:s2], [sflag:$0x7], $0x1000, $0x38;
	[tilespmem:$0x1F100] =	vst v63  }
0x455: {  	s9 =	simm.s32 $0xA  }
0x456: {  	[spmem:s7] =	stream.linear.scatter [tilespmem:s2], [sflag:$0x7], $0x1000, $0x38;
	[tilespmem:$0x1F100] =	vst v63  }
0x457: {  	_ =	swait.ge [sflag:s9], $0x800  }
0x458: {  	s10 =	sld [smem:$0x7F5]  }
0x459: {  	[sflag:s9] =	ssyncset.done $0x0  }
0x45a: {  	s11 =	sld [smem:$0x7F6];
	[sflag:s9] =	ssyncadd.s32 $0xFFFFF800  }
0x45b: {  	[spmem:s10] =	stream.linear.scatter [tilespmem:s2], [sflag:$0x7], $0x1000, $0x38;
	[tilespmem:$0x1F100] =	vst v63  }
0x45c: {  	s30 =	sld [smem:$0x7F7]  }
0x45d: {  	[spmem:s11] =	stream.linear.scatter [tilespmem:s2], [sflag:$0x7], $0x1000, $0x38;
	[tilespmem:$0x1F100] =	vst v63  }
0x45e: {  	s6 =	sld [smem:$0x7F8]  }
0x45f: {  	[spmem:s30] =	stream.linear.scatter [tilespmem:s2], [sflag:$0x7], $0x1000, $0x38;
	[tilespmem:$0x1F100] =	vst v63  }
0x460: {  	s7 =	simm.s32 $0xB  }
0x461: {  	[spmem:s6] =	stream.linear.scatter [tilespmem:s2], [sflag:$0x7], $0x1000, $0x38;
	[tilespmem:$0x1F100] =	vst v63  }
0x462: {  	_ =	swait.ge [sflag:s7], $0x800  }
0x463: {  	s9 =	sld [smem:$0x7F9]  }
0x464: {  	[sflag:s7] =	ssyncset.done $0x0  }
0x465: {  	s10 =	sld [smem:$0x7FA];
	[sflag:s7] =	ssyncadd.s32 $0xFFFFF800  }
0x466: {  	[spmem:s9] =	stream.linear.scatter [tilespmem:s2], [sflag:$0x7], $0x1000, $0x38;
	[tilespmem:$0x1F100] =	vst v63  }
0x467: {  	s11 =	sld [smem:$0x7FB]  }
0x468: {  	[spmem:s10] =	stream.linear.scatter [tilespmem:s2], [sflag:$0x7], $0x1000, $0x38;
	[tilespmem:$0x1F100] =	vst v63  }
0x469: {  	s30 =	sld [smem:$0x7FD]  }
0x46a: {  	[spmem:s11] =	stream.linear.scatter [tilespmem:s2], [sflag:$0x7], $0x1000, $0x38;
	[tilespmem:$0x1F100] =	vst v63  }
0x46b: {  	_ = 	snop  }
0x46c: {  	[spmem:s30] =	stream.linear.scatter [tilespmem:s2], [sflag:$0x7], $0x1000, $0x38;
	[tilespmem:$0x1F100] =	vst v63  }
0x46d: {  	_ =	swait.ge [sflag:s26], $0x1000  }
0x46e: {  	[sflag:s26] =	ssyncset.done $0x0  }
0x46f: {  	[sflag:s26] =	ssyncadd.s32 $0xFFFFF000  }
0x470: {  	_ =	swait.ge [sflag:s26], $0x1000  }
0x471: {  	[sflag:s26] =	ssyncset.done $0x0  }
0x472: {  	[sflag:s26] =	ssyncadd.s32 $0xFFFFF000  }
0x473: {  	_ =	swait.ge [sflag:s26], $0x1000  }
0x474: {  	[sflag:s26] =	ssyncset.done $0x0  }
0x475: {  	[sflag:s26] =	ssyncadd.s32 $0xFFFFF000  }
0x476: {  	_ =	swait.ge [sflag:s26], $0x1000  }
0x477: {  	[sflag:s26] =	ssyncset.done $0x0  }
0x478: {  	[sflag:s26] =	ssyncadd.s32 $0xFFFFF000  }
0x479: {  	_ =	swait.ge [sflag:s26], $0x1000  }
0x47a: {  	[sflag:s26] =	ssyncset.done $0x0  }
0x47b: {  	[sflag:s26] =	ssyncadd.s32 $0xFFFFF000  }
0x47c: {  	_ =	swait.ge [sflag:s26], $0x1000  }
0x47d: {  	[sflag:s26] =	ssyncset.done $0x0  }
0x47e: {  	[sflag:s26] =	ssyncadd.s32 $0xFFFFF000  }
0x47f: {  	_ =	swait.ge [sflag:s26], $0x1000  }
0x480: {  	[sflag:s26] =	ssyncset.done $0x0  }
0x481: {  	[sflag:s26] =	ssyncadd.s32 $0xFFFFF000  }
0x482: {  	_ =	swait.ge [sflag:s26], $0x1000  }
0x483: {  	[sflag:s26] =	ssyncset.done $0x0  }
0x484: {  	[sflag:s26] =	ssyncadd.s32 $0xFFFFF000  }
0x485: {  	_ =	swait.ge [sflag:s26], $0x1000  }
0x486: {  	[sflag:s26] =	ssyncset.done $0x0  }
0x487: {  	[sflag:s26] =	ssyncadd.s32 $0xFFFFF000  }
0x488: {  	_ =	swait.ge [sflag:s26], $0x1000  }
0x489: {  	[sflag:s26] =	ssyncset.done $0x0  }
0x48a: {  	[sflag:s26] =	ssyncadd.s32 $0xFFFFF000  }
0x48b: {  	_ =	swait.ge [sflag:s26], $0x1000  }
0x48c: {  	[sflag:s26] =	ssyncset.done $0x0  }
0x48d: {  	[sflag:s26] =	ssyncadd.s32 $0xFFFFF000  }
0x48e: {  	_ =	swait.ge [sflag:s26], $0x1000  }
0x48f: {  	[sflag:s26] =	ssyncset.done $0x0  }
0x490: {  	[sflag:s26] =	ssyncadd.s32 $0xFFFFF000  }
0x491: {  	_ =	swait.ge [sflag:s26], $0x1000  }
0x492: {  	[sflag:s26] =	ssyncset.done $0x0  }
0x493: {  	[sflag:s26] =	ssyncadd.s32 $0xFFFFF000  }
0x494: {  	_ =	swait.ge [sflag:s26], $0x1000  }
0x495: {  	[sflag:s26] =	ssyncset.done $0x0  }
0x496: {  	[sflag:s26] =	ssyncadd.s32 $0xFFFFF000  }
0x497: {  	_ =	swait.ge [sflag:s26], $0x1000  }
0x498: {  	[sflag:s26] =	ssyncset.done $0x0  }
0x499: {  	[sflag:s26] =	ssyncadd.s32 $0xFFFFF000  }
0x49a: {  	_ =	swait.ge [sflag:s26], $0x1000  }
0x49b: {  	s5 =	simm.s32 $0x0;
	[sflag:s26] =	ssyncset.done $0x0  }
0x49c: {  	s6 =	simm.s32 $0x8080;
	s7 =	simm.s32 $0x4000;
	[sflag:s26] =	ssyncadd.s32 $0xFFFFF000  }
0x49d: {  	s9 =	simm.s32 $0x8880;
	s10 =	simm.s32 $0x4800;
	[bflag:$0x0] =	sbarrier.arrive $0xFFFF  }
.LBB2_60:
0x49e: {  	p0 =	seq.s32 s5, $0x0  }
0x49f: {  	s11 =	simm.s32 @!p0 $0x5  }
0x4a0: {  	_ =	swait.ge @!p0 [sflag:s11], $0x800  }
0x4a1: {  	v9 =	vmov s7;
	[sflag:s11] =	ssyncset.done @!p0 $0x0  }
0x4a2: {  	[sflag:s11] =	ssyncadd.s32 @!p0 $0xFFFFF800;
	s11 =	simm.s32 @!p0 $0x6  }
0x4a3: {  	v10 =	vmov s6;
	_ =	swait.ge @!p0 [sflag:s11], $0x800  }
0x4a4: {  	[sflag:s11] =	ssyncset.done @!p0 $0x0  }
0x4a5: {  	s30 =	simm.s32 $0x40;
	[sflag:s11] =	ssyncadd.s32 @!p0 $0xFFFFF800;
	s11 =	simm.s32 $0x0  }
.LBB2_61:
0x4a6: {  	p0 =	sne.s32 s30, $0x1FC0;
	v11 =	vld.idx.msk [tilespmem:v9+s11+$0x0 ss:$0x1], $0xffff;
	_ =	sdelay $0x1  }
0x4a7: {  	v12 =	vld.idx.msk [tilespmem:v10+s11+$0x0 ss:$0x1], $0xffff;
	_ =	sdelay $0x2  }
.Ltmp29:
0x4a8: {  	(pc) =	sbr.rel @p0 .LBB2_61-.Ltmp29, $4  }
0x4a9: {  	v13 =	vsub.s32 v11, v5;
	v11 =	vand.u32 $0xFFFFF, v11  }
0x4aa: {  	vm0 =	vlt.u32 v13, $0x100000;
	[tilespmem:s11+$0xC100] =	vst v11  }
0x4ab: {  	v11 =	vnsel vm0, $0x0, v12  }
0x4ac: {  	[tilespmem:s11+$0xD100] =	vst v11;
	s11 =	sshra.s32 s30, $0x2;
	s30 =	sadd.s32 $0x40, s30  }
0x4ad: {  	_ =	sdelay $0x3  }
0x4ae: {  	v9 =	vld.idx.msk [tilespmem:v9+s11+$0x0 ss:$0x1], $0xffff;
	_ =	sdelay $0x1  }
0x4af: {  	v10 =	vld.idx.msk [tilespmem:v10+s11+$0x0 ss:$0x1], $0xffff;
	_ =	sdelay $0x2  }
0x4b0: {  	v11 =	vsub.s32 v9, v5  }
0x4b1: {  	v9 =	vand.u32 $0xFFFFF, v9;
	vm0 =	vlt.u32 v11, $0x100000  }
0x4b2: {  	[tilespmem:s11+$0xC100] =	vst v9;
	v9 =	vnsel vm0, $0x0, v10  }
0x4b3: {  	[tilespmem:s11+$0xD100] =	vst v9;
	v9 =	vmov s10;
	_ =	sdelay $0x1  }
0x4b4: {  	v10 =	vmov s9  }
0x4b5: {  	s30 =	simm.s32 $0x40;
	s11 =	simm.s32 $0x0  }
0x4b6: {  	[spmem:s20] =	stream.indirect.scatter.add.f32 [tilespmem:s29], [sflag:$0x5], $0x1, s28, s15, $0xb8;
	[tilespmem:$0x1F100] =	vst v63  }
.LBB2_63:
0x4b7: {  	p0 =	sne.s32 s30, $0x1FC0;
	v11 =	vld.idx.msk [tilespmem:v9+s11+$0x0 ss:$0x1], $0xffff;
	_ =	sdelay $0x1  }
0x4b8: {  	v12 =	vld.idx.msk [tilespmem:v10+s11+$0x0 ss:$0x1], $0xffff;
	_ =	sdelay $0x2  }
.Ltmp30:
0x4b9: {  	(pc) =	sbr.rel @p0 .LBB2_63-.Ltmp30, $4  }
0x4ba: {  	v13 =	vsub.s32 v11, v5;
	v11 =	vand.u32 $0xFFFFF, v11  }
0x4bb: {  	vm0 =	vlt.u32 v13, $0x100000;
	[tilespmem:s11+$0xC900] =	vst v11  }
0x4bc: {  	v11 =	vnsel vm0, $0x0, v12  }
0x4bd: {  	[tilespmem:s11+$0xD900] =	vst v11;
	s11 =	sshra.s32 s30, $0x2;
	s30 =	sadd.s32 $0x40, s30  }
0x4be: {  	_ =	sdelay $0x3  }
0x4bf: {  	v9 =	vld.idx.msk [tilespmem:v9+s11+$0x0 ss:$0x1], $0xffff;
	_ =	sdelay $0x1  }
0x4c0: {  	v10 =	vld.idx.msk [tilespmem:v10+s11+$0x0 ss:$0x1], $0xffff  }
0x4c1: {  	s5 =	sadd.s32 $0x1, s5  }
0x4c2: {  	p0 =	sne.s32 s5, $0x4  }
.Ltmp31:
0x4c3: {  	v11 =	vsub.s32 v9, v5;
	(pc) =	sbr.rel @p0 .LBB2_60-.Ltmp31, $4  }
0x4c4: {  	v9 =	vand.u32 $0xFFFFF, v9;
	vm0 =	vlt.u32 v11, $0x100000  }
0x4c5: {  	s6 =	sadd.s32 $0x1000, s6;
	[tilespmem:s11+$0xC900] =	vst v9;
	v9 =	vnsel vm0, $0x0, v10  }
0x4c6: {  	s7 =	sadd.s32 $0x1000, s7;
	s9 =	sadd.s32 $0x1000, s9;
	s10 =	sadd.s32 $0x1000, s10;
	[tilespmem:s11+$0xD900] =	vst v9  }
0x4c7: {  	[spmem:s20] =	stream.indirect.scatter.add.f32 [tilespmem:s1], [sflag:$0x6], $0x1, s31, s15, $0xb8;
	[tilespmem:$0x1F100] =	vst v63  }
0x4c8: {  	s5 =	simm.s32 $0x5  }
0x4c9: {  	_ =	swait.ge [sflag:s5], $0x800  }
0x4ca: {  	[sflag:s5] =	ssyncset.done $0x0  }
0x4cb: {  	s9 =	simm.s32 $0x6;
	[sflag:s5] =	ssyncadd.s32 $0xFFFFF800  }
0x4cc: {  	_ =	swait.ge [sflag:s9], $0x800  }
0x4cd: {  	[sflag:s9] =	ssyncset.done $0x0  }
0x4ce: {  	[sflag:s9] =	ssyncadd.s32 $0xFFFFF800  }
0x4cf: {  	[bflag:$0x0] =	sbarrier.arrive $0xFFFF  }
0x4d0: {  	s10 =	sld [smem:$0x7E1]  }
0x4d1: {  	s6 =	sld [smem:$0x7D6]  }
0x4d2: {  	s7 =	sld [smem:$0x7D7];
	_ =	sdelay $0x2  }
0x4d3: {  	[hbm:s10], [sflag:s6] =	dma.local [spmem:s7], $0x800  }
0x4d4: {  	s5 =	sld [smem:$0x7E2];
	_ =	sdelay $0x2  }
0x4d5: {  	[hbm:s5], [sflag:s4] =	dma.local [spmem:s8], $0x800  }
0x4d6: {  	s5 =	sld [smem:$0x7E3];
	_ =	sdelay $0x2  }
0x4d7: {  	[hbm:s5], [sflag:s23] =	dma.local [spmem:s13], $0x800  }
0x4d8: {  	s5 =	sld [smem:$0x7E4];
	_ =	sdelay $0x1  }
0x4d9: {  	s11 =	simm.s32 $0x8  }
0x4da: {  	[hbm:s5], [sflag:s14] =	dma.local [spmem:s3], $0x800  }
0x4db: {  	_ =	swait.ge [sflag:s11], $0x800  }
0x4dc: {  	s30 =	sld [smem:$0x7FC]  }
0x4dd: {  	[sflag:s11] =	ssyncset.done $0x0  }
0x4de: {  	s6 =	sld [smem:$0x7EE];
	[sflag:s11] =	ssyncadd.s32 $0xFFFFF800  }
0x4df: {  	[spmem:s30] =	stream.linear.scatter [tilespmem:s2], [sflag:$0x7], $0x1000, $0x38;
	[tilespmem:$0x1F100] =	vst v63  }
0x4e0: {  	s7 =	sld [smem:$0x7EF]  }
0x4e1: {  	[spmem:s6] =	stream.linear.scatter [tilespmem:s2], [sflag:$0x7], $0x1000, $0x38;
	[tilespmem:$0x1F100] =	vst v63  }
0x4e2: {  	s9 =	sld [smem:$0x7F0]  }
0x4e3: {  	[spmem:s7] =	stream.linear.scatter [tilespmem:s2], [sflag:$0x7], $0x1000, $0x38;
	[tilespmem:$0x1F100] =	vst v63  }
0x4e4: {  	s10 =	simm.s32 $0x9  }
0x4e5: {  	[spmem:s9] =	stream.linear.scatter [tilespmem:s2], [sflag:$0x7], $0x1000, $0x38;
	[tilespmem:$0x1F100] =	vst v63  }
0x4e6: {  	_ =	swait.ge [sflag:s10], $0x800  }
0x4e7: {  	s11 =	sld [smem:$0x7F1]  }
0x4e8: {  	[sflag:s10] =	ssyncset.done $0x0  }
0x4e9: {  	s30 =	sld [smem:$0x7F2];
	[sflag:s10] =	ssyncadd.s32 $0xFFFFF800  }
0x4ea: {  	[spmem:s11] =	stream.linear.scatter [tilespmem:s2], [sflag:$0x7], $0x1000, $0x38;
	[tilespmem:$0x1F100] =	vst v63  }
0x4eb: {  	s6 =	sld [smem:$0x7F3]  }
0x4ec: {  	[spmem:s30] =	stream.linear.scatter [tilespmem:s2], [sflag:$0x7], $0x1000, $0x38;
	[tilespmem:$0x1F100] =	vst v63  }
0x4ed: {  	s7 =	sld [smem:$0x7F4]  }
0x4ee: {  	[spmem:s6] =	stream.linear.scatter [tilespmem:s2], [sflag:$0x7], $0x1000, $0x38;
	[tilespmem:$0x1F100] =	vst v63  }
0x4ef: {  	s9 =	simm.s32 $0xA  }
0x4f0: {  	[spmem:s7] =	stream.linear.scatter [tilespmem:s2], [sflag:$0x7], $0x1000, $0x38;
	[tilespmem:$0x1F100] =	vst v63  }
0x4f1: {  	_ =	swait.ge [sflag:s9], $0x800  }
0x4f2: {  	s10 =	sld [smem:$0x7F5]  }
0x4f3: {  	[sflag:s9] =	ssyncset.done $0x0  }
0x4f4: {  	s11 =	sld [smem:$0x7F6];
	[sflag:s9] =	ssyncadd.s32 $0xFFFFF800  }
0x4f5: {  	[spmem:s10] =	stream.linear.scatter [tilespmem:s2], [sflag:$0x7], $0x1000, $0x38;
	[tilespmem:$0x1F100] =	vst v63  }
0x4f6: {  	s30 =	sld [smem:$0x7F7]  }
0x4f7: {  	[spmem:s11] =	stream.linear.scatter [tilespmem:s2], [sflag:$0x7], $0x1000, $0x38;
	[tilespmem:$0x1F100] =	vst v63  }
0x4f8: {  	s6 =	sld [smem:$0x7F8]  }
0x4f9: {  	[spmem:s30] =	stream.linear.scatter [tilespmem:s2], [sflag:$0x7], $0x1000, $0x38;
	[tilespmem:$0x1F100] =	vst v63  }
0x4fa: {  	s7 =	simm.s32 $0xB  }
0x4fb: {  	[spmem:s6] =	stream.linear.scatter [tilespmem:s2], [sflag:$0x7], $0x1000, $0x38;
	[tilespmem:$0x1F100] =	vst v63  }
0x4fc: {  	_ =	swait.ge [sflag:s7], $0x800  }
0x4fd: {  	s9 =	sld [smem:$0x7F9]  }
0x4fe: {  	[sflag:s7] =	ssyncset.done $0x0  }
0x4ff: {  	s10 =	sld [smem:$0x7FA];
	[sflag:s7] =	ssyncadd.s32 $0xFFFFF800  }
0x500: {  	[spmem:s9] =	stream.linear.scatter [tilespmem:s2], [sflag:$0x7], $0x1000, $0x38;
	[tilespmem:$0x1F100] =	vst v63  }
0x501: {  	s11 =	sld [smem:$0x7FB]  }
0x502: {  	[spmem:s10] =	stream.linear.scatter [tilespmem:s2], [sflag:$0x7], $0x1000, $0x38;
	[tilespmem:$0x1F100] =	vst v63  }
0x503: {  	s30 =	sld [smem:$0x7FD]  }
0x504: {  	[spmem:s11] =	stream.linear.scatter [tilespmem:s2], [sflag:$0x7], $0x1000, $0x38;
	[tilespmem:$0x1F100] =	vst v63  }
0x505: {  	_ = 	snop  }
0x506: {  	[spmem:s30] =	stream.linear.scatter [tilespmem:s2], [sflag:$0x7], $0x1000, $0x38;
	[tilespmem:$0x1F100] =	vst v63  }
0x507: {  	_ =	swait.ge [sflag:s26], $0x1000  }
0x508: {  	[sflag:s26] =	ssyncset.done $0x0  }
0x509: {  	[sflag:s26] =	ssyncadd.s32 $0xFFFFF000  }
0x50a: {  	_ =	swait.ge [sflag:s26], $0x1000  }
0x50b: {  	[sflag:s26] =	ssyncset.done $0x0  }
0x50c: {  	[sflag:s26] =	ssyncadd.s32 $0xFFFFF000  }
0x50d: {  	_ =	swait.ge [sflag:s26], $0x1000  }
0x50e: {  	[sflag:s26] =	ssyncset.done $0x0  }
0x50f: {  	[sflag:s26] =	ssyncadd.s32 $0xFFFFF000  }
0x510: {  	_ =	swait.ge [sflag:s26], $0x1000  }
0x511: {  	[sflag:s26] =	ssyncset.done $0x0  }
0x512: {  	[sflag:s26] =	ssyncadd.s32 $0xFFFFF000  }
0x513: {  	_ =	swait.ge [sflag:s26], $0x1000  }
0x514: {  	[sflag:s26] =	ssyncset.done $0x0  }
0x515: {  	[sflag:s26] =	ssyncadd.s32 $0xFFFFF000  }
0x516: {  	_ =	swait.ge [sflag:s26], $0x1000  }
0x517: {  	[sflag:s26] =	ssyncset.done $0x0  }
0x518: {  	[sflag:s26] =	ssyncadd.s32 $0xFFFFF000  }
0x519: {  	_ =	swait.ge [sflag:s26], $0x1000  }
0x51a: {  	[sflag:s26] =	ssyncset.done $0x0  }
0x51b: {  	[sflag:s26] =	ssyncadd.s32 $0xFFFFF000  }
0x51c: {  	_ =	swait.ge [sflag:s26], $0x1000  }
0x51d: {  	[sflag:s26] =	ssyncset.done $0x0  }
0x51e: {  	[sflag:s26] =	ssyncadd.s32 $0xFFFFF000  }
0x51f: {  	_ =	swait.ge [sflag:s26], $0x1000  }
0x520: {  	[sflag:s26] =	ssyncset.done $0x0  }
0x521: {  	[sflag:s26] =	ssyncadd.s32 $0xFFFFF000  }
0x522: {  	_ =	swait.ge [sflag:s26], $0x1000  }
0x523: {  	[sflag:s26] =	ssyncset.done $0x0  }
0x524: {  	[sflag:s26] =	ssyncadd.s32 $0xFFFFF000  }
0x525: {  	_ =	swait.ge [sflag:s26], $0x1000  }
0x526: {  	[sflag:s26] =	ssyncset.done $0x0  }
0x527: {  	[sflag:s26] =	ssyncadd.s32 $0xFFFFF000  }
0x528: {  	_ =	swait.ge [sflag:s26], $0x1000  }
0x529: {  	[sflag:s26] =	ssyncset.done $0x0  }
0x52a: {  	[sflag:s26] =	ssyncadd.s32 $0xFFFFF000  }
0x52b: {  	_ =	swait.ge [sflag:s26], $0x1000  }
0x52c: {  	[sflag:s26] =	ssyncset.done $0x0  }
0x52d: {  	[sflag:s26] =	ssyncadd.s32 $0xFFFFF000  }
0x52e: {  	_ =	swait.ge [sflag:s26], $0x1000  }
0x52f: {  	[sflag:s26] =	ssyncset.done $0x0  }
0x530: {  	[sflag:s26] =	ssyncadd.s32 $0xFFFFF000  }
0x531: {  	_ =	swait.ge [sflag:s26], $0x1000  }
0x532: {  	[sflag:s26] =	ssyncset.done $0x0  }
0x533: {  	[sflag:s26] =	ssyncadd.s32 $0xFFFFF000  }
0x534: {  	_ =	swait.ge [sflag:s26], $0x1000  }
0x535: {  	s5 =	simm.s32 $0x0;
	[sflag:s26] =	ssyncset.done $0x0  }
0x536: {  	s6 =	simm.s32 $0x8080;
	s7 =	simm.s32 $0x4000;
	[sflag:s26] =	ssyncadd.s32 $0xFFFFF000  }
0x537: {  	s9 =	simm.s32 $0x8880;
	s10 =	simm.s32 $0x4800;
	[bflag:$0x0] =	sbarrier.arrive $0xFFFF  }
.LBB2_66:
0x538: {  	p0 =	seq.s32 s5, $0x0  }
0x539: {  	s11 =	simm.s32 @!p0 $0x5  }
0x53a: {  	_ =	swait.ge @!p0 [sflag:s11], $0x800  }
0x53b: {  	v9 =	vmov s7;
	[sflag:s11] =	ssyncset.done @!p0 $0x0  }
0x53c: {  	[sflag:s11] =	ssyncadd.s32 @!p0 $0xFFFFF800;
	s11 =	simm.s32 @!p0 $0x6  }
0x53d: {  	v10 =	vmov s6;
	_ =	swait.ge @!p0 [sflag:s11], $0x800  }
0x53e: {  	[sflag:s11] =	ssyncset.done @!p0 $0x0  }
0x53f: {  	s30 =	simm.s32 $0x40;
	[sflag:s11] =	ssyncadd.s32 @!p0 $0xFFFFF800;
	s11 =	simm.s32 $0x0  }
.LBB2_67:
0x540: {  	p0 =	sne.s32 s30, $0x1FC0;
	v11 =	vld.idx.msk [tilespmem:v9+s11+$0x0 ss:$0x1], $0xffff;
	_ =	sdelay $0x1  }
0x541: {  	v12 =	vld.idx.msk [tilespmem:v10+s11+$0x0 ss:$0x1], $0xffff;
	_ =	sdelay $0x2  }
.Ltmp32:
0x542: {  	(pc) =	sbr.rel @p0 .LBB2_67-.Ltmp32, $4  }
0x543: {  	v13 =	vsub.s32 v11, v6;
	v11 =	vand.u32 $0xFFFFF, v11  }
0x544: {  	vm0 =	vlt.u32 v13, $0x100000;
	[tilespmem:s11+$0xC100] =	vst v11  }
0x545: {  	v11 =	vnsel vm0, $0x0, v12  }
0x546: {  	[tilespmem:s11+$0xD100] =	vst v11;
	s11 =	sshra.s32 s30, $0x2;
	s30 =	sadd.s32 $0x40, s30  }
0x547: {  	_ =	sdelay $0x3  }
0x548: {  	v9 =	vld.idx.msk [tilespmem:v9+s11+$0x0 ss:$0x1], $0xffff;
	_ =	sdelay $0x1  }
0x549: {  	v10 =	vld.idx.msk [tilespmem:v10+s11+$0x0 ss:$0x1], $0xffff;
	_ =	sdelay $0x2  }
0x54a: {  	v11 =	vsub.s32 v9, v6  }
0x54b: {  	v9 =	vand.u32 $0xFFFFF, v9;
	vm0 =	vlt.u32 v11, $0x100000  }
0x54c: {  	[tilespmem:s11+$0xC100] =	vst v9;
	v9 =	vnsel vm0, $0x0, v10  }
0x54d: {  	[tilespmem:s11+$0xD100] =	vst v9;
	v9 =	vmov s10;
	_ =	sdelay $0x1  }
0x54e: {  	v10 =	vmov s9  }
0x54f: {  	s30 =	simm.s32 $0x40;
	s11 =	simm.s32 $0x0  }
0x550: {  	[spmem:s20] =	stream.indirect.scatter.add.f32 [tilespmem:s29], [sflag:$0x5], $0x1, s28, s15, $0xb8;
	[tilespmem:$0x1F100] =	vst v63  }
.LBB2_69:
0x551: {  	p0 =	sne.s32 s30, $0x1FC0;
	v11 =	vld.idx.msk [tilespmem:v9+s11+$0x0 ss:$0x1], $0xffff;
	_ =	sdelay $0x1  }
0x552: {  	v12 =	vld.idx.msk [tilespmem:v10+s11+$0x0 ss:$0x1], $0xffff;
	_ =	sdelay $0x2  }
.Ltmp33:
0x553: {  	(pc) =	sbr.rel @p0 .LBB2_69-.Ltmp33, $4  }
0x554: {  	v13 =	vsub.s32 v11, v6;
	v11 =	vand.u32 $0xFFFFF, v11  }
0x555: {  	vm0 =	vlt.u32 v13, $0x100000;
	[tilespmem:s11+$0xC900] =	vst v11  }
0x556: {  	v11 =	vnsel vm0, $0x0, v12  }
0x557: {  	[tilespmem:s11+$0xD900] =	vst v11;
	s11 =	sshra.s32 s30, $0x2;
	s30 =	sadd.s32 $0x40, s30  }
0x558: {  	_ =	sdelay $0x3  }
0x559: {  	v9 =	vld.idx.msk [tilespmem:v9+s11+$0x0 ss:$0x1], $0xffff;
	_ =	sdelay $0x1  }
0x55a: {  	v10 =	vld.idx.msk [tilespmem:v10+s11+$0x0 ss:$0x1], $0xffff  }
0x55b: {  	s5 =	sadd.s32 $0x1, s5  }
0x55c: {  	p0 =	sne.s32 s5, $0x4  }
.Ltmp34:
0x55d: {  	v11 =	vsub.s32 v9, v6;
	(pc) =	sbr.rel @p0 .LBB2_66-.Ltmp34, $4  }
0x55e: {  	v9 =	vand.u32 $0xFFFFF, v9;
	vm0 =	vlt.u32 v11, $0x100000  }
0x55f: {  	s6 =	sadd.s32 $0x1000, s6;
	[tilespmem:s11+$0xC900] =	vst v9;
	v9 =	vnsel vm0, $0x0, v10  }
0x560: {  	s7 =	sadd.s32 $0x1000, s7;
	s9 =	sadd.s32 $0x1000, s9;
	s10 =	sadd.s32 $0x1000, s10;
	[tilespmem:s11+$0xD900] =	vst v9  }
0x561: {  	[spmem:s20] =	stream.indirect.scatter.add.f32 [tilespmem:s1], [sflag:$0x6], $0x1, s31, s15, $0xb8;
	[tilespmem:$0x1F100] =	vst v63  }
0x562: {  	s5 =	simm.s32 $0x5  }
0x563: {  	_ =	swait.ge [sflag:s5], $0x800  }
0x564: {  	[sflag:s5] =	ssyncset.done $0x0  }
0x565: {  	s9 =	simm.s32 $0x6;
	[sflag:s5] =	ssyncadd.s32 $0xFFFFF800  }
0x566: {  	_ =	swait.ge [sflag:s9], $0x800  }
0x567: {  	[sflag:s9] =	ssyncset.done $0x0  }
0x568: {  	[sflag:s9] =	ssyncadd.s32 $0xFFFFF800  }
0x569: {  	[bflag:$0x0] =	sbarrier.arrive $0xFFFF  }
0x56a: {  	s10 =	sld [smem:$0x7E5]  }
0x56b: {  	s6 =	sld [smem:$0x7D6]  }
0x56c: {  	s7 =	sld [smem:$0x7D7];
	_ =	sdelay $0x2  }
0x56d: {  	[hbm:s10], [sflag:s6] =	dma.local [spmem:s7], $0x800  }
0x56e: {  	s5 =	sld [smem:$0x7E6];
	_ =	sdelay $0x2  }
0x56f: {  	[hbm:s5], [sflag:s4] =	dma.local [spmem:s8], $0x800  }
0x570: {  	s5 =	sld [smem:$0x7E7];
	_ =	sdelay $0x2  }
0x571: {  	[hbm:s5], [sflag:s23] =	dma.local [spmem:s13], $0x800  }
0x572: {  	s5 =	sld [smem:$0x7E8];
	_ =	sdelay $0x1  }
0x573: {  	s11 =	simm.s32 $0x8  }
0x574: {  	[hbm:s5], [sflag:s14] =	dma.local [spmem:s3], $0x800  }
0x575: {  	_ =	swait.ge [sflag:s11], $0x800  }
0x576: {  	s30 =	sld [smem:$0x7FC]  }
0x577: {  	[sflag:s11] =	ssyncset.done $0x0  }
0x578: {  	s6 =	sld [smem:$0x7EE];
	[sflag:s11] =	ssyncadd.s32 $0xFFFFF800  }
0x579: {  	[spmem:s30] =	stream.linear.scatter [tilespmem:s2], [sflag:$0x7], $0x1000, $0x38;
	[tilespmem:$0x1F100] =	vst v63  }
0x57a: {  	s7 =	sld [smem:$0x7EF]  }
0x57b: {  	[spmem:s6] =	stream.linear.scatter [tilespmem:s2], [sflag:$0x7], $0x1000, $0x38;
	[tilespmem:$0x1F100] =	vst v63  }
0x57c: {  	s9 =	sld [smem:$0x7F0]  }
0x57d: {  	[spmem:s7] =	stream.linear.scatter [tilespmem:s2], [sflag:$0x7], $0x1000, $0x38;
	[tilespmem:$0x1F100] =	vst v63  }
0x57e: {  	s10 =	simm.s32 $0x9  }
0x57f: {  	[spmem:s9] =	stream.linear.scatter [tilespmem:s2], [sflag:$0x7], $0x1000, $0x38;
	[tilespmem:$0x1F100] =	vst v63  }
0x580: {  	_ =	swait.ge [sflag:s10], $0x800  }
0x581: {  	s11 =	sld [smem:$0x7F1]  }
0x582: {  	[sflag:s10] =	ssyncset.done $0x0  }
0x583: {  	s30 =	sld [smem:$0x7F2];
	[sflag:s10] =	ssyncadd.s32 $0xFFFFF800  }
0x584: {  	[spmem:s11] =	stream.linear.scatter [tilespmem:s2], [sflag:$0x7], $0x1000, $0x38;
	[tilespmem:$0x1F100] =	vst v63  }
0x585: {  	s6 =	sld [smem:$0x7F3]  }
0x586: {  	[spmem:s30] =	stream.linear.scatter [tilespmem:s2], [sflag:$0x7], $0x1000, $0x38;
	[tilespmem:$0x1F100] =	vst v63  }
0x587: {  	s7 =	sld [smem:$0x7F4]  }
0x588: {  	[spmem:s6] =	stream.linear.scatter [tilespmem:s2], [sflag:$0x7], $0x1000, $0x38;
	[tilespmem:$0x1F100] =	vst v63  }
0x589: {  	s9 =	simm.s32 $0xA  }
0x58a: {  	[spmem:s7] =	stream.linear.scatter [tilespmem:s2], [sflag:$0x7], $0x1000, $0x38;
	[tilespmem:$0x1F100] =	vst v63  }
0x58b: {  	_ =	swait.ge [sflag:s9], $0x800  }
0x58c: {  	s10 =	sld [smem:$0x7F5]  }
0x58d: {  	[sflag:s9] =	ssyncset.done $0x0  }
0x58e: {  	s11 =	sld [smem:$0x7F6];
	[sflag:s9] =	ssyncadd.s32 $0xFFFFF800  }
0x58f: {  	[spmem:s10] =	stream.linear.scatter [tilespmem:s2], [sflag:$0x7], $0x1000, $0x38;
	[tilespmem:$0x1F100] =	vst v63  }
0x590: {  	s30 =	sld [smem:$0x7F7]  }
0x591: {  	[spmem:s11] =	stream.linear.scatter [tilespmem:s2], [sflag:$0x7], $0x1000, $0x38;
	[tilespmem:$0x1F100] =	vst v63  }
0x592: {  	s6 =	sld [smem:$0x7F8]  }
0x593: {  	[spmem:s30] =	stream.linear.scatter [tilespmem:s2], [sflag:$0x7], $0x1000, $0x38;
	[tilespmem:$0x1F100] =	vst v63  }
0x594: {  	s7 =	simm.s32 $0xB  }
0x595: {  	[spmem:s6] =	stream.linear.scatter [tilespmem:s2], [sflag:$0x7], $0x1000, $0x38;
	[tilespmem:$0x1F100] =	vst v63  }
0x596: {  	_ =	swait.ge [sflag:s7], $0x800  }
0x597: {  	s9 =	sld [smem:$0x7F9]  }
0x598: {  	[sflag:s7] =	ssyncset.done $0x0  }
0x599: {  	s10 =	sld [smem:$0x7FA];
	[sflag:s7] =	ssyncadd.s32 $0xFFFFF800  }
0x59a: {  	[spmem:s9] =	stream.linear.scatter [tilespmem:s2], [sflag:$0x7], $0x1000, $0x38;
	[tilespmem:$0x1F100] =	vst v63  }
0x59b: {  	s11 =	sld [smem:$0x7FB]  }
0x59c: {  	[spmem:s10] =	stream.linear.scatter [tilespmem:s2], [sflag:$0x7], $0x1000, $0x38;
	[tilespmem:$0x1F100] =	vst v63  }
0x59d: {  	s30 =	sld [smem:$0x7FD]  }
0x59e: {  	[spmem:s11] =	stream.linear.scatter [tilespmem:s2], [sflag:$0x7], $0x1000, $0x38;
	[tilespmem:$0x1F100] =	vst v63  }
0x59f: {  	_ = 	snop  }
0x5a0: {  	[spmem:s30] =	stream.linear.scatter [tilespmem:s2], [sflag:$0x7], $0x1000, $0x38;
	[tilespmem:$0x1F100] =	vst v63  }
0x5a1: {  	_ =	swait.ge [sflag:s26], $0x1000  }
0x5a2: {  	[sflag:s26] =	ssyncset.done $0x0  }
0x5a3: {  	[sflag:s26] =	ssyncadd.s32 $0xFFFFF000  }
0x5a4: {  	_ =	swait.ge [sflag:s26], $0x1000  }
0x5a5: {  	[sflag:s26] =	ssyncset.done $0x0  }
0x5a6: {  	[sflag:s26] =	ssyncadd.s32 $0xFFFFF000  }
0x5a7: {  	_ =	swait.ge [sflag:s26], $0x1000  }
0x5a8: {  	[sflag:s26] =	ssyncset.done $0x0  }
0x5a9: {  	[sflag:s26] =	ssyncadd.s32 $0xFFFFF000  }
0x5aa: {  	_ =	swait.ge [sflag:s26], $0x1000  }
0x5ab: {  	[sflag:s26] =	ssyncset.done $0x0  }
0x5ac: {  	[sflag:s26] =	ssyncadd.s32 $0xFFFFF000  }
0x5ad: {  	_ =	swait.ge [sflag:s26], $0x1000  }
0x5ae: {  	[sflag:s26] =	ssyncset.done $0x0  }
0x5af: {  	[sflag:s26] =	ssyncadd.s32 $0xFFFFF000  }
0x5b0: {  	_ =	swait.ge [sflag:s26], $0x1000  }
0x5b1: {  	[sflag:s26] =	ssyncset.done $0x0  }
0x5b2: {  	[sflag:s26] =	ssyncadd.s32 $0xFFFFF000  }
0x5b3: {  	_ =	swait.ge [sflag:s26], $0x1000  }
0x5b4: {  	[sflag:s26] =	ssyncset.done $0x0  }
0x5b5: {  	[sflag:s26] =	ssyncadd.s32 $0xFFFFF000  }
0x5b6: {  	_ =	swait.ge [sflag:s26], $0x1000  }
0x5b7: {  	[sflag:s26] =	ssyncset.done $0x0  }
0x5b8: {  	[sflag:s26] =	ssyncadd.s32 $0xFFFFF000  }
0x5b9: {  	_ =	swait.ge [sflag:s26], $0x1000  }
0x5ba: {  	[sflag:s26] =	ssyncset.done $0x0  }
0x5bb: {  	[sflag:s26] =	ssyncadd.s32 $0xFFFFF000  }
0x5bc: {  	_ =	swait.ge [sflag:s26], $0x1000  }
0x5bd: {  	[sflag:s26] =	ssyncset.done $0x0  }
0x5be: {  	[sflag:s26] =	ssyncadd.s32 $0xFFFFF000  }
0x5bf: {  	_ =	swait.ge [sflag:s26], $0x1000  }
0x5c0: {  	[sflag:s26] =	ssyncset.done $0x0  }
0x5c1: {  	[sflag:s26] =	ssyncadd.s32 $0xFFFFF000  }
0x5c2: {  	_ =	swait.ge [sflag:s26], $0x1000  }
0x5c3: {  	[sflag:s26] =	ssyncset.done $0x0  }
0x5c4: {  	[sflag:s26] =	ssyncadd.s32 $0xFFFFF000  }
0x5c5: {  	_ =	swait.ge [sflag:s26], $0x1000  }
0x5c6: {  	[sflag:s26] =	ssyncset.done $0x0  }
0x5c7: {  	[sflag:s26] =	ssyncadd.s32 $0xFFFFF000  }
0x5c8: {  	_ =	swait.ge [sflag:s26], $0x1000  }
0x5c9: {  	[sflag:s26] =	ssyncset.done $0x0  }
0x5ca: {  	[sflag:s26] =	ssyncadd.s32 $0xFFFFF000  }
0x5cb: {  	_ =	swait.ge [sflag:s26], $0x1000  }
0x5cc: {  	[sflag:s26] =	ssyncset.done $0x0  }
0x5cd: {  	[sflag:s26] =	ssyncadd.s32 $0xFFFFF000  }
0x5ce: {  	_ =	swait.ge [sflag:s26], $0x1000  }
0x5cf: {  	s5 =	simm.s32 $0x0;
	[sflag:s26] =	ssyncset.done $0x0  }
0x5d0: {  	s6 =	simm.s32 $0x8080;
	s7 =	simm.s32 $0x4000;
	[sflag:s26] =	ssyncadd.s32 $0xFFFFF000  }
0x5d1: {  	s9 =	simm.s32 $0x8880;
	s10 =	simm.s32 $0x4800;
	[bflag:$0x0] =	sbarrier.arrive $0xFFFF  }
.LBB2_72:
0x5d2: {  	p0 =	seq.s32 s5, $0x0  }
0x5d3: {  	s11 =	simm.s32 @!p0 $0x5  }
0x5d4: {  	_ =	swait.ge @!p0 [sflag:s11], $0x800  }
0x5d5: {  	v9 =	vmov s7;
	[sflag:s11] =	ssyncset.done @!p0 $0x0  }
0x5d6: {  	[sflag:s11] =	ssyncadd.s32 @!p0 $0xFFFFF800;
	s11 =	simm.s32 @!p0 $0x6  }
0x5d7: {  	v10 =	vmov s6;
	_ =	swait.ge @!p0 [sflag:s11], $0x800  }
0x5d8: {  	[sflag:s11] =	ssyncset.done @!p0 $0x0  }
0x5d9: {  	s30 =	simm.s32 $0x40;
	[sflag:s11] =	ssyncadd.s32 @!p0 $0xFFFFF800;
	s11 =	simm.s32 $0x0  }
.LBB2_73:
0x5da: {  	p0 =	sne.s32 s30, $0x1FC0;
	v11 =	vld.idx.msk [tilespmem:v9+s11+$0x0 ss:$0x1], $0xffff;
	_ =	sdelay $0x1  }
0x5db: {  	v12 =	vld.idx.msk [tilespmem:v10+s11+$0x0 ss:$0x1], $0xffff;
	_ =	sdelay $0x2  }
.Ltmp35:
0x5dc: {  	(pc) =	sbr.rel @p0 .LBB2_73-.Ltmp35, $4  }
0x5dd: {  	v13 =	vsub.s32 v11, v7;
	v11 =	vand.u32 $0xFFFFF, v11  }
0x5de: {  	vm0 =	vlt.u32 v13, $0x100000;
	[tilespmem:s11+$0xC100] =	vst v11  }
0x5df: {  	v11 =	vnsel vm0, $0x0, v12  }
0x5e0: {  	[tilespmem:s11+$0xD100] =	vst v11;
	s11 =	sshra.s32 s30, $0x2;
	s30 =	sadd.s32 $0x40, s30  }
0x5e1: {  	_ =	sdelay $0x3  }
0x5e2: {  	v9 =	vld.idx.msk [tilespmem:v9+s11+$0x0 ss:$0x1], $0xffff;
	_ =	sdelay $0x1  }
0x5e3: {  	v10 =	vld.idx.msk [tilespmem:v10+s11+$0x0 ss:$0x1], $0xffff;
	_ =	sdelay $0x2  }
0x5e4: {  	v11 =	vsub.s32 v9, v7  }
0x5e5: {  	v9 =	vand.u32 $0xFFFFF, v9;
	vm0 =	vlt.u32 v11, $0x100000  }
0x5e6: {  	[tilespmem:s11+$0xC100] =	vst v9;
	v9 =	vnsel vm0, $0x0, v10  }
0x5e7: {  	[tilespmem:s11+$0xD100] =	vst v9;
	v9 =	vmov s10;
	_ =	sdelay $0x1  }
0x5e8: {  	v10 =	vmov s9  }
0x5e9: {  	s30 =	simm.s32 $0x40;
	s11 =	simm.s32 $0x0  }
0x5ea: {  	[spmem:s20] =	stream.indirect.scatter.add.f32 [tilespmem:s29], [sflag:$0x5], $0x1, s28, s15, $0xb8;
	[tilespmem:$0x1F100] =	vst v63  }
.LBB2_75:
0x5eb: {  	p0 =	sne.s32 s30, $0x1FC0;
	v11 =	vld.idx.msk [tilespmem:v9+s11+$0x0 ss:$0x1], $0xffff;
	_ =	sdelay $0x1  }
0x5ec: {  	v12 =	vld.idx.msk [tilespmem:v10+s11+$0x0 ss:$0x1], $0xffff;
	_ =	sdelay $0x2  }
.Ltmp36:
0x5ed: {  	(pc) =	sbr.rel @p0 .LBB2_75-.Ltmp36, $4  }
0x5ee: {  	v13 =	vsub.s32 v11, v7;
	v11 =	vand.u32 $0xFFFFF, v11  }
0x5ef: {  	vm0 =	vlt.u32 v13, $0x100000;
	[tilespmem:s11+$0xC900] =	vst v11  }
0x5f0: {  	v11 =	vnsel vm0, $0x0, v12  }
0x5f1: {  	[tilespmem:s11+$0xD900] =	vst v11;
	s11 =	sshra.s32 s30, $0x2;
	s30 =	sadd.s32 $0x40, s30  }
0x5f2: {  	_ =	sdelay $0x3  }
0x5f3: {  	v9 =	vld.idx.msk [tilespmem:v9+s11+$0x0 ss:$0x1], $0xffff;
	_ =	sdelay $0x1  }
0x5f4: {  	v10 =	vld.idx.msk [tilespmem:v10+s11+$0x0 ss:$0x1], $0xffff  }
0x5f5: {  	s5 =	sadd.s32 $0x1, s5  }
0x5f6: {  	p0 =	sne.s32 s5, $0x4  }
.Ltmp37:
0x5f7: {  	v11 =	vsub.s32 v9, v7;
	(pc) =	sbr.rel @p0 .LBB2_72-.Ltmp37, $4  }
0x5f8: {  	v9 =	vand.u32 $0xFFFFF, v9;
	vm0 =	vlt.u32 v11, $0x100000  }
0x5f9: {  	s6 =	sadd.s32 $0x1000, s6;
	[tilespmem:s11+$0xC900] =	vst v9;
	v9 =	vnsel vm0, $0x0, v10  }
0x5fa: {  	s7 =	sadd.s32 $0x1000, s7;
	s9 =	sadd.s32 $0x1000, s9;
	s10 =	sadd.s32 $0x1000, s10;
	[tilespmem:s11+$0xD900] =	vst v9  }
0x5fb: {  	[spmem:s20] =	stream.indirect.scatter.add.f32 [tilespmem:s1], [sflag:$0x6], $0x1, s31, s15, $0xb8;
	[tilespmem:$0x1F100] =	vst v63  }
0x5fc: {  	s5 =	simm.s32 $0x5  }
0x5fd: {  	_ =	swait.ge [sflag:s5], $0x800  }
0x5fe: {  	[sflag:s5] =	ssyncset.done $0x0  }
0x5ff: {  	s7 =	simm.s32 $0x6;
	[sflag:s5] =	ssyncadd.s32 $0xFFFFF800  }
0x600: {  	_ =	swait.ge [sflag:s7], $0x800  }
0x601: {  	[sflag:s7] =	ssyncset.done $0x0  }
0x602: {  	[sflag:s7] =	ssyncadd.s32 $0xFFFFF800  }
0x603: {  	[bflag:$0x0] =	sbarrier.arrive $0xFFFF  }
0x604: {  	s9 =	sld [smem:$0x7E9]  }
0x605: {  	s6 =	sld [smem:$0x7D6]  }
0x606: {  	s7 =	sld [smem:$0x7D7];
	_ =	sdelay $0x2  }
0x607: {  	[hbm:s9], [sflag:s6] =	dma.local [spmem:s7], $0x800  }
0x608: {  	s5 =	sld [smem:$0x7EA];
	_ =	sdelay $0x2  }
0x609: {  	[hbm:s5], [sflag:s4] =	dma.local [spmem:s8], $0x800  }
0x60a: {  	s4 =	sld [smem:$0x7EB];
	_ =	sdelay $0x2  }
0x60b: {  	[hbm:s4], [sflag:s23] =	dma.local [spmem:s13], $0x800  }
0x60c: {  	s4 =	sld [smem:$0x7EC];
	_ =	sdelay $0x1  }
0x60d: {  	s10 =	simm.s32 $0x8  }
0x60e: {  	[hbm:s4], [sflag:s14] =	dma.local [spmem:s3], $0x800  }
0x60f: {  	_ =	swait.ge [sflag:s10], $0x800  }
0x610: {  	[sflag:s10] =	ssyncset.done $0x0  }
0x611: {  	s11 =	simm.s32 $0x9;
	[sflag:s10] =	ssyncadd.s32 $0xFFFFF800  }
0x612: {  	_ =	swait.ge [sflag:s11], $0x800  }
0x613: {  	[sflag:s11] =	ssyncset.done $0x0  }
0x614: {  	s13 =	simm.s32 $0xA;
	[sflag:s11] =	ssyncadd.s32 $0xFFFFF800  }
0x615: {  	_ =	swait.ge [sflag:s13], $0x800  }
0x616: {  	[sflag:s13] =	ssyncset.done $0x0  }
0x617: {  	s14 =	simm.s32 $0xB;
	[sflag:s13] =	ssyncadd.s32 $0xFFFFF800  }
0x618: {  	_ =	swait.ge [sflag:s14], $0x800  }
0x619: {  	s23 =	sld [smem:$0x7ED]  }
0x61a: {  	s30 =	rddreg [dreg:$0x4]  }
0x61b: {  	s30 =	sadd.s32 $0x1, s30  }
0x61c: {  	p0 =	sne.s32 s30, s23  }
.Ltmp38:
0x61d: {  	_ = 	snop;
	(pc) =	sbr.rel @p0 .LBB2_1-.Ltmp38, $3  }
0x61e: {  	_ =	sdelay $0x1  }
0x61f: {  	[sflag:s14] =	ssyncset.done $0x0  }
0x620: {  	s9 =	simm.s32 $0x1;
	s11 =	simm.s32 $0x2;
	[sflag:s14] =	ssyncadd.s32 $0xFFFFF800  }
0x621: {  	_ =	sfence.sel $0x180000  }
0x622: {  	[bflag:$0x0] =	sbarrier.arrive $0xFFFF  }
0x623: {  	_ =	strace $0x90000047  }
0x624: {  	s0 =	stileid.u32;
	[bflag:$0x2] =	sbarrier.arrive $0xFFFF  }
0x625: {  	p0 =	sne.s32 s0, $0x0;
	s0 =	rddreg [dreg:$0x3]  }
0x626: {  	s0 =	sadd.s32 @!p0 $0x100000, s0  }
0x627: {  	[sflag:s0] =	ssyncadd.tile.s32 @!p0 $0x1;
	_ =	shalt  }
.Lfunc_end2:
_tile_overlayer_lowered:
.L_overlay_start_2:
0x628: {  	(tag) =	ssettag $0x2  }
0x629: {  	s0 =	rddreg [dreg:$0x0];
	s2 =	stileid.u32  }
0x62a: {  	s1 =	rddreg [dreg:$0x1];
	p0 =	sne.s32 s2, $0x0  }
0x62b: {  	s3 =	rddreg [dreg:$0x2];
	[bflag:$0x3] =	sbarrier.arrive $0xFFFF;
	s2 =	simm.s32 @!p0 $0x1C0C  }
0x62c: {  	[timem:s3], [sflag:s2] =	dma.local @!p0 [hbm:s0], s1  }
0x62d: {  	s0 =	simm.s32 @!p0 $0xC  }
0x62e: {  	_ =	swait.ge @!p0 [sflag:s0], s1  }
0x62f: {  	s1 =	ssub.s32 @!p0 $0x0, s1;
	[sflag:s0] =	ssyncset.done @!p0 $0x0  }
0x630: {  	[sflag:s0] =	ssyncadd.s32 @!p0 s1  }
0x631: {  	[bflag:$0x3] =	sbarrier.arrive $0xFFFF  }
0x632: {  	_ =	shalt  }

</sc_bundles>
